<compile_context>
chip_gen: v7x
topology: tpu7x:2x2x1
jax: 0.10.2.dev20260603
libtpu: 0.0.44.dev20260713+nightly
codegen_flags: <defaults>
</compile_context>

<pallas_src>
import jax
import jax.numpy as jnp
from jax import lax
from jax.experimental import pallas as pl
from jax.experimental.pallas import tpu as pltpu
from jax.experimental.pallas import tpu_sc as plsc

_NC = 2
_NS = 16
_B = 64
_LW = 128



def _make_sc_agg(num_chunks: int, n_nodes: int, n_acc: int, nb_per_tile: int,
                 with_deg: bool):
    rpt = n_acc // _NS
    assert rpt % _B == 0

    mesh = plsc.VectorSubcoreMesh(core_axis_name="c", subcore_axis_name="s")

    out_type = [jax.ShapeDtypeStruct((_NC, num_chunks, n_acc, _LW), jnp.float32)]
    if with_deg:
        out_type.append(jax.ShapeDtypeStruct((_NC * _NS, n_acc), jnp.float32))

    scratch = [
        pltpu.VMEM_SHARED((n_acc, _LW), jnp.float32),
        pltpu.VMEM((nb_per_tile, _B), jnp.int32),
        pltpu.VMEM((nb_per_tile, _B), jnp.int32),
        pltpu.VMEM((_B, _LW), jnp.float32),
        pltpu.VMEM((_B, _LW), jnp.float32),
        pltpu.SemaphoreType.DMA,
        pltpu.SemaphoreType.DMA,
        pltpu.SemaphoreType.DMA,
        pltpu.SemaphoreType.DMA,
    ]
    if with_deg:
        scratch.append(pltpu.VMEM((n_acc,), jnp.float32))

    def body(*refs):
        tables = refs[:num_chunks]
        src_hbm, dst_hbm = refs[num_chunks], refs[num_chunks + 1]
        k = num_chunks + 2
        if with_deg:
            part_out, deg_out = refs[k], refs[k + 1]
            k += 2
        else:
            part_out = refs[k]
            k += 1
        acc, src_v, dst_v = refs[k:k + 3]
        bufs = refs[k + 3:k + 5]
        gsems = refs[k + 5:k + 7]
        ssems = refs[k + 7:k + 9]
        if with_deg:
            degt = refs[k + 9]

        cid = lax.axis_index("c")
        sid = lax.axis_index("s")
        tid = cid * _NS + sid
        row0 = sid * rpt

        zf = jnp.zeros((16,), jnp.float32)
        if with_deg:
            of = jnp.ones((16,), jnp.float32)
            def zdeg(i, _):
                degt[pl.ds(i * 16, 16)] = zf
                return 0
            lax.fori_loop(0, n_acc // 16, zdeg, 0)

        pltpu.sync_copy(src_hbm.at[pl.ds(tid * nb_per_tile, nb_per_tile)], src_v)
        pltpu.sync_copy(dst_hbm.at[pl.ds(tid * nb_per_tile, nb_per_tile)], dst_v)

        nb2 = nb_per_tile // 2
        for c in range(num_chunks):
            def zrow(i, _):
                for j in range(_LW // 16):
                    bufs[0][i, pl.ds(j * 16, 16)] = zf
                return 0
            lax.fori_loop(0, _B, zrow, 0)
            for z in range(rpt // _B):
                pltpu.sync_copy(bufs[0], acc.at[pl.ds(row0 + z * _B, _B)])
            plsc.subcore_barrier()

            def pbody(p, _):
                for b in range(2):
                    j = 2 * p + b

                    @pl.when(p > 0)
                    def _wait_prev_scatter():
                        pltpu.make_async_copy(
                            bufs[b], acc.at[dst_v.at[j - 2]], ssems[b]).wait()

                    gd = pltpu.async_copy(tables[c].at[src_v.at[j]],
                                          bufs[b], gsems[b])
                    if with_deg and c == 0:
                        for l in range(_B // 16):
                            idx = dst_v[j, pl.ds(l * 16, 16)]
                            plsc.addupdate_scatter(degt, [idx], of)
                    gd.wait()
                    pltpu.async_copy(bufs[b], acc.at[dst_v.at[j]],
                                     ssems[b], add=True)
                return 0
            lax.fori_loop(0, nb2, pbody, 0)
            for b in range(2):
                pltpu.make_async_copy(
                    bufs[b], acc.at[dst_v.at[nb_per_tile - 2 + b]],
                    ssems[b]).wait()

            plsc.subcore_barrier()
            pltpu.sync_copy(acc.at[pl.ds(row0, rpt)],
                            part_out.at[cid, c, pl.ds(row0, rpt)])
            if with_deg and c == 0:
                pltpu.sync_copy(degt, deg_out.at[tid])
            plsc.subcore_barrier()

    return pl.kernel(body, out_type=tuple(out_type), mesh=mesh,
                     scratch_types=scratch,
                     compiler_params=pltpu.CompilerParams(
                         needs_layout_passes=False))



def _dot(a, b):
    return jax.lax.dot_general(a, b, (((1,), (0,)), ((), ())),
                               preferred_element_type=jnp.float32)


def _tc1_body(p_ref, dg_ref, x_ref, w1lT_ref, b1_ref, w1rT_ref, *h_refs):
    p = p_ref[...]
    deg = jnp.sum(dg_ref[...], axis=0)
    inv = 1.0 / jnp.maximum(deg, 1.0)
    w = w1lT_ref[...]
    acc = b1_ref[...]
    for c in range(2):
        mean_c = (p[0, c] + p[1, c]) * inv[:, None]
        acc = acc + _dot(mean_c, w[c * 128:(c + 1) * 128, :])
    acc = acc + _dot(x_ref[...], w1rT_ref[...])
    h = jnp.maximum(acc, 0.0)
    for c in range(len(h_refs)):
        h_refs[c][...] = h[:, c * 128:(c + 1) * 128]


def _tc2_body(p_ref, dg_ref, h0, h1, h2, h3, w2lT_ref, b2_ref, w2rT_ref,
              wcT_ref, bc_ref, out_ref):
    p = p_ref[...]
    deg = jnp.sum(dg_ref[...], axis=0)
    inv = 1.0 / jnp.maximum(deg, 1.0)
    w2l = w2lT_ref[...]
    w2r = w2rT_ref[...]
    acc = b2_ref[...]
    hs = (h0, h1, h2, h3)
    for c in range(4):
        mean_c = (p[0, c] + p[1, c]) * inv[:, None]
        acc = acc + _dot(mean_c, w2l[c * 128:(c + 1) * 128, :])
        acc = acc + _dot(hs[c][...], w2r[c * 128:(c + 1) * 128, :])
    emb = jnp.maximum(acc, 0.0)
    out_ref[...] = _dot(emb, wcT_ref[...]) + bc_ref[...]



def kernel(x, edge_index, W1l, b1, W1r, W2l, b2, W2r, Wc, bc):
    N, D = x.shape
    E = edge_index.shape[1]
    H = W1l.shape[0]
    C = Wc.shape[0]

    ntiles = _NC * _NS
    e_pad = -(-E // (ntiles * _B * 2)) * (ntiles * _B * 2)
    nb_per_tile = e_pad // (ntiles * _B)
    pad = e_pad - E
    src2d = jnp.concatenate(
        [edge_index[0], jnp.zeros((pad,), jnp.int32)]).reshape(-1, _B)
    dst2d = jnp.concatenate(
        [edge_index[1], jnp.full((pad,), N, jnp.int32)]).reshape(-1, _B)

    n_acc = -(-N // (_NS * 32)) * (_NS * 32)
    if n_acc == N:
        n_acc += _NS * 32

    nc1 = D // _LW
    nc2 = H // _LW

    sc1 = _make_sc_agg(nc1, N, n_acc, nb_per_tile, with_deg=True)
    sc2 = _make_sc_agg(nc2, N, n_acc, nb_per_tile, with_deg=False)

    x_chunks = [jax.lax.slice(x, (0, c * _LW), (N, (c + 1) * _LW))
                for c in range(nc1)]
    part1, deg32 = sc1(*x_chunks, src2d, dst2d)

    R = 1024
    grid = (-(-N // R),)
    wspec2 = pl.BlockSpec((D, H), lambda i: (0, 0))
    h_chunks = pl.pallas_call(
        _tc1_body,
        grid=grid,
        in_specs=[
            pl.BlockSpec((_NC, nc1, R, _LW), lambda i: (0, 0, i, 0)),
            pl.BlockSpec((ntiles, R), lambda i: (0, i)),
            pl.BlockSpec((R, D), lambda i: (i, 0)),
            wspec2,
            pl.BlockSpec((1, H), lambda i: (0, 0)),
            wspec2,
        ],
        out_specs=[pl.BlockSpec((R, _LW), lambda i: (i, 0))] * nc2,
        out_shape=[jax.ShapeDtypeStruct((N, _LW), jnp.float32)] * nc2,
    )(part1, deg32, x, W1l.T, b1.reshape(1, H), W1r.T)

    (part2,) = sc2(*h_chunks, src2d, dst2d)

    logits = pl.pallas_call(
        _tc2_body,
        grid=grid,
        in_specs=[
            pl.BlockSpec((_NC, nc2, R, _LW), lambda i: (0, 0, i, 0)),
            pl.BlockSpec((ntiles, R), lambda i: (0, i)),
        ] + [pl.BlockSpec((R, _LW), lambda i: (i, 0))] * nc2 + [
            pl.BlockSpec((H, H), lambda i: (0, 0)),
            pl.BlockSpec((1, H), lambda i: (0, 0)),
            pl.BlockSpec((H, H), lambda i: (0, 0)),
            pl.BlockSpec((H, C), lambda i: (0, 0)),
            pl.BlockSpec((1, C), lambda i: (0, 0)),
        ],
        out_specs=pl.BlockSpec((R, C), lambda i: (i, 0)),
        out_shape=jax.ShapeDtypeStruct((N, C), jnp.float32),
    )(part2, deg32, *h_chunks, W2l.T, b2.reshape(1, H), W2r.T, Wc.T,
      bc.reshape(1, C))

    return logits

# --- scband reference (transcript-rebuilt; emitter-appended) ---
"""Pipeline reference for scband-graph-sageclassifier-57251914056048 (READ-ONLY COPY).

The authoritative reference and input builder live on the scoring server;
editing this copy changes nothing except your own understanding.
"""

import jax, jax.numpy as jnp
import numpy as np


def sage_conv(x, edge_index, Wl, bl, Wr):
    # PyG-style SAGEConv with mean aggregation:
    #   out = lin_l(mean_{j in N(i)} x_j) + lin_r(x_i)
    src = edge_index[0]
    dst = edge_index[1]
    n = x.shape[0]
    msgs = jnp.take(x, src, axis=0)
    agg = jax.ops.segment_sum(msgs, dst, num_segments=n)
    deg = jax.ops.segment_sum(jnp.ones((src.shape[0],), x.dtype), dst, num_segments=n)
    mean = agg / jnp.clip(deg, 1.0)[:, None]
    return mean @ Wl.T + bl + x @ Wr.T


def setup_inputs(seed: int = 0):
    key = jax.random.key(seed)
    ks = jax.random.split(key, 12)
    N, E, D, H, C = 10000, 160000, 256, 512, 128
    x = jax.random.normal(ks[0], (N, D), dtype=jnp.float32)
    edge_index = jax.random.randint(ks[1], (2, E), 0, N, dtype=jnp.int32)
    s1 = 1.0 / np.sqrt(D)
    s2 = 1.0 / np.sqrt(H)
    W1l = jax.random.uniform(ks[2], (H, D), jnp.float32, -s1, s1)
    b1 = jax.random.uniform(ks[3], (H,), jnp.float32, -s1, s1)
    W1r = jax.random.uniform(ks[4], (H, D), jnp.float32, -s1, s1)
    W2l = jax.random.uniform(ks[5], (H, H), jnp.float32, -s2, s2)
    b2 = jax.random.uniform(ks[6], (H,), jnp.float32, -s2, s2)
    W2r = jax.random.uniform(ks[7], (H, H), jnp.float32, -s2, s2)
    Wc = jax.random.uniform(ks[8], (C, H), jnp.float32, -s2, s2)
    bc = jax.random.uniform(ks[9], (C,), jnp.float32, -s2, s2)
    return {"x": x, "edge_index": edge_index, "W1l": W1l, "b1": b1, "W1r": W1r,
            "W2l": W2l, "b2": b2, "W2r": W2r, "Wc": Wc, "bc": bc}


def reference(x, edge_index, W1l, b1, W1r, W2l, b2, W2r, Wc, bc):
    # encode: conv1 -> relu -> (dropout is identity in eval) -> conv2
    h = jax.nn.relu(sage_conv(x, edge_index, W1l, b1, W1r))
    embeddings = sage_conv(h, edge_index, W2l, b2, W2r)
    logits = jax.nn.relu(embeddings) @ Wc.T + bc
    return logits

if __name__ == "__main__":
    import jax
    _d = setup_inputs()
    print(jax.jit(kernel)(*tuple(_d.values())))

</pallas_src>

<mosaic_0001>
#map = affine_map<(d0, d1) -> (0, 0)>
#map1 = affine_map<(d0, d1) -> (0, 0, 0, 0)>
module attributes {stable_mosaic.version = 14 : i64} {
  func.func @body(%arg0: i32, %arg1: i32, %arg2: memref<10000x128xf32, #tpu.memory_space<hbm>>, %arg3: memref<10000x128xf32, #tpu.memory_space<hbm>>, %arg4: memref<10000x128xf32, #tpu.memory_space<hbm>>, %arg5: memref<10000x128xf32, #tpu.memory_space<hbm>>, %arg6: memref<2560x64xi32, #tpu.memory_space<hbm>>, %arg7: memref<2560x64xi32, #tpu.memory_space<hbm>>, %arg8: memref<2x4x10240x128xf32, #tpu.memory_space<hbm>>, %arg9: memref<10240x128xf32, #tpu.memory_space<vmem_shared>>, %arg10: memref<80x64xi32, #tpu.memory_space<vmem>>, %arg11: memref<80x64xi32, #tpu.memory_space<vmem>>, %arg12: memref<64x128xf32, #tpu.memory_space<vmem>>, %arg13: memref<64x128xf32, #tpu.memory_space<vmem>>, %arg14: memref<!tpu.dma_semaphore, #tpu.memory_space<semaphore_mem>>, %arg15: memref<!tpu.dma_semaphore, #tpu.memory_space<semaphore_mem>>, %arg16: memref<!tpu.dma_semaphore, #tpu.memory_space<semaphore_mem>>, %arg17: memref<!tpu.dma_semaphore, #tpu.memory_space<semaphore_mem>>) attributes {dimension_semantics = [#tpu.dimension_semantics<core_parallel>, #tpu.dimension_semantics<subcore_parallel>], iteration_bounds = array<i64: 2, 16>, scalar_prefetch = 0 : i64, scratch_operands = 9 : i64, tpu.core_type = #tpu.core_type<sc_vector_subcore>, window_params = [{transform_indices = #map}, {transform_indices = #map}, {transform_indices = #map}, {transform_indices = #map}, {transform_indices = #map}, {transform_indices = #map}, {transform_indices = #map1}]} {
    %mul3A = arith.constant 16 : i32
    %mul3A_0 = arith.muli %arg0, %mul3A : i32
    %add3A = arith.addi %mul3A_0, %arg1 : i32
    %mul3A_1 = arith.constant 640 : i32
    %mul3A_2 = arith.muli %arg1, %mul3A_1 : i32
    %broadcast_in_dim3A = arith.constant 0.000000e+00 : f32
    %broadcast_in_dim3A_3 = vector.broadcast %broadcast_in_dim3A : f32 to vector<16xf32>
    %mul3A_4 = arith.constant 80 : i32
    %mul3A_5 = arith.muli %add3A, %mul3A_4 : i32
    "tpu.region"() ({
      %run_scoped3A_212 = tpu.sem_alloc : memref<!tpu.dma_semaphore, #tpu.memory_space<semaphore_mem>>
      %dma_start3A = arith.constant 0 : i32
      %dma_start3A_213 = tpu.memref_slice %arg6[%mul3A_5, %dma_start3A] : memref<2560x64xi32, #tpu.memory_space<hbm>> -> memref<80x64xi32, #tpu.memory_space<hbm>>
      %dma_start3A_214 = arith.constant 0 : i32
      %dma_start3A_215 = tpu.memref_slice %arg6[%mul3A_5, %dma_start3A_214] : memref<2560x64xi32, #tpu.memory_space<hbm>> -> memref<80x64xi32, #tpu.memory_space<hbm>>
      tpu.enqueue_dma source(%dma_start3A_215 : memref<80x64xi32, #tpu.memory_space<hbm>>) target(%arg10 : memref<80x64xi32, #tpu.memory_space<vmem>>) target_semaphore(%run_scoped3A_212 : memref<!tpu.dma_semaphore, #tpu.memory_space<semaphore_mem>>)
      %dma_wait3A_216 = arith.constant 0 : i32
      %dma_wait3A_217 = tpu.memref_slice %arg6[%mul3A_5, %dma_wait3A_216] : memref<2560x64xi32, #tpu.memory_space<hbm>> -> memref<80x64xi32, #tpu.memory_space<hbm>>
      %dma_wait3A_218 = arith.constant 0 : i32
      %dma_wait3A_219 = tpu.memref_slice %arg6[%mul3A_5, %dma_wait3A_218] : memref<2560x64xi32, #tpu.memory_space<hbm>> -> memref<80x64xi32, #tpu.memory_space<hbm>>
      tpu.wait_dma2 semaphore(%run_scoped3A_212 : memref<!tpu.dma_semaphore, #tpu.memory_space<semaphore_mem>>) src(%dma_wait3A_219 : memref<80x64xi32, #tpu.memory_space<hbm>>) dst(%arg10 : memref<80x64xi32, #tpu.memory_space<vmem>>)
      tpu.yield
    }) : () -> ()
    %mul3A_6 = arith.constant 80 : i32
    %mul3A_7 = arith.muli %add3A, %mul3A_6 : i32
    "tpu.region"() ({
      %run_scoped3A_212 = tpu.sem_alloc : memref<!tpu.dma_semaphore, #tpu.memory_space<semaphore_mem>>
      %dma_start3A = arith.constant 0 : i32
      %dma_start3A_213 = tpu.memref_slice %arg7[%mul3A_7, %dma_start3A] : memref<2560x64xi32, #tpu.memory_space<hbm>> -> memref<80x64xi32, #tpu.memory_space<hbm>>
      %dma_start3A_214 = arith.constant 0 : i32
      %dma_start3A_215 = tpu.memref_slice %arg7[%mul3A_7, %dma_start3A_214] : memref<2560x64xi32, #tpu.memory_space<hbm>> -> memref<80x64xi32, #tpu.memory_space<hbm>>
      tpu.enqueue_dma source(%dma_start3A_215 : memref<80x64xi32, #tpu.memory_space<hbm>>) target(%arg11 : memref<80x64xi32, #tpu.memory_space<vmem>>) target_semaphore(%run_scoped3A_212 : memref<!tpu.dma_semaphore, #tpu.memory_space<semaphore_mem>>)
      %dma_wait3A_216 = arith.constant 0 : i32
      %dma_wait3A_217 = tpu.memref_slice %arg7[%mul3A_7, %dma_wait3A_216] : memref<2560x64xi32, #tpu.memory_space<hbm>> -> memref<80x64xi32, #tpu.memory_space<hbm>>
      %dma_wait3A_218 = arith.constant 0 : i32
      %dma_wait3A_219 = tpu.memref_slice %arg7[%mul3A_7, %dma_wait3A_218] : memref<2560x64xi32, #tpu.memory_space<hbm>> -> memref<80x64xi32, #tpu.memory_space<hbm>>
      tpu.wait_dma2 semaphore(%run_scoped3A_212 : memref<!tpu.dma_semaphore, #tpu.memory_space<semaphore_mem>>) src(%dma_wait3A_219 : memref<80x64xi32, #tpu.memory_space<hbm>>) dst(%arg11 : memref<80x64xi32, #tpu.memory_space<vmem>>)
      tpu.yield
    }) : () -> ()
    %scan3A = arith.constant 0 : i32
    %scan3A_8 = arith.constant 0 : i32
    %scan3A_9 = arith.constant 64 : i32
    %scan3A_10 = arith.addi %scan3A_8, %scan3A_9 : i32
    %scan3A_11 = arith.constant 1 : i32
    %scan3A_12 = scf.for %scan3A_212 = %scan3A_8 to %scan3A_10 step %scan3A_11 iter_args(%scan3A_213 = %scan3A) -> (i32)  : i32 {
      %swap3A = arith.index_cast %scan3A_212 : i32 to index
      %swap3A_214 = arith.constant 0 : index
      %swap3A_215 = tpu.vector_load %arg12[%swap3A, %swap3A_214] {strides = array<i32>} : memref<64x128xf32, #tpu.memory_space<vmem>>, vector<16xf32>,
      tpu.vector_store %arg12[%swap3A, %swap3A_214], %broadcast_in_dim3A_3 {strides = array<i32>} : memref<64x128xf32, #tpu.memory_space<vmem>>, vector<16xf32>,
      %swap3A_216 = arith.index_cast %scan3A_212 : i32 to index
      %swap3A_217 = arith.constant 16 : index
      %swap3A_218 = tpu.vector_load %arg12[%swap3A_216, %swap3A_217] {strides = array<i32>} : memref<64x128xf32, #tpu.memory_space<vmem>>, vector<16xf32>,
      tpu.vector_store %arg12[%swap3A_216, %swap3A_217], %broadcast_in_dim3A_3 {strides = array<i32>} : memref<64x128xf32, #tpu.memory_space<vmem>>, vector<16xf32>,
      %swap3A_219 = arith.index_cast %scan3A_212 : i32 to index
      %swap3A_220 = arith.constant 32 : index
      %swap3A_221 = tpu.vector_load %arg12[%swap3A_219, %swap3A_220] {strides = array<i32>} : memref<64x128xf32, #tpu.memory_space<vmem>>, vector<16xf32>,
      tpu.vector_store %arg12[%swap3A_219, %swap3A_220], %broadcast_in_dim3A_3 {strides = array<i32>} : memref<64x128xf32, #tpu.memory_space<vmem>>, vector<16xf32>,
      %swap3A_222 = arith.index_cast %scan3A_212 : i32 to index
      %swap3A_223 = arith.constant 48 : index
      %swap3A_224 = tpu.vector_load %arg12[%swap3A_222, %swap3A_223] {strides = array<i32>} : memref<64x128xf32, #tpu.memory_space<vmem>>, vector<16xf32>,
      tpu.vector_store %arg12[%swap3A_222, %swap3A_223], %broadcast_in_dim3A_3 {strides = array<i32>} : memref<64x128xf32, #tpu.memory_space<vmem>>, vector<16xf32>,
      %swap3A_225 = arith.index_cast %scan3A_212 : i32 to index
      %swap3A_226 = arith.constant 64 : index
      %swap3A_227 = tpu.vector_load %arg12[%swap3A_225, %swap3A_226] {strides = array<i32>} : memref<64x128xf32, #tpu.memory_space<vmem>>, vector<16xf32>,
      tpu.vector_store %arg12[%swap3A_225, %swap3A_226], %broadcast_in_dim3A_3 {strides = array<i32>} : memref<64x128xf32, #tpu.memory_space<vmem>>, vector<16xf32>,
      %swap3A_228 = arith.index_cast %scan3A_212 : i32 to index
      %swap3A_229 = arith.constant 80 : index
      %swap3A_230 = tpu.vector_load %arg12[%swap3A_228, %swap3A_229] {strides = array<i32>} : memref<64x128xf32, #tpu.memory_space<vmem>>, vector<16xf32>,
      tpu.vector_store %arg12[%swap3A_228, %swap3A_229], %broadcast_in_dim3A_3 {strides = array<i32>} : memref<64x128xf32, #tpu.memory_space<vmem>>, vector<16xf32>,
      %swap3A_231 = arith.index_cast %scan3A_212 : i32 to index
      %swap3A_232 = arith.constant 96 : index
      %swap3A_233 = tpu.vector_load %arg12[%swap3A_231, %swap3A_232] {strides = array<i32>} : memref<64x128xf32, #tpu.memory_space<vmem>>, vector<16xf32>,
      tpu.vector_store %arg12[%swap3A_231, %swap3A_232], %broadcast_in_dim3A_3 {strides = array<i32>} : memref<64x128xf32, #tpu.memory_space<vmem>>, vector<16xf32>,
      %swap3A_234 = arith.index_cast %scan3A_212 : i32 to index
      %swap3A_235 = arith.constant 112 : index
      %swap3A_236 = tpu.vector_load %arg12[%swap3A_234, %swap3A_235] {strides = array<i32>} : memref<64x128xf32, #tpu.memory_space<vmem>>, vector<16xf32>,
      tpu.vector_store %arg12[%swap3A_234, %swap3A_235], %broadcast_in_dim3A_3 {strides = array<i32>} : memref<64x128xf32, #tpu.memory_space<vmem>>, vector<16xf32>,
      %scan3A_237 = arith.constant 0 : i32
      scf.yield %scan3A_237 : i32
    }
    %scan3A_13 = arith.constant 64 : i32
    %add3A_14 = arith.constant 0 : i32
    %add3A_15 = arith.addi %mul3A_2, %add3A_14 : i32
    "tpu.region"() ({
      %run_scoped3A_212 = tpu.sem_alloc : memref<!tpu.dma_semaphore, #tpu.memory_space<semaphore_mem>>
      %dma_start3A = arith.constant 0 : i32
      %dma_start3A_213 = tpu.memref_slice %arg9[%add3A_15, %dma_start3A] : memref<10240x128xf32, #tpu.memory_space<vmem_shared>> -> memref<64x128xf32, #tpu.memory_space<vmem_shared>>
      %dma_start3A_214 = arith.constant 0 : i32
      %dma_start3A_215 = tpu.memref_slice %arg9[%add3A_15, %dma_start3A_214] : memref<10240x128xf32, #tpu.memory_space<vmem_shared>> -> memref<64x128xf32, #tpu.memory_space<vmem_shared>>
      tpu.enqueue_dma source(%arg12 : memref<64x128xf32, #tpu.memory_space<vmem>>) target(%dma_start3A_215 : memref<64x128xf32, #tpu.memory_space<vmem_shared>>) target_semaphore(%run_scoped3A_212 : memref<!tpu.dma_semaphore, #tpu.memory_space<semaphore_mem>>)
      %dma_wait3A_216 = arith.constant 0 : i32
      %dma_wait3A_217 = tpu.memref_slice %arg9[%add3A_15, %dma_wait3A_216] : memref<10240x128xf32, #tpu.memory_space<vmem_shared>> -> memref<64x128xf32, #tpu.memory_space<vmem_shared>>
      %dma_wait3A_218 = arith.constant 0 : i32
      %dma_wait3A_219 = tpu.memref_slice %arg9[%add3A_15, %dma_wait3A_218] : memref<10240x128xf32, #tpu.memory_space<vmem_shared>> -> memref<64x128xf32, #tpu.memory_space<vmem_shared>>
      tpu.wait_dma2 semaphore(%run_scoped3A_212 : memref<!tpu.dma_semaphore, #tpu.memory_space<semaphore_mem>>) src(%arg12 : memref<64x128xf32, #tpu.memory_space<vmem>>) dst(%dma_wait3A_219 : memref<64x128xf32, #tpu.memory_space<vmem_shared>>)
      tpu.yield
    }) : () -> ()
    %add3A_16 = arith.constant 64 : i32
    %add3A_17 = arith.addi %mul3A_2, %add3A_16 : i32
    "tpu.region"() ({
      %run_scoped3A_212 = tpu.sem_alloc : memref<!tpu.dma_semaphore, #tpu.memory_space<semaphore_mem>>
      %dma_start3A = arith.constant 0 : i32
      %dma_start3A_213 = tpu.memref_slice %arg9[%add3A_17, %dma_start3A] : memref<10240x128xf32, #tpu.memory_space<vmem_shared>> -> memref<64x128xf32, #tpu.memory_space<vmem_shared>>
      %dma_start3A_214 = arith.constant 0 : i32
      %dma_start3A_215 = tpu.memref_slice %arg9[%add3A_17, %dma_start3A_214] : memref<10240x128xf32, #tpu.memory_space<vmem_shared>> -> memref<64x128xf32, #tpu.memory_space<vmem_shared>>
      tpu.enqueue_dma source(%arg12 : memref<64x128xf32, #tpu.memory_space<vmem>>) target(%dma_start3A_215 : memref<64x128xf32, #tpu.memory_space<vmem_shared>>) target_semaphore(%run_scoped3A_212 : memref<!tpu.dma_semaphore, #tpu.memory_space<semaphore_mem>>)
      %dma_wait3A_216 = arith.constant 0 : i32
      %dma_wait3A_217 = tpu.memref_slice %arg9[%add3A_17, %dma_wait3A_216] : memref<10240x128xf32, #tpu.memory_space<vmem_shared>> -> memref<64x128xf32, #tpu.memory_space<vmem_shared>>
      %dma_wait3A_218 = arith.constant 0 : i32
      %dma_wait3A_219 = tpu.memref_slice %arg9[%add3A_17, %dma_wait3A_218] : memref<10240x128xf32, #tpu.memory_space<vmem_shared>> -> memref<64x128xf32, #tpu.memory_space<vmem_shared>>
      tpu.wait_dma2 semaphore(%run_scoped3A_212 : memref<!tpu.dma_semaphore, #tpu.memory_space<semaphore_mem>>) src(%arg12 : memref<64x128xf32, #tpu.memory_space<vmem>>) dst(%dma_wait3A_219 : memref<64x128xf32, #tpu.memory_space<vmem_shared>>)
      tpu.yield
    }) : () -> ()
    %add3A_18 = arith.constant 128 : i32
    %add3A_19 = arith.addi %mul3A_2, %add3A_18 : i32
    "tpu.region"() ({
      %run_scoped3A_212 = tpu.sem_alloc : memref<!tpu.dma_semaphore, #tpu.memory_space<semaphore_mem>>
      %dma_start3A = arith.constant 0 : i32
      %dma_start3A_213 = tpu.memref_slice %arg9[%add3A_19, %dma_start3A] : memref<10240x128xf32, #tpu.memory_space<vmem_shared>> -> memref<64x128xf32, #tpu.memory_space<vmem_shared>>
      %dma_start3A_214 = arith.constant 0 : i32
      %dma_start3A_215 = tpu.memref_slice %arg9[%add3A_19, %dma_start3A_214] : memref<10240x128xf32, #tpu.memory_space<vmem_shared>> -> memref<64x128xf32, #tpu.memory_space<vmem_shared>>
      tpu.enqueue_dma source(%arg12 : memref<64x128xf32, #tpu.memory_space<vmem>>) target(%dma_start3A_215 : memref<64x128xf32, #tpu.memory_space<vmem_shared>>) target_semaphore(%run_scoped3A_212 : memref<!tpu.dma_semaphore, #tpu.memory_space<semaphore_mem>>)
      %dma_wait3A_216 = arith.constant 0 : i32
      %dma_wait3A_217 = tpu.memref_slice %arg9[%add3A_19, %dma_wait3A_216] : memref<10240x128xf32, #tpu.memory_space<vmem_shared>> -> memref<64x128xf32, #tpu.memory_space<vmem_shared>>
      %dma_wait3A_218 = arith.constant 0 : i32
      %dma_wait3A_219 = tpu.memref_slice %arg9[%add3A_19, %dma_wait3A_218] : memref<10240x128xf32, #tpu.memory_space<vmem_shared>> -> memref<64x128xf32, #tpu.memory_space<vmem_shared>>
      tpu.wait_dma2 semaphore(%run_scoped3A_212 : memref<!tpu.dma_semaphore, #tpu.memory_space<semaphore_mem>>) src(%arg12 : memref<64x128xf32, #tpu.memory_space<vmem>>) dst(%dma_wait3A_219 : memref<64x128xf32, #tpu.memory_space<vmem_shared>>)
      tpu.yield
    }) : () -> ()
    %add3A_20 = arith.constant 192 : i32
    %add3A_21 = arith.addi %mul3A_2, %add3A_20 : i32
    "tpu.region"() ({
      %run_scoped3A_212 = tpu.sem_alloc : memref<!tpu.dma_semaphore, #tpu.memory_space<semaphore_mem>>
      %dma_start3A = arith.constant 0 : i32
      %dma_start3A_213 = tpu.memref_slice %arg9[%add3A_21, %dma_start3A] : memref<10240x128xf32, #tpu.memory_space<vmem_shared>> -> memref<64x128xf32, #tpu.memory_space<vmem_shared>>
      %dma_start3A_214 = arith.constant 0 : i32
      %dma_start3A_215 = tpu.memref_slice %arg9[%add3A_21, %dma_start3A_214] : memref<10240x128xf32, #tpu.memory_space<vmem_shared>> -> memref<64x128xf32, #tpu.memory_space<vmem_shared>>
      tpu.enqueue_dma source(%arg12 : memref<64x128xf32, #tpu.memory_space<vmem>>) target(%dma_start3A_215 : memref<64x128xf32, #tpu.memory_space<vmem_shared>>) target_semaphore(%run_scoped3A_212 : memref<!tpu.dma_semaphore, #tpu.memory_space<semaphore_mem>>)
      %dma_wait3A_216 = arith.constant 0 : i32
      %dma_wait3A_217 = tpu.memref_slice %arg9[%add3A_21, %dma_wait3A_216] : memref<10240x128xf32, #tpu.memory_space<vmem_shared>> -> memref<64x128xf32, #tpu.memory_space<vmem_shared>>
      %dma_wait3A_218 = arith.constant 0 : i32
      %dma_wait3A_219 = tpu.memref_slice %arg9[%add3A_21, %dma_wait3A_218] : memref<10240x128xf32, #tpu.memory_space<vmem_shared>> -> memref<64x128xf32, #tpu.memory_space<vmem_shared>>
      tpu.wait_dma2 semaphore(%run_scoped3A_212 : memref<!tpu.dma_semaphore, #tpu.memory_space<semaphore_mem>>) src(%arg12 : memref<64x128xf32, #tpu.memory_space<vmem>>) dst(%dma_wait3A_219 : memref<64x128xf32, #tpu.memory_space<vmem_shared>>)
      tpu.yield
    }) : () -> ()
    %add3A_22 = arith.constant 256 : i32
    %add3A_23 = arith.addi %mul3A_2, %add3A_22 : i32
    "tpu.region"() ({
      %run_scoped3A_212 = tpu.sem_alloc : memref<!tpu.dma_semaphore, #tpu.memory_space<semaphore_mem>>
      %dma_start3A = arith.constant 0 : i32
      %dma_start3A_213 = tpu.memref_slice %arg9[%add3A_23, %dma_start3A] : memref<10240x128xf32, #tpu.memory_space<vmem_shared>> -> memref<64x128xf32, #tpu.memory_space<vmem_shared>>
      %dma_start3A_214 = arith.constant 0 : i32
      %dma_start3A_215 = tpu.memref_slice %arg9[%add3A_23, %dma_start3A_214] : memref<10240x128xf32, #tpu.memory_space<vmem_shared>> -> memref<64x128xf32, #tpu.memory_space<vmem_shared>>
      tpu.enqueue_dma source(%arg12 : memref<64x128xf32, #tpu.memory_space<vmem>>) target(%dma_start3A_215 : memref<64x128xf32, #tpu.memory_space<vmem_shared>>) target_semaphore(%run_scoped3A_212 : memref<!tpu.dma_semaphore, #tpu.memory_space<semaphore_mem>>)
      %dma_wait3A_216 = arith.constant 0 : i32
      %dma_wait3A_217 = tpu.memref_slice %arg9[%add3A_23, %dma_wait3A_216] : memref<10240x128xf32, #tpu.memory_space<vmem_shared>> -> memref<64x128xf32, #tpu.memory_space<vmem_shared>>
      %dma_wait3A_218 = arith.constant 0 : i32
      %dma_wait3A_219 = tpu.memref_slice %arg9[%add3A_23, %dma_wait3A_218] : memref<10240x128xf32, #tpu.memory_space<vmem_shared>> -> memref<64x128xf32, #tpu.memory_space<vmem_shared>>
      tpu.wait_dma2 semaphore(%run_scoped3A_212 : memref<!tpu.dma_semaphore, #tpu.memory_space<semaphore_mem>>) src(%arg12 : memref<64x128xf32, #tpu.memory_space<vmem>>) dst(%dma_wait3A_219 : memref<64x128xf32, #tpu.memory_space<vmem_shared>>)
      tpu.yield
    }) : () -> ()
    %add3A_24 = arith.constant 320 : i32
    %add3A_25 = arith.addi %mul3A_2, %add3A_24 : i32
    "tpu.region"() ({
      %run_scoped3A_212 = tpu.sem_alloc : memref<!tpu.dma_semaphore, #tpu.memory_space<semaphore_mem>>
      %dma_start3A = arith.constant 0 : i32
      %dma_start3A_213 = tpu.memref_slice %arg9[%add3A_25, %dma_start3A] : memref<10240x128xf32, #tpu.memory_space<vmem_shared>> -> memref<64x128xf32, #tpu.memory_space<vmem_shared>>
      %dma_start3A_214 = arith.constant 0 : i32
      %dma_start3A_215 = tpu.memref_slice %arg9[%add3A_25, %dma_start3A_214] : memref<10240x128xf32, #tpu.memory_space<vmem_shared>> -> memref<64x128xf32, #tpu.memory_space<vmem_shared>>
      tpu.enqueue_dma source(%arg12 : memref<64x128xf32, #tpu.memory_space<vmem>>) target(%dma_start3A_215 : memref<64x128xf32, #tpu.memory_space<vmem_shared>>) target_semaphore(%run_scoped3A_212 : memref<!tpu.dma_semaphore, #tpu.memory_space<semaphore_mem>>)
      %dma_wait3A_216 = arith.constant 0 : i32
      %dma_wait3A_217 = tpu.memref_slice %arg9[%add3A_25, %dma_wait3A_216] : memref<10240x128xf32, #tpu.memory_space<vmem_shared>> -> memref<64x128xf32, #tpu.memory_space<vmem_shared>>
      %dma_wait3A_218 = arith.constant 0 : i32
      %dma_wait3A_219 = tpu.memref_slice %arg9[%add3A_25, %dma_wait3A_218] : memref<10240x128xf32, #tpu.memory_space<vmem_shared>> -> memref<64x128xf32, #tpu.memory_space<vmem_shared>>
      tpu.wait_dma2 semaphore(%run_scoped3A_212 : memref<!tpu.dma_semaphore, #tpu.memory_space<semaphore_mem>>) src(%arg12 : memref<64x128xf32, #tpu.memory_space<vmem>>) dst(%dma_wait3A_219 : memref<64x128xf32, #tpu.memory_space<vmem_shared>>)
      tpu.yield
    }) : () -> ()
    %add3A_26 = arith.constant 384 : i32
    %add3A_27 = arith.addi %mul3A_2, %add3A_26 : i32
    "tpu.region"() ({
      %run_scoped3A_212 = tpu.sem_alloc : memref<!tpu.dma_semaphore, #tpu.memory_space<semaphore_mem>>
      %dma_start3A = arith.constant 0 : i32
      %dma_start3A_213 = tpu.memref_slice %arg9[%add3A_27, %dma_start3A] : memref<10240x128xf32, #tpu.memory_space<vmem_shared>> -> memref<64x128xf32, #tpu.memory_space<vmem_shared>>
      %dma_start3A_214 = arith.constant 0 : i32
      %dma_start3A_215 = tpu.memref_slice %arg9[%add3A_27, %dma_start3A_214] : memref<10240x128xf32, #tpu.memory_space<vmem_shared>> -> memref<64x128xf32, #tpu.memory_space<vmem_shared>>
      tpu.enqueue_dma source(%arg12 : memref<64x128xf32, #tpu.memory_space<vmem>>) target(%dma_start3A_215 : memref<64x128xf32, #tpu.memory_space<vmem_shared>>) target_semaphore(%run_scoped3A_212 : memref<!tpu.dma_semaphore, #tpu.memory_space<semaphore_mem>>)
      %dma_wait3A_216 = arith.constant 0 : i32
      %dma_wait3A_217 = tpu.memref_slice %arg9[%add3A_27, %dma_wait3A_216] : memref<10240x128xf32, #tpu.memory_space<vmem_shared>> -> memref<64x128xf32, #tpu.memory_space<vmem_shared>>
      %dma_wait3A_218 = arith.constant 0 : i32
      %dma_wait3A_219 = tpu.memref_slice %arg9[%add3A_27, %dma_wait3A_218] : memref<10240x128xf32, #tpu.memory_space<vmem_shared>> -> memref<64x128xf32, #tpu.memory_space<vmem_shared>>
      tpu.wait_dma2 semaphore(%run_scoped3A_212 : memref<!tpu.dma_semaphore, #tpu.memory_space<semaphore_mem>>) src(%arg12 : memref<64x128xf32, #tpu.memory_space<vmem>>) dst(%dma_wait3A_219 : memref<64x128xf32, #tpu.memory_space<vmem_shared>>)
      tpu.yield
    }) : () -> ()
    %add3A_28 = arith.constant 448 : i32
    %add3A_29 = arith.addi %mul3A_2, %add3A_28 : i32
    "tpu.region"() ({
      %run_scoped3A_212 = tpu.sem_alloc : memref<!tpu.dma_semaphore, #tpu.memory_space<semaphore_mem>>
      %dma_start3A = arith.constant 0 : i32
      %dma_start3A_213 = tpu.memref_slice %arg9[%add3A_29, %dma_start3A] : memref<10240x128xf32, #tpu.memory_space<vmem_shared>> -> memref<64x128xf32, #tpu.memory_space<vmem_shared>>
      %dma_start3A_214 = arith.constant 0 : i32
      %dma_start3A_215 = tpu.memref_slice %arg9[%add3A_29, %dma_start3A_214] : memref<10240x128xf32, #tpu.memory_space<vmem_shared>> -> memref<64x128xf32, #tpu.memory_space<vmem_shared>>
      tpu.enqueue_dma source(%arg12 : memref<64x128xf32, #tpu.memory_space<vmem>>) target(%dma_start3A_215 : memref<64x128xf32, #tpu.memory_space<vmem_shared>>) target_semaphore(%run_scoped3A_212 : memref<!tpu.dma_semaphore, #tpu.memory_space<semaphore_mem>>)
      %dma_wait3A_216 = arith.constant 0 : i32
      %dma_wait3A_217 = tpu.memref_slice %arg9[%add3A_29, %dma_wait3A_216] : memref<10240x128xf32, #tpu.memory_space<vmem_shared>> -> memref<64x128xf32, #tpu.memory_space<vmem_shared>>
      %dma_wait3A_218 = arith.constant 0 : i32
      %dma_wait3A_219 = tpu.memref_slice %arg9[%add3A_29, %dma_wait3A_218] : memref<10240x128xf32, #tpu.memory_space<vmem_shared>> -> memref<64x128xf32, #tpu.memory_space<vmem_shared>>
      tpu.wait_dma2 semaphore(%run_scoped3A_212 : memref<!tpu.dma_semaphore, #tpu.memory_space<semaphore_mem>>) src(%arg12 : memref<64x128xf32, #tpu.memory_space<vmem>>) dst(%dma_wait3A_219 : memref<64x128xf32, #tpu.memory_space<vmem_shared>>)
      tpu.yield
    }) : () -> ()
    %add3A_30 = arith.constant 512 : i32
    %add3A_31 = arith.addi %mul3A_2, %add3A_30 : i32
    "tpu.region"() ({
      %run_scoped3A_212 = tpu.sem_alloc : memref<!tpu.dma_semaphore, #tpu.memory_space<semaphore_mem>>
      %dma_start3A = arith.constant 0 : i32
      %dma_start3A_213 = tpu.memref_slice %arg9[%add3A_31, %dma_start3A] : memref<10240x128xf32, #tpu.memory_space<vmem_shared>> -> memref<64x128xf32, #tpu.memory_space<vmem_shared>>
      %dma_start3A_214 = arith.constant 0 : i32
      %dma_start3A_215 = tpu.memref_slice %arg9[%add3A_31, %dma_start3A_214] : memref<10240x128xf32, #tpu.memory_space<vmem_shared>> -> memref<64x128xf32, #tpu.memory_space<vmem_shared>>
      tpu.enqueue_dma source(%arg12 : memref<64x128xf32, #tpu.memory_space<vmem>>) target(%dma_start3A_215 : memref<64x128xf32, #tpu.memory_space<vmem_shared>>) target_semaphore(%run_scoped3A_212 : memref<!tpu.dma_semaphore, #tpu.memory_space<semaphore_mem>>)
      %dma_wait3A_216 = arith.constant 0 : i32
      %dma_wait3A_217 = tpu.memref_slice %arg9[%add3A_31, %dma_wait3A_216] : memref<10240x128xf32, #tpu.memory_space<vmem_shared>> -> memref<64x128xf32, #tpu.memory_space<vmem_shared>>
      %dma_wait3A_218 = arith.constant 0 : i32
      %dma_wait3A_219 = tpu.memref_slice %arg9[%add3A_31, %dma_wait3A_218] : memref<10240x128xf32, #tpu.memory_space<vmem_shared>> -> memref<64x128xf32, #tpu.memory_space<vmem_shared>>
      tpu.wait_dma2 semaphore(%run_scoped3A_212 : memref<!tpu.dma_semaphore, #tpu.memory_space<semaphore_mem>>) src(%arg12 : memref<64x128xf32, #tpu.memory_space<vmem>>) dst(%dma_wait3A_219 : memref<64x128xf32, #tpu.memory_space<vmem_shared>>)
      tpu.yield
    }) : () -> ()
    %add3A_32 = arith.constant 576 : i32
    %add3A_33 = arith.addi %mul3A_2, %add3A_32 : i32
    "tpu.region"() ({
      %run_scoped3A_212 = tpu.sem_alloc : memref<!tpu.dma_semaphore, #tpu.memory_space<semaphore_mem>>
      %dma_start3A = arith.constant 0 : i32
      %dma_start3A_213 = tpu.memref_slice %arg9[%add3A_33, %dma_start3A] : memref<10240x128xf32, #tpu.memory_space<vmem_shared>> -> memref<64x128xf32, #tpu.memory_space<vmem_shared>>
      %dma_start3A_214 = arith.constant 0 : i32
      %dma_start3A_215 = tpu.memref_slice %arg9[%add3A_33, %dma_start3A_214] : memref<10240x128xf32, #tpu.memory_space<vmem_shared>> -> memref<64x128xf32, #tpu.memory_space<vmem_shared>>
      tpu.enqueue_dma source(%arg12 : memref<64x128xf32, #tpu.memory_space<vmem>>) target(%dma_start3A_215 : memref<64x128xf32, #tpu.memory_space<vmem_shared>>) target_semaphore(%run_scoped3A_212 : memref<!tpu.dma_semaphore, #tpu.memory_space<semaphore_mem>>)
      %dma_wait3A_216 = arith.constant 0 : i32
      %dma_wait3A_217 = tpu.memref_slice %arg9[%add3A_33, %dma_wait3A_216] : memref<10240x128xf32, #tpu.memory_space<vmem_shared>> -> memref<64x128xf32, #tpu.memory_space<vmem_shared>>
      %dma_wait3A_218 = arith.constant 0 : i32
      %dma_wait3A_219 = tpu.memref_slice %arg9[%add3A_33, %dma_wait3A_218] : memref<10240x128xf32, #tpu.memory_space<vmem_shared>> -> memref<64x128xf32, #tpu.memory_space<vmem_shared>>
      tpu.wait_dma2 semaphore(%run_scoped3A_212 : memref<!tpu.dma_semaphore, #tpu.memory_space<semaphore_mem>>) src(%arg12 : memref<64x128xf32, #tpu.memory_space<vmem>>) dst(%dma_wait3A_219 : memref<64x128xf32, #tpu.memory_space<vmem_shared>>)
      tpu.yield
    }) : () -> ()
    %barrier3A = arith.constant 0 : index
    tpu.barrier barrier_id(%barrier3A)
    %scan3A_34 = arith.constant 0 : i32
    %scan3A_35 = arith.constant 0 : i32
    %scan3A_36 = arith.constant 40 : i32
    %scan3A_37 = arith.addi %scan3A_35, %scan3A_36 : i32
    %scan3A_38 = arith.constant 1 : i32
    %scan3A_39 = scf.for %scan3A_212 = %scan3A_35 to %scan3A_37 step %scan3A_38 iter_args(%scan3A_213 = %scan3A_34) -> (i32)  : i32 {
      %mul3A_214 = arith.constant 2 : i32
      %mul3A_215 = arith.muli %mul3A_214, %scan3A_212 : i32
      %add3A_216 = arith.constant 0 : i32
      %add3A_217 = arith.addi %mul3A_215, %add3A_216 : i32
      %gt3A = arith.constant 0 : i32
      %gt3A_218 = arith.cmpi sgt, %scan3A_212, %gt3A : i32
      %convert_element_type3A = arith.extui %gt3A_218 : i1 to i32
      %cond3A = arith.constant 0 : i32
      %cond3A_219 = arith.cmpi ne, %convert_element_type3A, %cond3A : i32
      scf.if %cond3A_219 {
        %sub3A = arith.constant 2 : i32
        %sub3A_265 = arith.subi %add3A_217, %sub3A : i32
        %dma_wait3A_266 = arith.constant 0 : i32
        %dma_wait3A_267 = tpu.memref_slice %arg11[%sub3A_265, %dma_wait3A_266] : memref<80x64xi32, #tpu.memory_space<vmem>> -> memref<1x64xi32, #tpu.memory_space<vmem>>
        %dma_wait3A_268 = tpu.memref_squeeze %dma_wait3A_267 : memref<1x64xi32, #tpu.memory_space<vmem>> -> memref<64xi32, #tpu.memory_space<vmem>>
        %dma_wait3A_269 = arith.constant 0 : i32
        %dma_wait3A_270 = arith.constant 0 : i32
        %dma_wait3A_271 = tpu.memref_slice %arg9[%dma_wait3A_269, %dma_wait3A_270] : memref<10240x128xf32, #tpu.memory_space<vmem_shared>> -> memref<10240x128xf32, #tpu.memory_space<vmem_shared>>
        tpu.wait_indirect_dma semaphore(%arg16 : memref<!tpu.dma_semaphore, #tpu.memory_space<semaphore_mem>>) src(%arg12 : memref<64x128xf32, #tpu.memory_space<vmem>>) dst(%dma_wait3A_271 : memref<10240x128xf32, #tpu.memory_space<vmem_shared>>)
      } else {
      }
      %dma_start3A = arith.constant 0 : i32
      %dma_start3A_220 = tpu.memref_slice %arg10[%add3A_217, %dma_start3A] : memref<80x64xi32, #tpu.memory_space<vmem>> -> memref<1x64xi32, #tpu.memory_space<vmem>>
      %dma_start3A_221 = tpu.memref_squeeze %dma_start3A_220 : memref<1x64xi32, #tpu.memory_space<vmem>> -> memref<64xi32, #tpu.memory_space<vmem>>
      %dma_start3A_222 = arith.constant 0 : i32
      %dma_start3A_223 = arith.constant 0 : i32
      %dma_start3A_224 = tpu.memref_slice %arg2[%dma_start3A_222, %dma_start3A_223] : memref<10000x128xf32, #tpu.memory_space<hbm>> -> memref<10000x128xf32, #tpu.memory_space<hbm>>
      tpu.enqueue_indirect_dma source(%dma_start3A_224 : memref<10000x128xf32, #tpu.memory_space<hbm>>) target(%arg12 : memref<64x128xf32, #tpu.memory_space<vmem>>) offsets(%dma_start3A_221 : memref<64xi32, #tpu.memory_space<vmem>>) semaphore(%arg14 : memref<!tpu.dma_semaphore, #tpu.memory_space<semaphore_mem>>)
      %dma_wait3A_225 = arith.constant 0 : i32
      %dma_wait3A_226 = tpu.memref_slice %arg10[%add3A_217, %dma_wait3A_225] : memref<80x64xi32, #tpu.memory_space<vmem>> -> memref<1x64xi32, #tpu.memory_space<vmem>>
      %dma_wait3A_227 = tpu.memref_squeeze %dma_wait3A_226 : memref<1x64xi32, #tpu.memory_space<vmem>> -> memref<64xi32, #tpu.memory_space<vmem>>
      %dma_wait3A_228 = arith.constant 0 : i32
      %dma_wait3A_229 = arith.constant 0 : i32
      %dma_wait3A_230 = tpu.memref_slice %arg2[%dma_wait3A_228, %dma_wait3A_229] : memref<10000x128xf32, #tpu.memory_space<hbm>> -> memref<10000x128xf32, #tpu.memory_space<hbm>>
      tpu.wait_indirect_dma semaphore(%arg14 : memref<!tpu.dma_semaphore, #tpu.memory_space<semaphore_mem>>) src(%dma_wait3A_230 : memref<10000x128xf32, #tpu.memory_space<hbm>>) dst(%arg12 : memref<64x128xf32, #tpu.memory_space<vmem>>)
      %dma_start3A_231 = arith.constant 0 : i32
      %dma_start3A_232 = tpu.memref_slice %arg11[%add3A_217, %dma_start3A_231] : memref<80x64xi32, #tpu.memory_space<vmem>> -> memref<1x64xi32, #tpu.memory_space<vmem>>
      %dma_start3A_233 = tpu.memref_squeeze %dma_start3A_232 : memref<1x64xi32, #tpu.memory_space<vmem>> -> memref<64xi32, #tpu.memory_space<vmem>>
      %dma_start3A_234 = arith.constant 0 : i32
      %dma_start3A_235 = arith.constant 0 : i32
      %dma_start3A_236 = tpu.memref_slice %arg9[%dma_start3A_234, %dma_start3A_235] : memref<10240x128xf32, #tpu.memory_space<vmem_shared>> -> memref<10240x128xf32, #tpu.memory_space<vmem_shared>>
      tpu.enqueue_indirect_dma source(%arg12 : memref<64x128xf32, #tpu.memory_space<vmem>>) target(%dma_start3A_236 : memref<10240x128xf32, #tpu.memory_space<vmem_shared>>) offsets(%dma_start3A_233 : memref<64xi32, #tpu.memory_space<vmem>>) semaphore(%arg16 : memref<!tpu.dma_semaphore, #tpu.memory_space<semaphore_mem>>) {add = true}
      %mul3A_237 = arith.constant 2 : i32
      %mul3A_238 = arith.muli %mul3A_237, %scan3A_212 : i32
      %add3A_239 = arith.constant 1 : i32
      %add3A_240 = arith.addi %mul3A_238, %add3A_239 : i32
      %gt3A_241 = arith.constant 0 : i32
      %gt3A_242 = arith.cmpi sgt, %scan3A_212, %gt3A_241 : i32
      %convert_element_type3A_243 = arith.extui %gt3A_242 : i1 to i32
      %cond3A_244 = arith.constant 0 : i32
      %cond3A_245 = arith.cmpi ne, %convert_element_type3A_243, %cond3A_244 : i32
      scf.if %cond3A_245 {
        %sub3A = arith.constant 2 : i32
        %sub3A_265 = arith.subi %add3A_240, %sub3A : i32
        %dma_wait3A_266 = arith.constant 0 : i32
        %dma_wait3A_267 = tpu.memref_slice %arg11[%sub3A_265, %dma_wait3A_266] : memref<80x64xi32, #tpu.memory_space<vmem>> -> memref<1x64xi32, #tpu.memory_space<vmem>>
        %dma_wait3A_268 = tpu.memref_squeeze %dma_wait3A_267 : memref<1x64xi32, #tpu.memory_space<vmem>> -> memref<64xi32, #tpu.memory_space<vmem>>
        %dma_wait3A_269 = arith.constant 0 : i32
        %dma_wait3A_270 = arith.constant 0 : i32
        %dma_wait3A_271 = tpu.memref_slice %arg9[%dma_wait3A_269, %dma_wait3A_270] : memref<10240x128xf32, #tpu.memory_space<vmem_shared>> -> memref<10240x128xf32, #tpu.memory_space<vmem_shared>>
        tpu.wait_indirect_dma semaphore(%arg17 : memref<!tpu.dma_semaphore, #tpu.memory_space<semaphore_mem>>) src(%arg13 : memref<64x128xf32, #tpu.memory_space<vmem>>) dst(%dma_wait3A_271 : memref<10240x128xf32, #tpu.memory_space<vmem_shared>>)
      } else {
      }
      %dma_start3A_246 = arith.constant 0 : i32
      %dma_start3A_247 = tpu.memref_slice %arg10[%add3A_240, %dma_start3A_246] : memref<80x64xi32, #tpu.memory_space<vmem>> -> memref<1x64xi32, #tpu.memory_space<vmem>>
      %dma_start3A_248 = tpu.memref_squeeze %dma_start3A_247 : memref<1x64xi32, #tpu.memory_space<vmem>> -> memref<64xi32, #tpu.memory_space<vmem>>
      %dma_start3A_249 = arith.constant 0 : i32
      %dma_start3A_250 = arith.constant 0 : i32
      %dma_start3A_251 = tpu.memref_slice %arg2[%dma_start3A_249, %dma_start3A_250] : memref<10000x128xf32, #tpu.memory_space<hbm>> -> memref<10000x128xf32, #tpu.memory_space<hbm>>
      tpu.enqueue_indirect_dma source(%dma_start3A_251 : memref<10000x128xf32, #tpu.memory_space<hbm>>) target(%arg13 : memref<64x128xf32, #tpu.memory_space<vmem>>) offsets(%dma_start3A_248 : memref<64xi32, #tpu.memory_space<vmem>>) semaphore(%arg15 : memref<!tpu.dma_semaphore, #tpu.memory_space<semaphore_mem>>)
      %dma_wait3A_252 = arith.constant 0 : i32
      %dma_wait3A_253 = tpu.memref_slice %arg10[%add3A_240, %dma_wait3A_252] : memref<80x64xi32, #tpu.memory_space<vmem>> -> memref<1x64xi32, #tpu.memory_space<vmem>>
      %dma_wait3A_254 = tpu.memref_squeeze %dma_wait3A_253 : memref<1x64xi32, #tpu.memory_space<vmem>> -> memref<64xi32, #tpu.memory_space<vmem>>
      %dma_wait3A_255 = arith.constant 0 : i32
      %dma_wait3A_256 = arith.constant 0 : i32
      %dma_wait3A_257 = tpu.memref_slice %arg2[%dma_wait3A_255, %dma_wait3A_256] : memref<10000x128xf32, #tpu.memory_space<hbm>> -> memref<10000x128xf32, #tpu.memory_space<hbm>>
      tpu.wait_indirect_dma semaphore(%arg15 : memref<!tpu.dma_semaphore, #tpu.memory_space<semaphore_mem>>) src(%dma_wait3A_257 : memref<10000x128xf32, #tpu.memory_space<hbm>>) dst(%arg13 : memref<64x128xf32, #tpu.memory_space<vmem>>)
      %dma_start3A_258 = arith.constant 0 : i32
      %dma_start3A_259 = tpu.memref_slice %arg11[%add3A_240, %dma_start3A_258] : memref<80x64xi32, #tpu.memory_space<vmem>> -> memref<1x64xi32, #tpu.memory_space<vmem>>
      %dma_start3A_260 = tpu.memref_squeeze %dma_start3A_259 : memref<1x64xi32, #tpu.memory_space<vmem>> -> memref<64xi32, #tpu.memory_space<vmem>>
      %dma_start3A_261 = arith.constant 0 : i32
      %dma_start3A_262 = arith.constant 0 : i32
      %dma_start3A_263 = tpu.memref_slice %arg9[%dma_start3A_261, %dma_start3A_262] : memref<10240x128xf32, #tpu.memory_space<vmem_shared>> -> memref<10240x128xf32, #tpu.memory_space<vmem_shared>>
      tpu.enqueue_indirect_dma source(%arg13 : memref<64x128xf32, #tpu.memory_space<vmem>>) target(%dma_start3A_263 : memref<10240x128xf32, #tpu.memory_space<vmem_shared>>) offsets(%dma_start3A_260 : memref<64xi32, #tpu.memory_space<vmem>>) semaphore(%arg17 : memref<!tpu.dma_semaphore, #tpu.memory_space<semaphore_mem>>) {add = true}
      %scan3A_264 = arith.constant 0 : i32
      scf.yield %scan3A_264 : i32
    }
    %scan3A_40 = arith.constant 40 : i32
    %dma_wait3A = arith.constant 78 : i32
    %dma_wait3A_41 = arith.constant 0 : i32
    %dma_wait3A_42 = tpu.memref_slice %arg11[%dma_wait3A, %dma_wait3A_41] : memref<80x64xi32, #tpu.memory_space<vmem>> -> memref<1x64xi32, #tpu.memory_space<vmem>>
    %dma_wait3A_43 = tpu.memref_squeeze %dma_wait3A_42 : memref<1x64xi32, #tpu.memory_space<vmem>> -> memref<64xi32, #tpu.memory_space<vmem>>
    %dma_wait3A_44 = arith.constant 0 : i32
    %dma_wait3A_45 = arith.constant 0 : i32
    %dma_wait3A_46 = tpu.memref_slice %arg9[%dma_wait3A_44, %dma_wait3A_45] : memref<10240x128xf32, #tpu.memory_space<vmem_shared>> -> memref<10240x128xf32, #tpu.memory_space<vmem_shared>>
    tpu.wait_indirect_dma semaphore(%arg16 : memref<!tpu.dma_semaphore, #tpu.memory_space<semaphore_mem>>) src(%arg12 : memref<64x128xf32, #tpu.memory_space<vmem>>) dst(%dma_wait3A_46 : memref<10240x128xf32, #tpu.memory_space<vmem_shared>>)
    %dma_wait3A_47 = arith.constant 79 : i32
    %dma_wait3A_48 = arith.constant 0 : i32
    %dma_wait3A_49 = tpu.memref_slice %arg11[%dma_wait3A_47, %dma_wait3A_48] : memref<80x64xi32, #tpu.memory_space<vmem>> -> memref<1x64xi32, #tpu.memory_space<vmem>>
    %dma_wait3A_50 = tpu.memref_squeeze %dma_wait3A_49 : memref<1x64xi32, #tpu.memory_space<vmem>> -> memref<64xi32, #tpu.memory_space<vmem>>
    %dma_wait3A_51 = arith.constant 0 : i32
    %dma_wait3A_52 = arith.constant 0 : i32
    %dma_wait3A_53 = tpu.memref_slice %arg9[%dma_wait3A_51, %dma_wait3A_52] : memref<10240x128xf32, #tpu.memory_space<vmem_shared>> -> memref<10240x128xf32, #tpu.memory_space<vmem_shared>>
    tpu.wait_indirect_dma semaphore(%arg17 : memref<!tpu.dma_semaphore, #tpu.memory_space<semaphore_mem>>) src(%arg13 : memref<64x128xf32, #tpu.memory_space<vmem>>) dst(%dma_wait3A_53 : memref<10240x128xf32, #tpu.memory_space<vmem_shared>>)
    %barrier3A_54 = arith.constant 0 : index
    tpu.barrier barrier_id(%barrier3A_54)
    %run_scoped3A = arith.constant 0 : i32
    "tpu.region"() ({
      %run_scoped3A_212 = tpu.sem_alloc : memref<!tpu.dma_semaphore, #tpu.memory_space<semaphore_mem>>
      %dma_start3A = arith.constant 0 : i32
      %dma_start3A_213 = tpu.memref_slice %arg8[%arg0, %run_scoped3A, %mul3A_2, %dma_start3A] : memref<2x4x10240x128xf32, #tpu.memory_space<hbm>> -> memref<1x1x640x128xf32, #tpu.memory_space<hbm>>
      %dma_start3A_214 = tpu.memref_squeeze %dma_start3A_213 : memref<1x1x640x128xf32, #tpu.memory_space<hbm>> -> memref<640x128xf32, #tpu.memory_space<hbm>>
      %dma_start3A_215 = arith.constant 0 : i32
      %dma_start3A_216 = tpu.memref_slice %arg9[%mul3A_2, %dma_start3A_215] : memref<10240x128xf32, #tpu.memory_space<vmem_shared>> -> memref<640x128xf32, #tpu.memory_space<vmem_shared>>
      tpu.enqueue_dma source(%dma_start3A_216 : memref<640x128xf32, #tpu.memory_space<vmem_shared>>) target(%dma_start3A_214 : memref<640x128xf32, #tpu.memory_space<hbm>>) target_semaphore(%run_scoped3A_212 : memref<!tpu.dma_semaphore, #tpu.memory_space<semaphore_mem>>)
      %dma_wait3A_217 = arith.constant 0 : i32
      %dma_wait3A_218 = tpu.memref_slice %arg8[%arg0, %run_scoped3A, %mul3A_2, %dma_wait3A_217] : memref<2x4x10240x128xf32, #tpu.memory_space<hbm>> -> memref<1x1x640x128xf32, #tpu.memory_space<hbm>>
      %dma_wait3A_219 = tpu.memref_squeeze %dma_wait3A_218 : memref<1x1x640x128xf32, #tpu.memory_space<hbm>> -> memref<640x128xf32, #tpu.memory_space<hbm>>
      %dma_wait3A_220 = arith.constant 0 : i32
      %dma_wait3A_221 = tpu.memref_slice %arg9[%mul3A_2, %dma_wait3A_220] : memref<10240x128xf32, #tpu.memory_space<vmem_shared>> -> memref<640x128xf32, #tpu.memory_space<vmem_shared>>
      tpu.wait_dma2 semaphore(%run_scoped3A_212 : memref<!tpu.dma_semaphore, #tpu.memory_space<semaphore_mem>>) src(%dma_wait3A_221 : memref<640x128xf32, #tpu.memory_space<vmem_shared>>) dst(%dma_wait3A_219 : memref<640x128xf32, #tpu.memory_space<hbm>>)
      tpu.yield
    }) : () -> ()
    %barrier3A_55 = arith.constant 0 : index
    tpu.barrier barrier_id(%barrier3A_55)
    %scan3A_56 = arith.constant 0 : i32
    %scan3A_57 = arith.constant 0 : i32
    %scan3A_58 = arith.constant 64 : i32
    %scan3A_59 = arith.addi %scan3A_57, %scan3A_58 : i32
    %scan3A_60 = arith.constant 1 : i32
    %scan3A_61 = scf.for %scan3A_212 = %scan3A_57 to %scan3A_59 step %scan3A_60 iter_args(%scan3A_213 = %scan3A_56) -> (i32)  : i32 {
      %swap3A = arith.index_cast %scan3A_212 : i32 to index
      %swap3A_214 = arith.constant 0 : index
      %swap3A_215 = tpu.vector_load %arg12[%swap3A, %swap3A_214] {strides = array<i32>} : memref<64x128xf32, #tpu.memory_space<vmem>>, vector<16xf32>,
      tpu.vector_store %arg12[%swap3A, %swap3A_214], %broadcast_in_dim3A_3 {strides = array<i32>} : memref<64x128xf32, #tpu.memory_space<vmem>>, vector<16xf32>,
      %swap3A_216 = arith.index_cast %scan3A_212 : i32 to index
      %swap3A_217 = arith.constant 16 : index
      %swap3A_218 = tpu.vector_load %arg12[%swap3A_216, %swap3A_217] {strides = array<i32>} : memref<64x128xf32, #tpu.memory_space<vmem>>, vector<16xf32>,
      tpu.vector_store %arg12[%swap3A_216, %swap3A_217], %broadcast_in_dim3A_3 {strides = array<i32>} : memref<64x128xf32, #tpu.memory_space<vmem>>, vector<16xf32>,
      %swap3A_219 = arith.index_cast %scan3A_212 : i32 to index
      %swap3A_220 = arith.constant 32 : index
      %swap3A_221 = tpu.vector_load %arg12[%swap3A_219, %swap3A_220] {strides = array<i32>} : memref<64x128xf32, #tpu.memory_space<vmem>>, vector<16xf32>,
      tpu.vector_store %arg12[%swap3A_219, %swap3A_220], %broadcast_in_dim3A_3 {strides = array<i32>} : memref<64x128xf32, #tpu.memory_space<vmem>>, vector<16xf32>,
      %swap3A_222 = arith.index_cast %scan3A_212 : i32 to index
      %swap3A_223 = arith.constant 48 : index
      %swap3A_224 = tpu.vector_load %arg12[%swap3A_222, %swap3A_223] {strides = array<i32>} : memref<64x128xf32, #tpu.memory_space<vmem>>, vector<16xf32>,
      tpu.vector_store %arg12[%swap3A_222, %swap3A_223], %broadcast_in_dim3A_3 {strides = array<i32>} : memref<64x128xf32, #tpu.memory_space<vmem>>, vector<16xf32>,
      %swap3A_225 = arith.index_cast %scan3A_212 : i32 to index
      %swap3A_226 = arith.constant 64 : index
      %swap3A_227 = tpu.vector_load %arg12[%swap3A_225, %swap3A_226] {strides = array<i32>} : memref<64x128xf32, #tpu.memory_space<vmem>>, vector<16xf32>,
      tpu.vector_store %arg12[%swap3A_225, %swap3A_226], %broadcast_in_dim3A_3 {strides = array<i32>} : memref<64x128xf32, #tpu.memory_space<vmem>>, vector<16xf32>,
      %swap3A_228 = arith.index_cast %scan3A_212 : i32 to index
      %swap3A_229 = arith.constant 80 : index
      %swap3A_230 = tpu.vector_load %arg12[%swap3A_228, %swap3A_229] {strides = array<i32>} : memref<64x128xf32, #tpu.memory_space<vmem>>, vector<16xf32>,
      tpu.vector_store %arg12[%swap3A_228, %swap3A_229], %broadcast_in_dim3A_3 {strides = array<i32>} : memref<64x128xf32, #tpu.memory_space<vmem>>, vector<16xf32>,
      %swap3A_231 = arith.index_cast %scan3A_212 : i32 to index
      %swap3A_232 = arith.constant 96 : index
      %swap3A_233 = tpu.vector_load %arg12[%swap3A_231, %swap3A_232] {strides = array<i32>} : memref<64x128xf32, #tpu.memory_space<vmem>>, vector<16xf32>,
      tpu.vector_store %arg12[%swap3A_231, %swap3A_232], %broadcast_in_dim3A_3 {strides = array<i32>} : memref<64x128xf32, #tpu.memory_space<vmem>>, vector<16xf32>,
      %swap3A_234 = arith.index_cast %scan3A_212 : i32 to index
      %swap3A_235 = arith.constant 112 : index
      %swap3A_236 = tpu.vector_load %arg12[%swap3A_234, %swap3A_235] {strides = array<i32>} : memref<64x128xf32, #tpu.memory_space<vmem>>, vector<16xf32>,
      tpu.vector_store %arg12[%swap3A_234, %swap3A_235], %broadcast_in_dim3A_3 {strides = array<i32>} : memref<64x128xf32, #tpu.memory_space<vmem>>, vector<16xf32>,
      %scan3A_237 = arith.constant 0 : i32
      scf.yield %scan3A_237 : i32
    }
    %scan3A_62 = arith.constant 64 : i32
    %add3A_63 = arith.constant 0 : i32
    %add3A_64 = arith.addi %mul3A_2, %add3A_63 : i32
    "tpu.region"() ({
      %run_scoped3A_212 = tpu.sem_alloc : memref<!tpu.dma_semaphore, #tpu.memory_space<semaphore_mem>>
      %dma_start3A = arith.constant 0 : i32
      %dma_start3A_213 = tpu.memref_slice %arg9[%add3A_64, %dma_start3A] : memref<10240x128xf32, #tpu.memory_space<vmem_shared>> -> memref<64x128xf32, #tpu.memory_space<vmem_shared>>
      %dma_start3A_214 = arith.constant 0 : i32
      %dma_start3A_215 = tpu.memref_slice %arg9[%add3A_64, %dma_start3A_214] : memref<10240x128xf32, #tpu.memory_space<vmem_shared>> -> memref<64x128xf32, #tpu.memory_space<vmem_shared>>
      tpu.enqueue_dma source(%arg12 : memref<64x128xf32, #tpu.memory_space<vmem>>) target(%dma_start3A_215 : memref<64x128xf32, #tpu.memory_space<vmem_shared>>) target_semaphore(%run_scoped3A_212 : memref<!tpu.dma_semaphore, #tpu.memory_space<semaphore_mem>>)
      %dma_wait3A_216 = arith.constant 0 : i32
      %dma_wait3A_217 = tpu.memref_slice %arg9[%add3A_64, %dma_wait3A_216] : memref<10240x128xf32, #tpu.memory_space<vmem_shared>> -> memref<64x128xf32, #tpu.memory_space<vmem_shared>>
      %dma_wait3A_218 = arith.constant 0 : i32
      %dma_wait3A_219 = tpu.memref_slice %arg9[%add3A_64, %dma_wait3A_218] : memref<10240x128xf32, #tpu.memory_space<vmem_shared>> -> memref<64x128xf32, #tpu.memory_space<vmem_shared>>
      tpu.wait_dma2 semaphore(%run_scoped3A_212 : memref<!tpu.dma_semaphore, #tpu.memory_space<semaphore_mem>>) src(%arg12 : memref<64x128xf32, #tpu.memory_space<vmem>>) dst(%dma_wait3A_219 : memref<64x128xf32, #tpu.memory_space<vmem_shared>>)
      tpu.yield
    }) : () -> ()
    %add3A_65 = arith.constant 64 : i32
    %add3A_66 = arith.addi %mul3A_2, %add3A_65 : i32
    "tpu.region"() ({
      %run_scoped3A_212 = tpu.sem_alloc : memref<!tpu.dma_semaphore, #tpu.memory_space<semaphore_mem>>
      %dma_start3A = arith.constant 0 : i32
      %dma_start3A_213 = tpu.memref_slice %arg9[%add3A_66, %dma_start3A] : memref<10240x128xf32, #tpu.memory_space<vmem_shared>> -> memref<64x128xf32, #tpu.memory_space<vmem_shared>>
      %dma_start3A_214 = arith.constant 0 : i32
      %dma_start3A_215 = tpu.memref_slice %arg9[%add3A_66, %dma_start3A_214] : memref<10240x128xf32, #tpu.memory_space<vmem_shared>> -> memref<64x128xf32, #tpu.memory_space<vmem_shared>>
      tpu.enqueue_dma source(%arg12 : memref<64x128xf32, #tpu.memory_space<vmem>>) target(%dma_start3A_215 : memref<64x128xf32, #tpu.memory_space<vmem_shared>>) target_semaphore(%run_scoped3A_212 : memref<!tpu.dma_semaphore, #tpu.memory_space<semaphore_mem>>)
      %dma_wait3A_216 = arith.constant 0 : i32
      %dma_wait3A_217 = tpu.memref_slice %arg9[%add3A_66, %dma_wait3A_216] : memref<10240x128xf32, #tpu.memory_space<vmem_shared>> -> memref<64x128xf32, #tpu.memory_space<vmem_shared>>
      %dma_wait3A_218 = arith.constant 0 : i32
      %dma_wait3A_219 = tpu.memref_slice %arg9[%add3A_66, %dma_wait3A_218] : memref<10240x128xf32, #tpu.memory_space<vmem_shared>> -> memref<64x128xf32, #tpu.memory_space<vmem_shared>>
      tpu.wait_dma2 semaphore(%run_scoped3A_212 : memref<!tpu.dma_semaphore, #tpu.memory_space<semaphore_mem>>) src(%arg12 : memref<64x128xf32, #tpu.memory_space<vmem>>) dst(%dma_wait3A_219 : memref<64x128xf32, #tpu.memory_space<vmem_shared>>)
      tpu.yield
    }) : () -> ()
    %add3A_67 = arith.constant 128 : i32
    %add3A_68 = arith.addi %mul3A_2, %add3A_67 : i32
    "tpu.region"() ({
      %run_scoped3A_212 = tpu.sem_alloc : memref<!tpu.dma_semaphore, #tpu.memory_space<semaphore_mem>>
      %dma_start3A = arith.constant 0 : i32
      %dma_start3A_213 = tpu.memref_slice %arg9[%add3A_68, %dma_start3A] : memref<10240x128xf32, #tpu.memory_space<vmem_shared>> -> memref<64x128xf32, #tpu.memory_space<vmem_shared>>
      %dma_start3A_214 = arith.constant 0 : i32
      %dma_start3A_215 = tpu.memref_slice %arg9[%add3A_68, %dma_start3A_214] : memref<10240x128xf32, #tpu.memory_space<vmem_shared>> -> memref<64x128xf32, #tpu.memory_space<vmem_shared>>
      tpu.enqueue_dma source(%arg12 : memref<64x128xf32, #tpu.memory_space<vmem>>) target(%dma_start3A_215 : memref<64x128xf32, #tpu.memory_space<vmem_shared>>) target_semaphore(%run_scoped3A_212 : memref<!tpu.dma_semaphore, #tpu.memory_space<semaphore_mem>>)
      %dma_wait3A_216 = arith.constant 0 : i32
      %dma_wait3A_217 = tpu.memref_slice %arg9[%add3A_68, %dma_wait3A_216] : memref<10240x128xf32, #tpu.memory_space<vmem_shared>> -> memref<64x128xf32, #tpu.memory_space<vmem_shared>>
      %dma_wait3A_218 = arith.constant 0 : i32
      %dma_wait3A_219 = tpu.memref_slice %arg9[%add3A_68, %dma_wait3A_218] : memref<10240x128xf32, #tpu.memory_space<vmem_shared>> -> memref<64x128xf32, #tpu.memory_space<vmem_shared>>
      tpu.wait_dma2 semaphore(%run_scoped3A_212 : memref<!tpu.dma_semaphore, #tpu.memory_space<semaphore_mem>>) src(%arg12 : memref<64x128xf32, #tpu.memory_space<vmem>>) dst(%dma_wait3A_219 : memref<64x128xf32, #tpu.memory_space<vmem_shared>>)
      tpu.yield
    }) : () -> ()
    %add3A_69 = arith.constant 192 : i32
    %add3A_70 = arith.addi %mul3A_2, %add3A_69 : i32
    "tpu.region"() ({
      %run_scoped3A_212 = tpu.sem_alloc : memref<!tpu.dma_semaphore, #tpu.memory_space<semaphore_mem>>
      %dma_start3A = arith.constant 0 : i32
      %dma_start3A_213 = tpu.memref_slice %arg9[%add3A_70, %dma_start3A] : memref<10240x128xf32, #tpu.memory_space<vmem_shared>> -> memref<64x128xf32, #tpu.memory_space<vmem_shared>>
      %dma_start3A_214 = arith.constant 0 : i32
      %dma_start3A_215 = tpu.memref_slice %arg9[%add3A_70, %dma_start3A_214] : memref<10240x128xf32, #tpu.memory_space<vmem_shared>> -> memref<64x128xf32, #tpu.memory_space<vmem_shared>>
      tpu.enqueue_dma source(%arg12 : memref<64x128xf32, #tpu.memory_space<vmem>>) target(%dma_start3A_215 : memref<64x128xf32, #tpu.memory_space<vmem_shared>>) target_semaphore(%run_scoped3A_212 : memref<!tpu.dma_semaphore, #tpu.memory_space<semaphore_mem>>)
      %dma_wait3A_216 = arith.constant 0 : i32
      %dma_wait3A_217 = tpu.memref_slice %arg9[%add3A_70, %dma_wait3A_216] : memref<10240x128xf32, #tpu.memory_space<vmem_shared>> -> memref<64x128xf32, #tpu.memory_space<vmem_shared>>
      %dma_wait3A_218 = arith.constant 0 : i32
      %dma_wait3A_219 = tpu.memref_slice %arg9[%add3A_70, %dma_wait3A_218] : memref<10240x128xf32, #tpu.memory_space<vmem_shared>> -> memref<64x128xf32, #tpu.memory_space<vmem_shared>>
      tpu.wait_dma2 semaphore(%run_scoped3A_212 : memref<!tpu.dma_semaphore, #tpu.memory_space<semaphore_mem>>) src(%arg12 : memref<64x128xf32, #tpu.memory_space<vmem>>) dst(%dma_wait3A_219 : memref<64x128xf32, #tpu.memory_space<vmem_shared>>)
      tpu.yield
    }) : () -> ()
    %add3A_71 = arith.constant 256 : i32
    %add3A_72 = arith.addi %mul3A_2, %add3A_71 : i32
    "tpu.region"() ({
      %run_scoped3A_212 = tpu.sem_alloc : memref<!tpu.dma_semaphore, #tpu.memory_space<semaphore_mem>>
      %dma_start3A = arith.constant 0 : i32
      %dma_start3A_213 = tpu.memref_slice %arg9[%add3A_72, %dma_start3A] : memref<10240x128xf32, #tpu.memory_space<vmem_shared>> -> memref<64x128xf32, #tpu.memory_space<vmem_shared>>
      %dma_start3A_214 = arith.constant 0 : i32
      %dma_start3A_215 = tpu.memref_slice %arg9[%add3A_72, %dma_start3A_214] : memref<10240x128xf32, #tpu.memory_space<vmem_shared>> -> memref<64x128xf32, #tpu.memory_space<vmem_shared>>
      tpu.enqueue_dma source(%arg12 : memref<64x128xf32, #tpu.memory_space<vmem>>) target(%dma_start3A_215 : memref<64x128xf32, #tpu.memory_space<vmem_shared>>) target_semaphore(%run_scoped3A_212 : memref<!tpu.dma_semaphore, #tpu.memory_space<semaphore_mem>>)
      %dma_wait3A_216 = arith.constant 0 : i32
      %dma_wait3A_217 = tpu.memref_slice %arg9[%add3A_72, %dma_wait3A_216] : memref<10240x128xf32, #tpu.memory_space<vmem_shared>> -> memref<64x128xf32, #tpu.memory_space<vmem_shared>>
      %dma_wait3A_218 = arith.constant 0 : i32
      %dma_wait3A_219 = tpu.memref_slice %arg9[%add3A_72, %dma_wait3A_218] : memref<10240x128xf32, #tpu.memory_space<vmem_shared>> -> memref<64x128xf32, #tpu.memory_space<vmem_shared>>
      tpu.wait_dma2 semaphore(%run_scoped3A_212 : memref<!tpu.dma_semaphore, #tpu.memory_space<semaphore_mem>>) src(%arg12 : memref<64x128xf32, #tpu.memory_space<vmem>>) dst(%dma_wait3A_219 : memref<64x128xf32, #tpu.memory_space<vmem_shared>>)
      tpu.yield
    }) : () -> ()
    %add3A_73 = arith.constant 320 : i32
    %add3A_74 = arith.addi %mul3A_2, %add3A_73 : i32
    "tpu.region"() ({
      %run_scoped3A_212 = tpu.sem_alloc : memref<!tpu.dma_semaphore, #tpu.memory_space<semaphore_mem>>
      %dma_start3A = arith.constant 0 : i32
      %dma_start3A_213 = tpu.memref_slice %arg9[%add3A_74, %dma_start3A] : memref<10240x128xf32, #tpu.memory_space<vmem_shared>> -> memref<64x128xf32, #tpu.memory_space<vmem_shared>>
      %dma_start3A_214 = arith.constant 0 : i32
      %dma_start3A_215 = tpu.memref_slice %arg9[%add3A_74, %dma_start3A_214] : memref<10240x128xf32, #tpu.memory_space<vmem_shared>> -> memref<64x128xf32, #tpu.memory_space<vmem_shared>>
      tpu.enqueue_dma source(%arg12 : memref<64x128xf32, #tpu.memory_space<vmem>>) target(%dma_start3A_215 : memref<64x128xf32, #tpu.memory_space<vmem_shared>>) target_semaphore(%run_scoped3A_212 : memref<!tpu.dma_semaphore, #tpu.memory_space<semaphore_mem>>)
      %dma_wait3A_216 = arith.constant 0 : i32
      %dma_wait3A_217 = tpu.memref_slice %arg9[%add3A_74, %dma_wait3A_216] : memref<10240x128xf32, #tpu.memory_space<vmem_shared>> -> memref<64x128xf32, #tpu.memory_space<vmem_shared>>
      %dma_wait3A_218 = arith.constant 0 : i32
      %dma_wait3A_219 = tpu.memref_slice %arg9[%add3A_74, %dma_wait3A_218] : memref<10240x128xf32, #tpu.memory_space<vmem_shared>> -> memref<64x128xf32, #tpu.memory_space<vmem_shared>>
      tpu.wait_dma2 semaphore(%run_scoped3A_212 : memref<!tpu.dma_semaphore, #tpu.memory_space<semaphore_mem>>) src(%arg12 : memref<64x128xf32, #tpu.memory_space<vmem>>) dst(%dma_wait3A_219 : memref<64x128xf32, #tpu.memory_space<vmem_shared>>)
      tpu.yield
    }) : () -> ()
    %add3A_75 = arith.constant 384 : i32
    %add3A_76 = arith.addi %mul3A_2, %add3A_75 : i32
    "tpu.region"() ({
      %run_scoped3A_212 = tpu.sem_alloc : memref<!tpu.dma_semaphore, #tpu.memory_space<semaphore_mem>>
      %dma_start3A = arith.constant 0 : i32
      %dma_start3A_213 = tpu.memref_slice %arg9[%add3A_76, %dma_start3A] : memref<10240x128xf32, #tpu.memory_space<vmem_shared>> -> memref<64x128xf32, #tpu.memory_space<vmem_shared>>
      %dma_start3A_214 = arith.constant 0 : i32
      %dma_start3A_215 = tpu.memref_slice %arg9[%add3A_76, %dma_start3A_214] : memref<10240x128xf32, #tpu.memory_space<vmem_shared>> -> memref<64x128xf32, #tpu.memory_space<vmem_shared>>
      tpu.enqueue_dma source(%arg12 : memref<64x128xf32, #tpu.memory_space<vmem>>) target(%dma_start3A_215 : memref<64x128xf32, #tpu.memory_space<vmem_shared>>) target_semaphore(%run_scoped3A_212 : memref<!tpu.dma_semaphore, #tpu.memory_space<semaphore_mem>>)
      %dma_wait3A_216 = arith.constant 0 : i32
      %dma_wait3A_217 = tpu.memref_slice %arg9[%add3A_76, %dma_wait3A_216] : memref<10240x128xf32, #tpu.memory_space<vmem_shared>> -> memref<64x128xf32, #tpu.memory_space<vmem_shared>>
      %dma_wait3A_218 = arith.constant 0 : i32
      %dma_wait3A_219 = tpu.memref_slice %arg9[%add3A_76, %dma_wait3A_218] : memref<10240x128xf32, #tpu.memory_space<vmem_shared>> -> memref<64x128xf32, #tpu.memory_space<vmem_shared>>
      tpu.wait_dma2 semaphore(%run_scoped3A_212 : memref<!tpu.dma_semaphore, #tpu.memory_space<semaphore_mem>>) src(%arg12 : memref<64x128xf32, #tpu.memory_space<vmem>>) dst(%dma_wait3A_219 : memref<64x128xf32, #tpu.memory_space<vmem_shared>>)
      tpu.yield
    }) : () -> ()
    %add3A_77 = arith.constant 448 : i32
    %add3A_78 = arith.addi %mul3A_2, %add3A_77 : i32
    "tpu.region"() ({
      %run_scoped3A_212 = tpu.sem_alloc : memref<!tpu.dma_semaphore, #tpu.memory_space<semaphore_mem>>
      %dma_start3A = arith.constant 0 : i32
      %dma_start3A_213 = tpu.memref_slice %arg9[%add3A_78, %dma_start3A] : memref<10240x128xf32, #tpu.memory_space<vmem_shared>> -> memref<64x128xf32, #tpu.memory_space<vmem_shared>>
      %dma_start3A_214 = arith.constant 0 : i32
      %dma_start3A_215 = tpu.memref_slice %arg9[%add3A_78, %dma_start3A_214] : memref<10240x128xf32, #tpu.memory_space<vmem_shared>> -> memref<64x128xf32, #tpu.memory_space<vmem_shared>>
      tpu.enqueue_dma source(%arg12 : memref<64x128xf32, #tpu.memory_space<vmem>>) target(%dma_start3A_215 : memref<64x128xf32, #tpu.memory_space<vmem_shared>>) target_semaphore(%run_scoped3A_212 : memref<!tpu.dma_semaphore, #tpu.memory_space<semaphore_mem>>)
      %dma_wait3A_216 = arith.constant 0 : i32
      %dma_wait3A_217 = tpu.memref_slice %arg9[%add3A_78, %dma_wait3A_216] : memref<10240x128xf32, #tpu.memory_space<vmem_shared>> -> memref<64x128xf32, #tpu.memory_space<vmem_shared>>
      %dma_wait3A_218 = arith.constant 0 : i32
      %dma_wait3A_219 = tpu.memref_slice %arg9[%add3A_78, %dma_wait3A_218] : memref<10240x128xf32, #tpu.memory_space<vmem_shared>> -> memref<64x128xf32, #tpu.memory_space<vmem_shared>>
      tpu.wait_dma2 semaphore(%run_scoped3A_212 : memref<!tpu.dma_semaphore, #tpu.memory_space<semaphore_mem>>) src(%arg12 : memref<64x128xf32, #tpu.memory_space<vmem>>) dst(%dma_wait3A_219 : memref<64x128xf32, #tpu.memory_space<vmem_shared>>)
      tpu.yield
    }) : () -> ()
    %add3A_79 = arith.constant 512 : i32
    %add3A_80 = arith.addi %mul3A_2, %add3A_79 : i32
    "tpu.region"() ({
      %run_scoped3A_212 = tpu.sem_alloc : memref<!tpu.dma_semaphore, #tpu.memory_space<semaphore_mem>>
      %dma_start3A = arith.constant 0 : i32
      %dma_start3A_213 = tpu.memref_slice %arg9[%add3A_80, %dma_start3A] : memref<10240x128xf32, #tpu.memory_space<vmem_shared>> -> memref<64x128xf32, #tpu.memory_space<vmem_shared>>
      %dma_start3A_214 = arith.constant 0 : i32
      %dma_start3A_215 = tpu.memref_slice %arg9[%add3A_80, %dma_start3A_214] : memref<10240x128xf32, #tpu.memory_space<vmem_shared>> -> memref<64x128xf32, #tpu.memory_space<vmem_shared>>
      tpu.enqueue_dma source(%arg12 : memref<64x128xf32, #tpu.memory_space<vmem>>) target(%dma_start3A_215 : memref<64x128xf32, #tpu.memory_space<vmem_shared>>) target_semaphore(%run_scoped3A_212 : memref<!tpu.dma_semaphore, #tpu.memory_space<semaphore_mem>>)
      %dma_wait3A_216 = arith.constant 0 : i32
      %dma_wait3A_217 = tpu.memref_slice %arg9[%add3A_80, %dma_wait3A_216] : memref<10240x128xf32, #tpu.memory_space<vmem_shared>> -> memref<64x128xf32, #tpu.memory_space<vmem_shared>>
      %dma_wait3A_218 = arith.constant 0 : i32
      %dma_wait3A_219 = tpu.memref_slice %arg9[%add3A_80, %dma_wait3A_218] : memref<10240x128xf32, #tpu.memory_space<vmem_shared>> -> memref<64x128xf32, #tpu.memory_space<vmem_shared>>
      tpu.wait_dma2 semaphore(%run_scoped3A_212 : memref<!tpu.dma_semaphore, #tpu.memory_space<semaphore_mem>>) src(%arg12 : memref<64x128xf32, #tpu.memory_space<vmem>>) dst(%dma_wait3A_219 : memref<64x128xf32, #tpu.memory_space<vmem_shared>>)
      tpu.yield
    }) : () -> ()
    %add3A_81 = arith.constant 576 : i32
    %add3A_82 = arith.addi %mul3A_2, %add3A_81 : i32
    "tpu.region"() ({
      %run_scoped3A_212 = tpu.sem_alloc : memref<!tpu.dma_semaphore, #tpu.memory_space<semaphore_mem>>
      %dma_start3A = arith.constant 0 : i32
      %dma_start3A_213 = tpu.memref_slice %arg9[%add3A_82, %dma_start3A] : memref<10240x128xf32, #tpu.memory_space<vmem_shared>> -> memref<64x128xf32, #tpu.memory_space<vmem_shared>>
      %dma_start3A_214 = arith.constant 0 : i32
      %dma_start3A_215 = tpu.memref_slice %arg9[%add3A_82, %dma_start3A_214] : memref<10240x128xf32, #tpu.memory_space<vmem_shared>> -> memref<64x128xf32, #tpu.memory_space<vmem_shared>>
      tpu.enqueue_dma source(%arg12 : memref<64x128xf32, #tpu.memory_space<vmem>>) target(%dma_start3A_215 : memref<64x128xf32, #tpu.memory_space<vmem_shared>>) target_semaphore(%run_scoped3A_212 : memref<!tpu.dma_semaphore, #tpu.memory_space<semaphore_mem>>)
      %dma_wait3A_216 = arith.constant 0 : i32
      %dma_wait3A_217 = tpu.memref_slice %arg9[%add3A_82, %dma_wait3A_216] : memref<10240x128xf32, #tpu.memory_space<vmem_shared>> -> memref<64x128xf32, #tpu.memory_space<vmem_shared>>
      %dma_wait3A_218 = arith.constant 0 : i32
      %dma_wait3A_219 = tpu.memref_slice %arg9[%add3A_82, %dma_wait3A_218] : memref<10240x128xf32, #tpu.memory_space<vmem_shared>> -> memref<64x128xf32, #tpu.memory_space<vmem_shared>>
      tpu.wait_dma2 semaphore(%run_scoped3A_212 : memref<!tpu.dma_semaphore, #tpu.memory_space<semaphore_mem>>) src(%arg12 : memref<64x128xf32, #tpu.memory_space<vmem>>) dst(%dma_wait3A_219 : memref<64x128xf32, #tpu.memory_space<vmem_shared>>)
      tpu.yield
    }) : () -> ()
    %barrier3A_83 = arith.constant 0 : index
    tpu.barrier barrier_id(%barrier3A_83)
    %scan3A_84 = arith.constant 0 : i32
    %scan3A_85 = arith.constant 0 : i32
    %scan3A_86 = arith.constant 40 : i32
    %scan3A_87 = arith.addi %scan3A_85, %scan3A_86 : i32
    %scan3A_88 = arith.constant 1 : i32
    %scan3A_89 = scf.for %scan3A_212 = %scan3A_85 to %scan3A_87 step %scan3A_88 iter_args(%scan3A_213 = %scan3A_84) -> (i32)  : i32 {
      %mul3A_214 = arith.constant 2 : i32
      %mul3A_215 = arith.muli %mul3A_214, %scan3A_212 : i32
      %add3A_216 = arith.constant 0 : i32
      %add3A_217 = arith.addi %mul3A_215, %add3A_216 : i32
      %gt3A = arith.constant 0 : i32
      %gt3A_218 = arith.cmpi sgt, %scan3A_212, %gt3A : i32
      %convert_element_type3A = arith.extui %gt3A_218 : i1 to i32
      %cond3A = arith.constant 0 : i32
      %cond3A_219 = arith.cmpi ne, %convert_element_type3A, %cond3A : i32
      scf.if %cond3A_219 {
        %sub3A = arith.constant 2 : i32
        %sub3A_265 = arith.subi %add3A_217, %sub3A : i32
        %dma_wait3A_266 = arith.constant 0 : i32
        %dma_wait3A_267 = tpu.memref_slice %arg11[%sub3A_265, %dma_wait3A_266] : memref<80x64xi32, #tpu.memory_space<vmem>> -> memref<1x64xi32, #tpu.memory_space<vmem>>
        %dma_wait3A_268 = tpu.memref_squeeze %dma_wait3A_267 : memref<1x64xi32, #tpu.memory_space<vmem>> -> memref<64xi32, #tpu.memory_space<vmem>>
        %dma_wait3A_269 = arith.constant 0 : i32
        %dma_wait3A_270 = arith.constant 0 : i32
        %dma_wait3A_271 = tpu.memref_slice %arg9[%dma_wait3A_269, %dma_wait3A_270] : memref<10240x128xf32, #tpu.memory_space<vmem_shared>> -> memref<10240x128xf32, #tpu.memory_space<vmem_shared>>
        tpu.wait_indirect_dma semaphore(%arg16 : memref<!tpu.dma_semaphore, #tpu.memory_space<semaphore_mem>>) src(%arg12 : memref<64x128xf32, #tpu.memory_space<vmem>>) dst(%dma_wait3A_271 : memref<10240x128xf32, #tpu.memory_space<vmem_shared>>)
      } else {
      }
      %dma_start3A = arith.constant 0 : i32
      %dma_start3A_220 = tpu.memref_slice %arg10[%add3A_217, %dma_start3A] : memref<80x64xi32, #tpu.memory_space<vmem>> -> memref<1x64xi32, #tpu.memory_space<vmem>>
      %dma_start3A_221 = tpu.memref_squeeze %dma_start3A_220 : memref<1x64xi32, #tpu.memory_space<vmem>> -> memref<64xi32, #tpu.memory_space<vmem>>
      %dma_start3A_222 = arith.constant 0 : i32
      %dma_start3A_223 = arith.constant 0 : i32
      %dma_start3A_224 = tpu.memref_slice %arg3[%dma_start3A_222, %dma_start3A_223] : memref<10000x128xf32, #tpu.memory_space<hbm>> -> memref<10000x128xf32, #tpu.memory_space<hbm>>
      tpu.enqueue_indirect_dma source(%dma_start3A_224 : memref<10000x128xf32, #tpu.memory_space<hbm>>) target(%arg12 : memref<64x128xf32, #tpu.memory_space<vmem>>) offsets(%dma_start3A_221 : memref<64xi32, #tpu.memory_space<vmem>>) semaphore(%arg14 : memref<!tpu.dma_semaphore, #tpu.memory_space<semaphore_mem>>)
      %dma_wait3A_225 = arith.constant 0 : i32
      %dma_wait3A_226 = tpu.memref_slice %arg10[%add3A_217, %dma_wait3A_225] : memref<80x64xi32, #tpu.memory_space<vmem>> -> memref<1x64xi32, #tpu.memory_space<vmem>>
      %dma_wait3A_227 = tpu.memref_squeeze %dma_wait3A_226 : memref<1x64xi32, #tpu.memory_space<vmem>> -> memref<64xi32, #tpu.memory_space<vmem>>
      %dma_wait3A_228 = arith.constant 0 : i32
      %dma_wait3A_229 = arith.constant 0 : i32
      %dma_wait3A_230 = tpu.memref_slice %arg3[%dma_wait3A_228, %dma_wait3A_229] : memref<10000x128xf32, #tpu.memory_space<hbm>> -> memref<10000x128xf32, #tpu.memory_space<hbm>>
      tpu.wait_indirect_dma semaphore(%arg14 : memref<!tpu.dma_semaphore, #tpu.memory_space<semaphore_mem>>) src(%dma_wait3A_230 : memref<10000x128xf32, #tpu.memory_space<hbm>>) dst(%arg12 : memref<64x128xf32, #tpu.memory_space<vmem>>)
      %dma_start3A_231 = arith.constant 0 : i32
      %dma_start3A_232 = tpu.memref_slice %arg11[%add3A_217, %dma_start3A_231] : memref<80x64xi32, #tpu.memory_space<vmem>> -> memref<1x64xi32, #tpu.memory_space<vmem>>
      %dma_start3A_233 = tpu.memref_squeeze %dma_start3A_232 : memref<1x64xi32, #tpu.memory_space<vmem>> -> memref<64xi32, #tpu.memory_space<vmem>>
      %dma_start3A_234 = arith.constant 0 : i32
      %dma_start3A_235 = arith.constant 0 : i32
      %dma_start3A_236 = tpu.memref_slice %arg9[%dma_start3A_234, %dma_start3A_235] : memref<10240x128xf32, #tpu.memory_space<vmem_shared>> -> memref<10240x128xf32, #tpu.memory_space<vmem_shared>>
      tpu.enqueue_indirect_dma source(%arg12 : memref<64x128xf32, #tpu.memory_space<vmem>>) target(%dma_start3A_236 : memref<10240x128xf32, #tpu.memory_space<vmem_shared>>) offsets(%dma_start3A_233 : memref<64xi32, #tpu.memory_space<vmem>>) semaphore(%arg16 : memref<!tpu.dma_semaphore, #tpu.memory_space<semaphore_mem>>) {add = true}
      %mul3A_237 = arith.constant 2 : i32
      %mul3A_238 = arith.muli %mul3A_237, %scan3A_212 : i32
      %add3A_239 = arith.constant 1 : i32
      %add3A_240 = arith.addi %mul3A_238, %add3A_239 : i32
      %gt3A_241 = arith.constant 0 : i32
      %gt3A_242 = arith.cmpi sgt, %scan3A_212, %gt3A_241 : i32
      %convert_element_type3A_243 = arith.extui %gt3A_242 : i1 to i32
      %cond3A_244 = arith.constant 0 : i32
      %cond3A_245 = arith.cmpi ne, %convert_element_type3A_243, %cond3A_244 : i32
      scf.if %cond3A_245 {
        %sub3A = arith.constant 2 : i32
        %sub3A_265 = arith.subi %add3A_240, %sub3A : i32
        %dma_wait3A_266 = arith.constant 0 : i32
        %dma_wait3A_267 = tpu.memref_slice %arg11[%sub3A_265, %dma_wait3A_266] : memref<80x64xi32, #tpu.memory_space<vmem>> -> memref<1x64xi32, #tpu.memory_space<vmem>>
        %dma_wait3A_268 = tpu.memref_squeeze %dma_wait3A_267 : memref<1x64xi32, #tpu.memory_space<vmem>> -> memref<64xi32, #tpu.memory_space<vmem>>
        %dma_wait3A_269 = arith.constant 0 : i32
        %dma_wait3A_270 = arith.constant 0 : i32
        %dma_wait3A_271 = tpu.memref_slice %arg9[%dma_wait3A_269, %dma_wait3A_270] : memref<10240x128xf32, #tpu.memory_space<vmem_shared>> -> memref<10240x128xf32, #tpu.memory_space<vmem_shared>>
        tpu.wait_indirect_dma semaphore(%arg17 : memref<!tpu.dma_semaphore, #tpu.memory_space<semaphore_mem>>) src(%arg13 : memref<64x128xf32, #tpu.memory_space<vmem>>) dst(%dma_wait3A_271 : memref<10240x128xf32, #tpu.memory_space<vmem_shared>>)
      } else {
      }
      %dma_start3A_246 = arith.constant 0 : i32
      %dma_start3A_247 = tpu.memref_slice %arg10[%add3A_240, %dma_start3A_246] : memref<80x64xi32, #tpu.memory_space<vmem>> -> memref<1x64xi32, #tpu.memory_space<vmem>>
      %dma_start3A_248 = tpu.memref_squeeze %dma_start3A_247 : memref<1x64xi32, #tpu.memory_space<vmem>> -> memref<64xi32, #tpu.memory_space<vmem>>
      %dma_start3A_249 = arith.constant 0 : i32
      %dma_start3A_250 = arith.constant 0 : i32
      %dma_start3A_251 = tpu.memref_slice %arg3[%dma_start3A_249, %dma_start3A_250] : memref<10000x128xf32, #tpu.memory_space<hbm>> -> memref<10000x128xf32, #tpu.memory_space<hbm>>
      tpu.enqueue_indirect_dma source(%dma_start3A_251 : memref<10000x128xf32, #tpu.memory_space<hbm>>) target(%arg13 : memref<64x128xf32, #tpu.memory_space<vmem>>) offsets(%dma_start3A_248 : memref<64xi32, #tpu.memory_space<vmem>>) semaphore(%arg15 : memref<!tpu.dma_semaphore, #tpu.memory_space<semaphore_mem>>)
      %dma_wait3A_252 = arith.constant 0 : i32
      %dma_wait3A_253 = tpu.memref_slice %arg10[%add3A_240, %dma_wait3A_252] : memref<80x64xi32, #tpu.memory_space<vmem>> -> memref<1x64xi32, #tpu.memory_space<vmem>>
      %dma_wait3A_254 = tpu.memref_squeeze %dma_wait3A_253 : memref<1x64xi32, #tpu.memory_space<vmem>> -> memref<64xi32, #tpu.memory_space<vmem>>
      %dma_wait3A_255 = arith.constant 0 : i32
      %dma_wait3A_256 = arith.constant 0 : i32
      %dma_wait3A_257 = tpu.memref_slice %arg3[%dma_wait3A_255, %dma_wait3A_256] : memref<10000x128xf32, #tpu.memory_space<hbm>> -> memref<10000x128xf32, #tpu.memory_space<hbm>>
      tpu.wait_indirect_dma semaphore(%arg15 : memref<!tpu.dma_semaphore, #tpu.memory_space<semaphore_mem>>) src(%dma_wait3A_257 : memref<10000x128xf32, #tpu.memory_space<hbm>>) dst(%arg13 : memref<64x128xf32, #tpu.memory_space<vmem>>)
      %dma_start3A_258 = arith.constant 0 : i32
      %dma_start3A_259 = tpu.memref_slice %arg11[%add3A_240, %dma_start3A_258] : memref<80x64xi32, #tpu.memory_space<vmem>> -> memref<1x64xi32, #tpu.memory_space<vmem>>
      %dma_start3A_260 = tpu.memref_squeeze %dma_start3A_259 : memref<1x64xi32, #tpu.memory_space<vmem>> -> memref<64xi32, #tpu.memory_space<vmem>>
      %dma_start3A_261 = arith.constant 0 : i32
      %dma_start3A_262 = arith.constant 0 : i32
      %dma_start3A_263 = tpu.memref_slice %arg9[%dma_start3A_261, %dma_start3A_262] : memref<10240x128xf32, #tpu.memory_space<vmem_shared>> -> memref<10240x128xf32, #tpu.memory_space<vmem_shared>>
      tpu.enqueue_indirect_dma source(%arg13 : memref<64x128xf32, #tpu.memory_space<vmem>>) target(%dma_start3A_263 : memref<10240x128xf32, #tpu.memory_space<vmem_shared>>) offsets(%dma_start3A_260 : memref<64xi32, #tpu.memory_space<vmem>>) semaphore(%arg17 : memref<!tpu.dma_semaphore, #tpu.memory_space<semaphore_mem>>) {add = true}
      %scan3A_264 = arith.constant 0 : i32
      scf.yield %scan3A_264 : i32
    }
    %scan3A_90 = arith.constant 40 : i32
    %dma_wait3A_91 = arith.constant 78 : i32
    %dma_wait3A_92 = arith.constant 0 : i32
    %dma_wait3A_93 = tpu.memref_slice %arg11[%dma_wait3A_91, %dma_wait3A_92] : memref<80x64xi32, #tpu.memory_space<vmem>> -> memref<1x64xi32, #tpu.memory_space<vmem>>
    %dma_wait3A_94 = tpu.memref_squeeze %dma_wait3A_93 : memref<1x64xi32, #tpu.memory_space<vmem>> -> memref<64xi32, #tpu.memory_space<vmem>>
    %dma_wait3A_95 = arith.constant 0 : i32
    %dma_wait3A_96 = arith.constant 0 : i32
    %dma_wait3A_97 = tpu.memref_slice %arg9[%dma_wait3A_95, %dma_wait3A_96] : memref<10240x128xf32, #tpu.memory_space<vmem_shared>> -> memref<10240x128xf32, #tpu.memory_space<vmem_shared>>
    tpu.wait_indirect_dma semaphore(%arg16 : memref<!tpu.dma_semaphore, #tpu.memory_space<semaphore_mem>>) src(%arg12 : memref<64x128xf32, #tpu.memory_space<vmem>>) dst(%dma_wait3A_97 : memref<10240x128xf32, #tpu.memory_space<vmem_shared>>)
    %dma_wait3A_98 = arith.constant 79 : i32
    %dma_wait3A_99 = arith.constant 0 : i32
    %dma_wait3A_100 = tpu.memref_slice %arg11[%dma_wait3A_98, %dma_wait3A_99] : memref<80x64xi32, #tpu.memory_space<vmem>> -> memref<1x64xi32, #tpu.memory_space<vmem>>
    %dma_wait3A_101 = tpu.memref_squeeze %dma_wait3A_100 : memref<1x64xi32, #tpu.memory_space<vmem>> -> memref<64xi32, #tpu.memory_space<vmem>>
    %dma_wait3A_102 = arith.constant 0 : i32
    %dma_wait3A_103 = arith.constant 0 : i32
    %dma_wait3A_104 = tpu.memref_slice %arg9[%dma_wait3A_102, %dma_wait3A_103] : memref<10240x128xf32, #tpu.memory_space<vmem_shared>> -> memref<10240x128xf32, #tpu.memory_space<vmem_shared>>
    tpu.wait_indirect_dma semaphore(%arg17 : memref<!tpu.dma_semaphore, #tpu.memory_space<semaphore_mem>>) src(%arg13 : memref<64x128xf32, #tpu.memory_space<vmem>>) dst(%dma_wait3A_104 : memref<10240x128xf32, #tpu.memory_space<vmem_shared>>)
    %barrier3A_105 = arith.constant 0 : index
    tpu.barrier barrier_id(%barrier3A_105)
    %run_scoped3A_106 = arith.constant 1 : i32
    "tpu.region"() ({
      %run_scoped3A_212 = tpu.sem_alloc : memref<!tpu.dma_semaphore, #tpu.memory_space<semaphore_mem>>
      %dma_start3A = arith.constant 0 : i32
      %dma_start3A_213 = tpu.memref_slice %arg8[%arg0, %run_scoped3A_106, %mul3A_2, %dma_start3A] : memref<2x4x10240x128xf32, #tpu.memory_space<hbm>> -> memref<1x1x640x128xf32, #tpu.memory_space<hbm>>
      %dma_start3A_214 = tpu.memref_squeeze %dma_start3A_213 : memref<1x1x640x128xf32, #tpu.memory_space<hbm>> -> memref<640x128xf32, #tpu.memory_space<hbm>>
      %dma_start3A_215 = arith.constant 0 : i32
      %dma_start3A_216 = tpu.memref_slice %arg9[%mul3A_2, %dma_start3A_215] : memref<10240x128xf32, #tpu.memory_space<vmem_shared>> -> memref<640x128xf32, #tpu.memory_space<vmem_shared>>
      tpu.enqueue_dma source(%dma_start3A_216 : memref<640x128xf32, #tpu.memory_space<vmem_shared>>) target(%dma_start3A_214 : memref<640x128xf32, #tpu.memory_space<hbm>>) target_semaphore(%run_scoped3A_212 : memref<!tpu.dma_semaphore, #tpu.memory_space<semaphore_mem>>)
      %dma_wait3A_217 = arith.constant 0 : i32
      %dma_wait3A_218 = tpu.memref_slice %arg8[%arg0, %run_scoped3A_106, %mul3A_2, %dma_wait3A_217] : memref<2x4x10240x128xf32, #tpu.memory_space<hbm>> -> memref<1x1x640x128xf32, #tpu.memory_space<hbm>>
      %dma_wait3A_219 = tpu.memref_squeeze %dma_wait3A_218 : memref<1x1x640x128xf32, #tpu.memory_space<hbm>> -> memref<640x128xf32, #tpu.memory_space<hbm>>
      %dma_wait3A_220 = arith.constant 0 : i32
      %dma_wait3A_221 = tpu.memref_slice %arg9[%mul3A_2, %dma_wait3A_220] : memref<10240x128xf32, #tpu.memory_space<vmem_shared>> -> memref<640x128xf32, #tpu.memory_space<vmem_shared>>
      tpu.wait_dma2 semaphore(%run_scoped3A_212 : memref<!tpu.dma_semaphore, #tpu.memory_space<semaphore_mem>>) src(%dma_wait3A_221 : memref<640x128xf32, #tpu.memory_space<vmem_shared>>) dst(%dma_wait3A_219 : memref<640x128xf32, #tpu.memory_space<hbm>>)
      tpu.yield
    }) : () -> ()
    %barrier3A_107 = arith.constant 0 : index
    tpu.barrier barrier_id(%barrier3A_107)
    %scan3A_108 = arith.constant 0 : i32
    %scan3A_109 = arith.constant 0 : i32
    %scan3A_110 = arith.constant 64 : i32
    %scan3A_111 = arith.addi %scan3A_109, %scan3A_110 : i32
    %scan3A_112 = arith.constant 1 : i32
    %scan3A_113 = scf.for %scan3A_212 = %scan3A_109 to %scan3A_111 step %scan3A_112 iter_args(%scan3A_213 = %scan3A_108) -> (i32)  : i32 {
      %swap3A = arith.index_cast %scan3A_212 : i32 to index
      %swap3A_214 = arith.constant 0 : index
      %swap3A_215 = tpu.vector_load %arg12[%swap3A, %swap3A_214] {strides = array<i32>} : memref<64x128xf32, #tpu.memory_space<vmem>>, vector<16xf32>,
      tpu.vector_store %arg12[%swap3A, %swap3A_214], %broadcast_in_dim3A_3 {strides = array<i32>} : memref<64x128xf32, #tpu.memory_space<vmem>>, vector<16xf32>,
      %swap3A_216 = arith.index_cast %scan3A_212 : i32 to index
      %swap3A_217 = arith.constant 16 : index
      %swap3A_218 = tpu.vector_load %arg12[%swap3A_216, %swap3A_217] {strides = array<i32>} : memref<64x128xf32, #tpu.memory_space<vmem>>, vector<16xf32>,
      tpu.vector_store %arg12[%swap3A_216, %swap3A_217], %broadcast_in_dim3A_3 {strides = array<i32>} : memref<64x128xf32, #tpu.memory_space<vmem>>, vector<16xf32>,
      %swap3A_219 = arith.index_cast %scan3A_212 : i32 to index
      %swap3A_220 = arith.constant 32 : index
      %swap3A_221 = tpu.vector_load %arg12[%swap3A_219, %swap3A_220] {strides = array<i32>} : memref<64x128xf32, #tpu.memory_space<vmem>>, vector<16xf32>,
      tpu.vector_store %arg12[%swap3A_219, %swap3A_220], %broadcast_in_dim3A_3 {strides = array<i32>} : memref<64x128xf32, #tpu.memory_space<vmem>>, vector<16xf32>,
      %swap3A_222 = arith.index_cast %scan3A_212 : i32 to index
      %swap3A_223 = arith.constant 48 : index
      %swap3A_224 = tpu.vector_load %arg12[%swap3A_222, %swap3A_223] {strides = array<i32>} : memref<64x128xf32, #tpu.memory_space<vmem>>, vector<16xf32>,
      tpu.vector_store %arg12[%swap3A_222, %swap3A_223], %broadcast_in_dim3A_3 {strides = array<i32>} : memref<64x128xf32, #tpu.memory_space<vmem>>, vector<16xf32>,
      %swap3A_225 = arith.index_cast %scan3A_212 : i32 to index
      %swap3A_226 = arith.constant 64 : index
      %swap3A_227 = tpu.vector_load %arg12[%swap3A_225, %swap3A_226] {strides = array<i32>} : memref<64x128xf32, #tpu.memory_space<vmem>>, vector<16xf32>,
      tpu.vector_store %arg12[%swap3A_225, %swap3A_226], %broadcast_in_dim3A_3 {strides = array<i32>} : memref<64x128xf32, #tpu.memory_space<vmem>>, vector<16xf32>,
      %swap3A_228 = arith.index_cast %scan3A_212 : i32 to index
      %swap3A_229 = arith.constant 80 : index
      %swap3A_230 = tpu.vector_load %arg12[%swap3A_228, %swap3A_229] {strides = array<i32>} : memref<64x128xf32, #tpu.memory_space<vmem>>, vector<16xf32>,
      tpu.vector_store %arg12[%swap3A_228, %swap3A_229], %broadcast_in_dim3A_3 {strides = array<i32>} : memref<64x128xf32, #tpu.memory_space<vmem>>, vector<16xf32>,
      %swap3A_231 = arith.index_cast %scan3A_212 : i32 to index
      %swap3A_232 = arith.constant 96 : index
      %swap3A_233 = tpu.vector_load %arg12[%swap3A_231, %swap3A_232] {strides = array<i32>} : memref<64x128xf32, #tpu.memory_space<vmem>>, vector<16xf32>,
      tpu.vector_store %arg12[%swap3A_231, %swap3A_232], %broadcast_in_dim3A_3 {strides = array<i32>} : memref<64x128xf32, #tpu.memory_space<vmem>>, vector<16xf32>,
      %swap3A_234 = arith.index_cast %scan3A_212 : i32 to index
      %swap3A_235 = arith.constant 112 : index
      %swap3A_236 = tpu.vector_load %arg12[%swap3A_234, %swap3A_235] {strides = array<i32>} : memref<64x128xf32, #tpu.memory_space<vmem>>, vector<16xf32>,
      tpu.vector_store %arg12[%swap3A_234, %swap3A_235], %broadcast_in_dim3A_3 {strides = array<i32>} : memref<64x128xf32, #tpu.memory_space<vmem>>, vector<16xf32>,
      %scan3A_237 = arith.constant 0 : i32
      scf.yield %scan3A_237 : i32
    }
    %scan3A_114 = arith.constant 64 : i32
    %add3A_115 = arith.constant 0 : i32
    %add3A_116 = arith.addi %mul3A_2, %add3A_115 : i32
    "tpu.region"() ({
      %run_scoped3A_212 = tpu.sem_alloc : memref<!tpu.dma_semaphore, #tpu.memory_space<semaphore_mem>>
      %dma_start3A = arith.constant 0 : i32
      %dma_start3A_213 = tpu.memref_slice %arg9[%add3A_116, %dma_start3A] : memref<10240x128xf32, #tpu.memory_space<vmem_shared>> -> memref<64x128xf32, #tpu.memory_space<vmem_shared>>
      %dma_start3A_214 = arith.constant 0 : i32
      %dma_start3A_215 = tpu.memref_slice %arg9[%add3A_116, %dma_start3A_214] : memref<10240x128xf32, #tpu.memory_space<vmem_shared>> -> memref<64x128xf32, #tpu.memory_space<vmem_shared>>
      tpu.enqueue_dma source(%arg12 : memref<64x128xf32, #tpu.memory_space<vmem>>) target(%dma_start3A_215 : memref<64x128xf32, #tpu.memory_space<vmem_shared>>) target_semaphore(%run_scoped3A_212 : memref<!tpu.dma_semaphore, #tpu.memory_space<semaphore_mem>>)
      %dma_wait3A_216 = arith.constant 0 : i32
      %dma_wait3A_217 = tpu.memref_slice %arg9[%add3A_116, %dma_wait3A_216] : memref<10240x128xf32, #tpu.memory_space<vmem_shared>> -> memref<64x128xf32, #tpu.memory_space<vmem_shared>>
      %dma_wait3A_218 = arith.constant 0 : i32
      %dma_wait3A_219 = tpu.memref_slice %arg9[%add3A_116, %dma_wait3A_218] : memref<10240x128xf32, #tpu.memory_space<vmem_shared>> -> memref<64x128xf32, #tpu.memory_space<vmem_shared>>
      tpu.wait_dma2 semaphore(%run_scoped3A_212 : memref<!tpu.dma_semaphore, #tpu.memory_space<semaphore_mem>>) src(%arg12 : memref<64x128xf32, #tpu.memory_space<vmem>>) dst(%dma_wait3A_219 : memref<64x128xf32, #tpu.memory_space<vmem_shared>>)
      tpu.yield
    }) : () -> ()
    %add3A_117 = arith.constant 64 : i32
    %add3A_118 = arith.addi %mul3A_2, %add3A_117 : i32
    "tpu.region"() ({
      %run_scoped3A_212 = tpu.sem_alloc : memref<!tpu.dma_semaphore, #tpu.memory_space<semaphore_mem>>
      %dma_start3A = arith.constant 0 : i32
      %dma_start3A_213 = tpu.memref_slice %arg9[%add3A_118, %dma_start3A] : memref<10240x128xf32, #tpu.memory_space<vmem_shared>> -> memref<64x128xf32, #tpu.memory_space<vmem_shared>>
      %dma_start3A_214 = arith.constant 0 : i32
      %dma_start3A_215 = tpu.memref_slice %arg9[%add3A_118, %dma_start3A_214] : memref<10240x128xf32, #tpu.memory_space<vmem_shared>> -> memref<64x128xf32, #tpu.memory_space<vmem_shared>>
      tpu.enqueue_dma source(%arg12 : memref<64x128xf32, #tpu.memory_space<vmem>>) target(%dma_start3A_215 : memref<64x128xf32, #tpu.memory_space<vmem_shared>>) target_semaphore(%run_scoped3A_212 : memref<!tpu.dma_semaphore, #tpu.memory_space<semaphore_mem>>)
      %dma_wait3A_216 = arith.constant 0 : i32
      %dma_wait3A_217 = tpu.memref_slice %arg9[%add3A_118, %dma_wait3A_216] : memref<10240x128xf32, #tpu.memory_space<vmem_shared>> -> memref<64x128xf32, #tpu.memory_space<vmem_shared>>
      %dma_wait3A_218 = arith.constant 0 : i32
      %dma_wait3A_219 = tpu.memref_slice %arg9[%add3A_118, %dma_wait3A_218] : memref<10240x128xf32, #tpu.memory_space<vmem_shared>> -> memref<64x128xf32, #tpu.memory_space<vmem_shared>>
      tpu.wait_dma2 semaphore(%run_scoped3A_212 : memref<!tpu.dma_semaphore, #tpu.memory_space<semaphore_mem>>) src(%arg12 : memref<64x128xf32, #tpu.memory_space<vmem>>) dst(%dma_wait3A_219 : memref<64x128xf32, #tpu.memory_space<vmem_shared>>)
      tpu.yield
    }) : () -> ()
    %add3A_119 = arith.constant 128 : i32
    %add3A_120 = arith.addi %mul3A_2, %add3A_119 : i32
    "tpu.region"() ({
      %run_scoped3A_212 = tpu.sem_alloc : memref<!tpu.dma_semaphore, #tpu.memory_space<semaphore_mem>>
      %dma_start3A = arith.constant 0 : i32
      %dma_start3A_213 = tpu.memref_slice %arg9[%add3A_120, %dma_start3A] : memref<10240x128xf32, #tpu.memory_space<vmem_shared>> -> memref<64x128xf32, #tpu.memory_space<vmem_shared>>
      %dma_start3A_214 = arith.constant 0 : i32
      %dma_start3A_215 = tpu.memref_slice %arg9[%add3A_120, %dma_start3A_214] : memref<10240x128xf32, #tpu.memory_space<vmem_shared>> -> memref<64x128xf32, #tpu.memory_space<vmem_shared>>
      tpu.enqueue_dma source(%arg12 : memref<64x128xf32, #tpu.memory_space<vmem>>) target(%dma_start3A_215 : memref<64x128xf32, #tpu.memory_space<vmem_shared>>) target_semaphore(%run_scoped3A_212 : memref<!tpu.dma_semaphore, #tpu.memory_space<semaphore_mem>>)
      %dma_wait3A_216 = arith.constant 0 : i32
      %dma_wait3A_217 = tpu.memref_slice %arg9[%add3A_120, %dma_wait3A_216] : memref<10240x128xf32, #tpu.memory_space<vmem_shared>> -> memref<64x128xf32, #tpu.memory_space<vmem_shared>>
      %dma_wait3A_218 = arith.constant 0 : i32
      %dma_wait3A_219 = tpu.memref_slice %arg9[%add3A_120, %dma_wait3A_218] : memref<10240x128xf32, #tpu.memory_space<vmem_shared>> -> memref<64x128xf32, #tpu.memory_space<vmem_shared>>
      tpu.wait_dma2 semaphore(%run_scoped3A_212 : memref<!tpu.dma_semaphore, #tpu.memory_space<semaphore_mem>>) src(%arg12 : memref<64x128xf32, #tpu.memory_space<vmem>>) dst(%dma_wait3A_219 : memref<64x128xf32, #tpu.memory_space<vmem_shared>>)
      tpu.yield
    }) : () -> ()
    %add3A_121 = arith.constant 192 : i32
    %add3A_122 = arith.addi %mul3A_2, %add3A_121 : i32
    "tpu.region"() ({
      %run_scoped3A_212 = tpu.sem_alloc : memref<!tpu.dma_semaphore, #tpu.memory_space<semaphore_mem>>
      %dma_start3A = arith.constant 0 : i32
      %dma_start3A_213 = tpu.memref_slice %arg9[%add3A_122, %dma_start3A] : memref<10240x128xf32, #tpu.memory_space<vmem_shared>> -> memref<64x128xf32, #tpu.memory_space<vmem_shared>>
      %dma_start3A_214 = arith.constant 0 : i32
      %dma_start3A_215 = tpu.memref_slice %arg9[%add3A_122, %dma_start3A_214] : memref<10240x128xf32, #tpu.memory_space<vmem_shared>> -> memref<64x128xf32, #tpu.memory_space<vmem_shared>>
      tpu.enqueue_dma source(%arg12 : memref<64x128xf32, #tpu.memory_space<vmem>>) target(%dma_start3A_215 : memref<64x128xf32, #tpu.memory_space<vmem_shared>>) target_semaphore(%run_scoped3A_212 : memref<!tpu.dma_semaphore, #tpu.memory_space<semaphore_mem>>)
      %dma_wait3A_216 = arith.constant 0 : i32
      %dma_wait3A_217 = tpu.memref_slice %arg9[%add3A_122, %dma_wait3A_216] : memref<10240x128xf32, #tpu.memory_space<vmem_shared>> -> memref<64x128xf32, #tpu.memory_space<vmem_shared>>
      %dma_wait3A_218 = arith.constant 0 : i32
      %dma_wait3A_219 = tpu.memref_slice %arg9[%add3A_122, %dma_wait3A_218] : memref<10240x128xf32, #tpu.memory_space<vmem_shared>> -> memref<64x128xf32, #tpu.memory_space<vmem_shared>>
      tpu.wait_dma2 semaphore(%run_scoped3A_212 : memref<!tpu.dma_semaphore, #tpu.memory_space<semaphore_mem>>) src(%arg12 : memref<64x128xf32, #tpu.memory_space<vmem>>) dst(%dma_wait3A_219 : memref<64x128xf32, #tpu.memory_space<vmem_shared>>)
      tpu.yield
    }) : () -> ()
    %add3A_123 = arith.constant 256 : i32
    %add3A_124 = arith.addi %mul3A_2, %add3A_123 : i32
    "tpu.region"() ({
      %run_scoped3A_212 = tpu.sem_alloc : memref<!tpu.dma_semaphore, #tpu.memory_space<semaphore_mem>>
      %dma_start3A = arith.constant 0 : i32
      %dma_start3A_213 = tpu.memref_slice %arg9[%add3A_124, %dma_start3A] : memref<10240x128xf32, #tpu.memory_space<vmem_shared>> -> memref<64x128xf32, #tpu.memory_space<vmem_shared>>
      %dma_start3A_214 = arith.constant 0 : i32
      %dma_start3A_215 = tpu.memref_slice %arg9[%add3A_124, %dma_start3A_214] : memref<10240x128xf32, #tpu.memory_space<vmem_shared>> -> memref<64x128xf32, #tpu.memory_space<vmem_shared>>
      tpu.enqueue_dma source(%arg12 : memref<64x128xf32, #tpu.memory_space<vmem>>) target(%dma_start3A_215 : memref<64x128xf32, #tpu.memory_space<vmem_shared>>) target_semaphore(%run_scoped3A_212 : memref<!tpu.dma_semaphore, #tpu.memory_space<semaphore_mem>>)
      %dma_wait3A_216 = arith.constant 0 : i32
      %dma_wait3A_217 = tpu.memref_slice %arg9[%add3A_124, %dma_wait3A_216] : memref<10240x128xf32, #tpu.memory_space<vmem_shared>> -> memref<64x128xf32, #tpu.memory_space<vmem_shared>>
      %dma_wait3A_218 = arith.constant 0 : i32
      %dma_wait3A_219 = tpu.memref_slice %arg9[%add3A_124, %dma_wait3A_218] : memref<10240x128xf32, #tpu.memory_space<vmem_shared>> -> memref<64x128xf32, #tpu.memory_space<vmem_shared>>
      tpu.wait_dma2 semaphore(%run_scoped3A_212 : memref<!tpu.dma_semaphore, #tpu.memory_space<semaphore_mem>>) src(%arg12 : memref<64x128xf32, #tpu.memory_space<vmem>>) dst(%dma_wait3A_219 : memref<64x128xf32, #tpu.memory_space<vmem_shared>>)
      tpu.yield
    }) : () -> ()
    %add3A_125 = arith.constant 320 : i32
    %add3A_126 = arith.addi %mul3A_2, %add3A_125 : i32
    "tpu.region"() ({
      %run_scoped3A_212 = tpu.sem_alloc : memref<!tpu.dma_semaphore, #tpu.memory_space<semaphore_mem>>
      %dma_start3A = arith.constant 0 : i32
      %dma_start3A_213 = tpu.memref_slice %arg9[%add3A_126, %dma_start3A] : memref<10240x128xf32, #tpu.memory_space<vmem_shared>> -> memref<64x128xf32, #tpu.memory_space<vmem_shared>>
      %dma_start3A_214 = arith.constant 0 : i32
      %dma_start3A_215 = tpu.memref_slice %arg9[%add3A_126, %dma_start3A_214] : memref<10240x128xf32, #tpu.memory_space<vmem_shared>> -> memref<64x128xf32, #tpu.memory_space<vmem_shared>>
      tpu.enqueue_dma source(%arg12 : memref<64x128xf32, #tpu.memory_space<vmem>>) target(%dma_start3A_215 : memref<64x128xf32, #tpu.memory_space<vmem_shared>>) target_semaphore(%run_scoped3A_212 : memref<!tpu.dma_semaphore, #tpu.memory_space<semaphore_mem>>)
      %dma_wait3A_216 = arith.constant 0 : i32
      %dma_wait3A_217 = tpu.memref_slice %arg9[%add3A_126, %dma_wait3A_216] : memref<10240x128xf32, #tpu.memory_space<vmem_shared>> -> memref<64x128xf32, #tpu.memory_space<vmem_shared>>
      %dma_wait3A_218 = arith.constant 0 : i32
      %dma_wait3A_219 = tpu.memref_slice %arg9[%add3A_126, %dma_wait3A_218] : memref<10240x128xf32, #tpu.memory_space<vmem_shared>> -> memref<64x128xf32, #tpu.memory_space<vmem_shared>>
      tpu.wait_dma2 semaphore(%run_scoped3A_212 : memref<!tpu.dma_semaphore, #tpu.memory_space<semaphore_mem>>) src(%arg12 : memref<64x128xf32, #tpu.memory_space<vmem>>) dst(%dma_wait3A_219 : memref<64x128xf32, #tpu.memory_space<vmem_shared>>)
      tpu.yield
    }) : () -> ()
    %add3A_127 = arith.constant 384 : i32
    %add3A_128 = arith.addi %mul3A_2, %add3A_127 : i32
    "tpu.region"() ({
      %run_scoped3A_212 = tpu.sem_alloc : memref<!tpu.dma_semaphore, #tpu.memory_space<semaphore_mem>>
      %dma_start3A = arith.constant 0 : i32
      %dma_start3A_213 = tpu.memref_slice %arg9[%add3A_128, %dma_start3A] : memref<10240x128xf32, #tpu.memory_space<vmem_shared>> -> memref<64x128xf32, #tpu.memory_space<vmem_shared>>
      %dma_start3A_214 = arith.constant 0 : i32
      %dma_start3A_215 = tpu.memref_slice %arg9[%add3A_128, %dma_start3A_214] : memref<10240x128xf32, #tpu.memory_space<vmem_shared>> -> memref<64x128xf32, #tpu.memory_space<vmem_shared>>
      tpu.enqueue_dma source(%arg12 : memref<64x128xf32, #tpu.memory_space<vmem>>) target(%dma_start3A_215 : memref<64x128xf32, #tpu.memory_space<vmem_shared>>) target_semaphore(%run_scoped3A_212 : memref<!tpu.dma_semaphore, #tpu.memory_space<semaphore_mem>>)
      %dma_wait3A_216 = arith.constant 0 : i32
      %dma_wait3A_217 = tpu.memref_slice %arg9[%add3A_128, %dma_wait3A_216] : memref<10240x128xf32, #tpu.memory_space<vmem_shared>> -> memref<64x128xf32, #tpu.memory_space<vmem_shared>>
      %dma_wait3A_218 = arith.constant 0 : i32
      %dma_wait3A_219 = tpu.memref_slice %arg9[%add3A_128, %dma_wait3A_218] : memref<10240x128xf32, #tpu.memory_space<vmem_shared>> -> memref<64x128xf32, #tpu.memory_space<vmem_shared>>
      tpu.wait_dma2 semaphore(%run_scoped3A_212 : memref<!tpu.dma_semaphore, #tpu.memory_space<semaphore_mem>>) src(%arg12 : memref<64x128xf32, #tpu.memory_space<vmem>>) dst(%dma_wait3A_219 : memref<64x128xf32, #tpu.memory_space<vmem_shared>>)
      tpu.yield
    }) : () -> ()
    %add3A_129 = arith.constant 448 : i32
    %add3A_130 = arith.addi %mul3A_2, %add3A_129 : i32
    "tpu.region"() ({
      %run_scoped3A_212 = tpu.sem_alloc : memref<!tpu.dma_semaphore, #tpu.memory_space<semaphore_mem>>
      %dma_start3A = arith.constant 0 : i32
      %dma_start3A_213 = tpu.memref_slice %arg9[%add3A_130, %dma_start3A] : memref<10240x128xf32, #tpu.memory_space<vmem_shared>> -> memref<64x128xf32, #tpu.memory_space<vmem_shared>>
      %dma_start3A_214 = arith.constant 0 : i32
      %dma_start3A_215 = tpu.memref_slice %arg9[%add3A_130, %dma_start3A_214] : memref<10240x128xf32, #tpu.memory_space<vmem_shared>> -> memref<64x128xf32, #tpu.memory_space<vmem_shared>>
      tpu.enqueue_dma source(%arg12 : memref<64x128xf32, #tpu.memory_space<vmem>>) target(%dma_start3A_215 : memref<64x128xf32, #tpu.memory_space<vmem_shared>>) target_semaphore(%run_scoped3A_212 : memref<!tpu.dma_semaphore, #tpu.memory_space<semaphore_mem>>)
      %dma_wait3A_216 = arith.constant 0 : i32
      %dma_wait3A_217 = tpu.memref_slice %arg9[%add3A_130, %dma_wait3A_216] : memref<10240x128xf32, #tpu.memory_space<vmem_shared>> -> memref<64x128xf32, #tpu.memory_space<vmem_shared>>
      %dma_wait3A_218 = arith.constant 0 : i32
      %dma_wait3A_219 = tpu.memref_slice %arg9[%add3A_130, %dma_wait3A_218] : memref<10240x128xf32, #tpu.memory_space<vmem_shared>> -> memref<64x128xf32, #tpu.memory_space<vmem_shared>>
      tpu.wait_dma2 semaphore(%run_scoped3A_212 : memref<!tpu.dma_semaphore, #tpu.memory_space<semaphore_mem>>) src(%arg12 : memref<64x128xf32, #tpu.memory_space<vmem>>) dst(%dma_wait3A_219 : memref<64x128xf32, #tpu.memory_space<vmem_shared>>)
      tpu.yield
    }) : () -> ()
    %add3A_131 = arith.constant 512 : i32
    %add3A_132 = arith.addi %mul3A_2, %add3A_131 : i32
    "tpu.region"() ({
      %run_scoped3A_212 = tpu.sem_alloc : memref<!tpu.dma_semaphore, #tpu.memory_space<semaphore_mem>>
      %dma_start3A = arith.constant 0 : i32
      %dma_start3A_213 = tpu.memref_slice %arg9[%add3A_132, %dma_start3A] : memref<10240x128xf32, #tpu.memory_space<vmem_shared>> -> memref<64x128xf32, #tpu.memory_space<vmem_shared>>
      %dma_start3A_214 = arith.constant 0 : i32
      %dma_start3A_215 = tpu.memref_slice %arg9[%add3A_132, %dma_start3A_214] : memref<10240x128xf32, #tpu.memory_space<vmem_shared>> -> memref<64x128xf32, #tpu.memory_space<vmem_shared>>
      tpu.enqueue_dma source(%arg12 : memref<64x128xf32, #tpu.memory_space<vmem>>) target(%dma_start3A_215 : memref<64x128xf32, #tpu.memory_space<vmem_shared>>) target_semaphore(%run_scoped3A_212 : memref<!tpu.dma_semaphore, #tpu.memory_space<semaphore_mem>>)
      %dma_wait3A_216 = arith.constant 0 : i32
      %dma_wait3A_217 = tpu.memref_slice %arg9[%add3A_132, %dma_wait3A_216] : memref<10240x128xf32, #tpu.memory_space<vmem_shared>> -> memref<64x128xf32, #tpu.memory_space<vmem_shared>>
      %dma_wait3A_218 = arith.constant 0 : i32
      %dma_wait3A_219 = tpu.memref_slice %arg9[%add3A_132, %dma_wait3A_218] : memref<10240x128xf32, #tpu.memory_space<vmem_shared>> -> memref<64x128xf32, #tpu.memory_space<vmem_shared>>
      tpu.wait_dma2 semaphore(%run_scoped3A_212 : memref<!tpu.dma_semaphore, #tpu.memory_space<semaphore_mem>>) src(%arg12 : memref<64x128xf32, #tpu.memory_space<vmem>>) dst(%dma_wait3A_219 : memref<64x128xf32, #tpu.memory_space<vmem_shared>>)
      tpu.yield
    }) : () -> ()
    %add3A_133 = arith.constant 576 : i32
    %add3A_134 = arith.addi %mul3A_2, %add3A_133 : i32
    "tpu.region"() ({
      %run_scoped3A_212 = tpu.sem_alloc : memref<!tpu.dma_semaphore, #tpu.memory_space<semaphore_mem>>
      %dma_start3A = arith.constant 0 : i32
      %dma_start3A_213 = tpu.memref_slice %arg9[%add3A_134, %dma_start3A] : memref<10240x128xf32, #tpu.memory_space<vmem_shared>> -> memref<64x128xf32, #tpu.memory_space<vmem_shared>>
      %dma_start3A_214 = arith.constant 0 : i32
      %dma_start3A_215 = tpu.memref_slice %arg9[%add3A_134, %dma_start3A_214] : memref<10240x128xf32, #tpu.memory_space<vmem_shared>> -> memref<64x128xf32, #tpu.memory_space<vmem_shared>>
      tpu.enqueue_dma source(%arg12 : memref<64x128xf32, #tpu.memory_space<vmem>>) target(%dma_start3A_215 : memref<64x128xf32, #tpu.memory_space<vmem_shared>>) target_semaphore(%run_scoped3A_212 : memref<!tpu.dma_semaphore, #tpu.memory_space<semaphore_mem>>)
      %dma_wait3A_216 = arith.constant 0 : i32
      %dma_wait3A_217 = tpu.memref_slice %arg9[%add3A_134, %dma_wait3A_216] : memref<10240x128xf32, #tpu.memory_space<vmem_shared>> -> memref<64x128xf32, #tpu.memory_space<vmem_shared>>
      %dma_wait3A_218 = arith.constant 0 : i32
      %dma_wait3A_219 = tpu.memref_slice %arg9[%add3A_134, %dma_wait3A_218] : memref<10240x128xf32, #tpu.memory_space<vmem_shared>> -> memref<64x128xf32, #tpu.memory_space<vmem_shared>>
      tpu.wait_dma2 semaphore(%run_scoped3A_212 : memref<!tpu.dma_semaphore, #tpu.memory_space<semaphore_mem>>) src(%arg12 : memref<64x128xf32, #tpu.memory_space<vmem>>) dst(%dma_wait3A_219 : memref<64x128xf32, #tpu.memory_space<vmem_shared>>)
      tpu.yield
    }) : () -> ()
    %barrier3A_135 = arith.constant 0 : index
    tpu.barrier barrier_id(%barrier3A_135)
    %scan3A_136 = arith.constant 0 : i32
    %scan3A_137 = arith.constant 0 : i32
    %scan3A_138 = arith.constant 40 : i32
    %scan3A_139 = arith.addi %scan3A_137, %scan3A_138 : i32
    %scan3A_140 = arith.constant 1 : i32
    %scan3A_141 = scf.for %scan3A_212 = %scan3A_137 to %scan3A_139 step %scan3A_140 iter_args(%scan3A_213 = %scan3A_136) -> (i32)  : i32 {
      %mul3A_214 = arith.constant 2 : i32
      %mul3A_215 = arith.muli %mul3A_214, %scan3A_212 : i32
      %add3A_216 = arith.constant 0 : i32
      %add3A_217 = arith.addi %mul3A_215, %add3A_216 : i32
      %gt3A = arith.constant 0 : i32
      %gt3A_218 = arith.cmpi sgt, %scan3A_212, %gt3A : i32
      %convert_element_type3A = arith.extui %gt3A_218 : i1 to i32
      %cond3A = arith.constant 0 : i32
      %cond3A_219 = arith.cmpi ne, %convert_element_type3A, %cond3A : i32
      scf.if %cond3A_219 {
        %sub3A = arith.constant 2 : i32
        %sub3A_265 = arith.subi %add3A_217, %sub3A : i32
        %dma_wait3A_266 = arith.constant 0 : i32
        %dma_wait3A_267 = tpu.memref_slice %arg11[%sub3A_265, %dma_wait3A_266] : memref<80x64xi32, #tpu.memory_space<vmem>> -> memref<1x64xi32, #tpu.memory_space<vmem>>
        %dma_wait3A_268 = tpu.memref_squeeze %dma_wait3A_267 : memref<1x64xi32, #tpu.memory_space<vmem>> -> memref<64xi32, #tpu.memory_space<vmem>>
        %dma_wait3A_269 = arith.constant 0 : i32
        %dma_wait3A_270 = arith.constant 0 : i32
        %dma_wait3A_271 = tpu.memref_slice %arg9[%dma_wait3A_269, %dma_wait3A_270] : memref<10240x128xf32, #tpu.memory_space<vmem_shared>> -> memref<10240x128xf32, #tpu.memory_space<vmem_shared>>
        tpu.wait_indirect_dma semaphore(%arg16 : memref<!tpu.dma_semaphore, #tpu.memory_space<semaphore_mem>>) src(%arg12 : memref<64x128xf32, #tpu.memory_space<vmem>>) dst(%dma_wait3A_271 : memref<10240x128xf32, #tpu.memory_space<vmem_shared>>)
      } else {
      }
      %dma_start3A = arith.constant 0 : i32
      %dma_start3A_220 = tpu.memref_slice %arg10[%add3A_217, %dma_start3A] : memref<80x64xi32, #tpu.memory_space<vmem>> -> memref<1x64xi32, #tpu.memory_space<vmem>>
      %dma_start3A_221 = tpu.memref_squeeze %dma_start3A_220 : memref<1x64xi32, #tpu.memory_space<vmem>> -> memref<64xi32, #tpu.memory_space<vmem>>
      %dma_start3A_222 = arith.constant 0 : i32
      %dma_start3A_223 = arith.constant 0 : i32
      %dma_start3A_224 = tpu.memref_slice %arg4[%dma_start3A_222, %dma_start3A_223] : memref<10000x128xf32, #tpu.memory_space<hbm>> -> memref<10000x128xf32, #tpu.memory_space<hbm>>
      tpu.enqueue_indirect_dma source(%dma_start3A_224 : memref<10000x128xf32, #tpu.memory_space<hbm>>) target(%arg12 : memref<64x128xf32, #tpu.memory_space<vmem>>) offsets(%dma_start3A_221 : memref<64xi32, #tpu.memory_space<vmem>>) semaphore(%arg14 : memref<!tpu.dma_semaphore, #tpu.memory_space<semaphore_mem>>)
      %dma_wait3A_225 = arith.constant 0 : i32
      %dma_wait3A_226 = tpu.memref_slice %arg10[%add3A_217, %dma_wait3A_225] : memref<80x64xi32, #tpu.memory_space<vmem>> -> memref<1x64xi32, #tpu.memory_space<vmem>>
      %dma_wait3A_227 = tpu.memref_squeeze %dma_wait3A_226 : memref<1x64xi32, #tpu.memory_space<vmem>> -> memref<64xi32, #tpu.memory_space<vmem>>
      %dma_wait3A_228 = arith.constant 0 : i32
      %dma_wait3A_229 = arith.constant 0 : i32
      %dma_wait3A_230 = tpu.memref_slice %arg4[%dma_wait3A_228, %dma_wait3A_229] : memref<10000x128xf32, #tpu.memory_space<hbm>> -> memref<10000x128xf32, #tpu.memory_space<hbm>>
      tpu.wait_indirect_dma semaphore(%arg14 : memref<!tpu.dma_semaphore, #tpu.memory_space<semaphore_mem>>) src(%dma_wait3A_230 : memref<10000x128xf32, #tpu.memory_space<hbm>>) dst(%arg12 : memref<64x128xf32, #tpu.memory_space<vmem>>)
      %dma_start3A_231 = arith.constant 0 : i32
      %dma_start3A_232 = tpu.memref_slice %arg11[%add3A_217, %dma_start3A_231] : memref<80x64xi32, #tpu.memory_space<vmem>> -> memref<1x64xi32, #tpu.memory_space<vmem>>
      %dma_start3A_233 = tpu.memref_squeeze %dma_start3A_232 : memref<1x64xi32, #tpu.memory_space<vmem>> -> memref<64xi32, #tpu.memory_space<vmem>>
      %dma_start3A_234 = arith.constant 0 : i32
      %dma_start3A_235 = arith.constant 0 : i32
      %dma_start3A_236 = tpu.memref_slice %arg9[%dma_start3A_234, %dma_start3A_235] : memref<10240x128xf32, #tpu.memory_space<vmem_shared>> -> memref<10240x128xf32, #tpu.memory_space<vmem_shared>>
      tpu.enqueue_indirect_dma source(%arg12 : memref<64x128xf32, #tpu.memory_space<vmem>>) target(%dma_start3A_236 : memref<10240x128xf32, #tpu.memory_space<vmem_shared>>) offsets(%dma_start3A_233 : memref<64xi32, #tpu.memory_space<vmem>>) semaphore(%arg16 : memref<!tpu.dma_semaphore, #tpu.memory_space<semaphore_mem>>) {add = true}
      %mul3A_237 = arith.constant 2 : i32
      %mul3A_238 = arith.muli %mul3A_237, %scan3A_212 : i32
      %add3A_239 = arith.constant 1 : i32
      %add3A_240 = arith.addi %mul3A_238, %add3A_239 : i32
      %gt3A_241 = arith.constant 0 : i32
      %gt3A_242 = arith.cmpi sgt, %scan3A_212, %gt3A_241 : i32
      %convert_element_type3A_243 = arith.extui %gt3A_242 : i1 to i32
      %cond3A_244 = arith.constant 0 : i32
      %cond3A_245 = arith.cmpi ne, %convert_element_type3A_243, %cond3A_244 : i32
      scf.if %cond3A_245 {
        %sub3A = arith.constant 2 : i32
        %sub3A_265 = arith.subi %add3A_240, %sub3A : i32
        %dma_wait3A_266 = arith.constant 0 : i32
        %dma_wait3A_267 = tpu.memref_slice %arg11[%sub3A_265, %dma_wait3A_266] : memref<80x64xi32, #tpu.memory_space<vmem>> -> memref<1x64xi32, #tpu.memory_space<vmem>>
        %dma_wait3A_268 = tpu.memref_squeeze %dma_wait3A_267 : memref<1x64xi32, #tpu.memory_space<vmem>> -> memref<64xi32, #tpu.memory_space<vmem>>
        %dma_wait3A_269 = arith.constant 0 : i32
        %dma_wait3A_270 = arith.constant 0 : i32
        %dma_wait3A_271 = tpu.memref_slice %arg9[%dma_wait3A_269, %dma_wait3A_270] : memref<10240x128xf32, #tpu.memory_space<vmem_shared>> -> memref<10240x128xf32, #tpu.memory_space<vmem_shared>>
        tpu.wait_indirect_dma semaphore(%arg17 : memref<!tpu.dma_semaphore, #tpu.memory_space<semaphore_mem>>) src(%arg13 : memref<64x128xf32, #tpu.memory_space<vmem>>) dst(%dma_wait3A_271 : memref<10240x128xf32, #tpu.memory_space<vmem_shared>>)
      } else {
      }
      %dma_start3A_246 = arith.constant 0 : i32
      %dma_start3A_247 = tpu.memref_slice %arg10[%add3A_240, %dma_start3A_246] : memref<80x64xi32, #tpu.memory_space<vmem>> -> memref<1x64xi32, #tpu.memory_space<vmem>>
      %dma_start3A_248 = tpu.memref_squeeze %dma_start3A_247 : memref<1x64xi32, #tpu.memory_space<vmem>> -> memref<64xi32, #tpu.memory_space<vmem>>
      %dma_start3A_249 = arith.constant 0 : i32
      %dma_start3A_250 = arith.constant 0 : i32
      %dma_start3A_251 = tpu.memref_slice %arg4[%dma_start3A_249, %dma_start3A_250] : memref<10000x128xf32, #tpu.memory_space<hbm>> -> memref<10000x128xf32, #tpu.memory_space<hbm>>
      tpu.enqueue_indirect_dma source(%dma_start3A_251 : memref<10000x128xf32, #tpu.memory_space<hbm>>) target(%arg13 : memref<64x128xf32, #tpu.memory_space<vmem>>) offsets(%dma_start3A_248 : memref<64xi32, #tpu.memory_space<vmem>>) semaphore(%arg15 : memref<!tpu.dma_semaphore, #tpu.memory_space<semaphore_mem>>)
      %dma_wait3A_252 = arith.constant 0 : i32
      %dma_wait3A_253 = tpu.memref_slice %arg10[%add3A_240, %dma_wait3A_252] : memref<80x64xi32, #tpu.memory_space<vmem>> -> memref<1x64xi32, #tpu.memory_space<vmem>>
      %dma_wait3A_254 = tpu.memref_squeeze %dma_wait3A_253 : memref<1x64xi32, #tpu.memory_space<vmem>> -> memref<64xi32, #tpu.memory_space<vmem>>
      %dma_wait3A_255 = arith.constant 0 : i32
      %dma_wait3A_256 = arith.constant 0 : i32
      %dma_wait3A_257 = tpu.memref_slice %arg4[%dma_wait3A_255, %dma_wait3A_256] : memref<10000x128xf32, #tpu.memory_space<hbm>> -> memref<10000x128xf32, #tpu.memory_space<hbm>>
      tpu.wait_indirect_dma semaphore(%arg15 : memref<!tpu.dma_semaphore, #tpu.memory_space<semaphore_mem>>) src(%dma_wait3A_257 : memref<10000x128xf32, #tpu.memory_space<hbm>>) dst(%arg13 : memref<64x128xf32, #tpu.memory_space<vmem>>)
      %dma_start3A_258 = arith.constant 0 : i32
      %dma_start3A_259 = tpu.memref_slice %arg11[%add3A_240, %dma_start3A_258] : memref<80x64xi32, #tpu.memory_space<vmem>> -> memref<1x64xi32, #tpu.memory_space<vmem>>
      %dma_start3A_260 = tpu.memref_squeeze %dma_start3A_259 : memref<1x64xi32, #tpu.memory_space<vmem>> -> memref<64xi32, #tpu.memory_space<vmem>>
      %dma_start3A_261 = arith.constant 0 : i32
      %dma_start3A_262 = arith.constant 0 : i32
      %dma_start3A_263 = tpu.memref_slice %arg9[%dma_start3A_261, %dma_start3A_262] : memref<10240x128xf32, #tpu.memory_space<vmem_shared>> -> memref<10240x128xf32, #tpu.memory_space<vmem_shared>>
      tpu.enqueue_indirect_dma source(%arg13 : memref<64x128xf32, #tpu.memory_space<vmem>>) target(%dma_start3A_263 : memref<10240x128xf32, #tpu.memory_space<vmem_shared>>) offsets(%dma_start3A_260 : memref<64xi32, #tpu.memory_space<vmem>>) semaphore(%arg17 : memref<!tpu.dma_semaphore, #tpu.memory_space<semaphore_mem>>) {add = true}
      %scan3A_264 = arith.constant 0 : i32
      scf.yield %scan3A_264 : i32
    }
    %scan3A_142 = arith.constant 40 : i32
    %dma_wait3A_143 = arith.constant 78 : i32
    %dma_wait3A_144 = arith.constant 0 : i32
    %dma_wait3A_145 = tpu.memref_slice %arg11[%dma_wait3A_143, %dma_wait3A_144] : memref<80x64xi32, #tpu.memory_space<vmem>> -> memref<1x64xi32, #tpu.memory_space<vmem>>
    %dma_wait3A_146 = tpu.memref_squeeze %dma_wait3A_145 : memref<1x64xi32, #tpu.memory_space<vmem>> -> memref<64xi32, #tpu.memory_space<vmem>>
    %dma_wait3A_147 = arith.constant 0 : i32
    %dma_wait3A_148 = arith.constant 0 : i32
    %dma_wait3A_149 = tpu.memref_slice %arg9[%dma_wait3A_147, %dma_wait3A_148] : memref<10240x128xf32, #tpu.memory_space<vmem_shared>> -> memref<10240x128xf32, #tpu.memory_space<vmem_shared>>
    tpu.wait_indirect_dma semaphore(%arg16 : memref<!tpu.dma_semaphore, #tpu.memory_space<semaphore_mem>>) src(%arg12 : memref<64x128xf32, #tpu.memory_space<vmem>>) dst(%dma_wait3A_149 : memref<10240x128xf32, #tpu.memory_space<vmem_shared>>)
    %dma_wait3A_150 = arith.constant 79 : i32
    %dma_wait3A_151 = arith.constant 0 : i32
    %dma_wait3A_152 = tpu.memref_slice %arg11[%dma_wait3A_150, %dma_wait3A_151] : memref<80x64xi32, #tpu.memory_space<vmem>> -> memref<1x64xi32, #tpu.memory_space<vmem>>
    %dma_wait3A_153 = tpu.memref_squeeze %dma_wait3A_152 : memref<1x64xi32, #tpu.memory_space<vmem>> -> memref<64xi32, #tpu.memory_space<vmem>>
    %dma_wait3A_154 = arith.constant 0 : i32
    %dma_wait3A_155 = arith.constant 0 : i32
    %dma_wait3A_156 = tpu.memref_slice %arg9[%dma_wait3A_154, %dma_wait3A_155] : memref<10240x128xf32, #tpu.memory_space<vmem_shared>> -> memref<10240x128xf32, #tpu.memory_space<vmem_shared>>
    tpu.wait_indirect_dma semaphore(%arg17 : memref<!tpu.dma_semaphore, #tpu.memory_space<semaphore_mem>>) src(%arg13 : memref<64x128xf32, #tpu.memory_space<vmem>>) dst(%dma_wait3A_156 : memref<10240x128xf32, #tpu.memory_space<vmem_shared>>)
    %barrier3A_157 = arith.constant 0 : index
    tpu.barrier barrier_id(%barrier3A_157)
    %run_scoped3A_158 = arith.constant 2 : i32
    "tpu.region"() ({
      %run_scoped3A_212 = tpu.sem_alloc : memref<!tpu.dma_semaphore, #tpu.memory_space<semaphore_mem>>
      %dma_start3A = arith.constant 0 : i32
      %dma_start3A_213 = tpu.memref_slice %arg8[%arg0, %run_scoped3A_158, %mul3A_2, %dma_start3A] : memref<2x4x10240x128xf32, #tpu.memory_space<hbm>> -> memref<1x1x640x128xf32, #tpu.memory_space<hbm>>
      %dma_start3A_214 = tpu.memref_squeeze %dma_start3A_213 : memref<1x1x640x128xf32, #tpu.memory_space<hbm>> -> memref<640x128xf32, #tpu.memory_space<hbm>>
      %dma_start3A_215 = arith.constant 0 : i32
      %dma_start3A_216 = tpu.memref_slice %arg9[%mul3A_2, %dma_start3A_215] : memref<10240x128xf32, #tpu.memory_space<vmem_shared>> -> memref<640x128xf32, #tpu.memory_space<vmem_shared>>
      tpu.enqueue_dma source(%dma_start3A_216 : memref<640x128xf32, #tpu.memory_space<vmem_shared>>) target(%dma_start3A_214 : memref<640x128xf32, #tpu.memory_space<hbm>>) target_semaphore(%run_scoped3A_212 : memref<!tpu.dma_semaphore, #tpu.memory_space<semaphore_mem>>)
      %dma_wait3A_217 = arith.constant 0 : i32
      %dma_wait3A_218 = tpu.memref_slice %arg8[%arg0, %run_scoped3A_158, %mul3A_2, %dma_wait3A_217] : memref<2x4x10240x128xf32, #tpu.memory_space<hbm>> -> memref<1x1x640x128xf32, #tpu.memory_space<hbm>>
      %dma_wait3A_219 = tpu.memref_squeeze %dma_wait3A_218 : memref<1x1x640x128xf32, #tpu.memory_space<hbm>> -> memref<640x128xf32, #tpu.memory_space<hbm>>
      %dma_wait3A_220 = arith.constant 0 : i32
      %dma_wait3A_221 = tpu.memref_slice %arg9[%mul3A_2, %dma_wait3A_220] : memref<10240x128xf32, #tpu.memory_space<vmem_shared>> -> memref<640x128xf32, #tpu.memory_space<vmem_shared>>
      tpu.wait_dma2 semaphore(%run_scoped3A_212 : memref<!tpu.dma_semaphore, #tpu.memory_space<semaphore_mem>>) src(%dma_wait3A_221 : memref<640x128xf32, #tpu.memory_space<vmem_shared>>) dst(%dma_wait3A_219 : memref<640x128xf32, #tpu.memory_space<hbm>>)
      tpu.yield
    }) : () -> ()
    %barrier3A_159 = arith.constant 0 : index
    tpu.barrier barrier_id(%barrier3A_159)
    %scan3A_160 = arith.constant 0 : i32
    %scan3A_161 = arith.constant 0 : i32
    %scan3A_162 = arith.constant 64 : i32
    %scan3A_163 = arith.addi %scan3A_161, %scan3A_162 : i32
    %scan3A_164 = arith.constant 1 : i32
    %scan3A_165 = scf.for %scan3A_212 = %scan3A_161 to %scan3A_163 step %scan3A_164 iter_args(%scan3A_213 = %scan3A_160) -> (i32)  : i32 {
      %swap3A = arith.index_cast %scan3A_212 : i32 to index
      %swap3A_214 = arith.constant 0 : index
      %swap3A_215 = tpu.vector_load %arg12[%swap3A, %swap3A_214] {strides = array<i32>} : memref<64x128xf32, #tpu.memory_space<vmem>>, vector<16xf32>,
      tpu.vector_store %arg12[%swap3A, %swap3A_214], %broadcast_in_dim3A_3 {strides = array<i32>} : memref<64x128xf32, #tpu.memory_space<vmem>>, vector<16xf32>,
      %swap3A_216 = arith.index_cast %scan3A_212 : i32 to index
      %swap3A_217 = arith.constant 16 : index
      %swap3A_218 = tpu.vector_load %arg12[%swap3A_216, %swap3A_217] {strides = array<i32>} : memref<64x128xf32, #tpu.memory_space<vmem>>, vector<16xf32>,
      tpu.vector_store %arg12[%swap3A_216, %swap3A_217], %broadcast_in_dim3A_3 {strides = array<i32>} : memref<64x128xf32, #tpu.memory_space<vmem>>, vector<16xf32>,
      %swap3A_219 = arith.index_cast %scan3A_212 : i32 to index
      %swap3A_220 = arith.constant 32 : index
      %swap3A_221 = tpu.vector_load %arg12[%swap3A_219, %swap3A_220] {strides = array<i32>} : memref<64x128xf32, #tpu.memory_space<vmem>>, vector<16xf32>,
      tpu.vector_store %arg12[%swap3A_219, %swap3A_220], %broadcast_in_dim3A_3 {strides = array<i32>} : memref<64x128xf32, #tpu.memory_space<vmem>>, vector<16xf32>,
      %swap3A_222 = arith.index_cast %scan3A_212 : i32 to index
      %swap3A_223 = arith.constant 48 : index
      %swap3A_224 = tpu.vector_load %arg12[%swap3A_222, %swap3A_223] {strides = array<i32>} : memref<64x128xf32, #tpu.memory_space<vmem>>, vector<16xf32>,
      tpu.vector_store %arg12[%swap3A_222, %swap3A_223], %broadcast_in_dim3A_3 {strides = array<i32>} : memref<64x128xf32, #tpu.memory_space<vmem>>, vector<16xf32>,
      %swap3A_225 = arith.index_cast %scan3A_212 : i32 to index
      %swap3A_226 = arith.constant 64 : index
      %swap3A_227 = tpu.vector_load %arg12[%swap3A_225, %swap3A_226] {strides = array<i32>} : memref<64x128xf32, #tpu.memory_space<vmem>>, vector<16xf32>,
      tpu.vector_store %arg12[%swap3A_225, %swap3A_226], %broadcast_in_dim3A_3 {strides = array<i32>} : memref<64x128xf32, #tpu.memory_space<vmem>>, vector<16xf32>,
      %swap3A_228 = arith.index_cast %scan3A_212 : i32 to index
      %swap3A_229 = arith.constant 80 : index
      %swap3A_230 = tpu.vector_load %arg12[%swap3A_228, %swap3A_229] {strides = array<i32>} : memref<64x128xf32, #tpu.memory_space<vmem>>, vector<16xf32>,
      tpu.vector_store %arg12[%swap3A_228, %swap3A_229], %broadcast_in_dim3A_3 {strides = array<i32>} : memref<64x128xf32, #tpu.memory_space<vmem>>, vector<16xf32>,
      %swap3A_231 = arith.index_cast %scan3A_212 : i32 to index
      %swap3A_232 = arith.constant 96 : index
      %swap3A_233 = tpu.vector_load %arg12[%swap3A_231, %swap3A_232] {strides = array<i32>} : memref<64x128xf32, #tpu.memory_space<vmem>>, vector<16xf32>,
      tpu.vector_store %arg12[%swap3A_231, %swap3A_232], %broadcast_in_dim3A_3 {strides = array<i32>} : memref<64x128xf32, #tpu.memory_space<vmem>>, vector<16xf32>,
      %swap3A_234 = arith.index_cast %scan3A_212 : i32 to index
      %swap3A_235 = arith.constant 112 : index
      %swap3A_236 = tpu.vector_load %arg12[%swap3A_234, %swap3A_235] {strides = array<i32>} : memref<64x128xf32, #tpu.memory_space<vmem>>, vector<16xf32>,
      tpu.vector_store %arg12[%swap3A_234, %swap3A_235], %broadcast_in_dim3A_3 {strides = array<i32>} : memref<64x128xf32, #tpu.memory_space<vmem>>, vector<16xf32>,
      %scan3A_237 = arith.constant 0 : i32
      scf.yield %scan3A_237 : i32
    }
    %scan3A_166 = arith.constant 64 : i32
    %add3A_167 = arith.constant 0 : i32
    %add3A_168 = arith.addi %mul3A_2, %add3A_167 : i32
    "tpu.region"() ({
      %run_scoped3A_212 = tpu.sem_alloc : memref<!tpu.dma_semaphore, #tpu.memory_space<semaphore_mem>>
      %dma_start3A = arith.constant 0 : i32
      %dma_start3A_213 = tpu.memref_slice %arg9[%add3A_168, %dma_start3A] : memref<10240x128xf32, #tpu.memory_space<vmem_shared>> -> memref<64x128xf32, #tpu.memory_space<vmem_shared>>
      %dma_start3A_214 = arith.constant 0 : i32
      %dma_start3A_215 = tpu.memref_slice %arg9[%add3A_168, %dma_start3A_214] : memref<10240x128xf32, #tpu.memory_space<vmem_shared>> -> memref<64x128xf32, #tpu.memory_space<vmem_shared>>
      tpu.enqueue_dma source(%arg12 : memref<64x128xf32, #tpu.memory_space<vmem>>) target(%dma_start3A_215 : memref<64x128xf32, #tpu.memory_space<vmem_shared>>) target_semaphore(%run_scoped3A_212 : memref<!tpu.dma_semaphore, #tpu.memory_space<semaphore_mem>>)
      %dma_wait3A_216 = arith.constant 0 : i32
      %dma_wait3A_217 = tpu.memref_slice %arg9[%add3A_168, %dma_wait3A_216] : memref<10240x128xf32, #tpu.memory_space<vmem_shared>> -> memref<64x128xf32, #tpu.memory_space<vmem_shared>>
      %dma_wait3A_218 = arith.constant 0 : i32
      %dma_wait3A_219 = tpu.memref_slice %arg9[%add3A_168, %dma_wait3A_218] : memref<10240x128xf32, #tpu.memory_space<vmem_shared>> -> memref<64x128xf32, #tpu.memory_space<vmem_shared>>
      tpu.wait_dma2 semaphore(%run_scoped3A_212 : memref<!tpu.dma_semaphore, #tpu.memory_space<semaphore_mem>>) src(%arg12 : memref<64x128xf32, #tpu.memory_space<vmem>>) dst(%dma_wait3A_219 : memref<64x128xf32, #tpu.memory_space<vmem_shared>>)
      tpu.yield
    }) : () -> ()
    %add3A_169 = arith.constant 64 : i32
    %add3A_170 = arith.addi %mul3A_2, %add3A_169 : i32
    "tpu.region"() ({
      %run_scoped3A_212 = tpu.sem_alloc : memref<!tpu.dma_semaphore, #tpu.memory_space<semaphore_mem>>
      %dma_start3A = arith.constant 0 : i32
      %dma_start3A_213 = tpu.memref_slice %arg9[%add3A_170, %dma_start3A] : memref<10240x128xf32, #tpu.memory_space<vmem_shared>> -> memref<64x128xf32, #tpu.memory_space<vmem_shared>>
      %dma_start3A_214 = arith.constant 0 : i32
      %dma_start3A_215 = tpu.memref_slice %arg9[%add3A_170, %dma_start3A_214] : memref<10240x128xf32, #tpu.memory_space<vmem_shared>> -> memref<64x128xf32, #tpu.memory_space<vmem_shared>>
      tpu.enqueue_dma source(%arg12 : memref<64x128xf32, #tpu.memory_space<vmem>>) target(%dma_start3A_215 : memref<64x128xf32, #tpu.memory_space<vmem_shared>>) target_semaphore(%run_scoped3A_212 : memref<!tpu.dma_semaphore, #tpu.memory_space<semaphore_mem>>)
      %dma_wait3A_216 = arith.constant 0 : i32
      %dma_wait3A_217 = tpu.memref_slice %arg9[%add3A_170, %dma_wait3A_216] : memref<10240x128xf32, #tpu.memory_space<vmem_shared>> -> memref<64x128xf32, #tpu.memory_space<vmem_shared>>
      %dma_wait3A_218 = arith.constant 0 : i32
      %dma_wait3A_219 = tpu.memref_slice %arg9[%add3A_170, %dma_wait3A_218] : memref<10240x128xf32, #tpu.memory_space<vmem_shared>> -> memref<64x128xf32, #tpu.memory_space<vmem_shared>>
      tpu.wait_dma2 semaphore(%run_scoped3A_212 : memref<!tpu.dma_semaphore, #tpu.memory_space<semaphore_mem>>) src(%arg12 : memref<64x128xf32, #tpu.memory_space<vmem>>) dst(%dma_wait3A_219 : memref<64x128xf32, #tpu.memory_space<vmem_shared>>)
      tpu.yield
    }) : () -> ()
    %add3A_171 = arith.constant 128 : i32
    %add3A_172 = arith.addi %mul3A_2, %add3A_171 : i32
    "tpu.region"() ({
      %run_scoped3A_212 = tpu.sem_alloc : memref<!tpu.dma_semaphore, #tpu.memory_space<semaphore_mem>>
      %dma_start3A = arith.constant 0 : i32
      %dma_start3A_213 = tpu.memref_slice %arg9[%add3A_172, %dma_start3A] : memref<10240x128xf32, #tpu.memory_space<vmem_shared>> -> memref<64x128xf32, #tpu.memory_space<vmem_shared>>
      %dma_start3A_214 = arith.constant 0 : i32
      %dma_start3A_215 = tpu.memref_slice %arg9[%add3A_172, %dma_start3A_214] : memref<10240x128xf32, #tpu.memory_space<vmem_shared>> -> memref<64x128xf32, #tpu.memory_space<vmem_shared>>
      tpu.enqueue_dma source(%arg12 : memref<64x128xf32, #tpu.memory_space<vmem>>) target(%dma_start3A_215 : memref<64x128xf32, #tpu.memory_space<vmem_shared>>) target_semaphore(%run_scoped3A_212 : memref<!tpu.dma_semaphore, #tpu.memory_space<semaphore_mem>>)
      %dma_wait3A_216 = arith.constant 0 : i32
      %dma_wait3A_217 = tpu.memref_slice %arg9[%add3A_172, %dma_wait3A_216] : memref<10240x128xf32, #tpu.memory_space<vmem_shared>> -> memref<64x128xf32, #tpu.memory_space<vmem_shared>>
      %dma_wait3A_218 = arith.constant 0 : i32
      %dma_wait3A_219 = tpu.memref_slice %arg9[%add3A_172, %dma_wait3A_218] : memref<10240x128xf32, #tpu.memory_space<vmem_shared>> -> memref<64x128xf32, #tpu.memory_space<vmem_shared>>
      tpu.wait_dma2 semaphore(%run_scoped3A_212 : memref<!tpu.dma_semaphore, #tpu.memory_space<semaphore_mem>>) src(%arg12 : memref<64x128xf32, #tpu.memory_space<vmem>>) dst(%dma_wait3A_219 : memref<64x128xf32, #tpu.memory_space<vmem_shared>>)
      tpu.yield
    }) : () -> ()
    %add3A_173 = arith.constant 192 : i32
    %add3A_174 = arith.addi %mul3A_2, %add3A_173 : i32
    "tpu.region"() ({
      %run_scoped3A_212 = tpu.sem_alloc : memref<!tpu.dma_semaphore, #tpu.memory_space<semaphore_mem>>
      %dma_start3A = arith.constant 0 : i32
      %dma_start3A_213 = tpu.memref_slice %arg9[%add3A_174, %dma_start3A] : memref<10240x128xf32, #tpu.memory_space<vmem_shared>> -> memref<64x128xf32, #tpu.memory_space<vmem_shared>>
      %dma_start3A_214 = arith.constant 0 : i32
      %dma_start3A_215 = tpu.memref_slice %arg9[%add3A_174, %dma_start3A_214] : memref<10240x128xf32, #tpu.memory_space<vmem_shared>> -> memref<64x128xf32, #tpu.memory_space<vmem_shared>>
      tpu.enqueue_dma source(%arg12 : memref<64x128xf32, #tpu.memory_space<vmem>>) target(%dma_start3A_215 : memref<64x128xf32, #tpu.memory_space<vmem_shared>>) target_semaphore(%run_scoped3A_212 : memref<!tpu.dma_semaphore, #tpu.memory_space<semaphore_mem>>)
      %dma_wait3A_216 = arith.constant 0 : i32
      %dma_wait3A_217 = tpu.memref_slice %arg9[%add3A_174, %dma_wait3A_216] : memref<10240x128xf32, #tpu.memory_space<vmem_shared>> -> memref<64x128xf32, #tpu.memory_space<vmem_shared>>
      %dma_wait3A_218 = arith.constant 0 : i32
      %dma_wait3A_219 = tpu.memref_slice %arg9[%add3A_174, %dma_wait3A_218] : memref<10240x128xf32, #tpu.memory_space<vmem_shared>> -> memref<64x128xf32, #tpu.memory_space<vmem_shared>>
      tpu.wait_dma2 semaphore(%run_scoped3A_212 : memref<!tpu.dma_semaphore, #tpu.memory_space<semaphore_mem>>) src(%arg12 : memref<64x128xf32, #tpu.memory_space<vmem>>) dst(%dma_wait3A_219 : memref<64x128xf32, #tpu.memory_space<vmem_shared>>)
      tpu.yield
    }) : () -> ()
    %add3A_175 = arith.constant 256 : i32
    %add3A_176 = arith.addi %mul3A_2, %add3A_175 : i32
    "tpu.region"() ({
      %run_scoped3A_212 = tpu.sem_alloc : memref<!tpu.dma_semaphore, #tpu.memory_space<semaphore_mem>>
      %dma_start3A = arith.constant 0 : i32
      %dma_start3A_213 = tpu.memref_slice %arg9[%add3A_176, %dma_start3A] : memref<10240x128xf32, #tpu.memory_space<vmem_shared>> -> memref<64x128xf32, #tpu.memory_space<vmem_shared>>
      %dma_start3A_214 = arith.constant 0 : i32
      %dma_start3A_215 = tpu.memref_slice %arg9[%add3A_176, %dma_start3A_214] : memref<10240x128xf32, #tpu.memory_space<vmem_shared>> -> memref<64x128xf32, #tpu.memory_space<vmem_shared>>
      tpu.enqueue_dma source(%arg12 : memref<64x128xf32, #tpu.memory_space<vmem>>) target(%dma_start3A_215 : memref<64x128xf32, #tpu.memory_space<vmem_shared>>) target_semaphore(%run_scoped3A_212 : memref<!tpu.dma_semaphore, #tpu.memory_space<semaphore_mem>>)
      %dma_wait3A_216 = arith.constant 0 : i32
      %dma_wait3A_217 = tpu.memref_slice %arg9[%add3A_176, %dma_wait3A_216] : memref<10240x128xf32, #tpu.memory_space<vmem_shared>> -> memref<64x128xf32, #tpu.memory_space<vmem_shared>>
      %dma_wait3A_218 = arith.constant 0 : i32
      %dma_wait3A_219 = tpu.memref_slice %arg9[%add3A_176, %dma_wait3A_218] : memref<10240x128xf32, #tpu.memory_space<vmem_shared>> -> memref<64x128xf32, #tpu.memory_space<vmem_shared>>
      tpu.wait_dma2 semaphore(%run_scoped3A_212 : memref<!tpu.dma_semaphore, #tpu.memory_space<semaphore_mem>>) src(%arg12 : memref<64x128xf32, #tpu.memory_space<vmem>>) dst(%dma_wait3A_219 : memref<64x128xf32, #tpu.memory_space<vmem_shared>>)
      tpu.yield
    }) : () -> ()
    %add3A_177 = arith.constant 320 : i32
    %add3A_178 = arith.addi %mul3A_2, %add3A_177 : i32
    "tpu.region"() ({
      %run_scoped3A_212 = tpu.sem_alloc : memref<!tpu.dma_semaphore, #tpu.memory_space<semaphore_mem>>
      %dma_start3A = arith.constant 0 : i32
      %dma_start3A_213 = tpu.memref_slice %arg9[%add3A_178, %dma_start3A] : memref<10240x128xf32, #tpu.memory_space<vmem_shared>> -> memref<64x128xf32, #tpu.memory_space<vmem_shared>>
      %dma_start3A_214 = arith.constant 0 : i32
      %dma_start3A_215 = tpu.memref_slice %arg9[%add3A_178, %dma_start3A_214] : memref<10240x128xf32, #tpu.memory_space<vmem_shared>> -> memref<64x128xf32, #tpu.memory_space<vmem_shared>>
      tpu.enqueue_dma source(%arg12 : memref<64x128xf32, #tpu.memory_space<vmem>>) target(%dma_start3A_215 : memref<64x128xf32, #tpu.memory_space<vmem_shared>>) target_semaphore(%run_scoped3A_212 : memref<!tpu.dma_semaphore, #tpu.memory_space<semaphore_mem>>)
      %dma_wait3A_216 = arith.constant 0 : i32
      %dma_wait3A_217 = tpu.memref_slice %arg9[%add3A_178, %dma_wait3A_216] : memref<10240x128xf32, #tpu.memory_space<vmem_shared>> -> memref<64x128xf32, #tpu.memory_space<vmem_shared>>
      %dma_wait3A_218 = arith.constant 0 : i32
      %dma_wait3A_219 = tpu.memref_slice %arg9[%add3A_178, %dma_wait3A_218] : memref<10240x128xf32, #tpu.memory_space<vmem_shared>> -> memref<64x128xf32, #tpu.memory_space<vmem_shared>>
      tpu.wait_dma2 semaphore(%run_scoped3A_212 : memref<!tpu.dma_semaphore, #tpu.memory_space<semaphore_mem>>) src(%arg12 : memref<64x128xf32, #tpu.memory_space<vmem>>) dst(%dma_wait3A_219 : memref<64x128xf32, #tpu.memory_space<vmem_shared>>)
      tpu.yield
    }) : () -> ()
    %add3A_179 = arith.constant 384 : i32
    %add3A_180 = arith.addi %mul3A_2, %add3A_179 : i32
    "tpu.region"() ({
      %run_scoped3A_212 = tpu.sem_alloc : memref<!tpu.dma_semaphore, #tpu.memory_space<semaphore_mem>>
      %dma_start3A = arith.constant 0 : i32
      %dma_start3A_213 = tpu.memref_slice %arg9[%add3A_180, %dma_start3A] : memref<10240x128xf32, #tpu.memory_space<vmem_shared>> -> memref<64x128xf32, #tpu.memory_space<vmem_shared>>
      %dma_start3A_214 = arith.constant 0 : i32
      %dma_start3A_215 = tpu.memref_slice %arg9[%add3A_180, %dma_start3A_214] : memref<10240x128xf32, #tpu.memory_space<vmem_shared>> -> memref<64x128xf32, #tpu.memory_space<vmem_shared>>
      tpu.enqueue_dma source(%arg12 : memref<64x128xf32, #tpu.memory_space<vmem>>) target(%dma_start3A_215 : memref<64x128xf32, #tpu.memory_space<vmem_shared>>) target_semaphore(%run_scoped3A_212 : memref<!tpu.dma_semaphore, #tpu.memory_space<semaphore_mem>>)
      %dma_wait3A_216 = arith.constant 0 : i32
      %dma_wait3A_217 = tpu.memref_slice %arg9[%add3A_180, %dma_wait3A_216] : memref<10240x128xf32, #tpu.memory_space<vmem_shared>> -> memref<64x128xf32, #tpu.memory_space<vmem_shared>>
      %dma_wait3A_218 = arith.constant 0 : i32
      %dma_wait3A_219 = tpu.memref_slice %arg9[%add3A_180, %dma_wait3A_218] : memref<10240x128xf32, #tpu.memory_space<vmem_shared>> -> memref<64x128xf32, #tpu.memory_space<vmem_shared>>
      tpu.wait_dma2 semaphore(%run_scoped3A_212 : memref<!tpu.dma_semaphore, #tpu.memory_space<semaphore_mem>>) src(%arg12 : memref<64x128xf32, #tpu.memory_space<vmem>>) dst(%dma_wait3A_219 : memref<64x128xf32, #tpu.memory_space<vmem_shared>>)
      tpu.yield
    }) : () -> ()
    %add3A_181 = arith.constant 448 : i32
    %add3A_182 = arith.addi %mul3A_2, %add3A_181 : i32
    "tpu.region"() ({
      %run_scoped3A_212 = tpu.sem_alloc : memref<!tpu.dma_semaphore, #tpu.memory_space<semaphore_mem>>
      %dma_start3A = arith.constant 0 : i32
      %dma_start3A_213 = tpu.memref_slice %arg9[%add3A_182, %dma_start3A] : memref<10240x128xf32, #tpu.memory_space<vmem_shared>> -> memref<64x128xf32, #tpu.memory_space<vmem_shared>>
      %dma_start3A_214 = arith.constant 0 : i32
      %dma_start3A_215 = tpu.memref_slice %arg9[%add3A_182, %dma_start3A_214] : memref<10240x128xf32, #tpu.memory_space<vmem_shared>> -> memref<64x128xf32, #tpu.memory_space<vmem_shared>>
      tpu.enqueue_dma source(%arg12 : memref<64x128xf32, #tpu.memory_space<vmem>>) target(%dma_start3A_215 : memref<64x128xf32, #tpu.memory_space<vmem_shared>>) target_semaphore(%run_scoped3A_212 : memref<!tpu.dma_semaphore, #tpu.memory_space<semaphore_mem>>)
      %dma_wait3A_216 = arith.constant 0 : i32
      %dma_wait3A_217 = tpu.memref_slice %arg9[%add3A_182, %dma_wait3A_216] : memref<10240x128xf32, #tpu.memory_space<vmem_shared>> -> memref<64x128xf32, #tpu.memory_space<vmem_shared>>
      %dma_wait3A_218 = arith.constant 0 : i32
      %dma_wait3A_219 = tpu.memref_slice %arg9[%add3A_182, %dma_wait3A_218] : memref<10240x128xf32, #tpu.memory_space<vmem_shared>> -> memref<64x128xf32, #tpu.memory_space<vmem_shared>>
      tpu.wait_dma2 semaphore(%run_scoped3A_212 : memref<!tpu.dma_semaphore, #tpu.memory_space<semaphore_mem>>) src(%arg12 : memref<64x128xf32, #tpu.memory_space<vmem>>) dst(%dma_wait3A_219 : memref<64x128xf32, #tpu.memory_space<vmem_shared>>)
      tpu.yield
    }) : () -> ()
    %add3A_183 = arith.constant 512 : i32
    %add3A_184 = arith.addi %mul3A_2, %add3A_183 : i32
    "tpu.region"() ({
      %run_scoped3A_212 = tpu.sem_alloc : memref<!tpu.dma_semaphore, #tpu.memory_space<semaphore_mem>>
      %dma_start3A = arith.constant 0 : i32
      %dma_start3A_213 = tpu.memref_slice %arg9[%add3A_184, %dma_start3A] : memref<10240x128xf32, #tpu.memory_space<vmem_shared>> -> memref<64x128xf32, #tpu.memory_space<vmem_shared>>
      %dma_start3A_214 = arith.constant 0 : i32
      %dma_start3A_215 = tpu.memref_slice %arg9[%add3A_184, %dma_start3A_214] : memref<10240x128xf32, #tpu.memory_space<vmem_shared>> -> memref<64x128xf32, #tpu.memory_space<vmem_shared>>
      tpu.enqueue_dma source(%arg12 : memref<64x128xf32, #tpu.memory_space<vmem>>) target(%dma_start3A_215 : memref<64x128xf32, #tpu.memory_space<vmem_shared>>) target_semaphore(%run_scoped3A_212 : memref<!tpu.dma_semaphore, #tpu.memory_space<semaphore_mem>>)
      %dma_wait3A_216 = arith.constant 0 : i32
      %dma_wait3A_217 = tpu.memref_slice %arg9[%add3A_184, %dma_wait3A_216] : memref<10240x128xf32, #tpu.memory_space<vmem_shared>> -> memref<64x128xf32, #tpu.memory_space<vmem_shared>>
      %dma_wait3A_218 = arith.constant 0 : i32
      %dma_wait3A_219 = tpu.memref_slice %arg9[%add3A_184, %dma_wait3A_218] : memref<10240x128xf32, #tpu.memory_space<vmem_shared>> -> memref<64x128xf32, #tpu.memory_space<vmem_shared>>
      tpu.wait_dma2 semaphore(%run_scoped3A_212 : memref<!tpu.dma_semaphore, #tpu.memory_space<semaphore_mem>>) src(%arg12 : memref<64x128xf32, #tpu.memory_space<vmem>>) dst(%dma_wait3A_219 : memref<64x128xf32, #tpu.memory_space<vmem_shared>>)
      tpu.yield
    }) : () -> ()
    %add3A_185 = arith.constant 576 : i32
    %add3A_186 = arith.addi %mul3A_2, %add3A_185 : i32
    "tpu.region"() ({
      %run_scoped3A_212 = tpu.sem_alloc : memref<!tpu.dma_semaphore, #tpu.memory_space<semaphore_mem>>
      %dma_start3A = arith.constant 0 : i32
      %dma_start3A_213 = tpu.memref_slice %arg9[%add3A_186, %dma_start3A] : memref<10240x128xf32, #tpu.memory_space<vmem_shared>> -> memref<64x128xf32, #tpu.memory_space<vmem_shared>>
      %dma_start3A_214 = arith.constant 0 : i32
      %dma_start3A_215 = tpu.memref_slice %arg9[%add3A_186, %dma_start3A_214] : memref<10240x128xf32, #tpu.memory_space<vmem_shared>> -> memref<64x128xf32, #tpu.memory_space<vmem_shared>>
      tpu.enqueue_dma source(%arg12 : memref<64x128xf32, #tpu.memory_space<vmem>>) target(%dma_start3A_215 : memref<64x128xf32, #tpu.memory_space<vmem_shared>>) target_semaphore(%run_scoped3A_212 : memref<!tpu.dma_semaphore, #tpu.memory_space<semaphore_mem>>)
      %dma_wait3A_216 = arith.constant 0 : i32
      %dma_wait3A_217 = tpu.memref_slice %arg9[%add3A_186, %dma_wait3A_216] : memref<10240x128xf32, #tpu.memory_space<vmem_shared>> -> memref<64x128xf32, #tpu.memory_space<vmem_shared>>
      %dma_wait3A_218 = arith.constant 0 : i32
      %dma_wait3A_219 = tpu.memref_slice %arg9[%add3A_186, %dma_wait3A_218] : memref<10240x128xf32, #tpu.memory_space<vmem_shared>> -> memref<64x128xf32, #tpu.memory_space<vmem_shared>>
      tpu.wait_dma2 semaphore(%run_scoped3A_212 : memref<!tpu.dma_semaphore, #tpu.memory_space<semaphore_mem>>) src(%arg12 : memref<64x128xf32, #tpu.memory_space<vmem>>) dst(%dma_wait3A_219 : memref<64x128xf32, #tpu.memory_space<vmem_shared>>)
      tpu.yield
    }) : () -> ()
    %barrier3A_187 = arith.constant 0 : index
    tpu.barrier barrier_id(%barrier3A_187)
    %scan3A_188 = arith.constant 0 : i32
    %scan3A_189 = arith.constant 0 : i32
    %scan3A_190 = arith.constant 40 : i32
    %scan3A_191 = arith.addi %scan3A_189, %scan3A_190 : i32
    %scan3A_192 = arith.constant 1 : i32
    %scan3A_193 = scf.for %scan3A_212 = %scan3A_189 to %scan3A_191 step %scan3A_192 iter_args(%scan3A_213 = %scan3A_188) -> (i32)  : i32 {
      %mul3A_214 = arith.constant 2 : i32
      %mul3A_215 = arith.muli %mul3A_214, %scan3A_212 : i32
      %add3A_216 = arith.constant 0 : i32
      %add3A_217 = arith.addi %mul3A_215, %add3A_216 : i32
      %gt3A = arith.constant 0 : i32
      %gt3A_218 = arith.cmpi sgt, %scan3A_212, %gt3A : i32
      %convert_element_type3A = arith.extui %gt3A_218 : i1 to i32
      %cond3A = arith.constant 0 : i32
      %cond3A_219 = arith.cmpi ne, %convert_element_type3A, %cond3A : i32
      scf.if %cond3A_219 {
        %sub3A = arith.constant 2 : i32
        %sub3A_265 = arith.subi %add3A_217, %sub3A : i32
        %dma_wait3A_266 = arith.constant 0 : i32
        %dma_wait3A_267 = tpu.memref_slice %arg11[%sub3A_265, %dma_wait3A_266] : memref<80x64xi32, #tpu.memory_space<vmem>> -> memref<1x64xi32, #tpu.memory_space<vmem>>
        %dma_wait3A_268 = tpu.memref_squeeze %dma_wait3A_267 : memref<1x64xi32, #tpu.memory_space<vmem>> -> memref<64xi32, #tpu.memory_space<vmem>>
        %dma_wait3A_269 = arith.constant 0 : i32
        %dma_wait3A_270 = arith.constant 0 : i32
        %dma_wait3A_271 = tpu.memref_slice %arg9[%dma_wait3A_269, %dma_wait3A_270] : memref<10240x128xf32, #tpu.memory_space<vmem_shared>> -> memref<10240x128xf32, #tpu.memory_space<vmem_shared>>
        tpu.wait_indirect_dma semaphore(%arg16 : memref<!tpu.dma_semaphore, #tpu.memory_space<semaphore_mem>>) src(%arg12 : memref<64x128xf32, #tpu.memory_space<vmem>>) dst(%dma_wait3A_271 : memref<10240x128xf32, #tpu.memory_space<vmem_shared>>)
      } else {
      }
      %dma_start3A = arith.constant 0 : i32
      %dma_start3A_220 = tpu.memref_slice %arg10[%add3A_217, %dma_start3A] : memref<80x64xi32, #tpu.memory_space<vmem>> -> memref<1x64xi32, #tpu.memory_space<vmem>>
      %dma_start3A_221 = tpu.memref_squeeze %dma_start3A_220 : memref<1x64xi32, #tpu.memory_space<vmem>> -> memref<64xi32, #tpu.memory_space<vmem>>
      %dma_start3A_222 = arith.constant 0 : i32
      %dma_start3A_223 = arith.constant 0 : i32
      %dma_start3A_224 = tpu.memref_slice %arg5[%dma_start3A_222, %dma_start3A_223] : memref<10000x128xf32, #tpu.memory_space<hbm>> -> memref<10000x128xf32, #tpu.memory_space<hbm>>
      tpu.enqueue_indirect_dma source(%dma_start3A_224 : memref<10000x128xf32, #tpu.memory_space<hbm>>) target(%arg12 : memref<64x128xf32, #tpu.memory_space<vmem>>) offsets(%dma_start3A_221 : memref<64xi32, #tpu.memory_space<vmem>>) semaphore(%arg14 : memref<!tpu.dma_semaphore, #tpu.memory_space<semaphore_mem>>)
      %dma_wait3A_225 = arith.constant 0 : i32
      %dma_wait3A_226 = tpu.memref_slice %arg10[%add3A_217, %dma_wait3A_225] : memref<80x64xi32, #tpu.memory_space<vmem>> -> memref<1x64xi32, #tpu.memory_space<vmem>>
      %dma_wait3A_227 = tpu.memref_squeeze %dma_wait3A_226 : memref<1x64xi32, #tpu.memory_space<vmem>> -> memref<64xi32, #tpu.memory_space<vmem>>
      %dma_wait3A_228 = arith.constant 0 : i32
      %dma_wait3A_229 = arith.constant 0 : i32
      %dma_wait3A_230 = tpu.memref_slice %arg5[%dma_wait3A_228, %dma_wait3A_229] : memref<10000x128xf32, #tpu.memory_space<hbm>> -> memref<10000x128xf32, #tpu.memory_space<hbm>>
      tpu.wait_indirect_dma semaphore(%arg14 : memref<!tpu.dma_semaphore, #tpu.memory_space<semaphore_mem>>) src(%dma_wait3A_230 : memref<10000x128xf32, #tpu.memory_space<hbm>>) dst(%arg12 : memref<64x128xf32, #tpu.memory_space<vmem>>)
      %dma_start3A_231 = arith.constant 0 : i32
      %dma_start3A_232 = tpu.memref_slice %arg11[%add3A_217, %dma_start3A_231] : memref<80x64xi32, #tpu.memory_space<vmem>> -> memref<1x64xi32, #tpu.memory_space<vmem>>
      %dma_start3A_233 = tpu.memref_squeeze %dma_start3A_232 : memref<1x64xi32, #tpu.memory_space<vmem>> -> memref<64xi32, #tpu.memory_space<vmem>>
      %dma_start3A_234 = arith.constant 0 : i32
      %dma_start3A_235 = arith.constant 0 : i32
      %dma_start3A_236 = tpu.memref_slice %arg9[%dma_start3A_234, %dma_start3A_235] : memref<10240x128xf32, #tpu.memory_space<vmem_shared>> -> memref<10240x128xf32, #tpu.memory_space<vmem_shared>>
      tpu.enqueue_indirect_dma source(%arg12 : memref<64x128xf32, #tpu.memory_space<vmem>>) target(%dma_start3A_236 : memref<10240x128xf32, #tpu.memory_space<vmem_shared>>) offsets(%dma_start3A_233 : memref<64xi32, #tpu.memory_space<vmem>>) semaphore(%arg16 : memref<!tpu.dma_semaphore, #tpu.memory_space<semaphore_mem>>) {add = true}
      %mul3A_237 = arith.constant 2 : i32
      %mul3A_238 = arith.muli %mul3A_237, %scan3A_212 : i32
      %add3A_239 = arith.constant 1 : i32
      %add3A_240 = arith.addi %mul3A_238, %add3A_239 : i32
      %gt3A_241 = arith.constant 0 : i32
      %gt3A_242 = arith.cmpi sgt, %scan3A_212, %gt3A_241 : i32
      %convert_element_type3A_243 = arith.extui %gt3A_242 : i1 to i32
      %cond3A_244 = arith.constant 0 : i32
      %cond3A_245 = arith.cmpi ne, %convert_element_type3A_243, %cond3A_244 : i32
      scf.if %cond3A_245 {
        %sub3A = arith.constant 2 : i32
        %sub3A_265 = arith.subi %add3A_240, %sub3A : i32
        %dma_wait3A_266 = arith.constant 0 : i32
        %dma_wait3A_267 = tpu.memref_slice %arg11[%sub3A_265, %dma_wait3A_266] : memref<80x64xi32, #tpu.memory_space<vmem>> -> memref<1x64xi32, #tpu.memory_space<vmem>>
        %dma_wait3A_268 = tpu.memref_squeeze %dma_wait3A_267 : memref<1x64xi32, #tpu.memory_space<vmem>> -> memref<64xi32, #tpu.memory_space<vmem>>
        %dma_wait3A_269 = arith.constant 0 : i32
        %dma_wait3A_270 = arith.constant 0 : i32
        %dma_wait3A_271 = tpu.memref_slice %arg9[%dma_wait3A_269, %dma_wait3A_270] : memref<10240x128xf32, #tpu.memory_space<vmem_shared>> -> memref<10240x128xf32, #tpu.memory_space<vmem_shared>>
        tpu.wait_indirect_dma semaphore(%arg17 : memref<!tpu.dma_semaphore, #tpu.memory_space<semaphore_mem>>) src(%arg13 : memref<64x128xf32, #tpu.memory_space<vmem>>) dst(%dma_wait3A_271 : memref<10240x128xf32, #tpu.memory_space<vmem_shared>>)
      } else {
      }
      %dma_start3A_246 = arith.constant 0 : i32
      %dma_start3A_247 = tpu.memref_slice %arg10[%add3A_240, %dma_start3A_246] : memref<80x64xi32, #tpu.memory_space<vmem>> -> memref<1x64xi32, #tpu.memory_space<vmem>>
      %dma_start3A_248 = tpu.memref_squeeze %dma_start3A_247 : memref<1x64xi32, #tpu.memory_space<vmem>> -> memref<64xi32, #tpu.memory_space<vmem>>
      %dma_start3A_249 = arith.constant 0 : i32
      %dma_start3A_250 = arith.constant 0 : i32
      %dma_start3A_251 = tpu.memref_slice %arg5[%dma_start3A_249, %dma_start3A_250] : memref<10000x128xf32, #tpu.memory_space<hbm>> -> memref<10000x128xf32, #tpu.memory_space<hbm>>
      tpu.enqueue_indirect_dma source(%dma_start3A_251 : memref<10000x128xf32, #tpu.memory_space<hbm>>) target(%arg13 : memref<64x128xf32, #tpu.memory_space<vmem>>) offsets(%dma_start3A_248 : memref<64xi32, #tpu.memory_space<vmem>>) semaphore(%arg15 : memref<!tpu.dma_semaphore, #tpu.memory_space<semaphore_mem>>)
      %dma_wait3A_252 = arith.constant 0 : i32
      %dma_wait3A_253 = tpu.memref_slice %arg10[%add3A_240, %dma_wait3A_252] : memref<80x64xi32, #tpu.memory_space<vmem>> -> memref<1x64xi32, #tpu.memory_space<vmem>>
      %dma_wait3A_254 = tpu.memref_squeeze %dma_wait3A_253 : memref<1x64xi32, #tpu.memory_space<vmem>> -> memref<64xi32, #tpu.memory_space<vmem>>
      %dma_wait3A_255 = arith.constant 0 : i32
      %dma_wait3A_256 = arith.constant 0 : i32
      %dma_wait3A_257 = tpu.memref_slice %arg5[%dma_wait3A_255, %dma_wait3A_256] : memref<10000x128xf32, #tpu.memory_space<hbm>> -> memref<10000x128xf32, #tpu.memory_space<hbm>>
      tpu.wait_indirect_dma semaphore(%arg15 : memref<!tpu.dma_semaphore, #tpu.memory_space<semaphore_mem>>) src(%dma_wait3A_257 : memref<10000x128xf32, #tpu.memory_space<hbm>>) dst(%arg13 : memref<64x128xf32, #tpu.memory_space<vmem>>)
      %dma_start3A_258 = arith.constant 0 : i32
      %dma_start3A_259 = tpu.memref_slice %arg11[%add3A_240, %dma_start3A_258] : memref<80x64xi32, #tpu.memory_space<vmem>> -> memref<1x64xi32, #tpu.memory_space<vmem>>
      %dma_start3A_260 = tpu.memref_squeeze %dma_start3A_259 : memref<1x64xi32, #tpu.memory_space<vmem>> -> memref<64xi32, #tpu.memory_space<vmem>>
      %dma_start3A_261 = arith.constant 0 : i32
      %dma_start3A_262 = arith.constant 0 : i32
      %dma_start3A_263 = tpu.memref_slice %arg9[%dma_start3A_261, %dma_start3A_262] : memref<10240x128xf32, #tpu.memory_space<vmem_shared>> -> memref<10240x128xf32, #tpu.memory_space<vmem_shared>>
      tpu.enqueue_indirect_dma source(%arg13 : memref<64x128xf32, #tpu.memory_space<vmem>>) target(%dma_start3A_263 : memref<10240x128xf32, #tpu.memory_space<vmem_shared>>) offsets(%dma_start3A_260 : memref<64xi32, #tpu.memory_space<vmem>>) semaphore(%arg17 : memref<!tpu.dma_semaphore, #tpu.memory_space<semaphore_mem>>) {add = true}
      %scan3A_264 = arith.constant 0 : i32
      scf.yield %scan3A_264 : i32
    }
    %scan3A_194 = arith.constant 40 : i32
    %dma_wait3A_195 = arith.constant 78 : i32
    %dma_wait3A_196 = arith.constant 0 : i32
    %dma_wait3A_197 = tpu.memref_slice %arg11[%dma_wait3A_195, %dma_wait3A_196] : memref<80x64xi32, #tpu.memory_space<vmem>> -> memref<1x64xi32, #tpu.memory_space<vmem>>
    %dma_wait3A_198 = tpu.memref_squeeze %dma_wait3A_197 : memref<1x64xi32, #tpu.memory_space<vmem>> -> memref<64xi32, #tpu.memory_space<vmem>>
    %dma_wait3A_199 = arith.constant 0 : i32
    %dma_wait3A_200 = arith.constant 0 : i32
    %dma_wait3A_201 = tpu.memref_slice %arg9[%dma_wait3A_199, %dma_wait3A_200] : memref<10240x128xf32, #tpu.memory_space<vmem_shared>> -> memref<10240x128xf32, #tpu.memory_space<vmem_shared>>
    tpu.wait_indirect_dma semaphore(%arg16 : memref<!tpu.dma_semaphore, #tpu.memory_space<semaphore_mem>>) src(%arg12 : memref<64x128xf32, #tpu.memory_space<vmem>>) dst(%dma_wait3A_201 : memref<10240x128xf32, #tpu.memory_space<vmem_shared>>)
    %dma_wait3A_202 = arith.constant 79 : i32
    %dma_wait3A_203 = arith.constant 0 : i32
    %dma_wait3A_204 = tpu.memref_slice %arg11[%dma_wait3A_202, %dma_wait3A_203] : memref<80x64xi32, #tpu.memory_space<vmem>> -> memref<1x64xi32, #tpu.memory_space<vmem>>
    %dma_wait3A_205 = tpu.memref_squeeze %dma_wait3A_204 : memref<1x64xi32, #tpu.memory_space<vmem>> -> memref<64xi32, #tpu.memory_space<vmem>>
    %dma_wait3A_206 = arith.constant 0 : i32
    %dma_wait3A_207 = arith.constant 0 : i32
    %dma_wait3A_208 = tpu.memref_slice %arg9[%dma_wait3A_206, %dma_wait3A_207] : memref<10240x128xf32, #tpu.memory_space<vmem_shared>> -> memref<10240x128xf32, #tpu.memory_space<vmem_shared>>
    tpu.wait_indirect_dma semaphore(%arg17 : memref<!tpu.dma_semaphore, #tpu.memory_space<semaphore_mem>>) src(%arg13 : memref<64x128xf32, #tpu.memory_space<vmem>>) dst(%dma_wait3A_208 : memref<10240x128xf32, #tpu.memory_space<vmem_shared>>)
    %barrier3A_209 = arith.constant 0 : index
    tpu.barrier barrier_id(%barrier3A_209)
    %run_scoped3A_210 = arith.constant 3 : i32
    "tpu.region"() ({
      %run_scoped3A_212 = tpu.sem_alloc : memref<!tpu.dma_semaphore, #tpu.memory_space<semaphore_mem>>
      %dma_start3A = arith.constant 0 : i32
      %dma_start3A_213 = tpu.memref_slice %arg8[%arg0, %run_scoped3A_210, %mul3A_2, %dma_start3A] : memref<2x4x10240x128xf32, #tpu.memory_space<hbm>> -> memref<1x1x640x128xf32, #tpu.memory_space<hbm>>
      %dma_start3A_214 = tpu.memref_squeeze %dma_start3A_213 : memref<1x1x640x128xf32, #tpu.memory_space<hbm>> -> memref<640x128xf32, #tpu.memory_space<hbm>>
      %dma_start3A_215 = arith.constant 0 : i32
      %dma_start3A_216 = tpu.memref_slice %arg9[%mul3A_2, %dma_start3A_215] : memref<10240x128xf32, #tpu.memory_space<vmem_shared>> -> memref<640x128xf32, #tpu.memory_space<vmem_shared>>
      tpu.enqueue_dma source(%dma_start3A_216 : memref<640x128xf32, #tpu.memory_space<vmem_shared>>) target(%dma_start3A_214 : memref<640x128xf32, #tpu.memory_space<hbm>>) target_semaphore(%run_scoped3A_212 : memref<!tpu.dma_semaphore, #tpu.memory_space<semaphore_mem>>)
      %dma_wait3A_217 = arith.constant 0 : i32
      %dma_wait3A_218 = tpu.memref_slice %arg8[%arg0, %run_scoped3A_210, %mul3A_2, %dma_wait3A_217] : memref<2x4x10240x128xf32, #tpu.memory_space<hbm>> -> memref<1x1x640x128xf32, #tpu.memory_space<hbm>>
      %dma_wait3A_219 = tpu.memref_squeeze %dma_wait3A_218 : memref<1x1x640x128xf32, #tpu.memory_space<hbm>> -> memref<640x128xf32, #tpu.memory_space<hbm>>
      %dma_wait3A_220 = arith.constant 0 : i32
      %dma_wait3A_221 = tpu.memref_slice %arg9[%mul3A_2, %dma_wait3A_220] : memref<10240x128xf32, #tpu.memory_space<vmem_shared>> -> memref<640x128xf32, #tpu.memory_space<vmem_shared>>
      tpu.wait_dma2 semaphore(%run_scoped3A_212 : memref<!tpu.dma_semaphore, #tpu.memory_space<semaphore_mem>>) src(%dma_wait3A_221 : memref<640x128xf32, #tpu.memory_space<vmem_shared>>) dst(%dma_wait3A_219 : memref<640x128xf32, #tpu.memory_space<hbm>>)
      tpu.yield
    }) : () -> ()
    %barrier3A_211 = arith.constant 0 : index
    tpu.barrier barrier_id(%barrier3A_211)
    return
  }
}

#map = affine_map<(d0, d1) -> (0, 0)>
#map1 = affine_map<(d0, d1) -> (0, 0, 0, 0)>
module attributes {stable_mosaic.version = 14 : i64} {
  func.func @body(%arg0: i32, %arg1: i32, %arg2: memref<10000x128xf32, #tpu.memory_space<hbm>>, %arg3: memref<10000x128xf32, #tpu.memory_space<hbm>>, %arg4: memref<2560x64xi32, #tpu.memory_space<hbm>>, %arg5: memref<2560x64xi32, #tpu.memory_space<hbm>>, %arg6: memref<2x2x10240x128xf32, #tpu.memory_space<hbm>>, %arg7: memref<32x10240xf32, #tpu.memory_space<hbm>>, %arg8: memref<10240x128xf32, #tpu.memory_space<vmem_shared>>, %arg9: memref<80x64xi32, #tpu.memory_space<vmem>>, %arg10: memref<80x64xi32, #tpu.memory_space<vmem>>, %arg11: memref<64x128xf32, #tpu.memory_space<vmem>>, %arg12: memref<64x128xf32, #tpu.memory_space<vmem>>, %arg13: memref<!tpu.dma_semaphore, #tpu.memory_space<semaphore_mem>>, %arg14: memref<!tpu.dma_semaphore, #tpu.memory_space<semaphore_mem>>, %arg15: memref<!tpu.dma_semaphore, #tpu.memory_space<semaphore_mem>>, %arg16: memref<!tpu.dma_semaphore, #tpu.memory_space<semaphore_mem>>, %arg17: memref<10240xf32, #tpu.memory_space<vmem>>) attributes {dimension_semantics = [#tpu.dimension_semantics<core_parallel>, #tpu.dimension_semantics<subcore_parallel>], iteration_bounds = array<i64: 2, 16>, scalar_prefetch = 0 : i64, scratch_operands = 10 : i64, tpu.core_type = #tpu.core_type<sc_vector_subcore>, window_params = [{transform_indices = #map}, {transform_indices = #map}, {transform_indices = #map}, {transform_indices = #map}, {transform_indices = #map1}, {transform_indices = #map}]} {
    %mul3A = arith.constant 16 : i32
    %mul3A_0 = arith.muli %arg0, %mul3A : i32
    %add3A = arith.addi %mul3A_0, %arg1 : i32
    %mul3A_1 = arith.constant 640 : i32
    %mul3A_2 = arith.muli %arg1, %mul3A_1 : i32
    %broadcast_in_dim3A = arith.constant 0.000000e+00 : f32
    %broadcast_in_dim3A_3 = vector.broadcast %broadcast_in_dim3A : f32 to vector<16xf32>
    %broadcast_in_dim3A_4 = arith.constant 1.000000e+00 : f32
    %broadcast_in_dim3A_5 = vector.broadcast %broadcast_in_dim3A_4 : f32 to vector<16xf32>
    %scan3A = arith.constant 0 : i32
    %scan3A_6 = arith.constant 0 : i32
    %scan3A_7 = arith.constant 640 : i32
    %scan3A_8 = arith.addi %scan3A_6, %scan3A_7 : i32
    %scan3A_9 = arith.constant 1 : i32
    %scan3A_10 = scf.for %scan3A_117 = %scan3A_6 to %scan3A_8 step %scan3A_9 iter_args(%scan3A_118 = %scan3A) -> (i32)  : i32 {
      %mul3A_119 = arith.constant 16 : i32
      %mul3A_120 = arith.muli %scan3A_117, %mul3A_119 : i32
      %swap3A = arith.index_cast %mul3A_120 : i32 to index
      %swap3A_121 = tpu.vector_load %arg17[%swap3A] {strides = array<i32>} : memref<10240xf32, #tpu.memory_space<vmem>>, vector<16xf32>,
      tpu.vector_store %arg17[%swap3A], %broadcast_in_dim3A_3 {strides = array<i32>} : memref<10240xf32, #tpu.memory_space<vmem>>, vector<16xf32>,
      %scan3A_122 = arith.constant 0 : i32
      scf.yield %scan3A_122 : i32
    }
    %scan3A_11 = arith.constant 640 : i32
    %mul3A_12 = arith.constant 80 : i32
    %mul3A_13 = arith.muli %add3A, %mul3A_12 : i32
    "tpu.region"() ({
      %run_scoped3A_117 = tpu.sem_alloc : memref<!tpu.dma_semaphore, #tpu.memory_space<semaphore_mem>>
      %dma_start3A = arith.constant 0 : i32
      %dma_start3A_118 = tpu.memref_slice %arg4[%mul3A_13, %dma_start3A] : memref<2560x64xi32, #tpu.memory_space<hbm>> -> memref<80x64xi32, #tpu.memory_space<hbm>>
      %dma_start3A_119 = arith.constant 0 : i32
      %dma_start3A_120 = tpu.memref_slice %arg4[%mul3A_13, %dma_start3A_119] : memref<2560x64xi32, #tpu.memory_space<hbm>> -> memref<80x64xi32, #tpu.memory_space<hbm>>
      tpu.enqueue_dma source(%dma_start3A_120 : memref<80x64xi32, #tpu.memory_space<hbm>>) target(%arg9 : memref<80x64xi32, #tpu.memory_space<vmem>>) target_semaphore(%run_scoped3A_117 : memref<!tpu.dma_semaphore, #tpu.memory_space<semaphore_mem>>)
      %dma_wait3A_121 = arith.constant 0 : i32
      %dma_wait3A_122 = tpu.memref_slice %arg4[%mul3A_13, %dma_wait3A_121] : memref<2560x64xi32, #tpu.memory_space<hbm>> -> memref<80x64xi32, #tpu.memory_space<hbm>>
      %dma_wait3A_123 = arith.constant 0 : i32
      %dma_wait3A_124 = tpu.memref_slice %arg4[%mul3A_13, %dma_wait3A_123] : memref<2560x64xi32, #tpu.memory_space<hbm>> -> memref<80x64xi32, #tpu.memory_space<hbm>>
      tpu.wait_dma2 semaphore(%run_scoped3A_117 : memref<!tpu.dma_semaphore, #tpu.memory_space<semaphore_mem>>) src(%dma_wait3A_124 : memref<80x64xi32, #tpu.memory_space<hbm>>) dst(%arg9 : memref<80x64xi32, #tpu.memory_space<vmem>>)
      tpu.yield
    }) : () -> ()
    %mul3A_14 = arith.constant 80 : i32
    %mul3A_15 = arith.muli %add3A, %mul3A_14 : i32
    "tpu.region"() ({
      %run_scoped3A_117 = tpu.sem_alloc : memref<!tpu.dma_semaphore, #tpu.memory_space<semaphore_mem>>
      %dma_start3A = arith.constant 0 : i32
      %dma_start3A_118 = tpu.memref_slice %arg5[%mul3A_15, %dma_start3A] : memref<2560x64xi32, #tpu.memory_space<hbm>> -> memref<80x64xi32, #tpu.memory_space<hbm>>
      %dma_start3A_119 = arith.constant 0 : i32
      %dma_start3A_120 = tpu.memref_slice %arg5[%mul3A_15, %dma_start3A_119] : memref<2560x64xi32, #tpu.memory_space<hbm>> -> memref<80x64xi32, #tpu.memory_space<hbm>>
      tpu.enqueue_dma source(%dma_start3A_120 : memref<80x64xi32, #tpu.memory_space<hbm>>) target(%arg10 : memref<80x64xi32, #tpu.memory_space<vmem>>) target_semaphore(%run_scoped3A_117 : memref<!tpu.dma_semaphore, #tpu.memory_space<semaphore_mem>>)
      %dma_wait3A_121 = arith.constant 0 : i32
      %dma_wait3A_122 = tpu.memref_slice %arg5[%mul3A_15, %dma_wait3A_121] : memref<2560x64xi32, #tpu.memory_space<hbm>> -> memref<80x64xi32, #tpu.memory_space<hbm>>
      %dma_wait3A_123 = arith.constant 0 : i32
      %dma_wait3A_124 = tpu.memref_slice %arg5[%mul3A_15, %dma_wait3A_123] : memref<2560x64xi32, #tpu.memory_space<hbm>> -> memref<80x64xi32, #tpu.memory_space<hbm>>
      tpu.wait_dma2 semaphore(%run_scoped3A_117 : memref<!tpu.dma_semaphore, #tpu.memory_space<semaphore_mem>>) src(%dma_wait3A_124 : memref<80x64xi32, #tpu.memory_space<hbm>>) dst(%arg10 : memref<80x64xi32, #tpu.memory_space<vmem>>)
      tpu.yield
    }) : () -> ()
    %scan3A_16 = arith.constant 0 : i32
    %scan3A_17 = arith.constant 0 : i32
    %scan3A_18 = arith.constant 64 : i32
    %scan3A_19 = arith.addi %scan3A_17, %scan3A_18 : i32
    %scan3A_20 = arith.constant 1 : i32
    %scan3A_21 = scf.for %scan3A_117 = %scan3A_17 to %scan3A_19 step %scan3A_20 iter_args(%scan3A_118 = %scan3A_16) -> (i32)  : i32 {
      %swap3A = arith.index_cast %scan3A_117 : i32 to index
      %swap3A_119 = arith.constant 0 : index
      %swap3A_120 = tpu.vector_load %arg11[%swap3A, %swap3A_119] {strides = array<i32>} : memref<64x128xf32, #tpu.memory_space<vmem>>, vector<16xf32>,
      tpu.vector_store %arg11[%swap3A, %swap3A_119], %broadcast_in_dim3A_3 {strides = array<i32>} : memref<64x128xf32, #tpu.memory_space<vmem>>, vector<16xf32>,
      %swap3A_121 = arith.index_cast %scan3A_117 : i32 to index
      %swap3A_122 = arith.constant 16 : index
      %swap3A_123 = tpu.vector_load %arg11[%swap3A_121, %swap3A_122] {strides = array<i32>} : memref<64x128xf32, #tpu.memory_space<vmem>>, vector<16xf32>,
      tpu.vector_store %arg11[%swap3A_121, %swap3A_122], %broadcast_in_dim3A_3 {strides = array<i32>} : memref<64x128xf32, #tpu.memory_space<vmem>>, vector<16xf32>,
      %swap3A_124 = arith.index_cast %scan3A_117 : i32 to index
      %swap3A_125 = arith.constant 32 : index
      %swap3A_126 = tpu.vector_load %arg11[%swap3A_124, %swap3A_125] {strides = array<i32>} : memref<64x128xf32, #tpu.memory_space<vmem>>, vector<16xf32>,
      tpu.vector_store %arg11[%swap3A_124, %swap3A_125], %broadcast_in_dim3A_3 {strides = array<i32>} : memref<64x128xf32, #tpu.memory_space<vmem>>, vector<16xf32>,
      %swap3A_127 = arith.index_cast %scan3A_117 : i32 to index
      %swap3A_128 = arith.constant 48 : index
      %swap3A_129 = tpu.vector_load %arg11[%swap3A_127, %swap3A_128] {strides = array<i32>} : memref<64x128xf32, #tpu.memory_space<vmem>>, vector<16xf32>,
      tpu.vector_store %arg11[%swap3A_127, %swap3A_128], %broadcast_in_dim3A_3 {strides = array<i32>} : memref<64x128xf32, #tpu.memory_space<vmem>>, vector<16xf32>,
      %swap3A_130 = arith.index_cast %scan3A_117 : i32 to index
      %swap3A_131 = arith.constant 64 : index
      %swap3A_132 = tpu.vector_load %arg11[%swap3A_130, %swap3A_131] {strides = array<i32>} : memref<64x128xf32, #tpu.memory_space<vmem>>, vector<16xf32>,
      tpu.vector_store %arg11[%swap3A_130, %swap3A_131], %broadcast_in_dim3A_3 {strides = array<i32>} : memref<64x128xf32, #tpu.memory_space<vmem>>, vector<16xf32>,
      %swap3A_133 = arith.index_cast %scan3A_117 : i32 to index
      %swap3A_134 = arith.constant 80 : index
      %swap3A_135 = tpu.vector_load %arg11[%swap3A_133, %swap3A_134] {strides = array<i32>} : memref<64x128xf32, #tpu.memory_space<vmem>>, vector<16xf32>,
      tpu.vector_store %arg11[%swap3A_133, %swap3A_134], %broadcast_in_dim3A_3 {strides = array<i32>} : memref<64x128xf32, #tpu.memory_space<vmem>>, vector<16xf32>,
      %swap3A_136 = arith.index_cast %scan3A_117 : i32 to index
      %swap3A_137 = arith.constant 96 : index
      %swap3A_138 = tpu.vector_load %arg11[%swap3A_136, %swap3A_137] {strides = array<i32>} : memref<64x128xf32, #tpu.memory_space<vmem>>, vector<16xf32>,
      tpu.vector_store %arg11[%swap3A_136, %swap3A_137], %broadcast_in_dim3A_3 {strides = array<i32>} : memref<64x128xf32, #tpu.memory_space<vmem>>, vector<16xf32>,
      %swap3A_139 = arith.index_cast %scan3A_117 : i32 to index
      %swap3A_140 = arith.constant 112 : index
      %swap3A_141 = tpu.vector_load %arg11[%swap3A_139, %swap3A_140] {strides = array<i32>} : memref<64x128xf32, #tpu.memory_space<vmem>>, vector<16xf32>,
      tpu.vector_store %arg11[%swap3A_139, %swap3A_140], %broadcast_in_dim3A_3 {strides = array<i32>} : memref<64x128xf32, #tpu.memory_space<vmem>>, vector<16xf32>,
      %scan3A_142 = arith.constant 0 : i32
      scf.yield %scan3A_142 : i32
    }
    %scan3A_22 = arith.constant 64 : i32
    %add3A_23 = arith.constant 0 : i32
    %add3A_24 = arith.addi %mul3A_2, %add3A_23 : i32
    "tpu.region"() ({
      %run_scoped3A_117 = tpu.sem_alloc : memref<!tpu.dma_semaphore, #tpu.memory_space<semaphore_mem>>
      %dma_start3A = arith.constant 0 : i32
      %dma_start3A_118 = tpu.memref_slice %arg8[%add3A_24, %dma_start3A] : memref<10240x128xf32, #tpu.memory_space<vmem_shared>> -> memref<64x128xf32, #tpu.memory_space<vmem_shared>>
      %dma_start3A_119 = arith.constant 0 : i32
      %dma_start3A_120 = tpu.memref_slice %arg8[%add3A_24, %dma_start3A_119] : memref<10240x128xf32, #tpu.memory_space<vmem_shared>> -> memref<64x128xf32, #tpu.memory_space<vmem_shared>>
      tpu.enqueue_dma source(%arg11 : memref<64x128xf32, #tpu.memory_space<vmem>>) target(%dma_start3A_120 : memref<64x128xf32, #tpu.memory_space<vmem_shared>>) target_semaphore(%run_scoped3A_117 : memref<!tpu.dma_semaphore, #tpu.memory_space<semaphore_mem>>)
      %dma_wait3A_121 = arith.constant 0 : i32
      %dma_wait3A_122 = tpu.memref_slice %arg8[%add3A_24, %dma_wait3A_121] : memref<10240x128xf32, #tpu.memory_space<vmem_shared>> -> memref<64x128xf32, #tpu.memory_space<vmem_shared>>
      %dma_wait3A_123 = arith.constant 0 : i32
      %dma_wait3A_124 = tpu.memref_slice %arg8[%add3A_24, %dma_wait3A_123] : memref<10240x128xf32, #tpu.memory_space<vmem_shared>> -> memref<64x128xf32, #tpu.memory_space<vmem_shared>>
      tpu.wait_dma2 semaphore(%run_scoped3A_117 : memref<!tpu.dma_semaphore, #tpu.memory_space<semaphore_mem>>) src(%arg11 : memref<64x128xf32, #tpu.memory_space<vmem>>) dst(%dma_wait3A_124 : memref<64x128xf32, #tpu.memory_space<vmem_shared>>)
      tpu.yield
    }) : () -> ()
    %add3A_25 = arith.constant 64 : i32
    %add3A_26 = arith.addi %mul3A_2, %add3A_25 : i32
    "tpu.region"() ({
      %run_scoped3A_117 = tpu.sem_alloc : memref<!tpu.dma_semaphore, #tpu.memory_space<semaphore_mem>>
      %dma_start3A = arith.constant 0 : i32
      %dma_start3A_118 = tpu.memref_slice %arg8[%add3A_26, %dma_start3A] : memref<10240x128xf32, #tpu.memory_space<vmem_shared>> -> memref<64x128xf32, #tpu.memory_space<vmem_shared>>
      %dma_start3A_119 = arith.constant 0 : i32
      %dma_start3A_120 = tpu.memref_slice %arg8[%add3A_26, %dma_start3A_119] : memref<10240x128xf32, #tpu.memory_space<vmem_shared>> -> memref<64x128xf32, #tpu.memory_space<vmem_shared>>
      tpu.enqueue_dma source(%arg11 : memref<64x128xf32, #tpu.memory_space<vmem>>) target(%dma_start3A_120 : memref<64x128xf32, #tpu.memory_space<vmem_shared>>) target_semaphore(%run_scoped3A_117 : memref<!tpu.dma_semaphore, #tpu.memory_space<semaphore_mem>>)
      %dma_wait3A_121 = arith.constant 0 : i32
      %dma_wait3A_122 = tpu.memref_slice %arg8[%add3A_26, %dma_wait3A_121] : memref<10240x128xf32, #tpu.memory_space<vmem_shared>> -> memref<64x128xf32, #tpu.memory_space<vmem_shared>>
      %dma_wait3A_123 = arith.constant 0 : i32
      %dma_wait3A_124 = tpu.memref_slice %arg8[%add3A_26, %dma_wait3A_123] : memref<10240x128xf32, #tpu.memory_space<vmem_shared>> -> memref<64x128xf32, #tpu.memory_space<vmem_shared>>
      tpu.wait_dma2 semaphore(%run_scoped3A_117 : memref<!tpu.dma_semaphore, #tpu.memory_space<semaphore_mem>>) src(%arg11 : memref<64x128xf32, #tpu.memory_space<vmem>>) dst(%dma_wait3A_124 : memref<64x128xf32, #tpu.memory_space<vmem_shared>>)
      tpu.yield
    }) : () -> ()
    %add3A_27 = arith.constant 128 : i32
    %add3A_28 = arith.addi %mul3A_2, %add3A_27 : i32
    "tpu.region"() ({
      %run_scoped3A_117 = tpu.sem_alloc : memref<!tpu.dma_semaphore, #tpu.memory_space<semaphore_mem>>
      %dma_start3A = arith.constant 0 : i32
      %dma_start3A_118 = tpu.memref_slice %arg8[%add3A_28, %dma_start3A] : memref<10240x128xf32, #tpu.memory_space<vmem_shared>> -> memref<64x128xf32, #tpu.memory_space<vmem_shared>>
      %dma_start3A_119 = arith.constant 0 : i32
      %dma_start3A_120 = tpu.memref_slice %arg8[%add3A_28, %dma_start3A_119] : memref<10240x128xf32, #tpu.memory_space<vmem_shared>> -> memref<64x128xf32, #tpu.memory_space<vmem_shared>>
      tpu.enqueue_dma source(%arg11 : memref<64x128xf32, #tpu.memory_space<vmem>>) target(%dma_start3A_120 : memref<64x128xf32, #tpu.memory_space<vmem_shared>>) target_semaphore(%run_scoped3A_117 : memref<!tpu.dma_semaphore, #tpu.memory_space<semaphore_mem>>)
      %dma_wait3A_121 = arith.constant 0 : i32
      %dma_wait3A_122 = tpu.memref_slice %arg8[%add3A_28, %dma_wait3A_121] : memref<10240x128xf32, #tpu.memory_space<vmem_shared>> -> memref<64x128xf32, #tpu.memory_space<vmem_shared>>
      %dma_wait3A_123 = arith.constant 0 : i32
      %dma_wait3A_124 = tpu.memref_slice %arg8[%add3A_28, %dma_wait3A_123] : memref<10240x128xf32, #tpu.memory_space<vmem_shared>> -> memref<64x128xf32, #tpu.memory_space<vmem_shared>>
      tpu.wait_dma2 semaphore(%run_scoped3A_117 : memref<!tpu.dma_semaphore, #tpu.memory_space<semaphore_mem>>) src(%arg11 : memref<64x128xf32, #tpu.memory_space<vmem>>) dst(%dma_wait3A_124 : memref<64x128xf32, #tpu.memory_space<vmem_shared>>)
      tpu.yield
    }) : () -> ()
    %add3A_29 = arith.constant 192 : i32
    %add3A_30 = arith.addi %mul3A_2, %add3A_29 : i32
    "tpu.region"() ({
      %run_scoped3A_117 = tpu.sem_alloc : memref<!tpu.dma_semaphore, #tpu.memory_space<semaphore_mem>>
      %dma_start3A = arith.constant 0 : i32
      %dma_start3A_118 = tpu.memref_slice %arg8[%add3A_30, %dma_start3A] : memref<10240x128xf32, #tpu.memory_space<vmem_shared>> -> memref<64x128xf32, #tpu.memory_space<vmem_shared>>
      %dma_start3A_119 = arith.constant 0 : i32
      %dma_start3A_120 = tpu.memref_slice %arg8[%add3A_30, %dma_start3A_119] : memref<10240x128xf32, #tpu.memory_space<vmem_shared>> -> memref<64x128xf32, #tpu.memory_space<vmem_shared>>
      tpu.enqueue_dma source(%arg11 : memref<64x128xf32, #tpu.memory_space<vmem>>) target(%dma_start3A_120 : memref<64x128xf32, #tpu.memory_space<vmem_shared>>) target_semaphore(%run_scoped3A_117 : memref<!tpu.dma_semaphore, #tpu.memory_space<semaphore_mem>>)
      %dma_wait3A_121 = arith.constant 0 : i32
      %dma_wait3A_122 = tpu.memref_slice %arg8[%add3A_30, %dma_wait3A_121] : memref<10240x128xf32, #tpu.memory_space<vmem_shared>> -> memref<64x128xf32, #tpu.memory_space<vmem_shared>>
      %dma_wait3A_123 = arith.constant 0 : i32
      %dma_wait3A_124 = tpu.memref_slice %arg8[%add3A_30, %dma_wait3A_123] : memref<10240x128xf32, #tpu.memory_space<vmem_shared>> -> memref<64x128xf32, #tpu.memory_space<vmem_shared>>
      tpu.wait_dma2 semaphore(%run_scoped3A_117 : memref<!tpu.dma_semaphore, #tpu.memory_space<semaphore_mem>>) src(%arg11 : memref<64x128xf32, #tpu.memory_space<vmem>>) dst(%dma_wait3A_124 : memref<64x128xf32, #tpu.memory_space<vmem_shared>>)
      tpu.yield
    }) : () -> ()
    %add3A_31 = arith.constant 256 : i32
    %add3A_32 = arith.addi %mul3A_2, %add3A_31 : i32
    "tpu.region"() ({
      %run_scoped3A_117 = tpu.sem_alloc : memref<!tpu.dma_semaphore, #tpu.memory_space<semaphore_mem>>
      %dma_start3A = arith.constant 0 : i32
      %dma_start3A_118 = tpu.memref_slice %arg8[%add3A_32, %dma_start3A] : memref<10240x128xf32, #tpu.memory_space<vmem_shared>> -> memref<64x128xf32, #tpu.memory_space<vmem_shared>>
      %dma_start3A_119 = arith.constant 0 : i32
      %dma_start3A_120 = tpu.memref_slice %arg8[%add3A_32, %dma_start3A_119] : memref<10240x128xf32, #tpu.memory_space<vmem_shared>> -> memref<64x128xf32, #tpu.memory_space<vmem_shared>>
      tpu.enqueue_dma source(%arg11 : memref<64x128xf32, #tpu.memory_space<vmem>>) target(%dma_start3A_120 : memref<64x128xf32, #tpu.memory_space<vmem_shared>>) target_semaphore(%run_scoped3A_117 : memref<!tpu.dma_semaphore, #tpu.memory_space<semaphore_mem>>)
      %dma_wait3A_121 = arith.constant 0 : i32
      %dma_wait3A_122 = tpu.memref_slice %arg8[%add3A_32, %dma_wait3A_121] : memref<10240x128xf32, #tpu.memory_space<vmem_shared>> -> memref<64x128xf32, #tpu.memory_space<vmem_shared>>
      %dma_wait3A_123 = arith.constant 0 : i32
      %dma_wait3A_124 = tpu.memref_slice %arg8[%add3A_32, %dma_wait3A_123] : memref<10240x128xf32, #tpu.memory_space<vmem_shared>> -> memref<64x128xf32, #tpu.memory_space<vmem_shared>>
      tpu.wait_dma2 semaphore(%run_scoped3A_117 : memref<!tpu.dma_semaphore, #tpu.memory_space<semaphore_mem>>) src(%arg11 : memref<64x128xf32, #tpu.memory_space<vmem>>) dst(%dma_wait3A_124 : memref<64x128xf32, #tpu.memory_space<vmem_shared>>)
      tpu.yield
    }) : () -> ()
    %add3A_33 = arith.constant 320 : i32
    %add3A_34 = arith.addi %mul3A_2, %add3A_33 : i32
    "tpu.region"() ({
      %run_scoped3A_117 = tpu.sem_alloc : memref<!tpu.dma_semaphore, #tpu.memory_space<semaphore_mem>>
      %dma_start3A = arith.constant 0 : i32
      %dma_start3A_118 = tpu.memref_slice %arg8[%add3A_34, %dma_start3A] : memref<10240x128xf32, #tpu.memory_space<vmem_shared>> -> memref<64x128xf32, #tpu.memory_space<vmem_shared>>
      %dma_start3A_119 = arith.constant 0 : i32
      %dma_start3A_120 = tpu.memref_slice %arg8[%add3A_34, %dma_start3A_119] : memref<10240x128xf32, #tpu.memory_space<vmem_shared>> -> memref<64x128xf32, #tpu.memory_space<vmem_shared>>
      tpu.enqueue_dma source(%arg11 : memref<64x128xf32, #tpu.memory_space<vmem>>) target(%dma_start3A_120 : memref<64x128xf32, #tpu.memory_space<vmem_shared>>) target_semaphore(%run_scoped3A_117 : memref<!tpu.dma_semaphore, #tpu.memory_space<semaphore_mem>>)
      %dma_wait3A_121 = arith.constant 0 : i32
      %dma_wait3A_122 = tpu.memref_slice %arg8[%add3A_34, %dma_wait3A_121] : memref<10240x128xf32, #tpu.memory_space<vmem_shared>> -> memref<64x128xf32, #tpu.memory_space<vmem_shared>>
      %dma_wait3A_123 = arith.constant 0 : i32
      %dma_wait3A_124 = tpu.memref_slice %arg8[%add3A_34, %dma_wait3A_123] : memref<10240x128xf32, #tpu.memory_space<vmem_shared>> -> memref<64x128xf32, #tpu.memory_space<vmem_shared>>
      tpu.wait_dma2 semaphore(%run_scoped3A_117 : memref<!tpu.dma_semaphore, #tpu.memory_space<semaphore_mem>>) src(%arg11 : memref<64x128xf32, #tpu.memory_space<vmem>>) dst(%dma_wait3A_124 : memref<64x128xf32, #tpu.memory_space<vmem_shared>>)
      tpu.yield
    }) : () -> ()
    %add3A_35 = arith.constant 384 : i32
    %add3A_36 = arith.addi %mul3A_2, %add3A_35 : i32
    "tpu.region"() ({
      %run_scoped3A_117 = tpu.sem_alloc : memref<!tpu.dma_semaphore, #tpu.memory_space<semaphore_mem>>
      %dma_start3A = arith.constant 0 : i32
      %dma_start3A_118 = tpu.memref_slice %arg8[%add3A_36, %dma_start3A] : memref<10240x128xf32, #tpu.memory_space<vmem_shared>> -> memref<64x128xf32, #tpu.memory_space<vmem_shared>>
      %dma_start3A_119 = arith.constant 0 : i32
      %dma_start3A_120 = tpu.memref_slice %arg8[%add3A_36, %dma_start3A_119] : memref<10240x128xf32, #tpu.memory_space<vmem_shared>> -> memref<64x128xf32, #tpu.memory_space<vmem_shared>>
      tpu.enqueue_dma source(%arg11 : memref<64x128xf32, #tpu.memory_space<vmem>>) target(%dma_start3A_120 : memref<64x128xf32, #tpu.memory_space<vmem_shared>>) target_semaphore(%run_scoped3A_117 : memref<!tpu.dma_semaphore, #tpu.memory_space<semaphore_mem>>)
      %dma_wait3A_121 = arith.constant 0 : i32
      %dma_wait3A_122 = tpu.memref_slice %arg8[%add3A_36, %dma_wait3A_121] : memref<10240x128xf32, #tpu.memory_space<vmem_shared>> -> memref<64x128xf32, #tpu.memory_space<vmem_shared>>
      %dma_wait3A_123 = arith.constant 0 : i32
      %dma_wait3A_124 = tpu.memref_slice %arg8[%add3A_36, %dma_wait3A_123] : memref<10240x128xf32, #tpu.memory_space<vmem_shared>> -> memref<64x128xf32, #tpu.memory_space<vmem_shared>>
      tpu.wait_dma2 semaphore(%run_scoped3A_117 : memref<!tpu.dma_semaphore, #tpu.memory_space<semaphore_mem>>) src(%arg11 : memref<64x128xf32, #tpu.memory_space<vmem>>) dst(%dma_wait3A_124 : memref<64x128xf32, #tpu.memory_space<vmem_shared>>)
      tpu.yield
    }) : () -> ()
    %add3A_37 = arith.constant 448 : i32
    %add3A_38 = arith.addi %mul3A_2, %add3A_37 : i32
    "tpu.region"() ({
      %run_scoped3A_117 = tpu.sem_alloc : memref<!tpu.dma_semaphore, #tpu.memory_space<semaphore_mem>>
      %dma_start3A = arith.constant 0 : i32
      %dma_start3A_118 = tpu.memref_slice %arg8[%add3A_38, %dma_start3A] : memref<10240x128xf32, #tpu.memory_space<vmem_shared>> -> memref<64x128xf32, #tpu.memory_space<vmem_shared>>
      %dma_start3A_119 = arith.constant 0 : i32
      %dma_start3A_120 = tpu.memref_slice %arg8[%add3A_38, %dma_start3A_119] : memref<10240x128xf32, #tpu.memory_space<vmem_shared>> -> memref<64x128xf32, #tpu.memory_space<vmem_shared>>
      tpu.enqueue_dma source(%arg11 : memref<64x128xf32, #tpu.memory_space<vmem>>) target(%dma_start3A_120 : memref<64x128xf32, #tpu.memory_space<vmem_shared>>) target_semaphore(%run_scoped3A_117 : memref<!tpu.dma_semaphore, #tpu.memory_space<semaphore_mem>>)
      %dma_wait3A_121 = arith.constant 0 : i32
      %dma_wait3A_122 = tpu.memref_slice %arg8[%add3A_38, %dma_wait3A_121] : memref<10240x128xf32, #tpu.memory_space<vmem_shared>> -> memref<64x128xf32, #tpu.memory_space<vmem_shared>>
      %dma_wait3A_123 = arith.constant 0 : i32
      %dma_wait3A_124 = tpu.memref_slice %arg8[%add3A_38, %dma_wait3A_123] : memref<10240x128xf32, #tpu.memory_space<vmem_shared>> -> memref<64x128xf32, #tpu.memory_space<vmem_shared>>
      tpu.wait_dma2 semaphore(%run_scoped3A_117 : memref<!tpu.dma_semaphore, #tpu.memory_space<semaphore_mem>>) src(%arg11 : memref<64x128xf32, #tpu.memory_space<vmem>>) dst(%dma_wait3A_124 : memref<64x128xf32, #tpu.memory_space<vmem_shared>>)
      tpu.yield
    }) : () -> ()
    %add3A_39 = arith.constant 512 : i32
    %add3A_40 = arith.addi %mul3A_2, %add3A_39 : i32
    "tpu.region"() ({
      %run_scoped3A_117 = tpu.sem_alloc : memref<!tpu.dma_semaphore, #tpu.memory_space<semaphore_mem>>
      %dma_start3A = arith.constant 0 : i32
      %dma_start3A_118 = tpu.memref_slice %arg8[%add3A_40, %dma_start3A] : memref<10240x128xf32, #tpu.memory_space<vmem_shared>> -> memref<64x128xf32, #tpu.memory_space<vmem_shared>>
      %dma_start3A_119 = arith.constant 0 : i32
      %dma_start3A_120 = tpu.memref_slice %arg8[%add3A_40, %dma_start3A_119] : memref<10240x128xf32, #tpu.memory_space<vmem_shared>> -> memref<64x128xf32, #tpu.memory_space<vmem_shared>>
      tpu.enqueue_dma source(%arg11 : memref<64x128xf32, #tpu.memory_space<vmem>>) target(%dma_start3A_120 : memref<64x128xf32, #tpu.memory_space<vmem_shared>>) target_semaphore(%run_scoped3A_117 : memref<!tpu.dma_semaphore, #tpu.memory_space<semaphore_mem>>)
      %dma_wait3A_121 = arith.constant 0 : i32
      %dma_wait3A_122 = tpu.memref_slice %arg8[%add3A_40, %dma_wait3A_121] : memref<10240x128xf32, #tpu.memory_space<vmem_shared>> -> memref<64x128xf32, #tpu.memory_space<vmem_shared>>
      %dma_wait3A_123 = arith.constant 0 : i32
      %dma_wait3A_124 = tpu.memref_slice %arg8[%add3A_40, %dma_wait3A_123] : memref<10240x128xf32, #tpu.memory_space<vmem_shared>> -> memref<64x128xf32, #tpu.memory_space<vmem_shared>>
      tpu.wait_dma2 semaphore(%run_scoped3A_117 : memref<!tpu.dma_semaphore, #tpu.memory_space<semaphore_mem>>) src(%arg11 : memref<64x128xf32, #tpu.memory_space<vmem>>) dst(%dma_wait3A_124 : memref<64x128xf32, #tpu.memory_space<vmem_shared>>)
      tpu.yield
    }) : () -> ()
    %add3A_41 = arith.constant 576 : i32
    %add3A_42 = arith.addi %mul3A_2, %add3A_41 : i32
    "tpu.region"() ({
      %run_scoped3A_117 = tpu.sem_alloc : memref<!tpu.dma_semaphore, #tpu.memory_space<semaphore_mem>>
      %dma_start3A = arith.constant 0 : i32
      %dma_start3A_118 = tpu.memref_slice %arg8[%add3A_42, %dma_start3A] : memref<10240x128xf32, #tpu.memory_space<vmem_shared>> -> memref<64x128xf32, #tpu.memory_space<vmem_shared>>
      %dma_start3A_119 = arith.constant 0 : i32
      %dma_start3A_120 = tpu.memref_slice %arg8[%add3A_42, %dma_start3A_119] : memref<10240x128xf32, #tpu.memory_space<vmem_shared>> -> memref<64x128xf32, #tpu.memory_space<vmem_shared>>
      tpu.enqueue_dma source(%arg11 : memref<64x128xf32, #tpu.memory_space<vmem>>) target(%dma_start3A_120 : memref<64x128xf32, #tpu.memory_space<vmem_shared>>) target_semaphore(%run_scoped3A_117 : memref<!tpu.dma_semaphore, #tpu.memory_space<semaphore_mem>>)
      %dma_wait3A_121 = arith.constant 0 : i32
      %dma_wait3A_122 = tpu.memref_slice %arg8[%add3A_42, %dma_wait3A_121] : memref<10240x128xf32, #tpu.memory_space<vmem_shared>> -> memref<64x128xf32, #tpu.memory_space<vmem_shared>>
      %dma_wait3A_123 = arith.constant 0 : i32
      %dma_wait3A_124 = tpu.memref_slice %arg8[%add3A_42, %dma_wait3A_123] : memref<10240x128xf32, #tpu.memory_space<vmem_shared>> -> memref<64x128xf32, #tpu.memory_space<vmem_shared>>
      tpu.wait_dma2 semaphore(%run_scoped3A_117 : memref<!tpu.dma_semaphore, #tpu.memory_space<semaphore_mem>>) src(%arg11 : memref<64x128xf32, #tpu.memory_space<vmem>>) dst(%dma_wait3A_124 : memref<64x128xf32, #tpu.memory_space<vmem_shared>>)
      tpu.yield
    }) : () -> ()
    %barrier3A = arith.constant 0 : index
    tpu.barrier barrier_id(%barrier3A)
    %scan3A_43 = arith.constant 0 : i32
    %scan3A_44 = arith.constant 0 : i32
    %scan3A_45 = arith.constant 40 : i32
    %scan3A_46 = arith.addi %scan3A_44, %scan3A_45 : i32
    %scan3A_47 = arith.constant 1 : i32
    %scan3A_48 = scf.for %scan3A_117 = %scan3A_44 to %scan3A_46 step %scan3A_47 iter_args(%scan3A_118 = %scan3A_43) -> (i32)  : i32 {
      %mul3A_119 = arith.constant 2 : i32
      %mul3A_120 = arith.muli %mul3A_119, %scan3A_117 : i32
      %add3A_121 = arith.constant 0 : i32
      %add3A_122 = arith.addi %mul3A_120, %add3A_121 : i32
      %gt3A = arith.constant 0 : i32
      %gt3A_123 = arith.cmpi sgt, %scan3A_117, %gt3A : i32
      %convert_element_type3A = arith.extui %gt3A_123 : i1 to i32
      %cond3A = arith.constant 0 : i32
      %cond3A_124 = arith.cmpi ne, %convert_element_type3A, %cond3A : i32
      scf.if %cond3A_124 {
        %sub3A = arith.constant 2 : i32
        %sub3A_193 = arith.subi %add3A_122, %sub3A : i32
        %dma_wait3A_194 = arith.constant 0 : i32
        %dma_wait3A_195 = tpu.memref_slice %arg10[%sub3A_193, %dma_wait3A_194] : memref<80x64xi32, #tpu.memory_space<vmem>> -> memref<1x64xi32, #tpu.memory_space<vmem>>
        %dma_wait3A_196 = tpu.memref_squeeze %dma_wait3A_195 : memref<1x64xi32, #tpu.memory_space<vmem>> -> memref<64xi32, #tpu.memory_space<vmem>>
        %dma_wait3A_197 = arith.constant 0 : i32
        %dma_wait3A_198 = arith.constant 0 : i32
        %dma_wait3A_199 = tpu.memref_slice %arg8[%dma_wait3A_197, %dma_wait3A_198] : memref<10240x128xf32, #tpu.memory_space<vmem_shared>> -> memref<10240x128xf32, #tpu.memory_space<vmem_shared>>
        tpu.wait_indirect_dma semaphore(%arg15 : memref<!tpu.dma_semaphore, #tpu.memory_space<semaphore_mem>>) src(%arg11 : memref<64x128xf32, #tpu.memory_space<vmem>>) dst(%dma_wait3A_199 : memref<10240x128xf32, #tpu.memory_space<vmem_shared>>)
      } else {
      }
      %dma_start3A = arith.constant 0 : i32
      %dma_start3A_125 = tpu.memref_slice %arg9[%add3A_122, %dma_start3A] : memref<80x64xi32, #tpu.memory_space<vmem>> -> memref<1x64xi32, #tpu.memory_space<vmem>>
      %dma_start3A_126 = tpu.memref_squeeze %dma_start3A_125 : memref<1x64xi32, #tpu.memory_space<vmem>> -> memref<64xi32, #tpu.memory_space<vmem>>
      %dma_start3A_127 = arith.constant 0 : i32
      %dma_start3A_128 = arith.constant 0 : i32
      %dma_start3A_129 = tpu.memref_slice %arg2[%dma_start3A_127, %dma_start3A_128] : memref<10000x128xf32, #tpu.memory_space<hbm>> -> memref<10000x128xf32, #tpu.memory_space<hbm>>
      tpu.enqueue_indirect_dma source(%dma_start3A_129 : memref<10000x128xf32, #tpu.memory_space<hbm>>) target(%arg11 : memref<64x128xf32, #tpu.memory_space<vmem>>) offsets(%dma_start3A_126 : memref<64xi32, #tpu.memory_space<vmem>>) semaphore(%arg13 : memref<!tpu.dma_semaphore, #tpu.memory_space<semaphore_mem>>)
      %get3A = arith.index_cast %add3A_122 : i32 to index
      %get3A_130 = arith.constant 0 : index
      %get3A_131 = tpu.vector_load %arg10[%get3A, %get3A_130] {strides = array<i32>} : memref<80x64xi32, #tpu.memory_space<vmem>>, vector<16xi32>,
      tpu.vector_store_idx %arg17[%get3A_131], %broadcast_in_dim3A_5 {add = true} : memref<10240xf32, #tpu.memory_space<vmem>>[vector<16xi32>], vector<16xf32>,
      %get3A_132 = arith.index_cast %add3A_122 : i32 to index
      %get3A_133 = arith.constant 16 : index
      %get3A_134 = tpu.vector_load %arg10[%get3A_132, %get3A_133] {strides = array<i32>} : memref<80x64xi32, #tpu.memory_space<vmem>>, vector<16xi32>,
      tpu.vector_store_idx %arg17[%get3A_134], %broadcast_in_dim3A_5 {add = true} : memref<10240xf32, #tpu.memory_space<vmem>>[vector<16xi32>], vector<16xf32>,
      %get3A_135 = arith.index_cast %add3A_122 : i32 to index
      %get3A_136 = arith.constant 32 : index
      %get3A_137 = tpu.vector_load %arg10[%get3A_135, %get3A_136] {strides = array<i32>} : memref<80x64xi32, #tpu.memory_space<vmem>>, vector<16xi32>,
      tpu.vector_store_idx %arg17[%get3A_137], %broadcast_in_dim3A_5 {add = true} : memref<10240xf32, #tpu.memory_space<vmem>>[vector<16xi32>], vector<16xf32>,
      %get3A_138 = arith.index_cast %add3A_122 : i32 to index
      %get3A_139 = arith.constant 48 : index
      %get3A_140 = tpu.vector_load %arg10[%get3A_138, %get3A_139] {strides = array<i32>} : memref<80x64xi32, #tpu.memory_space<vmem>>, vector<16xi32>,
      tpu.vector_store_idx %arg17[%get3A_140], %broadcast_in_dim3A_5 {add = true} : memref<10240xf32, #tpu.memory_space<vmem>>[vector<16xi32>], vector<16xf32>,
      %dma_wait3A_141 = arith.constant 0 : i32
      %dma_wait3A_142 = tpu.memref_slice %arg9[%add3A_122, %dma_wait3A_141] : memref<80x64xi32, #tpu.memory_space<vmem>> -> memref<1x64xi32, #tpu.memory_space<vmem>>
      %dma_wait3A_143 = tpu.memref_squeeze %dma_wait3A_142 : memref<1x64xi32, #tpu.memory_space<vmem>> -> memref<64xi32, #tpu.memory_space<vmem>>
      %dma_wait3A_144 = arith.constant 0 : i32
      %dma_wait3A_145 = arith.constant 0 : i32
      %dma_wait3A_146 = tpu.memref_slice %arg2[%dma_wait3A_144, %dma_wait3A_145] : memref<10000x128xf32, #tpu.memory_space<hbm>> -> memref<10000x128xf32, #tpu.memory_space<hbm>>
      tpu.wait_indirect_dma semaphore(%arg13 : memref<!tpu.dma_semaphore, #tpu.memory_space<semaphore_mem>>) src(%dma_wait3A_146 : memref<10000x128xf32, #tpu.memory_space<hbm>>) dst(%arg11 : memref<64x128xf32, #tpu.memory_space<vmem>>)
      %dma_start3A_147 = arith.constant 0 : i32
      %dma_start3A_148 = tpu.memref_slice %arg10[%add3A_122, %dma_start3A_147] : memref<80x64xi32, #tpu.memory_space<vmem>> -> memref<1x64xi32, #tpu.memory_space<vmem>>
      %dma_start3A_149 = tpu.memref_squeeze %dma_start3A_148 : memref<1x64xi32, #tpu.memory_space<vmem>> -> memref<64xi32, #tpu.memory_space<vmem>>
      %dma_start3A_150 = arith.constant 0 : i32
      %dma_start3A_151 = arith.constant 0 : i32
      %dma_start3A_152 = tpu.memref_slice %arg8[%dma_start3A_150, %dma_start3A_151] : memref<10240x128xf32, #tpu.memory_space<vmem_shared>> -> memref<10240x128xf32, #tpu.memory_space<vmem_shared>>
      tpu.enqueue_indirect_dma source(%arg11 : memref<64x128xf32, #tpu.memory_space<vmem>>) target(%dma_start3A_152 : memref<10240x128xf32, #tpu.memory_space<vmem_shared>>) offsets(%dma_start3A_149 : memref<64xi32, #tpu.memory_space<vmem>>) semaphore(%arg15 : memref<!tpu.dma_semaphore, #tpu.memory_space<semaphore_mem>>) {add = true}
      %mul3A_153 = arith.constant 2 : i32
      %mul3A_154 = arith.muli %mul3A_153, %scan3A_117 : i32
      %add3A_155 = arith.constant 1 : i32
      %add3A_156 = arith.addi %mul3A_154, %add3A_155 : i32
      %gt3A_157 = arith.constant 0 : i32
      %gt3A_158 = arith.cmpi sgt, %scan3A_117, %gt3A_157 : i32
      %convert_element_type3A_159 = arith.extui %gt3A_158 : i1 to i32
      %cond3A_160 = arith.constant 0 : i32
      %cond3A_161 = arith.cmpi ne, %convert_element_type3A_159, %cond3A_160 : i32
      scf.if %cond3A_161 {
        %sub3A = arith.constant 2 : i32
        %sub3A_193 = arith.subi %add3A_156, %sub3A : i32
        %dma_wait3A_194 = arith.constant 0 : i32
        %dma_wait3A_195 = tpu.memref_slice %arg10[%sub3A_193, %dma_wait3A_194] : memref<80x64xi32, #tpu.memory_space<vmem>> -> memref<1x64xi32, #tpu.memory_space<vmem>>
        %dma_wait3A_196 = tpu.memref_squeeze %dma_wait3A_195 : memref<1x64xi32, #tpu.memory_space<vmem>> -> memref<64xi32, #tpu.memory_space<vmem>>
        %dma_wait3A_197 = arith.constant 0 : i32
        %dma_wait3A_198 = arith.constant 0 : i32
        %dma_wait3A_199 = tpu.memref_slice %arg8[%dma_wait3A_197, %dma_wait3A_198] : memref<10240x128xf32, #tpu.memory_space<vmem_shared>> -> memref<10240x128xf32, #tpu.memory_space<vmem_shared>>
        tpu.wait_indirect_dma semaphore(%arg16 : memref<!tpu.dma_semaphore, #tpu.memory_space<semaphore_mem>>) src(%arg12 : memref<64x128xf32, #tpu.memory_space<vmem>>) dst(%dma_wait3A_199 : memref<10240x128xf32, #tpu.memory_space<vmem_shared>>)
      } else {
      }
      %dma_start3A_162 = arith.constant 0 : i32
      %dma_start3A_163 = tpu.memref_slice %arg9[%add3A_156, %dma_start3A_162] : memref<80x64xi32, #tpu.memory_space<vmem>> -> memref<1x64xi32, #tpu.memory_space<vmem>>
      %dma_start3A_164 = tpu.memref_squeeze %dma_start3A_163 : memref<1x64xi32, #tpu.memory_space<vmem>> -> memref<64xi32, #tpu.memory_space<vmem>>
      %dma_start3A_165 = arith.constant 0 : i32
      %dma_start3A_166 = arith.constant 0 : i32
      %dma_start3A_167 = tpu.memref_slice %arg2[%dma_start3A_165, %dma_start3A_166] : memref<10000x128xf32, #tpu.memory_space<hbm>> -> memref<10000x128xf32, #tpu.memory_space<hbm>>
      tpu.enqueue_indirect_dma source(%dma_start3A_167 : memref<10000x128xf32, #tpu.memory_space<hbm>>) target(%arg12 : memref<64x128xf32, #tpu.memory_space<vmem>>) offsets(%dma_start3A_164 : memref<64xi32, #tpu.memory_space<vmem>>) semaphore(%arg14 : memref<!tpu.dma_semaphore, #tpu.memory_space<semaphore_mem>>)
      %get3A_168 = arith.index_cast %add3A_156 : i32 to index
      %get3A_169 = arith.constant 0 : index
      %get3A_170 = tpu.vector_load %arg10[%get3A_168, %get3A_169] {strides = array<i32>} : memref<80x64xi32, #tpu.memory_space<vmem>>, vector<16xi32>,
      tpu.vector_store_idx %arg17[%get3A_170], %broadcast_in_dim3A_5 {add = true} : memref<10240xf32, #tpu.memory_space<vmem>>[vector<16xi32>], vector<16xf32>,
      %get3A_171 = arith.index_cast %add3A_156 : i32 to index
      %get3A_172 = arith.constant 16 : index
      %get3A_173 = tpu.vector_load %arg10[%get3A_171, %get3A_172] {strides = array<i32>} : memref<80x64xi32, #tpu.memory_space<vmem>>, vector<16xi32>,
      tpu.vector_store_idx %arg17[%get3A_173], %broadcast_in_dim3A_5 {add = true} : memref<10240xf32, #tpu.memory_space<vmem>>[vector<16xi32>], vector<16xf32>,
      %get3A_174 = arith.index_cast %add3A_156 : i32 to index
      %get3A_175 = arith.constant 32 : index
      %get3A_176 = tpu.vector_load %arg10[%get3A_174, %get3A_175] {strides = array<i32>} : memref<80x64xi32, #tpu.memory_space<vmem>>, vector<16xi32>,
      tpu.vector_store_idx %arg17[%get3A_176], %broadcast_in_dim3A_5 {add = true} : memref<10240xf32, #tpu.memory_space<vmem>>[vector<16xi32>], vector<16xf32>,
      %get3A_177 = arith.index_cast %add3A_156 : i32 to index
      %get3A_178 = arith.constant 48 : index
      %get3A_179 = tpu.vector_load %arg10[%get3A_177, %get3A_178] {strides = array<i32>} : memref<80x64xi32, #tpu.memory_space<vmem>>, vector<16xi32>,
      tpu.vector_store_idx %arg17[%get3A_179], %broadcast_in_dim3A_5 {add = true} : memref<10240xf32, #tpu.memory_space<vmem>>[vector<16xi32>], vector<16xf32>,
      %dma_wait3A_180 = arith.constant 0 : i32
      %dma_wait3A_181 = tpu.memref_slice %arg9[%add3A_156, %dma_wait3A_180] : memref<80x64xi32, #tpu.memory_space<vmem>> -> memref<1x64xi32, #tpu.memory_space<vmem>>
      %dma_wait3A_182 = tpu.memref_squeeze %dma_wait3A_181 : memref<1x64xi32, #tpu.memory_space<vmem>> -> memref<64xi32, #tpu.memory_space<vmem>>
      %dma_wait3A_183 = arith.constant 0 : i32
      %dma_wait3A_184 = arith.constant 0 : i32
      %dma_wait3A_185 = tpu.memref_slice %arg2[%dma_wait3A_183, %dma_wait3A_184] : memref<10000x128xf32, #tpu.memory_space<hbm>> -> memref<10000x128xf32, #tpu.memory_space<hbm>>
      tpu.wait_indirect_dma semaphore(%arg14 : memref<!tpu.dma_semaphore, #tpu.memory_space<semaphore_mem>>) src(%dma_wait3A_185 : memref<10000x128xf32, #tpu.memory_space<hbm>>) dst(%arg12 : memref<64x128xf32, #tpu.memory_space<vmem>>)
      %dma_start3A_186 = arith.constant 0 : i32
      %dma_start3A_187 = tpu.memref_slice %arg10[%add3A_156, %dma_start3A_186] : memref<80x64xi32, #tpu.memory_space<vmem>> -> memref<1x64xi32, #tpu.memory_space<vmem>>
      %dma_start3A_188 = tpu.memref_squeeze %dma_start3A_187 : memref<1x64xi32, #tpu.memory_space<vmem>> -> memref<64xi32, #tpu.memory_space<vmem>>
      %dma_start3A_189 = arith.constant 0 : i32
      %dma_start3A_190 = arith.constant 0 : i32
      %dma_start3A_191 = tpu.memref_slice %arg8[%dma_start3A_189, %dma_start3A_190] : memref<10240x128xf32, #tpu.memory_space<vmem_shared>> -> memref<10240x128xf32, #tpu.memory_space<vmem_shared>>
      tpu.enqueue_indirect_dma source(%arg12 : memref<64x128xf32, #tpu.memory_space<vmem>>) target(%dma_start3A_191 : memref<10240x128xf32, #tpu.memory_space<vmem_shared>>) offsets(%dma_start3A_188 : memref<64xi32, #tpu.memory_space<vmem>>) semaphore(%arg16 : memref<!tpu.dma_semaphore, #tpu.memory_space<semaphore_mem>>) {add = true}
      %scan3A_192 = arith.constant 0 : i32
      scf.yield %scan3A_192 : i32
    }
    %scan3A_49 = arith.constant 40 : i32
    %dma_wait3A = arith.constant 78 : i32
    %dma_wait3A_50 = arith.constant 0 : i32
    %dma_wait3A_51 = tpu.memref_slice %arg10[%dma_wait3A, %dma_wait3A_50] : memref<80x64xi32, #tpu.memory_space<vmem>> -> memref<1x64xi32, #tpu.memory_space<vmem>>
    %dma_wait3A_52 = tpu.memref_squeeze %dma_wait3A_51 : memref<1x64xi32, #tpu.memory_space<vmem>> -> memref<64xi32, #tpu.memory_space<vmem>>
    %dma_wait3A_53 = arith.constant 0 : i32
    %dma_wait3A_54 = arith.constant 0 : i32
    %dma_wait3A_55 = tpu.memref_slice %arg8[%dma_wait3A_53, %dma_wait3A_54] : memref<10240x128xf32, #tpu.memory_space<vmem_shared>> -> memref<10240x128xf32, #tpu.memory_space<vmem_shared>>
    tpu.wait_indirect_dma semaphore(%arg15 : memref<!tpu.dma_semaphore, #tpu.memory_space<semaphore_mem>>) src(%arg11 : memref<64x128xf32, #tpu.memory_space<vmem>>) dst(%dma_wait3A_55 : memref<10240x128xf32, #tpu.memory_space<vmem_shared>>)
    %dma_wait3A_56 = arith.constant 79 : i32
    %dma_wait3A_57 = arith.constant 0 : i32
    %dma_wait3A_58 = tpu.memref_slice %arg10[%dma_wait3A_56, %dma_wait3A_57] : memref<80x64xi32, #tpu.memory_space<vmem>> -> memref<1x64xi32, #tpu.memory_space<vmem>>
    %dma_wait3A_59 = tpu.memref_squeeze %dma_wait3A_58 : memref<1x64xi32, #tpu.memory_space<vmem>> -> memref<64xi32, #tpu.memory_space<vmem>>
    %dma_wait3A_60 = arith.constant 0 : i32
    %dma_wait3A_61 = arith.constant 0 : i32
    %dma_wait3A_62 = tpu.memref_slice %arg8[%dma_wait3A_60, %dma_wait3A_61] : memref<10240x128xf32, #tpu.memory_space<vmem_shared>> -> memref<10240x128xf32, #tpu.memory_space<vmem_shared>>
    tpu.wait_indirect_dma semaphore(%arg16 : memref<!tpu.dma_semaphore, #tpu.memory_space<semaphore_mem>>) src(%arg12 : memref<64x128xf32, #tpu.memory_space<vmem>>) dst(%dma_wait3A_62 : memref<10240x128xf32, #tpu.memory_space<vmem_shared>>)
    %barrier3A_63 = arith.constant 0 : index
    tpu.barrier barrier_id(%barrier3A_63)
    %run_scoped3A = arith.constant 0 : i32
    "tpu.region"() ({
      %run_scoped3A_117 = tpu.sem_alloc : memref<!tpu.dma_semaphore, #tpu.memory_space<semaphore_mem>>
      %dma_start3A = arith.constant 0 : i32
      %dma_start3A_118 = tpu.memref_slice %arg6[%arg0, %run_scoped3A, %mul3A_2, %dma_start3A] : memref<2x2x10240x128xf32, #tpu.memory_space<hbm>> -> memref<1x1x640x128xf32, #tpu.memory_space<hbm>>
      %dma_start3A_119 = tpu.memref_squeeze %dma_start3A_118 : memref<1x1x640x128xf32, #tpu.memory_space<hbm>> -> memref<640x128xf32, #tpu.memory_space<hbm>>
      %dma_start3A_120 = arith.constant 0 : i32
      %dma_start3A_121 = tpu.memref_slice %arg8[%mul3A_2, %dma_start3A_120] : memref<10240x128xf32, #tpu.memory_space<vmem_shared>> -> memref<640x128xf32, #tpu.memory_space<vmem_shared>>
      tpu.enqueue_dma source(%dma_start3A_121 : memref<640x128xf32, #tpu.memory_space<vmem_shared>>) target(%dma_start3A_119 : memref<640x128xf32, #tpu.memory_space<hbm>>) target_semaphore(%run_scoped3A_117 : memref<!tpu.dma_semaphore, #tpu.memory_space<semaphore_mem>>)
      %dma_wait3A_122 = arith.constant 0 : i32
      %dma_wait3A_123 = tpu.memref_slice %arg6[%arg0, %run_scoped3A, %mul3A_2, %dma_wait3A_122] : memref<2x2x10240x128xf32, #tpu.memory_space<hbm>> -> memref<1x1x640x128xf32, #tpu.memory_space<hbm>>
      %dma_wait3A_124 = tpu.memref_squeeze %dma_wait3A_123 : memref<1x1x640x128xf32, #tpu.memory_space<hbm>> -> memref<640x128xf32, #tpu.memory_space<hbm>>
      %dma_wait3A_125 = arith.constant 0 : i32
      %dma_wait3A_126 = tpu.memref_slice %arg8[%mul3A_2, %dma_wait3A_125] : memref<10240x128xf32, #tpu.memory_space<vmem_shared>> -> memref<640x128xf32, #tpu.memory_space<vmem_shared>>
      tpu.wait_dma2 semaphore(%run_scoped3A_117 : memref<!tpu.dma_semaphore, #tpu.memory_space<semaphore_mem>>) src(%dma_wait3A_126 : memref<640x128xf32, #tpu.memory_space<vmem_shared>>) dst(%dma_wait3A_124 : memref<640x128xf32, #tpu.memory_space<hbm>>)
      tpu.yield
    }) : () -> ()
    "tpu.region"() ({
      %run_scoped3A_117 = tpu.sem_alloc : memref<!tpu.dma_semaphore, #tpu.memory_space<semaphore_mem>>
      %dma_start3A = arith.constant 0 : i32
      %dma_start3A_118 = tpu.memref_slice %arg7[%add3A, %dma_start3A] : memref<32x10240xf32, #tpu.memory_space<hbm>> -> memref<1x10240xf32, #tpu.memory_space<hbm>>
      %dma_start3A_119 = tpu.memref_squeeze %dma_start3A_118 : memref<1x10240xf32, #tpu.memory_space<hbm>> -> memref<10240xf32, #tpu.memory_space<hbm>>
      %dma_start3A_120 = arith.constant 0 : i32
      %dma_start3A_121 = tpu.memref_slice %arg7[%add3A, %dma_start3A_120] : memref<32x10240xf32, #tpu.memory_space<hbm>> -> memref<1x10240xf32, #tpu.memory_space<hbm>>
      %dma_start3A_122 = tpu.memref_squeeze %dma_start3A_121 : memref<1x10240xf32, #tpu.memory_space<hbm>> -> memref<10240xf32, #tpu.memory_space<hbm>>
      tpu.enqueue_dma source(%arg17 : memref<10240xf32, #tpu.memory_space<vmem>>) target(%dma_start3A_122 : memref<10240xf32, #tpu.memory_space<hbm>>) target_semaphore(%run_scoped3A_117 : memref<!tpu.dma_semaphore, #tpu.memory_space<semaphore_mem>>)
      %dma_wait3A_123 = arith.constant 0 : i32
      %dma_wait3A_124 = tpu.memref_slice %arg7[%add3A, %dma_wait3A_123] : memref<32x10240xf32, #tpu.memory_space<hbm>> -> memref<1x10240xf32, #tpu.memory_space<hbm>>
      %dma_wait3A_125 = tpu.memref_squeeze %dma_wait3A_124 : memref<1x10240xf32, #tpu.memory_space<hbm>> -> memref<10240xf32, #tpu.memory_space<hbm>>
      %dma_wait3A_126 = arith.constant 0 : i32
      %dma_wait3A_127 = tpu.memref_slice %arg7[%add3A, %dma_wait3A_126] : memref<32x10240xf32, #tpu.memory_space<hbm>> -> memref<1x10240xf32, #tpu.memory_space<hbm>>
      %dma_wait3A_128 = tpu.memref_squeeze %dma_wait3A_127 : memref<1x10240xf32, #tpu.memory_space<hbm>> -> memref<10240xf32, #tpu.memory_space<hbm>>
      tpu.wait_dma2 semaphore(%run_scoped3A_117 : memref<!tpu.dma_semaphore, #tpu.memory_space<semaphore_mem>>) src(%arg17 : memref<10240xf32, #tpu.memory_space<vmem>>) dst(%dma_wait3A_128 : memref<10240xf32, #tpu.memory_space<hbm>>)
      tpu.yield
    }) : () -> ()
    %barrier3A_64 = arith.constant 0 : index
    tpu.barrier barrier_id(%barrier3A_64)
    %scan3A_65 = arith.constant 0 : i32
    %scan3A_66 = arith.constant 0 : i32
    %scan3A_67 = arith.constant 64 : i32
    %scan3A_68 = arith.addi %scan3A_66, %scan3A_67 : i32
    %scan3A_69 = arith.constant 1 : i32
    %scan3A_70 = scf.for %scan3A_117 = %scan3A_66 to %scan3A_68 step %scan3A_69 iter_args(%scan3A_118 = %scan3A_65) -> (i32)  : i32 {
      %swap3A = arith.index_cast %scan3A_117 : i32 to index
      %swap3A_119 = arith.constant 0 : index
      %swap3A_120 = tpu.vector_load %arg11[%swap3A, %swap3A_119] {strides = array<i32>} : memref<64x128xf32, #tpu.memory_space<vmem>>, vector<16xf32>,
      tpu.vector_store %arg11[%swap3A, %swap3A_119], %broadcast_in_dim3A_3 {strides = array<i32>} : memref<64x128xf32, #tpu.memory_space<vmem>>, vector<16xf32>,
      %swap3A_121 = arith.index_cast %scan3A_117 : i32 to index
      %swap3A_122 = arith.constant 16 : index
      %swap3A_123 = tpu.vector_load %arg11[%swap3A_121, %swap3A_122] {strides = array<i32>} : memref<64x128xf32, #tpu.memory_space<vmem>>, vector<16xf32>,
      tpu.vector_store %arg11[%swap3A_121, %swap3A_122], %broadcast_in_dim3A_3 {strides = array<i32>} : memref<64x128xf32, #tpu.memory_space<vmem>>, vector<16xf32>,
      %swap3A_124 = arith.index_cast %scan3A_117 : i32 to index
      %swap3A_125 = arith.constant 32 : index
      %swap3A_126 = tpu.vector_load %arg11[%swap3A_124, %swap3A_125] {strides = array<i32>} : memref<64x128xf32, #tpu.memory_space<vmem>>, vector<16xf32>,
      tpu.vector_store %arg11[%swap3A_124, %swap3A_125], %broadcast_in_dim3A_3 {strides = array<i32>} : memref<64x128xf32, #tpu.memory_space<vmem>>, vector<16xf32>,
      %swap3A_127 = arith.index_cast %scan3A_117 : i32 to index
      %swap3A_128 = arith.constant 48 : index
      %swap3A_129 = tpu.vector_load %arg11[%swap3A_127, %swap3A_128] {strides = array<i32>} : memref<64x128xf32, #tpu.memory_space<vmem>>, vector<16xf32>,
      tpu.vector_store %arg11[%swap3A_127, %swap3A_128], %broadcast_in_dim3A_3 {strides = array<i32>} : memref<64x128xf32, #tpu.memory_space<vmem>>, vector<16xf32>,
      %swap3A_130 = arith.index_cast %scan3A_117 : i32 to index
      %swap3A_131 = arith.constant 64 : index
      %swap3A_132 = tpu.vector_load %arg11[%swap3A_130, %swap3A_131] {strides = array<i32>} : memref<64x128xf32, #tpu.memory_space<vmem>>, vector<16xf32>,
      tpu.vector_store %arg11[%swap3A_130, %swap3A_131], %broadcast_in_dim3A_3 {strides = array<i32>} : memref<64x128xf32, #tpu.memory_space<vmem>>, vector<16xf32>,
      %swap3A_133 = arith.index_cast %scan3A_117 : i32 to index
      %swap3A_134 = arith.constant 80 : index
      %swap3A_135 = tpu.vector_load %arg11[%swap3A_133, %swap3A_134] {strides = array<i32>} : memref<64x128xf32, #tpu.memory_space<vmem>>, vector<16xf32>,
      tpu.vector_store %arg11[%swap3A_133, %swap3A_134], %broadcast_in_dim3A_3 {strides = array<i32>} : memref<64x128xf32, #tpu.memory_space<vmem>>, vector<16xf32>,
      %swap3A_136 = arith.index_cast %scan3A_117 : i32 to index
      %swap3A_137 = arith.constant 96 : index
      %swap3A_138 = tpu.vector_load %arg11[%swap3A_136, %swap3A_137] {strides = array<i32>} : memref<64x128xf32, #tpu.memory_space<vmem>>, vector<16xf32>,
      tpu.vector_store %arg11[%swap3A_136, %swap3A_137], %broadcast_in_dim3A_3 {strides = array<i32>} : memref<64x128xf32, #tpu.memory_space<vmem>>, vector<16xf32>,
      %swap3A_139 = arith.index_cast %scan3A_117 : i32 to index
      %swap3A_140 = arith.constant 112 : index
      %swap3A_141 = tpu.vector_load %arg11[%swap3A_139, %swap3A_140] {strides = array<i32>} : memref<64x128xf32, #tpu.memory_space<vmem>>, vector<16xf32>,
      tpu.vector_store %arg11[%swap3A_139, %swap3A_140], %broadcast_in_dim3A_3 {strides = array<i32>} : memref<64x128xf32, #tpu.memory_space<vmem>>, vector<16xf32>,
      %scan3A_142 = arith.constant 0 : i32
      scf.yield %scan3A_142 : i32
    }
    %scan3A_71 = arith.constant 64 : i32
    %add3A_72 = arith.constant 0 : i32
    %add3A_73 = arith.addi %mul3A_2, %add3A_72 : i32
    "tpu.region"() ({
      %run_scoped3A_117 = tpu.sem_alloc : memref<!tpu.dma_semaphore, #tpu.memory_space<semaphore_mem>>
      %dma_start3A = arith.constant 0 : i32
      %dma_start3A_118 = tpu.memref_slice %arg8[%add3A_73, %dma_start3A] : memref<10240x128xf32, #tpu.memory_space<vmem_shared>> -> memref<64x128xf32, #tpu.memory_space<vmem_shared>>
      %dma_start3A_119 = arith.constant 0 : i32
      %dma_start3A_120 = tpu.memref_slice %arg8[%add3A_73, %dma_start3A_119] : memref<10240x128xf32, #tpu.memory_space<vmem_shared>> -> memref<64x128xf32, #tpu.memory_space<vmem_shared>>
      tpu.enqueue_dma source(%arg11 : memref<64x128xf32, #tpu.memory_space<vmem>>) target(%dma_start3A_120 : memref<64x128xf32, #tpu.memory_space<vmem_shared>>) target_semaphore(%run_scoped3A_117 : memref<!tpu.dma_semaphore, #tpu.memory_space<semaphore_mem>>)
      %dma_wait3A_121 = arith.constant 0 : i32
      %dma_wait3A_122 = tpu.memref_slice %arg8[%add3A_73, %dma_wait3A_121] : memref<10240x128xf32, #tpu.memory_space<vmem_shared>> -> memref<64x128xf32, #tpu.memory_space<vmem_shared>>
      %dma_wait3A_123 = arith.constant 0 : i32
      %dma_wait3A_124 = tpu.memref_slice %arg8[%add3A_73, %dma_wait3A_123] : memref<10240x128xf32, #tpu.memory_space<vmem_shared>> -> memref<64x128xf32, #tpu.memory_space<vmem_shared>>
      tpu.wait_dma2 semaphore(%run_scoped3A_117 : memref<!tpu.dma_semaphore, #tpu.memory_space<semaphore_mem>>) src(%arg11 : memref<64x128xf32, #tpu.memory_space<vmem>>) dst(%dma_wait3A_124 : memref<64x128xf32, #tpu.memory_space<vmem_shared>>)
      tpu.yield
    }) : () -> ()
    %add3A_74 = arith.constant 64 : i32
    %add3A_75 = arith.addi %mul3A_2, %add3A_74 : i32
    "tpu.region"() ({
      %run_scoped3A_117 = tpu.sem_alloc : memref<!tpu.dma_semaphore, #tpu.memory_space<semaphore_mem>>
      %dma_start3A = arith.constant 0 : i32
      %dma_start3A_118 = tpu.memref_slice %arg8[%add3A_75, %dma_start3A] : memref<10240x128xf32, #tpu.memory_space<vmem_shared>> -> memref<64x128xf32, #tpu.memory_space<vmem_shared>>
      %dma_start3A_119 = arith.constant 0 : i32
      %dma_start3A_120 = tpu.memref_slice %arg8[%add3A_75, %dma_start3A_119] : memref<10240x128xf32, #tpu.memory_space<vmem_shared>> -> memref<64x128xf32, #tpu.memory_space<vmem_shared>>
      tpu.enqueue_dma source(%arg11 : memref<64x128xf32, #tpu.memory_space<vmem>>) target(%dma_start3A_120 : memref<64x128xf32, #tpu.memory_space<vmem_shared>>) target_semaphore(%run_scoped3A_117 : memref<!tpu.dma_semaphore, #tpu.memory_space<semaphore_mem>>)
      %dma_wait3A_121 = arith.constant 0 : i32
      %dma_wait3A_122 = tpu.memref_slice %arg8[%add3A_75, %dma_wait3A_121] : memref<10240x128xf32, #tpu.memory_space<vmem_shared>> -> memref<64x128xf32, #tpu.memory_space<vmem_shared>>
      %dma_wait3A_123 = arith.constant 0 : i32
      %dma_wait3A_124 = tpu.memref_slice %arg8[%add3A_75, %dma_wait3A_123] : memref<10240x128xf32, #tpu.memory_space<vmem_shared>> -> memref<64x128xf32, #tpu.memory_space<vmem_shared>>
      tpu.wait_dma2 semaphore(%run_scoped3A_117 : memref<!tpu.dma_semaphore, #tpu.memory_space<semaphore_mem>>) src(%arg11 : memref<64x128xf32, #tpu.memory_space<vmem>>) dst(%dma_wait3A_124 : memref<64x128xf32, #tpu.memory_space<vmem_shared>>)
      tpu.yield
    }) : () -> ()
    %add3A_76 = arith.constant 128 : i32
    %add3A_77 = arith.addi %mul3A_2, %add3A_76 : i32
    "tpu.region"() ({
      %run_scoped3A_117 = tpu.sem_alloc : memref<!tpu.dma_semaphore, #tpu.memory_space<semaphore_mem>>
      %dma_start3A = arith.constant 0 : i32
      %dma_start3A_118 = tpu.memref_slice %arg8[%add3A_77, %dma_start3A] : memref<10240x128xf32, #tpu.memory_space<vmem_shared>> -> memref<64x128xf32, #tpu.memory_space<vmem_shared>>
      %dma_start3A_119 = arith.constant 0 : i32
      %dma_start3A_120 = tpu.memref_slice %arg8[%add3A_77, %dma_start3A_119] : memref<10240x128xf32, #tpu.memory_space<vmem_shared>> -> memref<64x128xf32, #tpu.memory_space<vmem_shared>>
      tpu.enqueue_dma source(%arg11 : memref<64x128xf32, #tpu.memory_space<vmem>>) target(%dma_start3A_120 : memref<64x128xf32, #tpu.memory_space<vmem_shared>>) target_semaphore(%run_scoped3A_117 : memref<!tpu.dma_semaphore, #tpu.memory_space<semaphore_mem>>)
      %dma_wait3A_121 = arith.constant 0 : i32
      %dma_wait3A_122 = tpu.memref_slice %arg8[%add3A_77, %dma_wait3A_121] : memref<10240x128xf32, #tpu.memory_space<vmem_shared>> -> memref<64x128xf32, #tpu.memory_space<vmem_shared>>
      %dma_wait3A_123 = arith.constant 0 : i32
      %dma_wait3A_124 = tpu.memref_slice %arg8[%add3A_77, %dma_wait3A_123] : memref<10240x128xf32, #tpu.memory_space<vmem_shared>> -> memref<64x128xf32, #tpu.memory_space<vmem_shared>>
      tpu.wait_dma2 semaphore(%run_scoped3A_117 : memref<!tpu.dma_semaphore, #tpu.memory_space<semaphore_mem>>) src(%arg11 : memref<64x128xf32, #tpu.memory_space<vmem>>) dst(%dma_wait3A_124 : memref<64x128xf32, #tpu.memory_space<vmem_shared>>)
      tpu.yield
    }) : () -> ()
    %add3A_78 = arith.constant 192 : i32
    %add3A_79 = arith.addi %mul3A_2, %add3A_78 : i32
    "tpu.region"() ({
      %run_scoped3A_117 = tpu.sem_alloc : memref<!tpu.dma_semaphore, #tpu.memory_space<semaphore_mem>>
      %dma_start3A = arith.constant 0 : i32
      %dma_start3A_118 = tpu.memref_slice %arg8[%add3A_79, %dma_start3A] : memref<10240x128xf32, #tpu.memory_space<vmem_shared>> -> memref<64x128xf32, #tpu.memory_space<vmem_shared>>
      %dma_start3A_119 = arith.constant 0 : i32
      %dma_start3A_120 = tpu.memref_slice %arg8[%add3A_79, %dma_start3A_119] : memref<10240x128xf32, #tpu.memory_space<vmem_shared>> -> memref<64x128xf32, #tpu.memory_space<vmem_shared>>
      tpu.enqueue_dma source(%arg11 : memref<64x128xf32, #tpu.memory_space<vmem>>) target(%dma_start3A_120 : memref<64x128xf32, #tpu.memory_space<vmem_shared>>) target_semaphore(%run_scoped3A_117 : memref<!tpu.dma_semaphore, #tpu.memory_space<semaphore_mem>>)
      %dma_wait3A_121 = arith.constant 0 : i32
      %dma_wait3A_122 = tpu.memref_slice %arg8[%add3A_79, %dma_wait3A_121] : memref<10240x128xf32, #tpu.memory_space<vmem_shared>> -> memref<64x128xf32, #tpu.memory_space<vmem_shared>>
      %dma_wait3A_123 = arith.constant 0 : i32
      %dma_wait3A_124 = tpu.memref_slice %arg8[%add3A_79, %dma_wait3A_123] : memref<10240x128xf32, #tpu.memory_space<vmem_shared>> -> memref<64x128xf32, #tpu.memory_space<vmem_shared>>
      tpu.wait_dma2 semaphore(%run_scoped3A_117 : memref<!tpu.dma_semaphore, #tpu.memory_space<semaphore_mem>>) src(%arg11 : memref<64x128xf32, #tpu.memory_space<vmem>>) dst(%dma_wait3A_124 : memref<64x128xf32, #tpu.memory_space<vmem_shared>>)
      tpu.yield
    }) : () -> ()
    %add3A_80 = arith.constant 256 : i32
    %add3A_81 = arith.addi %mul3A_2, %add3A_80 : i32
    "tpu.region"() ({
      %run_scoped3A_117 = tpu.sem_alloc : memref<!tpu.dma_semaphore, #tpu.memory_space<semaphore_mem>>
      %dma_start3A = arith.constant 0 : i32
      %dma_start3A_118 = tpu.memref_slice %arg8[%add3A_81, %dma_start3A] : memref<10240x128xf32, #tpu.memory_space<vmem_shared>> -> memref<64x128xf32, #tpu.memory_space<vmem_shared>>
      %dma_start3A_119 = arith.constant 0 : i32
      %dma_start3A_120 = tpu.memref_slice %arg8[%add3A_81, %dma_start3A_119] : memref<10240x128xf32, #tpu.memory_space<vmem_shared>> -> memref<64x128xf32, #tpu.memory_space<vmem_shared>>
      tpu.enqueue_dma source(%arg11 : memref<64x128xf32, #tpu.memory_space<vmem>>) target(%dma_start3A_120 : memref<64x128xf32, #tpu.memory_space<vmem_shared>>) target_semaphore(%run_scoped3A_117 : memref<!tpu.dma_semaphore, #tpu.memory_space<semaphore_mem>>)
      %dma_wait3A_121 = arith.constant 0 : i32
      %dma_wait3A_122 = tpu.memref_slice %arg8[%add3A_81, %dma_wait3A_121] : memref<10240x128xf32, #tpu.memory_space<vmem_shared>> -> memref<64x128xf32, #tpu.memory_space<vmem_shared>>
      %dma_wait3A_123 = arith.constant 0 : i32
      %dma_wait3A_124 = tpu.memref_slice %arg8[%add3A_81, %dma_wait3A_123] : memref<10240x128xf32, #tpu.memory_space<vmem_shared>> -> memref<64x128xf32, #tpu.memory_space<vmem_shared>>
      tpu.wait_dma2 semaphore(%run_scoped3A_117 : memref<!tpu.dma_semaphore, #tpu.memory_space<semaphore_mem>>) src(%arg11 : memref<64x128xf32, #tpu.memory_space<vmem>>) dst(%dma_wait3A_124 : memref<64x128xf32, #tpu.memory_space<vmem_shared>>)
      tpu.yield
    }) : () -> ()
    %add3A_82 = arith.constant 320 : i32
    %add3A_83 = arith.addi %mul3A_2, %add3A_82 : i32
    "tpu.region"() ({
      %run_scoped3A_117 = tpu.sem_alloc : memref<!tpu.dma_semaphore, #tpu.memory_space<semaphore_mem>>
      %dma_start3A = arith.constant 0 : i32
      %dma_start3A_118 = tpu.memref_slice %arg8[%add3A_83, %dma_start3A] : memref<10240x128xf32, #tpu.memory_space<vmem_shared>> -> memref<64x128xf32, #tpu.memory_space<vmem_shared>>
      %dma_start3A_119 = arith.constant 0 : i32
      %dma_start3A_120 = tpu.memref_slice %arg8[%add3A_83, %dma_start3A_119] : memref<10240x128xf32, #tpu.memory_space<vmem_shared>> -> memref<64x128xf32, #tpu.memory_space<vmem_shared>>
      tpu.enqueue_dma source(%arg11 : memref<64x128xf32, #tpu.memory_space<vmem>>) target(%dma_start3A_120 : memref<64x128xf32, #tpu.memory_space<vmem_shared>>) target_semaphore(%run_scoped3A_117 : memref<!tpu.dma_semaphore, #tpu.memory_space<semaphore_mem>>)
      %dma_wait3A_121 = arith.constant 0 : i32
      %dma_wait3A_122 = tpu.memref_slice %arg8[%add3A_83, %dma_wait3A_121] : memref<10240x128xf32, #tpu.memory_space<vmem_shared>> -> memref<64x128xf32, #tpu.memory_space<vmem_shared>>
      %dma_wait3A_123 = arith.constant 0 : i32
      %dma_wait3A_124 = tpu.memref_slice %arg8[%add3A_83, %dma_wait3A_123] : memref<10240x128xf32, #tpu.memory_space<vmem_shared>> -> memref<64x128xf32, #tpu.memory_space<vmem_shared>>
      tpu.wait_dma2 semaphore(%run_scoped3A_117 : memref<!tpu.dma_semaphore, #tpu.memory_space<semaphore_mem>>) src(%arg11 : memref<64x128xf32, #tpu.memory_space<vmem>>) dst(%dma_wait3A_124 : memref<64x128xf32, #tpu.memory_space<vmem_shared>>)
      tpu.yield
    }) : () -> ()
    %add3A_84 = arith.constant 384 : i32
    %add3A_85 = arith.addi %mul3A_2, %add3A_84 : i32
    "tpu.region"() ({
      %run_scoped3A_117 = tpu.sem_alloc : memref<!tpu.dma_semaphore, #tpu.memory_space<semaphore_mem>>
      %dma_start3A = arith.constant 0 : i32
      %dma_start3A_118 = tpu.memref_slice %arg8[%add3A_85, %dma_start3A] : memref<10240x128xf32, #tpu.memory_space<vmem_shared>> -> memref<64x128xf32, #tpu.memory_space<vmem_shared>>
      %dma_start3A_119 = arith.constant 0 : i32
      %dma_start3A_120 = tpu.memref_slice %arg8[%add3A_85, %dma_start3A_119] : memref<10240x128xf32, #tpu.memory_space<vmem_shared>> -> memref<64x128xf32, #tpu.memory_space<vmem_shared>>
      tpu.enqueue_dma source(%arg11 : memref<64x128xf32, #tpu.memory_space<vmem>>) target(%dma_start3A_120 : memref<64x128xf32, #tpu.memory_space<vmem_shared>>) target_semaphore(%run_scoped3A_117 : memref<!tpu.dma_semaphore, #tpu.memory_space<semaphore_mem>>)
      %dma_wait3A_121 = arith.constant 0 : i32
      %dma_wait3A_122 = tpu.memref_slice %arg8[%add3A_85, %dma_wait3A_121] : memref<10240x128xf32, #tpu.memory_space<vmem_shared>> -> memref<64x128xf32, #tpu.memory_space<vmem_shared>>
      %dma_wait3A_123 = arith.constant 0 : i32
      %dma_wait3A_124 = tpu.memref_slice %arg8[%add3A_85, %dma_wait3A_123] : memref<10240x128xf32, #tpu.memory_space<vmem_shared>> -> memref<64x128xf32, #tpu.memory_space<vmem_shared>>
      tpu.wait_dma2 semaphore(%run_scoped3A_117 : memref<!tpu.dma_semaphore, #tpu.memory_space<semaphore_mem>>) src(%arg11 : memref<64x128xf32, #tpu.memory_space<vmem>>) dst(%dma_wait3A_124 : memref<64x128xf32, #tpu.memory_space<vmem_shared>>)
      tpu.yield
    }) : () -> ()
    %add3A_86 = arith.constant 448 : i32
    %add3A_87 = arith.addi %mul3A_2, %add3A_86 : i32
    "tpu.region"() ({
      %run_scoped3A_117 = tpu.sem_alloc : memref<!tpu.dma_semaphore, #tpu.memory_space<semaphore_mem>>
      %dma_start3A = arith.constant 0 : i32
      %dma_start3A_118 = tpu.memref_slice %arg8[%add3A_87, %dma_start3A] : memref<10240x128xf32, #tpu.memory_space<vmem_shared>> -> memref<64x128xf32, #tpu.memory_space<vmem_shared>>
      %dma_start3A_119 = arith.constant 0 : i32
      %dma_start3A_120 = tpu.memref_slice %arg8[%add3A_87, %dma_start3A_119] : memref<10240x128xf32, #tpu.memory_space<vmem_shared>> -> memref<64x128xf32, #tpu.memory_space<vmem_shared>>
      tpu.enqueue_dma source(%arg11 : memref<64x128xf32, #tpu.memory_space<vmem>>) target(%dma_start3A_120 : memref<64x128xf32, #tpu.memory_space<vmem_shared>>) target_semaphore(%run_scoped3A_117 : memref<!tpu.dma_semaphore, #tpu.memory_space<semaphore_mem>>)
      %dma_wait3A_121 = arith.constant 0 : i32
      %dma_wait3A_122 = tpu.memref_slice %arg8[%add3A_87, %dma_wait3A_121] : memref<10240x128xf32, #tpu.memory_space<vmem_shared>> -> memref<64x128xf32, #tpu.memory_space<vmem_shared>>
      %dma_wait3A_123 = arith.constant 0 : i32
      %dma_wait3A_124 = tpu.memref_slice %arg8[%add3A_87, %dma_wait3A_123] : memref<10240x128xf32, #tpu.memory_space<vmem_shared>> -> memref<64x128xf32, #tpu.memory_space<vmem_shared>>
      tpu.wait_dma2 semaphore(%run_scoped3A_117 : memref<!tpu.dma_semaphore, #tpu.memory_space<semaphore_mem>>) src(%arg11 : memref<64x128xf32, #tpu.memory_space<vmem>>) dst(%dma_wait3A_124 : memref<64x128xf32, #tpu.memory_space<vmem_shared>>)
      tpu.yield
    }) : () -> ()
    %add3A_88 = arith.constant 512 : i32
    %add3A_89 = arith.addi %mul3A_2, %add3A_88 : i32
    "tpu.region"() ({
      %run_scoped3A_117 = tpu.sem_alloc : memref<!tpu.dma_semaphore, #tpu.memory_space<semaphore_mem>>
      %dma_start3A = arith.constant 0 : i32
      %dma_start3A_118 = tpu.memref_slice %arg8[%add3A_89, %dma_start3A] : memref<10240x128xf32, #tpu.memory_space<vmem_shared>> -> memref<64x128xf32, #tpu.memory_space<vmem_shared>>
      %dma_start3A_119 = arith.constant 0 : i32
      %dma_start3A_120 = tpu.memref_slice %arg8[%add3A_89, %dma_start3A_119] : memref<10240x128xf32, #tpu.memory_space<vmem_shared>> -> memref<64x128xf32, #tpu.memory_space<vmem_shared>>
      tpu.enqueue_dma source(%arg11 : memref<64x128xf32, #tpu.memory_space<vmem>>) target(%dma_start3A_120 : memref<64x128xf32, #tpu.memory_space<vmem_shared>>) target_semaphore(%run_scoped3A_117 : memref<!tpu.dma_semaphore, #tpu.memory_space<semaphore_mem>>)
      %dma_wait3A_121 = arith.constant 0 : i32
      %dma_wait3A_122 = tpu.memref_slice %arg8[%add3A_89, %dma_wait3A_121] : memref<10240x128xf32, #tpu.memory_space<vmem_shared>> -> memref<64x128xf32, #tpu.memory_space<vmem_shared>>
      %dma_wait3A_123 = arith.constant 0 : i32
      %dma_wait3A_124 = tpu.memref_slice %arg8[%add3A_89, %dma_wait3A_123] : memref<10240x128xf32, #tpu.memory_space<vmem_shared>> -> memref<64x128xf32, #tpu.memory_space<vmem_shared>>
      tpu.wait_dma2 semaphore(%run_scoped3A_117 : memref<!tpu.dma_semaphore, #tpu.memory_space<semaphore_mem>>) src(%arg11 : memref<64x128xf32, #tpu.memory_space<vmem>>) dst(%dma_wait3A_124 : memref<64x128xf32, #tpu.memory_space<vmem_shared>>)
      tpu.yield
    }) : () -> ()
    %add3A_90 = arith.constant 576 : i32
    %add3A_91 = arith.addi %mul3A_2, %add3A_90 : i32
    "tpu.region"() ({
      %run_scoped3A_117 = tpu.sem_alloc : memref<!tpu.dma_semaphore, #tpu.memory_space<semaphore_mem>>
      %dma_start3A = arith.constant 0 : i32
      %dma_start3A_118 = tpu.memref_slice %arg8[%add3A_91, %dma_start3A] : memref<10240x128xf32, #tpu.memory_space<vmem_shared>> -> memref<64x128xf32, #tpu.memory_space<vmem_shared>>
      %dma_start3A_119 = arith.constant 0 : i32
      %dma_start3A_120 = tpu.memref_slice %arg8[%add3A_91, %dma_start3A_119] : memref<10240x128xf32, #tpu.memory_space<vmem_shared>> -> memref<64x128xf32, #tpu.memory_space<vmem_shared>>
      tpu.enqueue_dma source(%arg11 : memref<64x128xf32, #tpu.memory_space<vmem>>) target(%dma_start3A_120 : memref<64x128xf32, #tpu.memory_space<vmem_shared>>) target_semaphore(%run_scoped3A_117 : memref<!tpu.dma_semaphore, #tpu.memory_space<semaphore_mem>>)
      %dma_wait3A_121 = arith.constant 0 : i32
      %dma_wait3A_122 = tpu.memref_slice %arg8[%add3A_91, %dma_wait3A_121] : memref<10240x128xf32, #tpu.memory_space<vmem_shared>> -> memref<64x128xf32, #tpu.memory_space<vmem_shared>>
      %dma_wait3A_123 = arith.constant 0 : i32
      %dma_wait3A_124 = tpu.memref_slice %arg8[%add3A_91, %dma_wait3A_123] : memref<10240x128xf32, #tpu.memory_space<vmem_shared>> -> memref<64x128xf32, #tpu.memory_space<vmem_shared>>
      tpu.wait_dma2 semaphore(%run_scoped3A_117 : memref<!tpu.dma_semaphore, #tpu.memory_space<semaphore_mem>>) src(%arg11 : memref<64x128xf32, #tpu.memory_space<vmem>>) dst(%dma_wait3A_124 : memref<64x128xf32, #tpu.memory_space<vmem_shared>>)
      tpu.yield
    }) : () -> ()
    %barrier3A_92 = arith.constant 0 : index
    tpu.barrier barrier_id(%barrier3A_92)
    %scan3A_93 = arith.constant 0 : i32
    %scan3A_94 = arith.constant 0 : i32
    %scan3A_95 = arith.constant 40 : i32
    %scan3A_96 = arith.addi %scan3A_94, %scan3A_95 : i32
    %scan3A_97 = arith.constant 1 : i32
    %scan3A_98 = scf.for %scan3A_117 = %scan3A_94 to %scan3A_96 step %scan3A_97 iter_args(%scan3A_118 = %scan3A_93) -> (i32)  : i32 {
      %mul3A_119 = arith.constant 2 : i32
      %mul3A_120 = arith.muli %mul3A_119, %scan3A_117 : i32
      %add3A_121 = arith.constant 0 : i32
      %add3A_122 = arith.addi %mul3A_120, %add3A_121 : i32
      %gt3A = arith.constant 0 : i32
      %gt3A_123 = arith.cmpi sgt, %scan3A_117, %gt3A : i32
      %convert_element_type3A = arith.extui %gt3A_123 : i1 to i32
      %cond3A = arith.constant 0 : i32
      %cond3A_124 = arith.cmpi ne, %convert_element_type3A, %cond3A : i32
      scf.if %cond3A_124 {
        %sub3A = arith.constant 2 : i32
        %sub3A_170 = arith.subi %add3A_122, %sub3A : i32
        %dma_wait3A_171 = arith.constant 0 : i32
        %dma_wait3A_172 = tpu.memref_slice %arg10[%sub3A_170, %dma_wait3A_171] : memref<80x64xi32, #tpu.memory_space<vmem>> -> memref<1x64xi32, #tpu.memory_space<vmem>>
        %dma_wait3A_173 = tpu.memref_squeeze %dma_wait3A_172 : memref<1x64xi32, #tpu.memory_space<vmem>> -> memref<64xi32, #tpu.memory_space<vmem>>
        %dma_wait3A_174 = arith.constant 0 : i32
        %dma_wait3A_175 = arith.constant 0 : i32
        %dma_wait3A_176 = tpu.memref_slice %arg8[%dma_wait3A_174, %dma_wait3A_175] : memref<10240x128xf32, #tpu.memory_space<vmem_shared>> -> memref<10240x128xf32, #tpu.memory_space<vmem_shared>>
        tpu.wait_indirect_dma semaphore(%arg15 : memref<!tpu.dma_semaphore, #tpu.memory_space<semaphore_mem>>) src(%arg11 : memref<64x128xf32, #tpu.memory_space<vmem>>) dst(%dma_wait3A_176 : memref<10240x128xf32, #tpu.memory_space<vmem_shared>>)
      } else {
      }
      %dma_start3A = arith.constant 0 : i32
      %dma_start3A_125 = tpu.memref_slice %arg9[%add3A_122, %dma_start3A] : memref<80x64xi32, #tpu.memory_space<vmem>> -> memref<1x64xi32, #tpu.memory_space<vmem>>
      %dma_start3A_126 = tpu.memref_squeeze %dma_start3A_125 : memref<1x64xi32, #tpu.memory_space<vmem>> -> memref<64xi32, #tpu.memory_space<vmem>>
      %dma_start3A_127 = arith.constant 0 : i32
      %dma_start3A_128 = arith.constant 0 : i32
      %dma_start3A_129 = tpu.memref_slice %arg3[%dma_start3A_127, %dma_start3A_128] : memref<10000x128xf32, #tpu.memory_space<hbm>> -> memref<10000x128xf32, #tpu.memory_space<hbm>>
      tpu.enqueue_indirect_dma source(%dma_start3A_129 : memref<10000x128xf32, #tpu.memory_space<hbm>>) target(%arg11 : memref<64x128xf32, #tpu.memory_space<vmem>>) offsets(%dma_start3A_126 : memref<64xi32, #tpu.memory_space<vmem>>) semaphore(%arg13 : memref<!tpu.dma_semaphore, #tpu.memory_space<semaphore_mem>>)
      %dma_wait3A_130 = arith.constant 0 : i32
      %dma_wait3A_131 = tpu.memref_slice %arg9[%add3A_122, %dma_wait3A_130] : memref<80x64xi32, #tpu.memory_space<vmem>> -> memref<1x64xi32, #tpu.memory_space<vmem>>
      %dma_wait3A_132 = tpu.memref_squeeze %dma_wait3A_131 : memref<1x64xi32, #tpu.memory_space<vmem>> -> memref<64xi32, #tpu.memory_space<vmem>>
      %dma_wait3A_133 = arith.constant 0 : i32
      %dma_wait3A_134 = arith.constant 0 : i32
      %dma_wait3A_135 = tpu.memref_slice %arg3[%dma_wait3A_133, %dma_wait3A_134] : memref<10000x128xf32, #tpu.memory_space<hbm>> -> memref<10000x128xf32, #tpu.memory_space<hbm>>
      tpu.wait_indirect_dma semaphore(%arg13 : memref<!tpu.dma_semaphore, #tpu.memory_space<semaphore_mem>>) src(%dma_wait3A_135 : memref<10000x128xf32, #tpu.memory_space<hbm>>) dst(%arg11 : memref<64x128xf32, #tpu.memory_space<vmem>>)
      %dma_start3A_136 = arith.constant 0 : i32
      %dma_start3A_137 = tpu.memref_slice %arg10[%add3A_122, %dma_start3A_136] : memref<80x64xi32, #tpu.memory_space<vmem>> -> memref<1x64xi32, #tpu.memory_space<vmem>>
      %dma_start3A_138 = tpu.memref_squeeze %dma_start3A_137 : memref<1x64xi32, #tpu.memory_space<vmem>> -> memref<64xi32, #tpu.memory_space<vmem>>
      %dma_start3A_139 = arith.constant 0 : i32
      %dma_start3A_140 = arith.constant 0 : i32
      %dma_start3A_141 = tpu.memref_slice %arg8[%dma_start3A_139, %dma_start3A_140] : memref<10240x128xf32, #tpu.memory_space<vmem_shared>> -> memref<10240x128xf32, #tpu.memory_space<vmem_shared>>
      tpu.enqueue_indirect_dma source(%arg11 : memref<64x128xf32, #tpu.memory_space<vmem>>) target(%dma_start3A_141 : memref<10240x128xf32, #tpu.memory_space<vmem_shared>>) offsets(%dma_start3A_138 : memref<64xi32, #tpu.memory_space<vmem>>) semaphore(%arg15 : memref<!tpu.dma_semaphore, #tpu.memory_space<semaphore_mem>>) {add = true}
      %mul3A_142 = arith.constant 2 : i32
      %mul3A_143 = arith.muli %mul3A_142, %scan3A_117 : i32
      %add3A_144 = arith.constant 1 : i32
      %add3A_145 = arith.addi %mul3A_143, %add3A_144 : i32
      %gt3A_146 = arith.constant 0 : i32
      %gt3A_147 = arith.cmpi sgt, %scan3A_117, %gt3A_146 : i32
      %convert_element_type3A_148 = arith.extui %gt3A_147 : i1 to i32
      %cond3A_149 = arith.constant 0 : i32
      %cond3A_150 = arith.cmpi ne, %convert_element_type3A_148, %cond3A_149 : i32
      scf.if %cond3A_150 {
        %sub3A = arith.constant 2 : i32
        %sub3A_170 = arith.subi %add3A_145, %sub3A : i32
        %dma_wait3A_171 = arith.constant 0 : i32
        %dma_wait3A_172 = tpu.memref_slice %arg10[%sub3A_170, %dma_wait3A_171] : memref<80x64xi32, #tpu.memory_space<vmem>> -> memref<1x64xi32, #tpu.memory_space<vmem>>
        %dma_wait3A_173 = tpu.memref_squeeze %dma_wait3A_172 : memref<1x64xi32, #tpu.memory_space<vmem>> -> memref<64xi32, #tpu.memory_space<vmem>>
        %dma_wait3A_174 = arith.constant 0 : i32
        %dma_wait3A_175 = arith.constant 0 : i32
        %dma_wait3A_176 = tpu.memref_slice %arg8[%dma_wait3A_174, %dma_wait3A_175] : memref<10240x128xf32, #tpu.memory_space<vmem_shared>> -> memref<10240x128xf32, #tpu.memory_space<vmem_shared>>
        tpu.wait_indirect_dma semaphore(%arg16 : memref<!tpu.dma_semaphore, #tpu.memory_space<semaphore_mem>>) src(%arg12 : memref<64x128xf32, #tpu.memory_space<vmem>>) dst(%dma_wait3A_176 : memref<10240x128xf32, #tpu.memory_space<vmem_shared>>)
      } else {
      }
      %dma_start3A_151 = arith.constant 0 : i32
      %dma_start3A_152 = tpu.memref_slice %arg9[%add3A_145, %dma_start3A_151] : memref<80x64xi32, #tpu.memory_space<vmem>> -> memref<1x64xi32, #tpu.memory_space<vmem>>
      %dma_start3A_153 = tpu.memref_squeeze %dma_start3A_152 : memref<1x64xi32, #tpu.memory_space<vmem>> -> memref<64xi32, #tpu.memory_space<vmem>>
      %dma_start3A_154 = arith.constant 0 : i32
      %dma_start3A_155 = arith.constant 0 : i32
      %dma_start3A_156 = tpu.memref_slice %arg3[%dma_start3A_154, %dma_start3A_155] : memref<10000x128xf32, #tpu.memory_space<hbm>> -> memref<10000x128xf32, #tpu.memory_space<hbm>>
      tpu.enqueue_indirect_dma source(%dma_start3A_156 : memref<10000x128xf32, #tpu.memory_space<hbm>>) target(%arg12 : memref<64x128xf32, #tpu.memory_space<vmem>>) offsets(%dma_start3A_153 : memref<64xi32, #tpu.memory_space<vmem>>) semaphore(%arg14 : memref<!tpu.dma_semaphore, #tpu.memory_space<semaphore_mem>>)
      %dma_wait3A_157 = arith.constant 0 : i32
      %dma_wait3A_158 = tpu.memref_slice %arg9[%add3A_145, %dma_wait3A_157] : memref<80x64xi32, #tpu.memory_space<vmem>> -> memref<1x64xi32, #tpu.memory_space<vmem>>
      %dma_wait3A_159 = tpu.memref_squeeze %dma_wait3A_158 : memref<1x64xi32, #tpu.memory_space<vmem>> -> memref<64xi32, #tpu.memory_space<vmem>>
      %dma_wait3A_160 = arith.constant 0 : i32
      %dma_wait3A_161 = arith.constant 0 : i32
      %dma_wait3A_162 = tpu.memref_slice %arg3[%dma_wait3A_160, %dma_wait3A_161] : memref<10000x128xf32, #tpu.memory_space<hbm>> -> memref<10000x128xf32, #tpu.memory_space<hbm>>
      tpu.wait_indirect_dma semaphore(%arg14 : memref<!tpu.dma_semaphore, #tpu.memory_space<semaphore_mem>>) src(%dma_wait3A_162 : memref<10000x128xf32, #tpu.memory_space<hbm>>) dst(%arg12 : memref<64x128xf32, #tpu.memory_space<vmem>>)
      %dma_start3A_163 = arith.constant 0 : i32
      %dma_start3A_164 = tpu.memref_slice %arg10[%add3A_145, %dma_start3A_163] : memref<80x64xi32, #tpu.memory_space<vmem>> -> memref<1x64xi32, #tpu.memory_space<vmem>>
      %dma_start3A_165 = tpu.memref_squeeze %dma_start3A_164 : memref<1x64xi32, #tpu.memory_space<vmem>> -> memref<64xi32, #tpu.memory_space<vmem>>
      %dma_start3A_166 = arith.constant 0 : i32
      %dma_start3A_167 = arith.constant 0 : i32
      %dma_start3A_168 = tpu.memref_slice %arg8[%dma_start3A_166, %dma_start3A_167] : memref<10240x128xf32, #tpu.memory_space<vmem_shared>> -> memref<10240x128xf32, #tpu.memory_space<vmem_shared>>
      tpu.enqueue_indirect_dma source(%arg12 : memref<64x128xf32, #tpu.memory_space<vmem>>) target(%dma_start3A_168 : memref<10240x128xf32, #tpu.memory_space<vmem_shared>>) offsets(%dma_start3A_165 : memref<64xi32, #tpu.memory_space<vmem>>) semaphore(%arg16 : memref<!tpu.dma_semaphore, #tpu.memory_space<semaphore_mem>>) {add = true}
      %scan3A_169 = arith.constant 0 : i32
      scf.yield %scan3A_169 : i32
    }
    %scan3A_99 = arith.constant 40 : i32
    %dma_wait3A_100 = arith.constant 78 : i32
    %dma_wait3A_101 = arith.constant 0 : i32
    %dma_wait3A_102 = tpu.memref_slice %arg10[%dma_wait3A_100, %dma_wait3A_101] : memref<80x64xi32, #tpu.memory_space<vmem>> -> memref<1x64xi32, #tpu.memory_space<vmem>>
    %dma_wait3A_103 = tpu.memref_squeeze %dma_wait3A_102 : memref<1x64xi32, #tpu.memory_space<vmem>> -> memref<64xi32, #tpu.memory_space<vmem>>
    %dma_wait3A_104 = arith.constant 0 : i32
    %dma_wait3A_105 = arith.constant 0 : i32
    %dma_wait3A_106 = tpu.memref_slice %arg8[%dma_wait3A_104, %dma_wait3A_105] : memref<10240x128xf32, #tpu.memory_space<vmem_shared>> -> memref<10240x128xf32, #tpu.memory_space<vmem_shared>>
    tpu.wait_indirect_dma semaphore(%arg15 : memref<!tpu.dma_semaphore, #tpu.memory_space<semaphore_mem>>) src(%arg11 : memref<64x128xf32, #tpu.memory_space<vmem>>) dst(%dma_wait3A_106 : memref<10240x128xf32, #tpu.memory_space<vmem_shared>>)
    %dma_wait3A_107 = arith.constant 79 : i32
    %dma_wait3A_108 = arith.constant 0 : i32
    %dma_wait3A_109 = tpu.memref_slice %arg10[%dma_wait3A_107, %dma_wait3A_108] : memref<80x64xi32, #tpu.memory_space<vmem>> -> memref<1x64xi32, #tpu.memory_space<vmem>>
    %dma_wait3A_110 = tpu.memref_squeeze %dma_wait3A_109 : memref<1x64xi32, #tpu.memory_space<vmem>> -> memref<64xi32, #tpu.memory_space<vmem>>
    %dma_wait3A_111 = arith.constant 0 : i32
    %dma_wait3A_112 = arith.constant 0 : i32
    %dma_wait3A_113 = tpu.memref_slice %arg8[%dma_wait3A_111, %dma_wait3A_112] : memref<10240x128xf32, #tpu.memory_space<vmem_shared>> -> memref<10240x128xf32, #tpu.memory_space<vmem_shared>>
    tpu.wait_indirect_dma semaphore(%arg16 : memref<!tpu.dma_semaphore, #tpu.memory_space<semaphore_mem>>) src(%arg12 : memref<64x128xf32, #tpu.memory_space<vmem>>) dst(%dma_wait3A_113 : memref<10240x128xf32, #tpu.memory_space<vmem_shared>>)
    %barrier3A_114 = arith.constant 0 : index
    tpu.barrier barrier_id(%barrier3A_114)
    %run_scoped3A_115 = arith.constant 1 : i32
    "tpu.region"() ({
      %run_scoped3A_117 = tpu.sem_alloc : memref<!tpu.dma_semaphore, #tpu.memory_space<semaphore_mem>>
      %dma_start3A = arith.constant 0 : i32
      %dma_start3A_118 = tpu.memref_slice %arg6[%arg0, %run_scoped3A_115, %mul3A_2, %dma_start3A] : memref<2x2x10240x128xf32, #tpu.memory_space<hbm>> -> memref<1x1x640x128xf32, #tpu.memory_space<hbm>>
      %dma_start3A_119 = tpu.memref_squeeze %dma_start3A_118 : memref<1x1x640x128xf32, #tpu.memory_space<hbm>> -> memref<640x128xf32, #tpu.memory_space<hbm>>
      %dma_start3A_120 = arith.constant 0 : i32
      %dma_start3A_121 = tpu.memref_slice %arg8[%mul3A_2, %dma_start3A_120] : memref<10240x128xf32, #tpu.memory_space<vmem_shared>> -> memref<640x128xf32, #tpu.memory_space<vmem_shared>>
      tpu.enqueue_dma source(%dma_start3A_121 : memref<640x128xf32, #tpu.memory_space<vmem_shared>>) target(%dma_start3A_119 : memref<640x128xf32, #tpu.memory_space<hbm>>) target_semaphore(%run_scoped3A_117 : memref<!tpu.dma_semaphore, #tpu.memory_space<semaphore_mem>>)
      %dma_wait3A_122 = arith.constant 0 : i32
      %dma_wait3A_123 = tpu.memref_slice %arg6[%arg0, %run_scoped3A_115, %mul3A_2, %dma_wait3A_122] : memref<2x2x10240x128xf32, #tpu.memory_space<hbm>> -> memref<1x1x640x128xf32, #tpu.memory_space<hbm>>
      %dma_wait3A_124 = tpu.memref_squeeze %dma_wait3A_123 : memref<1x1x640x128xf32, #tpu.memory_space<hbm>> -> memref<640x128xf32, #tpu.memory_space<hbm>>
      %dma_wait3A_125 = arith.constant 0 : i32
      %dma_wait3A_126 = tpu.memref_slice %arg8[%mul3A_2, %dma_wait3A_125] : memref<10240x128xf32, #tpu.memory_space<vmem_shared>> -> memref<640x128xf32, #tpu.memory_space<vmem_shared>>
      tpu.wait_dma2 semaphore(%run_scoped3A_117 : memref<!tpu.dma_semaphore, #tpu.memory_space<semaphore_mem>>) src(%dma_wait3A_126 : memref<640x128xf32, #tpu.memory_space<vmem_shared>>) dst(%dma_wait3A_124 : memref<640x128xf32, #tpu.memory_space<hbm>>)
      tpu.yield
    }) : () -> ()
    %barrier3A_116 = arith.constant 0 : index
    tpu.barrier barrier_id(%barrier3A_116)
    return
  }
}

module attributes {stable_mosaic.version = 14 : i64} {
  func.func @_tc1_body(%arg0: i32, %arg1: memref<2x2x1024x128xf32, #tpu.memory_space<vmem>>, %arg2: memref<32x1024xf32, #tpu.memory_space<vmem>>, %arg3: memref<1024x256xf32, #tpu.memory_space<vmem>>, %arg4: memref<256x512xf32, #tpu.memory_space<vmem>>, %arg5: memref<1x512xf32, #tpu.memory_space<vmem>>, %arg6: memref<256x512xf32, #tpu.memory_space<vmem>>, %arg7: memref<1024x128xf32, #tpu.memory_space<vmem>>, %arg8: memref<1024x128xf32, #tpu.memory_space<vmem>>, %arg9: memref<1024x128xf32, #tpu.memory_space<vmem>>, %arg10: memref<1024x128xf32, #tpu.memory_space<vmem>>) attributes {dimension_semantics = [#tpu.dimension_semantics<arbitrary>], iteration_bounds = array<i64: 10>, scalar_prefetch = 0 : i64, scratch_operands = 0 : i64, tpu.core_type = #tpu.core_type<tc>, window_params = [{transform_indices = @transform_0, window_bounds = array<i64: 2, 2, 1024, 128>}, {transform_indices = @transform_1, window_bounds = array<i64: 32, 1024>}, {transform_indices = @transform_2, window_bounds = array<i64: 1024, 256>}, {pipeline_mode = #tpu.pipeline_mode<synchronous>, transform_indices = @transform_3, window_bounds = array<i64: 256, 512>}, {pipeline_mode = #tpu.pipeline_mode<synchronous>, transform_indices = @transform_4, window_bounds = array<i64: 1, 512>}, {pipeline_mode = #tpu.pipeline_mode<synchronous>, transform_indices = @transform_5, window_bounds = array<i64: 256, 512>}, {transform_indices = @transform_6, window_bounds = array<i64: 1024, 128>}, {transform_indices = @transform_7, window_bounds = array<i64: 1024, 128>}, {transform_indices = @transform_8, window_bounds = array<i64: 1024, 128>}, {transform_indices = @transform_9, window_bounds = array<i64: 1024, 128>}]} {
    %get3A = arith.constant 0 : index
    %get3A_0 = arith.constant 0 : index
    %get3A_1 = arith.constant 0 : index
    %get3A_2 = arith.constant 0 : index
    %get3A_3 = vector.load %arg1[%get3A, %get3A_0, %get3A_1, %get3A_2] : memref<2x2x1024x128xf32, #tpu.memory_space<vmem>>, vector<2x2x1024x128xf32>
    %get3A_4 = arith.constant 0 : index
    %get3A_5 = arith.constant 0 : index
    %get3A_6 = vector.load %arg2[%get3A_4, %get3A_5] : memref<32x1024xf32, #tpu.memory_space<vmem>>, vector<32x1024xf32>
    %reduce_sum3A = arith.constant dense<0.000000e+00> : vector<1024xf32>
    %reduce_sum3A_7 = vector.multi_reduction <add>, %get3A_6, %reduce_sum3A [0] : vector<32x1024xf32> to vector<1024xf32>
    %max3A = arith.constant 1.000000e+00 : f32
    %max3A_8 = vector.broadcast %max3A : f32 to vector<1024xf32>
    %max3A_9 = arith.maximumf %reduce_sum3A_7, %max3A_8 : vector<1024xf32>
    %div3A = arith.constant 1.000000e+00 : f32
    %div3A_10 = vector.broadcast %div3A : f32 to vector<1024xf32>
    %div3A_11 = arith.divf %div3A_10, %max3A_9 : vector<1024xf32>
    %get3A_12 = arith.constant 0 : index
    %get3A_13 = arith.constant 0 : index
    %get3A_14 = vector.load %arg4[%get3A_12, %get3A_13] : memref<256x512xf32, #tpu.memory_space<vmem>>, vector<256x512xf32>
    %get3A_15 = arith.constant 0 : index
    %get3A_16 = arith.constant 0 : index
    %get3A_17 = vector.load %arg5[%get3A_15, %get3A_16] : memref<1x512xf32, #tpu.memory_space<vmem>>, vector<1x512xf32>
    %slice3A = vector.extract_strided_slice %get3A_3 {offsets = [0, 0, 0, 0], sizes = [1, 1, 1024, 128], strides = [1, 1, 1, 1]} : vector<2x2x1024x128xf32> to vector<1x1x1024x128xf32>
    %squeeze3A = vector.shape_cast %slice3A : vector<1x1x1024x128xf32> to vector<1024x128xf32>
    %slice3A_18 = vector.extract_strided_slice %get3A_3 {offsets = [1, 0, 0, 0], sizes = [1, 1, 1024, 128], strides = [1, 1, 1, 1]} : vector<2x2x1024x128xf32> to vector<1x1x1024x128xf32>
    %squeeze3A_19 = vector.shape_cast %slice3A_18 : vector<1x1x1024x128xf32> to vector<1024x128xf32>
    %add3A = arith.addf %squeeze3A, %squeeze3A_19 : vector<1024x128xf32>
    %broadcast_in_dim3A = vector.shape_cast %div3A_11 : vector<1024xf32> to vector<1024x1xf32>
    %mul3A = vector.broadcast %broadcast_in_dim3A : vector<1024x1xf32> to vector<1024x128xf32>
    %mul3A_20 = arith.mulf %add3A, %mul3A : vector<1024x128xf32>
    %slice3A_21 = vector.extract_strided_slice %get3A_14 {offsets = [0, 0], sizes = [128, 512], strides = [1, 1]} : vector<256x512xf32> to vector<128x512xf32>
    %dot_general3A = arith.constant dense<0.000000e+00> : vector<1024x512xf32>
    %dot_general3A_22 = tpu.matmul %mul3A_20, %slice3A_21, %dot_general3A {dimension_numbers = #tpu.dot_dimension_numbers<[1], [0], [0], [1], [0, 0, 1, 1], [], []>, transpose_lhs_hint = false} : vector<1024x128xf32>, vector<128x512xf32>, vector<1024x512xf32> -> vector<1024x512xf32>
    %add3A_23 = vector.broadcast %get3A_17 : vector<1x512xf32> to vector<1024x512xf32>
    %add3A_24 = arith.addf %add3A_23, %dot_general3A_22 : vector<1024x512xf32>
    %slice3A_25 = vector.extract_strided_slice %get3A_3 {offsets = [0, 1, 0, 0], sizes = [1, 1, 1024, 128], strides = [1, 1, 1, 1]} : vector<2x2x1024x128xf32> to vector<1x1x1024x128xf32>
    %squeeze3A_26 = vector.shape_cast %slice3A_25 : vector<1x1x1024x128xf32> to vector<1024x128xf32>
    %slice3A_27 = vector.extract_strided_slice %get3A_3 {offsets = [1, 1, 0, 0], sizes = [1, 1, 1024, 128], strides = [1, 1, 1, 1]} : vector<2x2x1024x128xf32> to vector<1x1x1024x128xf32>
    %squeeze3A_28 = vector.shape_cast %slice3A_27 : vector<1x1x1024x128xf32> to vector<1024x128xf32>
    %add3A_29 = arith.addf %squeeze3A_26, %squeeze3A_28 : vector<1024x128xf32>
    %broadcast_in_dim3A_30 = vector.shape_cast %div3A_11 : vector<1024xf32> to vector<1024x1xf32>
    %mul3A_31 = vector.broadcast %broadcast_in_dim3A_30 : vector<1024x1xf32> to vector<1024x128xf32>
    %mul3A_32 = arith.mulf %add3A_29, %mul3A_31 : vector<1024x128xf32>
    %slice3A_33 = vector.extract_strided_slice %get3A_14 {offsets = [128, 0], sizes = [128, 512], strides = [1, 1]} : vector<256x512xf32> to vector<128x512xf32>
    %dot_general3A_34 = arith.constant dense<0.000000e+00> : vector<1024x512xf32>
    %dot_general3A_35 = tpu.matmul %mul3A_32, %slice3A_33, %dot_general3A_34 {dimension_numbers = #tpu.dot_dimension_numbers<[1], [0], [0], [1], [0, 0, 1, 1], [], []>, transpose_lhs_hint = false} : vector<1024x128xf32>, vector<128x512xf32>, vector<1024x512xf32> -> vector<1024x512xf32>
    %add3A_36 = arith.addf %add3A_24, %dot_general3A_35 : vector<1024x512xf32>
    %get3A_37 = arith.constant 0 : index
    %get3A_38 = arith.constant 0 : index
    %get3A_39 = vector.load %arg3[%get3A_37, %get3A_38] : memref<1024x256xf32, #tpu.memory_space<vmem>>, vector<1024x256xf32>
    %get3A_40 = arith.constant 0 : index
    %get3A_41 = arith.constant 0 : index
    %get3A_42 = vector.load %arg6[%get3A_40, %get3A_41] : memref<256x512xf32, #tpu.memory_space<vmem>>, vector<256x512xf32>
    %dot_general3A_43 = arith.constant dense<0.000000e+00> : vector<1024x512xf32>
    %dot_general3A_44 = tpu.matmul %get3A_39, %get3A_42, %dot_general3A_43 {dimension_numbers = #tpu.dot_dimension_numbers<[1], [0], [0], [1], [0, 0, 1, 1], [], []>, transpose_lhs_hint = false} : vector<1024x256xf32>, vector<256x512xf32>, vector<1024x512xf32> -> vector<1024x512xf32>
    %add3A_45 = arith.addf %add3A_36, %dot_general3A_44 : vector<1024x512xf32>
    %max3A_46 = arith.constant 0.000000e+00 : f32
    %max3A_47 = vector.broadcast %max3A_46 : f32 to vector<1024x512xf32>
    %max3A_48 = arith.maximumf %add3A_45, %max3A_47 : vector<1024x512xf32>
    %slice3A_49 = vector.extract_strided_slice %max3A_48 {offsets = [0, 0], sizes = [1024, 128], strides = [1, 1]} : vector<1024x512xf32> to vector<1024x128xf32>
    %swap3A = arith.constant 0 : index
    %swap3A_50 = arith.constant 0 : index
    %swap3A_51 = vector.load %arg7[%swap3A, %swap3A_50] : memref<1024x128xf32, #tpu.memory_space<vmem>>, vector<1024x128xf32>
    tpu.vector_store %arg7[%swap3A, %swap3A_50], %slice3A_49 {strides = array<i32>} : memref<1024x128xf32, #tpu.memory_space<vmem>>, vector<1024x128xf32>,
    %slice3A_52 = vector.extract_strided_slice %max3A_48 {offsets = [0, 128], sizes = [1024, 128], strides = [1, 1]} : vector<1024x512xf32> to vector<1024x128xf32>
    %swap3A_53 = arith.constant 0 : index
    %swap3A_54 = arith.constant 0 : index
    %swap3A_55 = vector.load %arg8[%swap3A_53, %swap3A_54] : memref<1024x128xf32, #tpu.memory_space<vmem>>, vector<1024x128xf32>
    tpu.vector_store %arg8[%swap3A_53, %swap3A_54], %slice3A_52 {strides = array<i32>} : memref<1024x128xf32, #tpu.memory_space<vmem>>, vector<1024x128xf32>,
    %slice3A_56 = vector.extract_strided_slice %max3A_48 {offsets = [0, 256], sizes = [1024, 128], strides = [1, 1]} : vector<1024x512xf32> to vector<1024x128xf32>
    %swap3A_57 = arith.constant 0 : index
    %swap3A_58 = arith.constant 0 : index
    %swap3A_59 = vector.load %arg9[%swap3A_57, %swap3A_58] : memref<1024x128xf32, #tpu.memory_space<vmem>>, vector<1024x128xf32>
    tpu.vector_store %arg9[%swap3A_57, %swap3A_58], %slice3A_56 {strides = array<i32>} : memref<1024x128xf32, #tpu.memory_space<vmem>>, vector<1024x128xf32>,
    %slice3A_60 = vector.extract_strided_slice %max3A_48 {offsets = [0, 384], sizes = [1024, 128], strides = [1, 1]} : vector<1024x512xf32> to vector<1024x128xf32>
    %swap3A_61 = arith.constant 0 : index
    %swap3A_62 = arith.constant 0 : index
    %swap3A_63 = vector.load %arg10[%swap3A_61, %swap3A_62] : memref<1024x128xf32, #tpu.memory_space<vmem>>, vector<1024x128xf32>
    tpu.vector_store %arg10[%swap3A_61, %swap3A_62], %slice3A_60 {strides = array<i32>} : memref<1024x128xf32, #tpu.memory_space<vmem>>, vector<1024x128xf32>,
    return
  }
  func.func @transform_0(%arg0: i32) -> (i32, i32, i32, i32) {
    %c0_i32 = arith.constant 0 : i32
    %c0_i32_0 = arith.constant 0 : i32
    %c0_i32_1 = arith.constant 0 : i32
    %c0_i32_2 = arith.constant 0 : i32
    return %c0_i32, %c0_i32_0, %arg0, %c0_i32_1 : i32, i32, i32, i32
  }
  func.func @transform_1(%arg0: i32) -> (i32, i32) {
    %c0_i32 = arith.constant 0 : i32
    %c0_i32_0 = arith.constant 0 : i32
    return %c0_i32, %arg0 : i32, i32
  }
  func.func @transform_2(%arg0: i32) -> (i32, i32) {
    %c0_i32 = arith.constant 0 : i32
    %c0_i32_0 = arith.constant 0 : i32
    return %arg0, %c0_i32 : i32, i32
  }
  func.func @transform_3(%arg0: i32) -> (i32, i32) {
    %c0_i32 = arith.constant 0 : i32
    %c0_i32_0 = arith.constant 0 : i32
    %c0_i32_1 = arith.constant 0 : i32
    return %c0_i32, %c0_i32_0 : i32, i32
  }
  func.func @transform_4(%arg0: i32) -> (i32, i32) {
    %c0_i32 = arith.constant 0 : i32
    %c0_i32_0 = arith.constant 0 : i32
    %c0_i32_1 = arith.constant 0 : i32
    return %c0_i32, %c0_i32_0 : i32, i32
  }
  func.func @transform_5(%arg0: i32) -> (i32, i32) {
    %c0_i32 = arith.constant 0 : i32
    %c0_i32_0 = arith.constant 0 : i32
    %c0_i32_1 = arith.constant 0 : i32
    return %c0_i32, %c0_i32_0 : i32, i32
  }
  func.func @transform_6(%arg0: i32) -> (i32, i32) {
    %c0_i32 = arith.constant 0 : i32
    %c0_i32_0 = arith.constant 0 : i32
    return %arg0, %c0_i32 : i32, i32
  }
  func.func @transform_7(%arg0: i32) -> (i32, i32) {
    %c0_i32 = arith.constant 0 : i32
    %c0_i32_0 = arith.constant 0 : i32
    return %arg0, %c0_i32 : i32, i32
  }
  func.func @transform_8(%arg0: i32) -> (i32, i32) {
    %c0_i32 = arith.constant 0 : i32
    %c0_i32_0 = arith.constant 0 : i32
    return %arg0, %c0_i32 : i32, i32
  }
  func.func @transform_9(%arg0: i32) -> (i32, i32) {
    %c0_i32 = arith.constant 0 : i32
    %c0_i32_0 = arith.constant 0 : i32
    return %arg0, %c0_i32 : i32, i32
  }
}

module attributes {stable_mosaic.version = 14 : i64} {
  func.func @_tc2_body(%arg0: i32, %arg1: memref<2x4x1024x128xf32, #tpu.memory_space<vmem>>, %arg2: memref<32x1024xf32, #tpu.memory_space<vmem>>, %arg3: memref<1024x128xf32, #tpu.memory_space<vmem>>, %arg4: memref<1024x128xf32, #tpu.memory_space<vmem>>, %arg5: memref<1024x128xf32, #tpu.memory_space<vmem>>, %arg6: memref<1024x128xf32, #tpu.memory_space<vmem>>, %arg7: memref<512x512xf32, #tpu.memory_space<vmem>>, %arg8: memref<1x512xf32, #tpu.memory_space<vmem>>, %arg9: memref<512x512xf32, #tpu.memory_space<vmem>>, %arg10: memref<512x128xf32, #tpu.memory_space<vmem>>, %arg11: memref<1x128xf32, #tpu.memory_space<vmem>>, %arg12: memref<1024x128xf32, #tpu.memory_space<vmem>>) attributes {dimension_semantics = [#tpu.dimension_semantics<arbitrary>], iteration_bounds = array<i64: 10>, scalar_prefetch = 0 : i64, scratch_operands = 0 : i64, tpu.core_type = #tpu.core_type<tc>, window_params = [{transform_indices = @transform_0, window_bounds = array<i64: 2, 4, 1024, 128>}, {transform_indices = @transform_1, window_bounds = array<i64: 32, 1024>}, {transform_indices = @transform_2, window_bounds = array<i64: 1024, 128>}, {transform_indices = @transform_3, window_bounds = array<i64: 1024, 128>}, {transform_indices = @transform_4, window_bounds = array<i64: 1024, 128>}, {transform_indices = @transform_5, window_bounds = array<i64: 1024, 128>}, {pipeline_mode = #tpu.pipeline_mode<synchronous>, transform_indices = @transform_6, window_bounds = array<i64: 512, 512>}, {pipeline_mode = #tpu.pipeline_mode<synchronous>, transform_indices = @transform_7, window_bounds = array<i64: 1, 512>}, {pipeline_mode = #tpu.pipeline_mode<synchronous>, transform_indices = @transform_8, window_bounds = array<i64: 512, 512>}, {pipeline_mode = #tpu.pipeline_mode<synchronous>, transform_indices = @transform_9, window_bounds = array<i64: 512, 128>}, {pipeline_mode = #tpu.pipeline_mode<synchronous>, transform_indices = @transform_10, window_bounds = array<i64: 1, 128>}, {transform_indices = @transform_11, window_bounds = array<i64: 1024, 128>}]} {
    %get3A = arith.constant 0 : index
    %get3A_0 = arith.constant 0 : index
    %get3A_1 = arith.constant 0 : index
    %get3A_2 = arith.constant 0 : index
    %get3A_3 = vector.load %arg1[%get3A, %get3A_0, %get3A_1, %get3A_2] : memref<2x4x1024x128xf32, #tpu.memory_space<vmem>>, vector<2x4x1024x128xf32>
    %get3A_4 = arith.constant 0 : index
    %get3A_5 = arith.constant 0 : index
    %get3A_6 = vector.load %arg2[%get3A_4, %get3A_5] : memref<32x1024xf32, #tpu.memory_space<vmem>>, vector<32x1024xf32>
    %reduce_sum3A = arith.constant dense<0.000000e+00> : vector<1024xf32>
    %reduce_sum3A_7 = vector.multi_reduction <add>, %get3A_6, %reduce_sum3A [0] : vector<32x1024xf32> to vector<1024xf32>
    %max3A = arith.constant 1.000000e+00 : f32
    %max3A_8 = vector.broadcast %max3A : f32 to vector<1024xf32>
    %max3A_9 = arith.maximumf %reduce_sum3A_7, %max3A_8 : vector<1024xf32>
    %div3A = arith.constant 1.000000e+00 : f32
    %div3A_10 = vector.broadcast %div3A : f32 to vector<1024xf32>
    %div3A_11 = arith.divf %div3A_10, %max3A_9 : vector<1024xf32>
    %get3A_12 = arith.constant 0 : index
    %get3A_13 = arith.constant 0 : index
    %get3A_14 = vector.load %arg7[%get3A_12, %get3A_13] : memref<512x512xf32, #tpu.memory_space<vmem>>, vector<512x512xf32>
    %get3A_15 = arith.constant 0 : index
    %get3A_16 = arith.constant 0 : index
    %get3A_17 = vector.load %arg9[%get3A_15, %get3A_16] : memref<512x512xf32, #tpu.memory_space<vmem>>, vector<512x512xf32>
    %get3A_18 = arith.constant 0 : index
    %get3A_19 = arith.constant 0 : index
    %get3A_20 = vector.load %arg8[%get3A_18, %get3A_19] : memref<1x512xf32, #tpu.memory_space<vmem>>, vector<1x512xf32>
    %slice3A = vector.extract_strided_slice %get3A_3 {offsets = [0, 0, 0, 0], sizes = [1, 1, 1024, 128], strides = [1, 1, 1, 1]} : vector<2x4x1024x128xf32> to vector<1x1x1024x128xf32>
    %squeeze3A = vector.shape_cast %slice3A : vector<1x1x1024x128xf32> to vector<1024x128xf32>
    %slice3A_21 = vector.extract_strided_slice %get3A_3 {offsets = [1, 0, 0, 0], sizes = [1, 1, 1024, 128], strides = [1, 1, 1, 1]} : vector<2x4x1024x128xf32> to vector<1x1x1024x128xf32>
    %squeeze3A_22 = vector.shape_cast %slice3A_21 : vector<1x1x1024x128xf32> to vector<1024x128xf32>
    %add3A = arith.addf %squeeze3A, %squeeze3A_22 : vector<1024x128xf32>
    %broadcast_in_dim3A = vector.shape_cast %div3A_11 : vector<1024xf32> to vector<1024x1xf32>
    %mul3A = vector.broadcast %broadcast_in_dim3A : vector<1024x1xf32> to vector<1024x128xf32>
    %mul3A_23 = arith.mulf %add3A, %mul3A : vector<1024x128xf32>
    %slice3A_24 = vector.extract_strided_slice %get3A_14 {offsets = [0, 0], sizes = [128, 512], strides = [1, 1]} : vector<512x512xf32> to vector<128x512xf32>
    %dot_general3A = arith.constant dense<0.000000e+00> : vector<1024x512xf32>
    %dot_general3A_25 = tpu.matmul %mul3A_23, %slice3A_24, %dot_general3A {dimension_numbers = #tpu.dot_dimension_numbers<[1], [0], [0], [1], [0, 0, 1, 1], [], []>, transpose_lhs_hint = false} : vector<1024x128xf32>, vector<128x512xf32>, vector<1024x512xf32> -> vector<1024x512xf32>
    %add3A_26 = vector.broadcast %get3A_20 : vector<1x512xf32> to vector<1024x512xf32>
    %add3A_27 = arith.addf %add3A_26, %dot_general3A_25 : vector<1024x512xf32>
    %get3A_28 = arith.constant 0 : index
    %get3A_29 = arith.constant 0 : index
    %get3A_30 = vector.load %arg3[%get3A_28, %get3A_29] : memref<1024x128xf32, #tpu.memory_space<vmem>>, vector<1024x128xf32>
    %slice3A_31 = vector.extract_strided_slice %get3A_17 {offsets = [0, 0], sizes = [128, 512], strides = [1, 1]} : vector<512x512xf32> to vector<128x512xf32>
    %dot_general3A_32 = arith.constant dense<0.000000e+00> : vector<1024x512xf32>
    %dot_general3A_33 = tpu.matmul %get3A_30, %slice3A_31, %dot_general3A_32 {dimension_numbers = #tpu.dot_dimension_numbers<[1], [0], [0], [1], [0, 0, 1, 1], [], []>, transpose_lhs_hint = false} : vector<1024x128xf32>, vector<128x512xf32>, vector<1024x512xf32> -> vector<1024x512xf32>
    %add3A_34 = arith.addf %add3A_27, %dot_general3A_33 : vector<1024x512xf32>
    %slice3A_35 = vector.extract_strided_slice %get3A_3 {offsets = [0, 1, 0, 0], sizes = [1, 1, 1024, 128], strides = [1, 1, 1, 1]} : vector<2x4x1024x128xf32> to vector<1x1x1024x128xf32>
    %squeeze3A_36 = vector.shape_cast %slice3A_35 : vector<1x1x1024x128xf32> to vector<1024x128xf32>
    %slice3A_37 = vector.extract_strided_slice %get3A_3 {offsets = [1, 1, 0, 0], sizes = [1, 1, 1024, 128], strides = [1, 1, 1, 1]} : vector<2x4x1024x128xf32> to vector<1x1x1024x128xf32>
    %squeeze3A_38 = vector.shape_cast %slice3A_37 : vector<1x1x1024x128xf32> to vector<1024x128xf32>
    %add3A_39 = arith.addf %squeeze3A_36, %squeeze3A_38 : vector<1024x128xf32>
    %broadcast_in_dim3A_40 = vector.shape_cast %div3A_11 : vector<1024xf32> to vector<1024x1xf32>
    %mul3A_41 = vector.broadcast %broadcast_in_dim3A_40 : vector<1024x1xf32> to vector<1024x128xf32>
    %mul3A_42 = arith.mulf %add3A_39, %mul3A_41 : vector<1024x128xf32>
    %slice3A_43 = vector.extract_strided_slice %get3A_14 {offsets = [128, 0], sizes = [128, 512], strides = [1, 1]} : vector<512x512xf32> to vector<128x512xf32>
    %dot_general3A_44 = arith.constant dense<0.000000e+00> : vector<1024x512xf32>
    %dot_general3A_45 = tpu.matmul %mul3A_42, %slice3A_43, %dot_general3A_44 {dimension_numbers = #tpu.dot_dimension_numbers<[1], [0], [0], [1], [0, 0, 1, 1], [], []>, transpose_lhs_hint = false} : vector<1024x128xf32>, vector<128x512xf32>, vector<1024x512xf32> -> vector<1024x512xf32>
    %add3A_46 = arith.addf %add3A_34, %dot_general3A_45 : vector<1024x512xf32>
    %get3A_47 = arith.constant 0 : index
    %get3A_48 = arith.constant 0 : index
    %get3A_49 = vector.load %arg4[%get3A_47, %get3A_48] : memref<1024x128xf32, #tpu.memory_space<vmem>>, vector<1024x128xf32>
    %slice3A_50 = vector.extract_strided_slice %get3A_17 {offsets = [128, 0], sizes = [128, 512], strides = [1, 1]} : vector<512x512xf32> to vector<128x512xf32>
    %dot_general3A_51 = arith.constant dense<0.000000e+00> : vector<1024x512xf32>
    %dot_general3A_52 = tpu.matmul %get3A_49, %slice3A_50, %dot_general3A_51 {dimension_numbers = #tpu.dot_dimension_numbers<[1], [0], [0], [1], [0, 0, 1, 1], [], []>, transpose_lhs_hint = false} : vector<1024x128xf32>, vector<128x512xf32>, vector<1024x512xf32> -> vector<1024x512xf32>
    %add3A_53 = arith.addf %add3A_46, %dot_general3A_52 : vector<1024x512xf32>
    %slice3A_54 = vector.extract_strided_slice %get3A_3 {offsets = [0, 2, 0, 0], sizes = [1, 1, 1024, 128], strides = [1, 1, 1, 1]} : vector<2x4x1024x128xf32> to vector<1x1x1024x128xf32>
    %squeeze3A_55 = vector.shape_cast %slice3A_54 : vector<1x1x1024x128xf32> to vector<1024x128xf32>
    %slice3A_56 = vector.extract_strided_slice %get3A_3 {offsets = [1, 2, 0, 0], sizes = [1, 1, 1024, 128], strides = [1, 1, 1, 1]} : vector<2x4x1024x128xf32> to vector<1x1x1024x128xf32>
    %squeeze3A_57 = vector.shape_cast %slice3A_56 : vector<1x1x1024x128xf32> to vector<1024x128xf32>
    %add3A_58 = arith.addf %squeeze3A_55, %squeeze3A_57 : vector<1024x128xf32>
    %broadcast_in_dim3A_59 = vector.shape_cast %div3A_11 : vector<1024xf32> to vector<1024x1xf32>
    %mul3A_60 = vector.broadcast %broadcast_in_dim3A_59 : vector<1024x1xf32> to vector<1024x128xf32>
    %mul3A_61 = arith.mulf %add3A_58, %mul3A_60 : vector<1024x128xf32>
    %slice3A_62 = vector.extract_strided_slice %get3A_14 {offsets = [256, 0], sizes = [128, 512], strides = [1, 1]} : vector<512x512xf32> to vector<128x512xf32>
    %dot_general3A_63 = arith.constant dense<0.000000e+00> : vector<1024x512xf32>
    %dot_general3A_64 = tpu.matmul %mul3A_61, %slice3A_62, %dot_general3A_63 {dimension_numbers = #tpu.dot_dimension_numbers<[1], [0], [0], [1], [0, 0, 1, 1], [], []>, transpose_lhs_hint = false} : vector<1024x128xf32>, vector<128x512xf32>, vector<1024x512xf32> -> vector<1024x512xf32>
    %add3A_65 = arith.addf %add3A_53, %dot_general3A_64 : vector<1024x512xf32>
    %get3A_66 = arith.constant 0 : index
    %get3A_67 = arith.constant 0 : index
    %get3A_68 = vector.load %arg5[%get3A_66, %get3A_67] : memref<1024x128xf32, #tpu.memory_space<vmem>>, vector<1024x128xf32>
    %slice3A_69 = vector.extract_strided_slice %get3A_17 {offsets = [256, 0], sizes = [128, 512], strides = [1, 1]} : vector<512x512xf32> to vector<128x512xf32>
    %dot_general3A_70 = arith.constant dense<0.000000e+00> : vector<1024x512xf32>
    %dot_general3A_71 = tpu.matmul %get3A_68, %slice3A_69, %dot_general3A_70 {dimension_numbers = #tpu.dot_dimension_numbers<[1], [0], [0], [1], [0, 0, 1, 1], [], []>, transpose_lhs_hint = false} : vector<1024x128xf32>, vector<128x512xf32>, vector<1024x512xf32> -> vector<1024x512xf32>
    %add3A_72 = arith.addf %add3A_65, %dot_general3A_71 : vector<1024x512xf32>
    %slice3A_73 = vector.extract_strided_slice %get3A_3 {offsets = [0, 3, 0, 0], sizes = [1, 1, 1024, 128], strides = [1, 1, 1, 1]} : vector<2x4x1024x128xf32> to vector<1x1x1024x128xf32>
    %squeeze3A_74 = vector.shape_cast %slice3A_73 : vector<1x1x1024x128xf32> to vector<1024x128xf32>
    %slice3A_75 = vector.extract_strided_slice %get3A_3 {offsets = [1, 3, 0, 0], sizes = [1, 1, 1024, 128], strides = [1, 1, 1, 1]} : vector<2x4x1024x128xf32> to vector<1x1x1024x128xf32>
    %squeeze3A_76 = vector.shape_cast %slice3A_75 : vector<1x1x1024x128xf32> to vector<1024x128xf32>
    %add3A_77 = arith.addf %squeeze3A_74, %squeeze3A_76 : vector<1024x128xf32>
    %broadcast_in_dim3A_78 = vector.shape_cast %div3A_11 : vector<1024xf32> to vector<1024x1xf32>
    %mul3A_79 = vector.broadcast %broadcast_in_dim3A_78 : vector<1024x1xf32> to vector<1024x128xf32>
    %mul3A_80 = arith.mulf %add3A_77, %mul3A_79 : vector<1024x128xf32>
    %slice3A_81 = vector.extract_strided_slice %get3A_14 {offsets = [384, 0], sizes = [128, 512], strides = [1, 1]} : vector<512x512xf32> to vector<128x512xf32>
    %dot_general3A_82 = arith.constant dense<0.000000e+00> : vector<1024x512xf32>
    %dot_general3A_83 = tpu.matmul %mul3A_80, %slice3A_81, %dot_general3A_82 {dimension_numbers = #tpu.dot_dimension_numbers<[1], [0], [0], [1], [0, 0, 1, 1], [], []>, transpose_lhs_hint = false} : vector<1024x128xf32>, vector<128x512xf32>, vector<1024x512xf32> -> vector<1024x512xf32>
    %add3A_84 = arith.addf %add3A_72, %dot_general3A_83 : vector<1024x512xf32>
    %get3A_85 = arith.constant 0 : index
    %get3A_86 = arith.constant 0 : index
    %get3A_87 = vector.load %arg6[%get3A_85, %get3A_86] : memref<1024x128xf32, #tpu.memory_space<vmem>>, vector<1024x128xf32>
    %slice3A_88 = vector.extract_strided_slice %get3A_17 {offsets = [384, 0], sizes = [128, 512], strides = [1, 1]} : vector<512x512xf32> to vector<128x512xf32>
    %dot_general3A_89 = arith.constant dense<0.000000e+00> : vector<1024x512xf32>
    %dot_general3A_90 = tpu.matmul %get3A_87, %slice3A_88, %dot_general3A_89 {dimension_numbers = #tpu.dot_dimension_numbers<[1], [0], [0], [1], [0, 0, 1, 1], [], []>, transpose_lhs_hint = false} : vector<1024x128xf32>, vector<128x512xf32>, vector<1024x512xf32> -> vector<1024x512xf32>
    %add3A_91 = arith.addf %add3A_84, %dot_general3A_90 : vector<1024x512xf32>
    %max3A_92 = arith.constant 0.000000e+00 : f32
    %max3A_93 = vector.broadcast %max3A_92 : f32 to vector<1024x512xf32>
    %max3A_94 = arith.maximumf %add3A_91, %max3A_93 : vector<1024x512xf32>
    %get3A_95 = arith.constant 0 : index
    %get3A_96 = arith.constant 0 : index
    %get3A_97 = vector.load %arg10[%get3A_95, %get3A_96] : memref<512x128xf32, #tpu.memory_space<vmem>>, vector<512x128xf32>
    %dot_general3A_98 = arith.constant dense<0.000000e+00> : vector<1024x128xf32>
    %dot_general3A_99 = tpu.matmul %max3A_94, %get3A_97, %dot_general3A_98 {dimension_numbers = #tpu.dot_dimension_numbers<[1], [0], [0], [1], [0, 0, 1, 1], [], []>, transpose_lhs_hint = false} : vector<1024x512xf32>, vector<512x128xf32>, vector<1024x128xf32> -> vector<1024x128xf32>
    %get3A_100 = arith.constant 0 : index
    %get3A_101 = arith.constant 0 : index
    %get3A_102 = vector.load %arg11[%get3A_100, %get3A_101] : memref<1x128xf32, #tpu.memory_space<vmem>>, vector<1x128xf32>
    %add3A_103 = vector.broadcast %get3A_102 : vector<1x128xf32> to vector<1024x128xf32>
    %add3A_104 = arith.addf %dot_general3A_99, %add3A_103 : vector<1024x128xf32>
    %swap3A = arith.constant 0 : index
    %swap3A_105 = arith.constant 0 : index
    %swap3A_106 = vector.load %arg12[%swap3A, %swap3A_105] : memref<1024x128xf32, #tpu.memory_space<vmem>>, vector<1024x128xf32>
    tpu.vector_store %arg12[%swap3A, %swap3A_105], %add3A_104 {strides = array<i32>} : memref<1024x128xf32, #tpu.memory_space<vmem>>, vector<1024x128xf32>,
    return
  }
  func.func @transform_0(%arg0: i32) -> (i32, i32, i32, i32) {
    %c0_i32 = arith.constant 0 : i32
    %c0_i32_0 = arith.constant 0 : i32
    %c0_i32_1 = arith.constant 0 : i32
    %c0_i32_2 = arith.constant 0 : i32
    return %c0_i32, %c0_i32_0, %arg0, %c0_i32_1 : i32, i32, i32, i32
  }
  func.func @transform_1(%arg0: i32) -> (i32, i32) {
    %c0_i32 = arith.constant 0 : i32
    %c0_i32_0 = arith.constant 0 : i32
    return %c0_i32, %arg0 : i32, i32
  }
  func.func @transform_2(%arg0: i32) -> (i32, i32) {
    %c0_i32 = arith.constant 0 : i32
    %c0_i32_0 = arith.constant 0 : i32
    return %arg0, %c0_i32 : i32, i32
  }
  func.func @transform_3(%arg0: i32) -> (i32, i32) {
    %c0_i32 = arith.constant 0 : i32
    %c0_i32_0 = arith.constant 0 : i32
    return %arg0, %c0_i32 : i32, i32
  }
  func.func @transform_4(%arg0: i32) -> (i32, i32) {
    %c0_i32 = arith.constant 0 : i32
    %c0_i32_0 = arith.constant 0 : i32
    return %arg0, %c0_i32 : i32, i32
  }
  func.func @transform_5(%arg0: i32) -> (i32, i32) {
    %c0_i32 = arith.constant 0 : i32
    %c0_i32_0 = arith.constant 0 : i32
    return %arg0, %c0_i32 : i32, i32
  }
  func.func @transform_6(%arg0: i32) -> (i32, i32) {
    %c0_i32 = arith.constant 0 : i32
    %c0_i32_0 = arith.constant 0 : i32
    %c0_i32_1 = arith.constant 0 : i32
    return %c0_i32, %c0_i32_0 : i32, i32
  }
  func.func @transform_7(%arg0: i32) -> (i32, i32) {
    %c0_i32 = arith.constant 0 : i32
    %c0_i32_0 = arith.constant 0 : i32
    %c0_i32_1 = arith.constant 0 : i32
    return %c0_i32, %c0_i32_0 : i32, i32
  }
  func.func @transform_8(%arg0: i32) -> (i32, i32) {
    %c0_i32 = arith.constant 0 : i32
    %c0_i32_0 = arith.constant 0 : i32
    %c0_i32_1 = arith.constant 0 : i32
    return %c0_i32, %c0_i32_0 : i32, i32
  }
  func.func @transform_9(%arg0: i32) -> (i32, i32) {
    %c0_i32 = arith.constant 0 : i32
    %c0_i32_0 = arith.constant 0 : i32
    %c0_i32_1 = arith.constant 0 : i32
    return %c0_i32, %c0_i32_0 : i32, i32
  }
  func.func @transform_10(%arg0: i32) -> (i32, i32) {
    %c0_i32 = arith.constant 0 : i32
    %c0_i32_0 = arith.constant 0 : i32
    %c0_i32_1 = arith.constant 0 : i32
    return %c0_i32, %c0_i32_0 : i32, i32
  }
  func.func @transform_11(%arg0: i32) -> (i32, i32) {
    %c0_i32 = arith.constant 0 : i32
    %c0_i32_0 = arith.constant 0 : i32
    return %arg0, %c0_i32 : i32, i32
  }
}

</mosaic_0001>

<sc_bundles>
// kernel: kernel.6.cloned.1.call-start
scs
__scs_entry_jumppad:
0x0: {  	(pc) =	sbr.rel $0x88, $3  }
0x1: {  	(tag) =	ssettag $0x0;
	lr =	simm.s32 $0x1  }
0x2: {  	[smem:$0x3F97] =	sst lr;
	_ =	strace $0xD0000000  }
0x3: {  	_ = 	snop  }
0x4: {  	_ = 	snop  }
0x5: {  	_ = 	snop  }
0x6: {  	_ = 	snop  }
0x7: {  	_ = 	snop  }
__scs_overlays_trampoline_lowered:
0x8: {  	[smem:$0x3FA6] =	sst s0  }
0x9: {  	[smem:$0x3FA7] =	sst s1  }
0xa: {  	[smem:$0x3FA8] =	sst s2  }
0xb: {  	[smem:$0x3FA9] =	sst s3  }
0xc: {  	[smem:$0x3FAA] =	sst s4  }
0xd: {  	[smem:$0x3FAB] =	sst s5  }
0xe: {  	[smem:$0x3FAC] =	sst s6  }
0xf: {  	[smem:$0x3FAD] =	sst s7  }
0x10: {  	[smem:$0x3FAE] =	sst s8  }
0x11: {  	[smem:$0x3FAF] =	sst s9;
	s0 =	simm.s32 @!p0 $0x0  }
0x12: {  	s1 =	sld [smem:$0x3F95];
	s0 =	simm.s32 @p0 $0x1  }
0x13: {  	[smem:$0x3FB0] =	sst s0;
	s0 =	simm.s32 @!p1 $0x0  }
0x14: {  	s2 =	sld [smem:$0x3F94];
	s0 =	simm.s32 @p1 $0x1  }
0x15: {  	[smem:$0x3FB1] =	sst s0;
	s0 =	simm.s32 @!p2 $0x0  }
0x16: {  	s3 =	sld [smem:$0x3FDB];
	s0 =	simm.s32 @p2 $0x1  }
0x17: {  	s4 =	simm.s32 $0x1BF5;
	[smem:$0x3FB3] =	sst s0  }
0x18: {  	s0 =	sld [smem:$0x3F96];
	_ =	swait.ge [sflag:s4], $0x0  }
0x19: {  	s7 =	sld [smem:$0x3F97]  }
0x1a: {  	s8 =	sadd.s32 $0xFFFFE003, lr  }
0x1b: {  	s9 =	sadd.s32 $0xFFFFFEF7, lr;
	s5 =	simm.s32 $0xFFFFFFFF;
	p2 =	slt.u32 s8, $0xFFFFF086  }
0x1c: {  	p1 =	slt.u32 s9, $0xF7A;
	s5 =	simm.s32 @!p2 $0x0  }
0x1d: {  	s5 =	simm.s32 @p1 $0x1;
	p0 =	seq.s32 s7, s2  }
0x1e: {  	s7 =	smul.u32 @!p0 $0xF7A, s2;
	p2 =	seq.s32 @!p0 s5, $0x0  }
0x1f: {  	s9 =	smul.u32 $0xF7A, s1;
	s8 =	simm.s32 @!p0 $0x1BF5;
	p2 =	por !p2, p0  }
0x20: {  	[sflag:s8] =	ssyncset.s32 @!p0 $0xFFFFF086;
	s6 =	sadd.s32 @!p0 s3, s7;
	s7 =	simm.s32 @!p0 $0x108  }
0x21: {  	s3 =	sadd.s32 s3, s9;
	s6 =	sadd.s32 @!p0 $0x88, s6;
	s7 =	simm.s32 @p2 $0x1082  }
0x22: {  	[simem:s7], [sflag:s8] =	dma.local @!p0 [hbm:s6], $0xF7A  }
0x23: {  	s9 =	sor.u32 $0xD0000000, s2;
	s6 =	simm.s32 $0x108;
	_ =	swait.ge @!p0 [sflag:s8], $0x0  }
0x24: {  	s3 =	sadd.s32 $0x88, s3;
	s6 =	simm.s32 @!p1 $0x1082;
	[sflag:s4] =	ssyncset.s32 $0xFFFFF086  }
0x25: {  	[simem:s6], [sflag:s4] =	dma.local [hbm:s3], $0xF7A  }
0x26: {  	[smem:$0x3F97] =	sst s1;
	(tag) =	ssettag s2;
	_ =	strace s9  }
0x27: {  	s1 =	sld [smem:$0x3FA7]  }
0x28: {  	s2 =	sld [smem:$0x3FA8]  }
0x29: {  	s4 =	sld [smem:$0x3FAA]  }
0x2a: {  	p0 =	seq.s32 s5, $0x0;
	s5 =	sld [smem:$0x3FAB]  }
0x2b: {  	s6 =	sld [smem:$0x3FAC]  }
0x2c: {  	s7 =	sld [smem:$0x3FAD]  }
0x2d: {  	s3 =	simm.s32 $0x108;
	s8 =	sld [smem:$0x3FAE]  }
0x2e: {  	s3 =	simm.s32 @!p0 $0x1082;
	s9 =	sld [smem:$0x3FAF]  }
0x2f: {  	lr =	sadd.s32 s0, s3;
	s0 =	sld [smem:$0x3FA6]  }
0x30: {  	s3 =	sld [smem:$0x3FA9]  }
0x31: {  	[smem:$0x3FB2] =	sst s10  }
0x32: {  	s10 =	sld [smem:$0x3FB0];
	_ =	sdelay $0x3  }
0x33: {  	p0 =	seq.s32 s10, $0x1;
	s10 =	sld [smem:$0x3FB2];
	_ =	sdelay $0x3  }
0x34: {  	[smem:$0x3FB2] =	sst s10  }
0x35: {  	s10 =	sld [smem:$0x3FB1];
	_ =	sdelay $0x3  }
0x36: {  	p1 =	seq.s32 s10, $0x1;
	s10 =	sld [smem:$0x3FB2];
	_ =	sdelay $0x3  }
0x37: {  	[smem:$0x3FB2] =	sst s10  }
0x38: {  	s10 =	sld [smem:$0x3FB3]  }
0x39: {  	_ = 	snop;
	(pc) =	sbr.ind lr, $3  }
0x3a: {  	_ = 	snop  }
0x3b: {  	_ = 	snop  }
0x3c: {  	p2 =	seq.s32 s10, $0x1;
	s10 =	sld [smem:$0x3FB2]  }
0x3d: {  	_ =	shalt  }
0x3e: {  	_ =	shalt  }
0x3f: {  	_ =	shalt  }
0x40: {  	_ =	shalt  }
0x41: {  	_ =	shalt  }
0x42: {  	_ =	shalt  }
0x43: {  	_ =	shalt  }
0x44: {  	_ =	shalt  }
0x45: {  	_ =	shalt  }
0x46: {  	_ =	shalt  }
0x47: {  	_ =	shalt  }
0x48: {  	_ =	shalt  }
0x49: {  	_ =	shalt  }
0x4a: {  	_ =	shalt  }
0x4b: {  	_ =	shalt  }
0x4c: {  	_ =	shalt  }
0x4d: {  	_ =	shalt  }
0x4e: {  	_ =	shalt  }
0x4f: {  	_ =	shalt  }
0x50: {  	_ =	shalt  }
0x51: {  	_ =	shalt  }
0x52: {  	_ =	shalt  }
0x53: {  	_ =	shalt  }
0x54: {  	_ =	shalt  }
0x55: {  	_ =	shalt  }
0x56: {  	_ =	shalt  }
0x57: {  	_ =	shalt  }
0x58: {  	_ =	shalt  }
0x59: {  	_ =	shalt  }
0x5a: {  	_ =	shalt  }
0x5b: {  	_ =	shalt  }
0x5c: {  	_ =	shalt  }
0x5d: {  	_ =	shalt  }
0x5e: {  	_ =	shalt  }
0x5f: {  	_ =	shalt  }
0x60: {  	_ =	shalt  }
0x61: {  	_ =	shalt  }
0x62: {  	_ =	shalt  }
0x63: {  	_ =	shalt  }
0x64: {  	_ =	shalt  }
0x65: {  	_ =	shalt  }
0x66: {  	_ =	shalt  }
0x67: {  	_ =	shalt  }
0x68: {  	_ =	shalt  }
0x69: {  	_ =	shalt  }
0x6a: {  	_ =	shalt  }
0x6b: {  	_ =	shalt  }
0x6c: {  	_ =	shalt  }
0x6d: {  	_ =	shalt  }
0x6e: {  	_ =	shalt  }
0x6f: {  	_ =	shalt  }
0x70: {  	_ =	shalt  }
0x71: {  	_ =	shalt  }
0x72: {  	_ =	shalt  }
0x73: {  	_ =	shalt  }
0x74: {  	_ =	shalt  }
0x75: {  	_ =	shalt  }
0x76: {  	_ =	shalt  }
0x77: {  	_ =	shalt  }
0x78: {  	_ =	shalt  }
0x79: {  	_ =	shalt  }
0x7a: {  	_ =	shalt  }
0x7b: {  	_ =	shalt  }
0x7c: {  	_ =	shalt  }
0x7d: {  	_ =	shalt  }
0x7e: {  	_ =	shalt  }
0x7f: {  	_ =	shalt  }
0x80: {  	_ =	shalt  }
0x81: {  	_ =	shalt  }
0x82: {  	_ =	shalt  }
0x83: {  	_ =	shalt  }
0x84: {  	_ =	shalt  }
0x85: {  	_ =	shalt  }
0x86: {  	_ =	shalt  }
0x87: {  	_ =	shalt  }
.Lfunc_end0:
.L_simem_size_0:
called_computation_lowered:
.L_overlay_start_0:
0x88: {  	s2 =	sld [smem:$0x3FD9]  }
0x89: {  	s3 =	sld [smem:$0x3FFE];
	_ =	sdelay $0x1  }
0x8a: {  	s1 =	srdreg.scid  }
0x8b: {  	s0 =	sand.u32 $0x1, s1  }
0x8c: {  	s17 =	sshll.u32 s0, $0xA;
	s2 =	sadd.s32 s3, s2  }
0x8d: {  	s2 =	sadd.s32 s2, s17  }
0x8e: {  	[smem:$0x3FBE] =	sst s2  }
0x8f: {  	_ = 	snop  }
0x90: {  	s2 =	sld [smem:$0x3FD0];
	(tm) =	ssettm $0x1  }
0x91: {  	s18 =	sld [smem:$0x3FFB];
	_ =	sdelay $0x3  }
0x92: {  	_ =	strace s18  }
0x93: {  	s3 =	sld [smem:$0x3FFC];
	_ =	sdelay $0x3  }
0x94: {  	_ =	strace s3  }
0x95: {  	s3 =	sld [smem:$0x3FFD];
	_ =	sdelay $0x3  }
0x96: {  	_ =	strace s3  }
0x97: {  	_ =	strace $0x8FFFFFFF  }
0x98: {  	s19 =	sld [smem:$0x3FDB];
	_ =	sdelay $0x1  }
0x99: {  	s4 =	simm.s32 $_scs_section_size  }
0x9a: {  	s5 =	simm.s32 $_size__tile_overlayer_lowered;
	s6 =	simm.s32 $_tile_overlayer_lowered  }
0x9b: {  	s22 =	simm.s32 $0x1BFF;
	s21 =	sshll.u32 s6, $0x1;
	s3 =	sadd.s32 s4, s19  }
0x9c: {  	s7 =	simm.s32 $0x0;
	s20 =	sshll.u32 s5, $0x1;
	s5 =	sadd.s32 s21, s3  }
0x9d: {  	[timem:s7], [sflag:s22] =	dma.local [hbm:s5], s20  }
0x9e: {  	_ =	swait.ge [sflag:s22], s20  }
0x9f: {  	s4 =	ssub.s32 $0x0, s20;
	[sflag:s22] =	ssyncset.done $0x0  }
0xa0: {  	[sflag:s22] =	ssyncadd.s32 s4;
	_ =	sdelay $0x1  }
0xa1: {  	s23 =	simm.s32 $0x1B8B  }
0xa2: {  	_ =	swait.ge [sflag:s23], $0x1  }
0xa3: {  	[sflag:s23] =	ssyncset.done $0x0  }
0xa4: {  	s25 =	simm.s32 $0x1B8E;
	s24 =	sld [smem:$0x3FFE];
	[sflag:s23] =	ssyncadd.s32 $0xFFFFFFFF  }
0xa5: {  	s26 =	simm.s32 $execute0_lowered;
	[smem:$0x3FD2] =	sst s25  }
0xa6: {  	s5 =	sshll.u32 s26, $0x1;
	_ =	strace $0x80000046;
	[dreg:$0x1] =	wrdreg $0xFFFFFFFF  }
0xa7: {  	s28 =	simm.s32 $_size_execute0_lowered;
	s3 =	sadd.s32 s3, s5;
	[dreg:$0x0] =	wrdreg $0x0  }
0xa8: {  	s5 =	sshll.u32 s28, $0x1;
	[dreg:$0x2] =	wrdreg s3  }
0xa9: {  	[dreg:$0x3] =	wrdreg s5  }
0xaa: {  	[dreg:$0x4] =	wrdreg $0xC0  }
0xab: {  	_ =	task [dreg:s7], $0x5FFFF  }
0xac: {  	[dreg:$0x1] =	wrdreg $0xFFFFFFFF  }
0xad: {  	[dreg:$0x0] =	wrdreg $0x60  }
0xae: {  	[dreg:$0x2] =	wrdreg s24  }
0xaf: {  	[dreg:$0x3] =	wrdreg s2  }
0xb0: {  	[dreg:$0x4] =	wrdreg $0x0  }
0xb1: {  	[dreg:$0x5] =	wrdreg $0x9  }
0xb2: {  	_ =	task.clear_ibuf [dreg:s7], $0x6FFFF;
	_ =	strace $0x90000046  }
0xb3: {  	s29 =	simm.s32 $0x9;
	_ =	strace $0x80000048  }
0xb4: {  	_ =	swait.ge [sflag:s29], $0x1  }
0xb5: {  	[sflag:s29] =	ssyncadd.s32 $0xFFFFFFFF  }
0xb6: {  	_ =	strace $0x90000048  }
0xb7: {  	_ =	sfence  }
0xb8: {  	s30 =	sld [smem:$0x0];
	_ =	sdelay $0x2  }
0xb9: {  	s31 =	sshll.u32 s1, $0xD;
	s1 =	sshrl.u32 s1, $0x2  }
0xba: {  	s3 =	sand.u32 $0x4000, s31;
	s1 =	sadd.s32 s1, s30  }
0xbb: {  	s0 =	sor.u32 s3, s0;
	s1 =	sshll.u32 s1, $0x11  }
0xbc: {  	s0 =	sor.u32 s1, s0  }
0xbd: {  	s0 =	sadd.s32 $0x8F2B, s0  }
0xbe: {  	[sflag:s0] =	ssyncadd.remote.s32 $0x1  }
0xbf: {  	_ =	sfence.sel $0xFFFF  }
0xc0: {  	[dreg:$0x0] =	wrdreg $0xFFFFFFFF;
	(pc) =	sbr.abs _section_cstart, $3  }
0xc1: {  	[dreg:$0x1] =	wrdreg $0xFFFFFFFF  }
0xc2: {  	_ =	task.clear_ibuf [dreg:s7], $0x2FFFF;
	_ =	strace $0x9FFFFFFF  }
0xc3: {  	(tm) =	ssettm $0x7FFFFFFF  }
tec
execute0_lowered:
.L_overlay_start_1:
0x0: {  	(tag) =	ssettag $0x1  }
0x1: {  	s1 =	rddreg [dreg:$0x0]  }
0x2: {  	s0 =	srdreg.scid;
	s2 =	rddreg [dreg:$0x1]  }
0x3: {  	s10 =	stileid.u32;
	s3 =	rddreg [dreg:$0x2];
	s28 =	simm.s32 $0x1D000  }
0x4: {  	s29 =	simm.s32 $0x1;
	s30 =	simm.s32 $0x14080;
	s31 =	simm.s32 $0x1B000  }
0x5: {  	s0 =	sand.u32 $0x1, s0;
	s9 =	smul.u32 $0x14000, s10;
	s5 =	sadd.s32 $0x17A00, s1  }
0x6: {  	s22 =	sshll.u32 s10, $0x7;
	s4 =	sshll.u32 s0, $0x4;
	s8 =	smul.u32 $0x280000, s0  }
0x7: {  	s0 =	ssub.s32 $0x2, s0;
	s6 =	sor.u32 s10, s4;
	s10 =	smul.u32 $0x50000, s10  }
0x8: {  	s4 =	simm.s32 $0x0;
	s23 =	sshrl.u32 s0, $0x1;
	s7 =	smul.u32 $0x500, s6  }
0x9: {  	[smem:$0x7FF] =	sst s4;
	s6 =	sshrl.u32 s6, $0x3;
	s8 =	sadd.s32 s9, s8  }
0xa: {  	s9 =	sand.u32 $0x380, s22;
	s0 =	ssub.s32 s0, s23;
	s22 =	simm.s32 $0x14000  }
0xb: {  	s23 =	simm.s32 $0x5;
	_ =	strace $0x80000047;
	s6 =	smul.u32 $0x14000, s6  }
0xc: {  	s8 =	sshrl.u32 s8, $0x3;
	s0 =	smax.u32 s0, $0x1;
	s7 =	sadd.s32 s7, s1  }
0xd: {  	s10 =	sshrl.u32 s10, $0x2;
	[dreg:$0x9] =	wrdreg s0;
	s24 =	sadd.s32 $0xDA00, s7  }
0xe: {  	s8 =	sadd.s32 s8, s1;
	s7 =	sadd.s32 $0x3A00, s7;
	[dreg:$0x4] =	wrdreg s24  }
0xf: {  	s0 =	simm.s32 $0x16880;
	s25 =	sadd.s32 $0x48C00, s8;
	[dreg:$0x5] =	wrdreg s7  }
0x10: {  	s6 =	sor.u32 s9, s6;
	s26 =	sadd.s32 $0x70C00, s8;
	[dreg:$0x6] =	wrdreg s25  }
0x11: {  	s8 =	simm.s32 $0x4;
	s6 =	sshrl.u32 s6, $0x3;
	[dreg:$0x8] =	wrdreg s26  }
0x12: {  	s24 =	simm.s32 $0x16800;
	s25 =	simm.s32 $0x19000;
	s26 =	simm.s32 $0x40  }
0x13: {  	s7 =	simm.s32 $0x3;
	s1 =	sadd.s32 s6, s1;
	s6 =	sadd.s32 s10, s3  }
0x14: {  	s9 =	sadd.s32 $0x2000, s6;
	s10 =	sadd.s32 $0x4000, s6;
	s11 =	sadd.s32 $0x6000, s6  }
0x15: {  	s12 =	sadd.s32 $0x8000, s6;
	s13 =	sadd.s32 $0xA000, s6;
	s14 =	sadd.s32 $0xC000, s6  }
0x16: {  	s15 =	sadd.s32 $0xE000, s6;
	s16 =	sadd.s32 $0x10000, s6;
	s1 =	sadd.s32 $0x3EC00, s1  }
0x17: {  	v0 =	vimm.f32 $0.0e+00;
	v1 =	vimm.f32 $1.000000000e+00;
	s17 =	sadd.s32 $0x12000, s6;
	[dreg:$0x7] =	wrdreg s1;
	s1 =	simm.s32 $0x2  }
.LBB2_1:
0x18: {  	s18 =	simm.s32 $0x40;
	s19 =	simm.s32 $0x0  }
.LBB2_2:
0x19: {  	p0 =	sne.s32 s18, $0x9FC0;
	[tilespmem:s19+$0x1D000] =	vst v0;
	s19 =	smov.u32 s18;
	s18 =	sadd.s32 $0x40, s18  }
.Ltmp0:
0x1a: {  	(pc) =	sbr.rel @p0 .LBB2_2-.Ltmp0, $2  }
0x1b: {  	_ =	sdelay $0x2  }
0x1c: {  	s19 =	sshra.s32 s19, $0x2  }
0x1d: {  	[tilespmem:s19+$0x1D000] =	vst v0;
	s18 =	simm.s32 $0x0;
	s20 =	rddreg [dreg:$0x4]  }
0x1e: {  	[tilespmem:s22], [sflag:$0x5] =	stream.linear.gather [hbm4b:s20+s18], $0x2800, $0x38;
	[tilespmem:$0x1F800] =	vst v63  }
0x1f: {  	_ =	swait.ge [sflag:s23], $0x2800  }
0x20: {  	[sflag:s23] =	ssyncset.done $0x0  }
0x21: {  	s21 =	rddreg [dreg:$0x5];
	[sflag:s23] =	ssyncadd.s32 $0xFFFFD800  }
0x22: {  	[tilespmem:s24], [sflag:$0x5] =	stream.linear.gather [hbm4b:s21+s18], $0x2800, $0x38;
	[tilespmem:$0x1F800] =	vst v63  }
0x23: {  	_ =	swait.ge [sflag:s23], $0x2800  }
0x24: {  	[sflag:s23] =	ssyncset.done $0x0  }
0x25: {  	s19 =	simm.s32 $0x200;
	s18 =	simm.s32 $0x0;
	[sflag:s23] =	ssyncadd.s32 $0xFFFFD800  }
.LBB2_4:
0x26: {  	p0 =	sne.s32 s19, $0x7E00;
	[tilespmem:s18+$0x19070] =	vst v0  }
0x27: {  	[tilespmem:s18+$0x19000] =	vst v0  }
0x28: {  	[tilespmem:s18+$0x19010] =	vst v0  }
.Ltmp1:
0x29: {  	[tilespmem:s18+$0x19020] =	vst v0;
	(pc) =	sbr.rel @p0 .LBB2_4-.Ltmp1, $4  }
0x2a: {  	[tilespmem:s18+$0x19030] =	vst v0  }
0x2b: {  	[tilespmem:s18+$0x19040] =	vst v0  }
0x2c: {  	[tilespmem:s18+$0x19050] =	vst v0  }
0x2d: {  	[tilespmem:s18+$0x19060] =	vst v0;
	s18 =	sshra.s32 s19, $0x2;
	s19 =	sadd.s32 $0x200, s19  }
0x2e: {  	[tilespmem:s18+$0x19070] =	vst v0  }
0x2f: {  	[tilespmem:s18+$0x19000] =	vst v0  }
0x30: {  	[tilespmem:s18+$0x19010] =	vst v0  }
0x31: {  	[tilespmem:s18+$0x19020] =	vst v0  }
0x32: {  	[tilespmem:s18+$0x19030] =	vst v0  }
0x33: {  	[tilespmem:s18+$0x19040] =	vst v0  }
0x34: {  	[tilespmem:s18+$0x19050] =	vst v0  }
0x35: {  	[tilespmem:s18+$0x19060] =	vst v0  }
0x36: {  	[spmem:s6] =	stream.linear.scatter [tilespmem:s25], [sflag:$0x5], $0x2000, $0x38;
	[tilespmem:$0x1F800] =	vst v63  }
0x37: {  	_ =	swait.ge [sflag:s23], $0x2000  }
0x38: {  	[sflag:s23] =	ssyncset.done $0x0  }
0x39: {  	[sflag:s23] =	ssyncadd.s32 $0xFFFFE000  }
0x3a: {  	[spmem:s9] =	stream.linear.scatter [tilespmem:s25], [sflag:$0x5], $0x2000, $0x38;
	[tilespmem:$0x1F800] =	vst v63  }
0x3b: {  	_ =	swait.ge [sflag:s23], $0x2000  }
0x3c: {  	[sflag:s23] =	ssyncset.done $0x0  }
0x3d: {  	[sflag:s23] =	ssyncadd.s32 $0xFFFFE000  }
0x3e: {  	[spmem:s10] =	stream.linear.scatter [tilespmem:s25], [sflag:$0x5], $0x2000, $0x38;
	[tilespmem:$0x1F800] =	vst v63  }
0x3f: {  	_ =	swait.ge [sflag:s23], $0x2000  }
0x40: {  	[sflag:s23] =	ssyncset.done $0x0  }
0x41: {  	[sflag:s23] =	ssyncadd.s32 $0xFFFFE000  }
0x42: {  	[spmem:s11] =	stream.linear.scatter [tilespmem:s25], [sflag:$0x5], $0x2000, $0x38;
	[tilespmem:$0x1F800] =	vst v63  }
0x43: {  	_ =	swait.ge [sflag:s23], $0x2000  }
0x44: {  	[sflag:s23] =	ssyncset.done $0x0  }
0x45: {  	[sflag:s23] =	ssyncadd.s32 $0xFFFFE000  }
0x46: {  	[spmem:s12] =	stream.linear.scatter [tilespmem:s25], [sflag:$0x5], $0x2000, $0x38;
	[tilespmem:$0x1F800] =	vst v63  }
0x47: {  	_ =	swait.ge [sflag:s23], $0x2000  }
0x48: {  	[sflag:s23] =	ssyncset.done $0x0  }
0x49: {  	[sflag:s23] =	ssyncadd.s32 $0xFFFFE000  }
0x4a: {  	[spmem:s13] =	stream.linear.scatter [tilespmem:s25], [sflag:$0x5], $0x2000, $0x38;
	[tilespmem:$0x1F800] =	vst v63  }
0x4b: {  	_ =	swait.ge [sflag:s23], $0x2000  }
0x4c: {  	[sflag:s23] =	ssyncset.done $0x0  }
0x4d: {  	[sflag:s23] =	ssyncadd.s32 $0xFFFFE000  }
0x4e: {  	[spmem:s14] =	stream.linear.scatter [tilespmem:s25], [sflag:$0x5], $0x2000, $0x38;
	[tilespmem:$0x1F800] =	vst v63  }
0x4f: {  	_ =	swait.ge [sflag:s23], $0x2000  }
0x50: {  	[sflag:s23] =	ssyncset.done $0x0  }
0x51: {  	[sflag:s23] =	ssyncadd.s32 $0xFFFFE000  }
0x52: {  	[spmem:s15] =	stream.linear.scatter [tilespmem:s25], [sflag:$0x5], $0x2000, $0x38;
	[tilespmem:$0x1F800] =	vst v63  }
0x53: {  	_ =	swait.ge [sflag:s23], $0x2000  }
0x54: {  	[sflag:s23] =	ssyncset.done $0x0  }
0x55: {  	[sflag:s23] =	ssyncadd.s32 $0xFFFFE000  }
0x56: {  	[spmem:s16] =	stream.linear.scatter [tilespmem:s25], [sflag:$0x5], $0x2000, $0x38;
	[tilespmem:$0x1F800] =	vst v63  }
0x57: {  	_ =	swait.ge [sflag:s23], $0x2000  }
0x58: {  	[sflag:s23] =	ssyncset.done $0x0  }
0x59: {  	[sflag:s23] =	ssyncadd.s32 $0xFFFFE000  }
0x5a: {  	[spmem:s17] =	stream.linear.scatter [tilespmem:s25], [sflag:$0x5], $0x2000, $0x38;
	[tilespmem:$0x1F800] =	vst v63  }
0x5b: {  	_ =	swait.ge [sflag:s23], $0x2000  }
0x5c: {  	[sflag:s23] =	ssyncset.done $0x0  }
0x5d: {  	[sflag:s23] =	ssyncadd.s32 $0xFFFFE000  }
0x5e: {  	[bflag:$0x0] =	sbarrier.arrive $0xFFFF  }
0x5f: {  	[tilespmem:s25], [sflag:$0x1] =	stream.indirect.gather [hbm4b:s5+s26], $0x80, s22, s26, $0xb8;
	[tilespmem:$0x1F800] =	vst v63  }
0x60: {  	v2 =	vld [tilespmem:$0x16800];
	_ =	sdelay $0x7  }
0x61: {  	[tilespmem:v2+s28+$0x0] =	vst.idx.add.f32.msk $0xffff, v1  }
0x62: {  	v2 =	vld [tilespmem:$0x16810];
	_ =	sdelay $0x7  }
0x63: {  	[tilespmem:v2+s28+$0x0] =	vst.idx.add.f32.msk $0xffff, v1  }
0x64: {  	v2 =	vld [tilespmem:$0x16820];
	_ =	sdelay $0x7  }
0x65: {  	[tilespmem:v2+s28+$0x0] =	vst.idx.add.f32.msk $0xffff, v1  }
0x66: {  	v2 =	vld [tilespmem:$0x16830];
	_ =	sdelay $0x7  }
0x67: {  	[tilespmem:v2+s28+$0x0] =	vst.idx.add.f32.msk $0xffff, v1  }
0x68: {  	_ =	swait.ge [sflag:s29], $0x2000  }
0x69: {  	[sflag:s29] =	ssyncset.done $0x0  }
0x6a: {  	[sflag:s29] =	ssyncadd.s32 $0xFFFFE000  }
0x6b: {  	[spmem:s3] =	stream.indirect.scatter.add.f32 [tilespmem:s25], [sflag:$0x3], $0x80, s24, s26, $0xb8;
	[tilespmem:$0x1F800] =	vst v63  }
0x6c: {  	_ = 	snop  }
0x6d: {  	[tilespmem:s31], [sflag:$0x2] =	stream.indirect.gather [hbm4b:s5+s26], $0x80, s30, s26, $0xb8;
	[tilespmem:$0x1F800] =	vst v63  }
0x6e: {  	v2 =	vld [tilespmem:$0x16880];
	_ =	sdelay $0x7  }
0x6f: {  	[tilespmem:v2+s28+$0x0] =	vst.idx.add.f32.msk $0xffff, v1  }
0x70: {  	v2 =	vld [tilespmem:$0x16890];
	_ =	sdelay $0x7  }
0x71: {  	[tilespmem:v2+s28+$0x0] =	vst.idx.add.f32.msk $0xffff, v1  }
0x72: {  	v2 =	vld [tilespmem:$0x168A0];
	_ =	sdelay $0x7  }
0x73: {  	[tilespmem:v2+s28+$0x0] =	vst.idx.add.f32.msk $0xffff, v1  }
0x74: {  	v2 =	vld [tilespmem:$0x168B0];
	_ =	sdelay $0x7  }
0x75: {  	[tilespmem:v2+s28+$0x0] =	vst.idx.add.f32.msk $0xffff, v1  }
0x76: {  	_ =	swait.ge [sflag:s1], $0x2000  }
0x77: {  	[sflag:s1] =	ssyncset.done $0x0  }
0x78: {  	s18 =	simm.s32 $0x0;
	[sflag:s1] =	ssyncadd.s32 $0xFFFFE000  }
0x79: {  	[spmem:s3] =	stream.indirect.scatter.add.f32 [tilespmem:s31], [sflag:$0x4], $0x80, s0, s26, $0xb8;
	[tilespmem:$0x1F800] =	vst v63  }
.LBB2_6:
0x7a: {  	_ =	swait.ge [sflag:s7], $0x2000  }
0x7b: {  	s19 =	sshra.s32 s18, $0x2;
	[sflag:s7] =	ssyncset.done $0x0  }
0x7c: {  	s20 =	sadd.s32 $0x14100, s19;
	[sflag:s7] =	ssyncadd.s32 $0xFFFFE000  }
0x7d: {  	[tilespmem:s25], [sflag:$0x1] =	stream.indirect.gather [hbm4b:s5+s26], $0x80, s20, s26, $0xb8;
	[tilespmem:$0x1F800] =	vst v63  }
0x7e: {  	v2 =	vld [tilespmem:s19+$0x16900];
	_ =	sdelay $0x7  }
0x7f: {  	[tilespmem:v2+s28+$0x0] =	vst.idx.add.f32.msk $0xffff, v1  }
0x80: {  	v2 =	vld [tilespmem:s19+$0x16910];
	_ =	sdelay $0x7  }
0x81: {  	[tilespmem:v2+s28+$0x0] =	vst.idx.add.f32.msk $0xffff, v1  }
0x82: {  	v2 =	vld [tilespmem:s19+$0x16920];
	_ =	sdelay $0x7  }
0x83: {  	[tilespmem:v2+s28+$0x0] =	vst.idx.add.f32.msk $0xffff, v1  }
0x84: {  	v2 =	vld [tilespmem:s19+$0x16930];
	_ =	sdelay $0x7  }
0x85: {  	[tilespmem:v2+s28+$0x0] =	vst.idx.add.f32.msk $0xffff, v1  }
0x86: {  	_ =	swait.ge [sflag:s29], $0x2000  }
0x87: {  	[sflag:s29] =	ssyncset.done $0x0  }
0x88: {  	s0 =	sadd.s32 $0x16900, s19;
	[sflag:s29] =	ssyncadd.s32 $0xFFFFE000  }
0x89: {  	[spmem:s3] =	stream.indirect.scatter.add.f32 [tilespmem:s25], [sflag:$0x3], $0x80, s0, s26, $0xb8;
	[tilespmem:$0x1F800] =	vst v63  }
0x8a: {  	_ =	swait.ge [sflag:s8], $0x2000  }
0x8b: {  	[sflag:s8] =	ssyncset.done $0x0  }
0x8c: {  	s21 =	sadd.s32 $0x14180, s19;
	[sflag:s8] =	ssyncadd.s32 $0xFFFFE000  }
0x8d: {  	[tilespmem:s31], [sflag:$0x2] =	stream.indirect.gather [hbm4b:s5+s26], $0x80, s21, s26, $0xb8;
	[tilespmem:$0x1F800] =	vst v63  }
0x8e: {  	v2 =	vld [tilespmem:s19+$0x16980];
	_ =	sdelay $0x7  }
0x8f: {  	[tilespmem:v2+s28+$0x0] =	vst.idx.add.f32.msk $0xffff, v1  }
0x90: {  	v2 =	vld [tilespmem:s19+$0x16990];
	_ =	sdelay $0x7  }
0x91: {  	[tilespmem:v2+s28+$0x0] =	vst.idx.add.f32.msk $0xffff, v1  }
0x92: {  	v2 =	vld [tilespmem:s19+$0x169A0];
	_ =	sdelay $0x7  }
0x93: {  	[tilespmem:v2+s28+$0x0] =	vst.idx.add.f32.msk $0xffff, v1  }
0x94: {  	v2 =	vld [tilespmem:s19+$0x169B0];
	_ =	sdelay $0x6  }
0x95: {  	p0 =	sne.s32 s18, $0x9800  }
.Ltmp2:
0x96: {  	[tilespmem:v2+s28+$0x0] =	vst.idx.add.f32.msk $0xffff, v1;
	(pc) =	sbr.rel @p0 .LBB2_6-.Ltmp2, $4  }
0x97: {  	_ =	swait.ge [sflag:s1], $0x2000  }
0x98: {  	[sflag:s1] =	ssyncset.done $0x0  }
0x99: {  	s18 =	sadd.s32 $0x400, s18;
	s19 =	sadd.s32 $0x16980, s19;
	[sflag:s1] =	ssyncadd.s32 $0xFFFFE000  }
0x9a: {  	[spmem:s3] =	stream.indirect.scatter.add.f32 [tilespmem:s31], [sflag:$0x4], $0x80, s19, s26, $0xb8;
	[tilespmem:$0x1F800] =	vst v63  }
0x9b: {  	_ =	swait.ge [sflag:s7], $0x2000  }
0x9c: {  	[sflag:s7] =	ssyncset.done $0x0  }
0x9d: {  	[sflag:s7] =	ssyncadd.s32 $0xFFFFE000  }
0x9e: {  	_ =	swait.ge [sflag:s8], $0x2000  }
0x9f: {  	[sflag:s8] =	ssyncset.done $0x0  }
0xa0: {  	s18 =	stileid.u32;
	[sflag:s8] =	ssyncadd.s32 $0xFFFFE000  }
0xa1: {  	s18 =	sshll.u32 s18, $0x6;
	[bflag:$0x0] =	sbarrier.arrive $0xFFFF  }
0xa2: {  	s19 =	sshrl.u32 s6, $0x3;
	s18 =	sor.u32 $0x1C05, s18;
	s20 =	rddreg [dreg:$0x6]  }
0xa3: {  	[hbm:s20], [sflag:s18] =	dma.local [spmem:s19], $0x2800  }
0xa4: {  	_ =	swait.ge [sflag:s23], $0x2800  }
0xa5: {  	s21 =	simm.s32 $0x80;
	[sflag:s23] =	ssyncset.done $0x0  }
0xa6: {  	s0 =	simm.s32 $0x400;
	s20 =	rddreg [dreg:$0x7];
	[sflag:s23] =	ssyncadd.s32 $0xFFFFD800  }
0xa7: {  	[hbm4b:s20+s21] =	stream.strided.scatter [tilespmem:s28], [sflag:$0x5], $0x2800, s0, s21, $0x38;
	[tilespmem:$0x1F800] =	vst v63  }
0xa8: {  	_ =	swait.ge [sflag:s23], $0x2800  }
0xa9: {  	[sflag:s23] =	ssyncset.done $0x0  }
0xaa: {  	[sflag:s23] =	ssyncadd.s32 $0xFFFFD800  }
0xab: {  	s20 =	simm.s32 $0x0;
	s21 =	simm.s32 $0x200;
	[bflag:$0x0] =	sbarrier.arrive $0xFFFF  }
.LBB2_8:
0xac: {  	p0 =	sne.s32 s21, $0x7E00;
	[tilespmem:s20+$0x19070] =	vst v0  }
0xad: {  	[tilespmem:s20+$0x19000] =	vst v0  }
0xae: {  	[tilespmem:s20+$0x19010] =	vst v0  }
.Ltmp3:
0xaf: {  	[tilespmem:s20+$0x19020] =	vst v0;
	(pc) =	sbr.rel @p0 .LBB2_8-.Ltmp3, $4  }
0xb0: {  	[tilespmem:s20+$0x19030] =	vst v0  }
0xb1: {  	[tilespmem:s20+$0x19040] =	vst v0  }
0xb2: {  	[tilespmem:s20+$0x19050] =	vst v0  }
0xb3: {  	[tilespmem:s20+$0x19060] =	vst v0;
	s20 =	sshra.s32 s21, $0x2;
	s21 =	sadd.s32 $0x200, s21  }
0xb4: {  	[tilespmem:s20+$0x19070] =	vst v0  }
0xb5: {  	[tilespmem:s20+$0x19000] =	vst v0  }
0xb6: {  	[tilespmem:s20+$0x19010] =	vst v0  }
0xb7: {  	[tilespmem:s20+$0x19020] =	vst v0  }
0xb8: {  	[tilespmem:s20+$0x19030] =	vst v0  }
0xb9: {  	[tilespmem:s20+$0x19040] =	vst v0  }
0xba: {  	[tilespmem:s20+$0x19050] =	vst v0  }
0xbb: {  	[tilespmem:s20+$0x19060] =	vst v0  }
0xbc: {  	[spmem:s6] =	stream.linear.scatter [tilespmem:s25], [sflag:$0x5], $0x2000, $0x38;
	[tilespmem:$0x1F800] =	vst v63  }
0xbd: {  	_ =	swait.ge [sflag:s23], $0x2000  }
0xbe: {  	[sflag:s23] =	ssyncset.done $0x0  }
0xbf: {  	[sflag:s23] =	ssyncadd.s32 $0xFFFFE000  }
0xc0: {  	[spmem:s9] =	stream.linear.scatter [tilespmem:s25], [sflag:$0x5], $0x2000, $0x38;
	[tilespmem:$0x1F800] =	vst v63  }
0xc1: {  	_ =	swait.ge [sflag:s23], $0x2000  }
0xc2: {  	[sflag:s23] =	ssyncset.done $0x0  }
0xc3: {  	[sflag:s23] =	ssyncadd.s32 $0xFFFFE000  }
0xc4: {  	[spmem:s10] =	stream.linear.scatter [tilespmem:s25], [sflag:$0x5], $0x2000, $0x38;
	[tilespmem:$0x1F800] =	vst v63  }
0xc5: {  	_ =	swait.ge [sflag:s23], $0x2000  }
0xc6: {  	[sflag:s23] =	ssyncset.done $0x0  }
0xc7: {  	[sflag:s23] =	ssyncadd.s32 $0xFFFFE000  }
0xc8: {  	[spmem:s11] =	stream.linear.scatter [tilespmem:s25], [sflag:$0x5], $0x2000, $0x38;
	[tilespmem:$0x1F800] =	vst v63  }
0xc9: {  	_ =	swait.ge [sflag:s23], $0x2000  }
0xca: {  	[sflag:s23] =	ssyncset.done $0x0  }
0xcb: {  	[sflag:s23] =	ssyncadd.s32 $0xFFFFE000  }
0xcc: {  	[spmem:s12] =	stream.linear.scatter [tilespmem:s25], [sflag:$0x5], $0x2000, $0x38;
	[tilespmem:$0x1F800] =	vst v63  }
0xcd: {  	_ =	swait.ge [sflag:s23], $0x2000  }
0xce: {  	[sflag:s23] =	ssyncset.done $0x0  }
0xcf: {  	[sflag:s23] =	ssyncadd.s32 $0xFFFFE000  }
0xd0: {  	[spmem:s13] =	stream.linear.scatter [tilespmem:s25], [sflag:$0x5], $0x2000, $0x38;
	[tilespmem:$0x1F800] =	vst v63  }
0xd1: {  	_ =	swait.ge [sflag:s23], $0x2000  }
0xd2: {  	[sflag:s23] =	ssyncset.done $0x0  }
0xd3: {  	[sflag:s23] =	ssyncadd.s32 $0xFFFFE000  }
0xd4: {  	[spmem:s14] =	stream.linear.scatter [tilespmem:s25], [sflag:$0x5], $0x2000, $0x38;
	[tilespmem:$0x1F800] =	vst v63  }
0xd5: {  	_ =	swait.ge [sflag:s23], $0x2000  }
0xd6: {  	[sflag:s23] =	ssyncset.done $0x0  }
0xd7: {  	[sflag:s23] =	ssyncadd.s32 $0xFFFFE000  }
0xd8: {  	[spmem:s15] =	stream.linear.scatter [tilespmem:s25], [sflag:$0x5], $0x2000, $0x38;
	[tilespmem:$0x1F800] =	vst v63  }
0xd9: {  	_ =	swait.ge [sflag:s23], $0x2000  }
0xda: {  	[sflag:s23] =	ssyncset.done $0x0  }
0xdb: {  	[sflag:s23] =	ssyncadd.s32 $0xFFFFE000  }
0xdc: {  	[spmem:s16] =	stream.linear.scatter [tilespmem:s25], [sflag:$0x5], $0x2000, $0x38;
	[tilespmem:$0x1F800] =	vst v63  }
0xdd: {  	_ =	swait.ge [sflag:s23], $0x2000  }
0xde: {  	[sflag:s23] =	ssyncset.done $0x0  }
0xdf: {  	[sflag:s23] =	ssyncadd.s32 $0xFFFFE000  }
0xe0: {  	[spmem:s17] =	stream.linear.scatter [tilespmem:s25], [sflag:$0x5], $0x2000, $0x38;
	[tilespmem:$0x1F800] =	vst v63  }
0xe1: {  	_ =	swait.ge [sflag:s23], $0x2000  }
0xe2: {  	[sflag:s23] =	ssyncset.done $0x0  }
0xe3: {  	[sflag:s23] =	ssyncadd.s32 $0xFFFFE000  }
0xe4: {  	[bflag:$0x0] =	sbarrier.arrive $0xFFFF  }
0xe5: {  	[tilespmem:s25], [sflag:$0x1] =	stream.indirect.gather [hbm4b:s2+s26], $0x80, s22, s26, $0xb8;
	[tilespmem:$0x1F800] =	vst v63  }
0xe6: {  	_ =	swait.ge [sflag:s29], $0x2000  }
0xe7: {  	[sflag:s29] =	ssyncset.done $0x0  }
0xe8: {  	[sflag:s29] =	ssyncadd.s32 $0xFFFFE000  }
0xe9: {  	[spmem:s3] =	stream.indirect.scatter.add.f32 [tilespmem:s25], [sflag:$0x3], $0x80, s24, s26, $0xb8;
	[tilespmem:$0x1F800] =	vst v63  }
0xea: {  	_ = 	snop  }
0xeb: {  	[tilespmem:s31], [sflag:$0x2] =	stream.indirect.gather [hbm4b:s2+s26], $0x80, s30, s26, $0xb8;
	[tilespmem:$0x1F800] =	vst v63  }
0xec: {  	_ =	swait.ge [sflag:s1], $0x2000  }
0xed: {  	[sflag:s1] =	ssyncset.done $0x0  }
0xee: {  	s0 =	simm.s32 $0x16880;
	[sflag:s1] =	ssyncadd.s32 $0xFFFFE000  }
0xef: {  	[spmem:s3] =	stream.indirect.scatter.add.f32 [tilespmem:s31], [sflag:$0x4], $0x80, s0, s26, $0xb8;
	[tilespmem:$0x1F800] =	vst v63  }
0xf0: {  	_ =	swait.ge [sflag:s7], $0x2000  }
0xf1: {  	[sflag:s7] =	ssyncset.done $0x0  }
0xf2: {  	s30 =	simm.s32 $0x14100;
	[sflag:s7] =	ssyncadd.s32 $0xFFFFE000  }
0xf3: {  	[tilespmem:s25], [sflag:$0x1] =	stream.indirect.gather [hbm4b:s2+s26], $0x80, s30, s26, $0xb8;
	[tilespmem:$0x1F800] =	vst v63  }
0xf4: {  	_ =	swait.ge [sflag:s29], $0x2000  }
0xf5: {  	[sflag:s29] =	ssyncset.done $0x0  }
0xf6: {  	s21 =	simm.s32 $0x16900;
	[sflag:s29] =	ssyncadd.s32 $0xFFFFE000  }
0xf7: {  	[spmem:s3] =	stream.indirect.scatter.add.f32 [tilespmem:s25], [sflag:$0x3], $0x80, s21, s26, $0xb8;
	[tilespmem:$0x1F800] =	vst v63  }
0xf8: {  	_ =	swait.ge [sflag:s8], $0x2000  }
0xf9: {  	[sflag:s8] =	ssyncset.done $0x0  }
0xfa: {  	s30 =	simm.s32 $0x14180;
	[sflag:s8] =	ssyncadd.s32 $0xFFFFE000  }
0xfb: {  	[tilespmem:s31], [sflag:$0x2] =	stream.indirect.gather [hbm4b:s2+s26], $0x80, s30, s26, $0xb8;
	[tilespmem:$0x1F800] =	vst v63  }
0xfc: {  	_ =	swait.ge [sflag:s1], $0x2000  }
0xfd: {  	[sflag:s1] =	ssyncset.done $0x0  }
0xfe: {  	s20 =	simm.s32 $0xFFFF6800;
	s21 =	simm.s32 $0x16980;
	[sflag:s1] =	ssyncadd.s32 $0xFFFFE000  }
.LBB2_10:
0xff: {  	[spmem:s3] =	stream.indirect.scatter.add.f32 [tilespmem:s31], [sflag:$0x4], $0x80, s21, s26, $0xb8;
	[tilespmem:$0x1F800] =	vst v63  }
0x100: {  	s21 =	smov.u32 s20  }
0x101: {  	p0 =	sne.s32 s20, $0xFFFFFC00;
	s20 =	sadd.s32 $0x400, s20;
	_ =	swait.ge [sflag:s7], $0x2000  }
0x102: {  	s21 =	sshra.s32 s21, $0x2;
	[sflag:s7] =	ssyncset.done $0x0  }
0x103: {  	s30 =	sadd.s32 $0x16800, s21;
	[sflag:s7] =	ssyncadd.s32 $0xFFFFE000  }
0x104: {  	[tilespmem:s25], [sflag:$0x1] =	stream.indirect.gather [hbm4b:s2+s26], $0x80, s30, s26, $0xb8;
	[tilespmem:$0x1F800] =	vst v63  }
0x105: {  	_ =	swait.ge [sflag:s29], $0x2000  }
0x106: {  	[sflag:s29] =	ssyncset.done $0x0  }
0x107: {  	s30 =	sadd.s32 $0x19000, s21;
	[sflag:s29] =	ssyncadd.s32 $0xFFFFE000  }
0x108: {  	[spmem:s3] =	stream.indirect.scatter.add.f32 [tilespmem:s25], [sflag:$0x3], $0x80, s30, s26, $0xb8;
	[tilespmem:$0x1F800] =	vst v63  }
0x109: {  	_ =	swait.ge [sflag:s8], $0x2000  }
0x10a: {  	[sflag:s8] =	ssyncset.done $0x0  }
.Ltmp4:
0x10b: {  	s30 =	sadd.s32 $0x16880, s21;
	[sflag:s8] =	ssyncadd.s32 $0xFFFFE000;
	(pc) =	sbr.rel @p0 .LBB2_10-.Ltmp4, $4  }
0x10c: {  	[tilespmem:s31], [sflag:$0x2] =	stream.indirect.gather [hbm4b:s2+s26], $0x80, s30, s26, $0xb8;
	[tilespmem:$0x1F800] =	vst v63  }
0x10d: {  	_ =	swait.ge [sflag:s1], $0x2000  }
0x10e: {  	[sflag:s1] =	ssyncset.done $0x0  }
0x10f: {  	s21 =	sadd.s32 $0x19080, s21;
	[sflag:s1] =	ssyncadd.s32 $0xFFFFE000  }
0x110: {  	[spmem:s3] =	stream.indirect.scatter.add.f32 [tilespmem:s31], [sflag:$0x4], $0x80, s21, s26, $0xb8;
	[tilespmem:$0x1F800] =	vst v63  }
0x111: {  	_ =	swait.ge [sflag:s7], $0x2000  }
0x112: {  	[sflag:s7] =	ssyncset.done $0x0  }
0x113: {  	[sflag:s7] =	ssyncadd.s32 $0xFFFFE000  }
0x114: {  	_ =	swait.ge [sflag:s8], $0x2000  }
0x115: {  	[sflag:s8] =	ssyncset.done $0x0  }
0x116: {  	[sflag:s8] =	ssyncadd.s32 $0xFFFFE000  }
0x117: {  	[bflag:$0x0] =	sbarrier.arrive $0xFFFF  }
0x118: {  	s20 =	rddreg [dreg:$0x8]  }
0x119: {  	[hbm:s20], [sflag:s18] =	dma.local [spmem:s19], $0x2800  }
0x11a: {  	_ =	swait.ge [sflag:s23], $0x2800  }
0x11b: {  	s4 =	sadd.s32 $0x1, s4;
	s21 =	rddreg [dreg:$0x9]  }
0x11c: {  	p0 =	sne.s32 s4, s21  }
.Ltmp5:
0x11d: {  	_ = 	snop;
	(pc) =	sbr.rel @p0 .LBB2_1-.Ltmp5, $4  }
0x11e: {  	[sflag:s23] =	ssyncset.done $0x0  }
0x11f: {  	[sflag:s23] =	ssyncadd.s32 $0xFFFFD800  }
0x120: {  	[bflag:$0x0] =	sbarrier.arrive $0xFFFF  }
0x121: {  	s30 =	simm.s32 $0x14080  }
0x122: {  	_ =	sfence.sel $0x180000  }
0x123: {  	[bflag:$0x0] =	sbarrier.arrive $0xFFFF  }
0x124: {  	_ =	strace $0x90000047  }
0x125: {  	s0 =	stileid.u32;
	[bflag:$0x2] =	sbarrier.arrive $0xFFFF  }
0x126: {  	p0 =	sne.s32 s0, $0x0;
	s0 =	rddreg [dreg:$0x3]  }
0x127: {  	s0 =	sadd.s32 @!p0 $0x100000, s0  }
0x128: {  	[sflag:s0] =	ssyncadd.tile.s32 @!p0 $0x1;
	_ =	shalt  }
.Lfunc_end2:
_tile_overlayer_lowered:
.L_overlay_start_2:
0x129: {  	(tag) =	ssettag $0x2  }
0x12a: {  	s0 =	rddreg [dreg:$0x0];
	s2 =	stileid.u32  }
0x12b: {  	s1 =	rddreg [dreg:$0x1];
	p0 =	sne.s32 s2, $0x0  }
0x12c: {  	s3 =	rddreg [dreg:$0x2];
	[bflag:$0x3] =	sbarrier.arrive $0xFFFF;
	s2 =	simm.s32 @!p0 $0x1C05  }
0x12d: {  	[timem:s3], [sflag:s2] =	dma.local @!p0 [hbm:s0], s1  }
0x12e: {  	s0 =	simm.s32 @!p0 $0x5  }
0x12f: {  	_ =	swait.ge @!p0 [sflag:s0], s1  }
0x130: {  	s1 =	ssub.s32 @!p0 $0x0, s1;
	[sflag:s0] =	ssyncset.done @!p0 $0x0  }
0x131: {  	[sflag:s0] =	ssyncadd.s32 @!p0 s1  }
0x132: {  	[bflag:$0x3] =	sbarrier.arrive $0xFFFF  }
0x133: {  	_ =	shalt  }

// kernel: kernel.9.cloned.1.call-start
scs
__scs_entry_jumppad:
0x0: {  	(pc) =	sbr.rel $0x88, $3  }
0x1: {  	(tag) =	ssettag $0x0;
	lr =	simm.s32 $0x1  }
0x2: {  	[smem:$0x3F97] =	sst lr;
	_ =	strace $0xD0000000  }
0x3: {  	_ = 	snop  }
0x4: {  	_ = 	snop  }
0x5: {  	_ = 	snop  }
0x6: {  	_ = 	snop  }
0x7: {  	_ = 	snop  }
__scs_overlays_trampoline_lowered:
0x8: {  	[smem:$0x3FA6] =	sst s0  }
0x9: {  	[smem:$0x3FA7] =	sst s1  }
0xa: {  	[smem:$0x3FA8] =	sst s2  }
0xb: {  	[smem:$0x3FA9] =	sst s3  }
0xc: {  	[smem:$0x3FAA] =	sst s4  }
0xd: {  	[smem:$0x3FAB] =	sst s5  }
0xe: {  	[smem:$0x3FAC] =	sst s6  }
0xf: {  	[smem:$0x3FAD] =	sst s7  }
0x10: {  	[smem:$0x3FAE] =	sst s8  }
0x11: {  	[smem:$0x3FAF] =	sst s9;
	s0 =	simm.s32 @!p0 $0x0  }
0x12: {  	s1 =	sld [smem:$0x3F95];
	s0 =	simm.s32 @p0 $0x1  }
0x13: {  	[smem:$0x3FB0] =	sst s0;
	s0 =	simm.s32 @!p1 $0x0  }
0x14: {  	s2 =	sld [smem:$0x3F94];
	s0 =	simm.s32 @p1 $0x1  }
0x15: {  	[smem:$0x3FB1] =	sst s0;
	s0 =	simm.s32 @!p2 $0x0  }
0x16: {  	s3 =	sld [smem:$0x3FDB];
	s0 =	simm.s32 @p2 $0x1  }
0x17: {  	s4 =	simm.s32 $0x1BF5;
	[smem:$0x3FB3] =	sst s0  }
0x18: {  	s0 =	sld [smem:$0x3F96];
	_ =	swait.ge [sflag:s4], $0x0  }
0x19: {  	s7 =	sld [smem:$0x3F97]  }
0x1a: {  	s8 =	sadd.s32 $0xFFFFE003, lr  }
0x1b: {  	s9 =	sadd.s32 $0xFFFFFEF7, lr;
	s5 =	simm.s32 $0xFFFFFFFF;
	p2 =	slt.u32 s8, $0xFFFFF086  }
0x1c: {  	p1 =	slt.u32 s9, $0xF7A;
	s5 =	simm.s32 @!p2 $0x0  }
0x1d: {  	s5 =	simm.s32 @p1 $0x1;
	p0 =	seq.s32 s7, s2  }
0x1e: {  	s7 =	smul.u32 @!p0 $0xF7A, s2;
	p2 =	seq.s32 @!p0 s5, $0x0  }
0x1f: {  	s9 =	smul.u32 $0xF7A, s1;
	s8 =	simm.s32 @!p0 $0x1BF5;
	p2 =	por !p2, p0  }
0x20: {  	[sflag:s8] =	ssyncset.s32 @!p0 $0xFFFFF086;
	s6 =	sadd.s32 @!p0 s3, s7;
	s7 =	simm.s32 @!p0 $0x108  }
0x21: {  	s3 =	sadd.s32 s3, s9;
	s6 =	sadd.s32 @!p0 $0x88, s6;
	s7 =	simm.s32 @p2 $0x1082  }
0x22: {  	[simem:s7], [sflag:s8] =	dma.local @!p0 [hbm:s6], $0xF7A  }
0x23: {  	s9 =	sor.u32 $0xD0000000, s2;
	s6 =	simm.s32 $0x108;
	_ =	swait.ge @!p0 [sflag:s8], $0x0  }
0x24: {  	s3 =	sadd.s32 $0x88, s3;
	s6 =	simm.s32 @!p1 $0x1082;
	[sflag:s4] =	ssyncset.s32 $0xFFFFF086  }
0x25: {  	[simem:s6], [sflag:s4] =	dma.local [hbm:s3], $0xF7A  }
0x26: {  	[smem:$0x3F97] =	sst s1;
	(tag) =	ssettag s2;
	_ =	strace s9  }
0x27: {  	s1 =	sld [smem:$0x3FA7]  }
0x28: {  	s2 =	sld [smem:$0x3FA8]  }
0x29: {  	s4 =	sld [smem:$0x3FAA]  }
0x2a: {  	p0 =	seq.s32 s5, $0x0;
	s5 =	sld [smem:$0x3FAB]  }
0x2b: {  	s6 =	sld [smem:$0x3FAC]  }
0x2c: {  	s7 =	sld [smem:$0x3FAD]  }
0x2d: {  	s3 =	simm.s32 $0x108;
	s8 =	sld [smem:$0x3FAE]  }
0x2e: {  	s3 =	simm.s32 @!p0 $0x1082;
	s9 =	sld [smem:$0x3FAF]  }
0x2f: {  	lr =	sadd.s32 s0, s3;
	s0 =	sld [smem:$0x3FA6]  }
0x30: {  	s3 =	sld [smem:$0x3FA9]  }
0x31: {  	[smem:$0x3FB2] =	sst s10  }
0x32: {  	s10 =	sld [smem:$0x3FB0];
	_ =	sdelay $0x3  }
0x33: {  	p0 =	seq.s32 s10, $0x1;
	s10 =	sld [smem:$0x3FB2];
	_ =	sdelay $0x3  }
0x34: {  	[smem:$0x3FB2] =	sst s10  }
0x35: {  	s10 =	sld [smem:$0x3FB1];
	_ =	sdelay $0x3  }
0x36: {  	p1 =	seq.s32 s10, $0x1;
	s10 =	sld [smem:$0x3FB2];
	_ =	sdelay $0x3  }
0x37: {  	[smem:$0x3FB2] =	sst s10  }
0x38: {  	s10 =	sld [smem:$0x3FB3]  }
0x39: {  	_ = 	snop;
	(pc) =	sbr.ind lr, $3  }
0x3a: {  	_ = 	snop  }
0x3b: {  	_ = 	snop  }
0x3c: {  	p2 =	seq.s32 s10, $0x1;
	s10 =	sld [smem:$0x3FB2]  }
0x3d: {  	_ =	shalt  }
0x3e: {  	_ =	shalt  }
0x3f: {  	_ =	shalt  }
0x40: {  	_ =	shalt  }
0x41: {  	_ =	shalt  }
0x42: {  	_ =	shalt  }
0x43: {  	_ =	shalt  }
0x44: {  	_ =	shalt  }
0x45: {  	_ =	shalt  }
0x46: {  	_ =	shalt  }
0x47: {  	_ =	shalt  }
0x48: {  	_ =	shalt  }
0x49: {  	_ =	shalt  }
0x4a: {  	_ =	shalt  }
0x4b: {  	_ =	shalt  }
0x4c: {  	_ =	shalt  }
0x4d: {  	_ =	shalt  }
0x4e: {  	_ =	shalt  }
0x4f: {  	_ =	shalt  }
0x50: {  	_ =	shalt  }
0x51: {  	_ =	shalt  }
0x52: {  	_ =	shalt  }
0x53: {  	_ =	shalt  }
0x54: {  	_ =	shalt  }
0x55: {  	_ =	shalt  }
0x56: {  	_ =	shalt  }
0x57: {  	_ =	shalt  }
0x58: {  	_ =	shalt  }
0x59: {  	_ =	shalt  }
0x5a: {  	_ =	shalt  }
0x5b: {  	_ =	shalt  }
0x5c: {  	_ =	shalt  }
0x5d: {  	_ =	shalt  }
0x5e: {  	_ =	shalt  }
0x5f: {  	_ =	shalt  }
0x60: {  	_ =	shalt  }
0x61: {  	_ =	shalt  }
0x62: {  	_ =	shalt  }
0x63: {  	_ =	shalt  }
0x64: {  	_ =	shalt  }
0x65: {  	_ =	shalt  }
0x66: {  	_ =	shalt  }
0x67: {  	_ =	shalt  }
0x68: {  	_ =	shalt  }
0x69: {  	_ =	shalt  }
0x6a: {  	_ =	shalt  }
0x6b: {  	_ =	shalt  }
0x6c: {  	_ =	shalt  }
0x6d: {  	_ =	shalt  }
0x6e: {  	_ =	shalt  }
0x6f: {  	_ =	shalt  }
0x70: {  	_ =	shalt  }
0x71: {  	_ =	shalt  }
0x72: {  	_ =	shalt  }
0x73: {  	_ =	shalt  }
0x74: {  	_ =	shalt  }
0x75: {  	_ =	shalt  }
0x76: {  	_ =	shalt  }
0x77: {  	_ =	shalt  }
0x78: {  	_ =	shalt  }
0x79: {  	_ =	shalt  }
0x7a: {  	_ =	shalt  }
0x7b: {  	_ =	shalt  }
0x7c: {  	_ =	shalt  }
0x7d: {  	_ =	shalt  }
0x7e: {  	_ =	shalt  }
0x7f: {  	_ =	shalt  }
0x80: {  	_ =	shalt  }
0x81: {  	_ =	shalt  }
0x82: {  	_ =	shalt  }
0x83: {  	_ =	shalt  }
0x84: {  	_ =	shalt  }
0x85: {  	_ =	shalt  }
0x86: {  	_ =	shalt  }
0x87: {  	_ =	shalt  }
.Lfunc_end0:
.L_simem_size_0:
called_computation.1_lowered:
.L_overlay_start_0:
0x88: {  	s2 =	sld [smem:$0x3FD9]  }
0x89: {  	s3 =	sld [smem:$0x3FFE];
	_ =	sdelay $0x1  }
0x8a: {  	s1 =	srdreg.scid  }
0x8b: {  	s0 =	sand.u32 $0x1, s1  }
0x8c: {  	s17 =	sshll.u32 s0, $0xA;
	s2 =	sadd.s32 s3, s2  }
0x8d: {  	s2 =	sadd.s32 s2, s17  }
0x8e: {  	[smem:$0x3FBE] =	sst s2  }
0x8f: {  	_ = 	snop  }
0x90: {  	s2 =	sld [smem:$0x3FD0];
	(tm) =	ssettm $0x1  }
0x91: {  	s18 =	sld [smem:$0x3FFB];
	_ =	sdelay $0x3  }
0x92: {  	_ =	strace s18  }
0x93: {  	s3 =	sld [smem:$0x3FFC];
	_ =	sdelay $0x3  }
0x94: {  	_ =	strace s3  }
0x95: {  	s3 =	sld [smem:$0x3FFD];
	_ =	sdelay $0x3  }
0x96: {  	_ =	strace s3  }
0x97: {  	_ =	strace $0x8FFFFFFF  }
0x98: {  	s19 =	sld [smem:$0x3FDB];
	_ =	sdelay $0x1  }
0x99: {  	s4 =	simm.s32 $_scs_section_size  }
0x9a: {  	s5 =	simm.s32 $_size__tile_overlayer_lowered;
	s6 =	simm.s32 $_tile_overlayer_lowered  }
0x9b: {  	s22 =	simm.s32 $0x1BFF;
	s21 =	sshll.u32 s6, $0x1;
	s3 =	sadd.s32 s4, s19  }
0x9c: {  	s7 =	simm.s32 $0x0;
	s20 =	sshll.u32 s5, $0x1;
	s5 =	sadd.s32 s21, s3  }
0x9d: {  	[timem:s7], [sflag:s22] =	dma.local [hbm:s5], s20  }
0x9e: {  	_ =	swait.ge [sflag:s22], s20  }
0x9f: {  	s4 =	ssub.s32 $0x0, s20;
	[sflag:s22] =	ssyncset.done $0x0  }
0xa0: {  	[sflag:s22] =	ssyncadd.s32 s4;
	_ =	sdelay $0x1  }
0xa1: {  	s23 =	simm.s32 $0x1B8B  }
0xa2: {  	_ =	swait.ge [sflag:s23], $0x1  }
0xa3: {  	[sflag:s23] =	ssyncset.done $0x0  }
0xa4: {  	s25 =	simm.s32 $0x1B8E;
	s24 =	sld [smem:$0x3FFE];
	[sflag:s23] =	ssyncadd.s32 $0xFFFFFFFF  }
0xa5: {  	s26 =	simm.s32 $execute0_lowered;
	[smem:$0x3FD2] =	sst s25  }
0xa6: {  	s5 =	sshll.u32 s26, $0x1;
	_ =	strace $0x80000049;
	[dreg:$0x1] =	wrdreg $0xFFFFFFFF  }
0xa7: {  	s28 =	simm.s32 $_size_execute0_lowered;
	s3 =	sadd.s32 s3, s5;
	[dreg:$0x0] =	wrdreg $0x0  }
0xa8: {  	s5 =	sshll.u32 s28, $0x1;
	[dreg:$0x2] =	wrdreg s3  }
0xa9: {  	[dreg:$0x3] =	wrdreg s5  }
0xaa: {  	[dreg:$0x4] =	wrdreg $0xC0  }
0xab: {  	_ =	task [dreg:s7], $0x5FFFF  }
0xac: {  	[dreg:$0x1] =	wrdreg $0xFFFFFFFF  }
0xad: {  	[dreg:$0x0] =	wrdreg $0x60  }
0xae: {  	[dreg:$0x2] =	wrdreg s2  }
0xaf: {  	[dreg:$0x3] =	wrdreg s24  }
0xb0: {  	[dreg:$0x4] =	wrdreg $0x0  }
0xb1: {  	[dreg:$0x5] =	wrdreg $0x9  }
0xb2: {  	_ =	task.clear_ibuf [dreg:s7], $0x6FFFF;
	_ =	strace $0x90000049  }
0xb3: {  	s29 =	simm.s32 $0x9;
	_ =	strace $0x8000004B  }
0xb4: {  	_ =	swait.ge [sflag:s29], $0x1  }
0xb5: {  	[sflag:s29] =	ssyncadd.s32 $0xFFFFFFFF  }
0xb6: {  	_ =	strace $0x9000004B  }
0xb7: {  	_ =	sfence  }
0xb8: {  	s30 =	sld [smem:$0x0];
	_ =	sdelay $0x2  }
0xb9: {  	s31 =	sshll.u32 s1, $0xD;
	s1 =	sshrl.u32 s1, $0x2  }
0xba: {  	s3 =	sand.u32 $0x4000, s31;
	s1 =	sadd.s32 s1, s30  }
0xbb: {  	s0 =	sor.u32 s3, s0;
	s1 =	sshll.u32 s1, $0x11  }
0xbc: {  	s0 =	sor.u32 s1, s0  }
0xbd: {  	s0 =	sadd.s32 $0x8F2B, s0  }
0xbe: {  	[sflag:s0] =	ssyncadd.remote.s32 $0x1  }
0xbf: {  	_ =	sfence.sel $0xFFFF  }
0xc0: {  	[dreg:$0x0] =	wrdreg $0xFFFFFFFF;
	(pc) =	sbr.abs _section_cstart, $3  }
0xc1: {  	[dreg:$0x1] =	wrdreg $0xFFFFFFFF  }
0xc2: {  	_ =	task.clear_ibuf [dreg:s7], $0x2FFFF;
	_ =	strace $0x9FFFFFFF  }
0xc3: {  	(tm) =	ssettm $0x7FFFFFFF  }
tec
execute0_lowered:
.L_overlay_start_1:
0x0: {  	(tag) =	ssettag $0x1  }
0x1: {  	s1 =	rddreg [dreg:$0x0]  }
0x2: {  	s0 =	rddreg [dreg:$0x1]  }
0x3: {  	s2 =	rddreg [dreg:$0x2];
	s3 =	simm.s32 $0x0  }
0x4: {  	s18 =	srdreg.scid;
	s10 =	stileid.u32;
	s28 =	simm.s32 $0x16800  }
0x5: {  	s29 =	simm.s32 $0x19000;
	s30 =	simm.s32 $0x40;
	s31 =	simm.s32 $0x1  }
0x6: {  	[smem:$0x7FF] =	sst s3;
	s3 =	sand.u32 $0x1, s18;
	s5 =	sadd.s32 $0x17A00, s0  }
0x7: {  	s9 =	smul.u32 $0x14000, s10;
	s6 =	sadd.s32 $0x3EC00, s0;
	s7 =	sadd.s32 $0x65E00, s0  }
0x8: {  	s19 =	smul.u32 $0x50000, s10;
	_ =	strace $0x8000004A;
	s4 =	sshll.u32 s3, $0x4  }
0x9: {  	s8 =	smul.u32 $0x500000, s3;
	s3 =	ssub.s32 $0x2, s3;
	s4 =	sor.u32 s10, s4  }
0xa: {  	s20 =	sshrl.u32 s3, $0x1;
	s21 =	sshrl.u32 s19, $0x2;
	s4 =	smul.u32 $0x500, s4  }
0xb: {  	s8 =	sadd.s32 s9, s8;
	s3 =	ssub.s32 s3, s20;
	s10 =	sadd.s32 s21, s2  }
0xc: {  	s9 =	simm.s32 $0x3;
	s20 =	simm.s32 $0x4;
	s21 =	simm.s32 $0x0  }
0xd: {  	s8 =	sshrl.u32 s8, $0x3;
	s11 =	sadd.s32 $0x2000, s10;
	s12 =	sadd.s32 $0x4000, s10  }
0xe: {  	s13 =	sadd.s32 $0x6000, s10;
	s14 =	sadd.s32 $0x8000, s10;
	s15 =	sadd.s32 $0xA000, s10  }
0xf: {  	s16 =	sadd.s32 $0xC000, s10;
	s26 =	smax.u32 s3, $0x1;
	s4 =	sadd.s32 s4, s0  }
0x10: {  	s17 =	sadd.s32 $0xE000, s10;
	[dreg:$0xa] =	wrdreg s26;
	s22 =	sadd.s32 $0xDA00, s4  }
0x11: {  	s0 =	sadd.s32 s8, s0;
	s4 =	sadd.s32 $0x3A00, s4;
	[dreg:$0x4] =	wrdreg s22  }
0x12: {  	s18 =	sadd.s32 $0x10000, s10;
	s23 =	sadd.s32 $0x8D000, s0;
	[dreg:$0x5] =	wrdreg s4  }
0x13: {  	s19 =	sadd.s32 $0x12000, s10;
	s24 =	sadd.s32 $0xB5000, s0;
	[dreg:$0x6] =	wrdreg s23  }
0x14: {  	s3 =	simm.s32 $0x2;
	s25 =	sadd.s32 $0xDD000, s0;
	[dreg:$0x7] =	wrdreg s24  }
0x15: {  	s26 =	simm.s32 $0x5;
	s0 =	sadd.s32 $0x105000, s0;
	[dreg:$0x8] =	wrdreg s25  }
0x16: {  	v0 =	vimm.f32 $0.0e+00;
	[dreg:$0x9] =	wrdreg s0;
	s25 =	simm.s32 $0x14000;
	s4 =	simm.s32 $0x1B000  }
.LBB2_1:
0x17: {  	s0 =	simm.s32 $0x0;
	s8 =	rddreg [dreg:$0x4]  }
0x18: {  	[tilespmem:s25], [sflag:$0x5] =	stream.linear.gather [hbm4b:s8+s0], $0x2800, $0x38;
	[tilespmem:$0x1D000] =	vst v63  }
0x19: {  	_ =	swait.ge [sflag:s26], $0x2800  }
0x1a: {  	[sflag:s26] =	ssyncset.done $0x0  }
0x1b: {  	s24 =	rddreg [dreg:$0x5];
	[sflag:s26] =	ssyncadd.s32 $0xFFFFD800  }
0x1c: {  	[tilespmem:s28], [sflag:$0x5] =	stream.linear.gather [hbm4b:s24+s0], $0x2800, $0x38;
	[tilespmem:$0x1D000] =	vst v63  }
0x1d: {  	_ =	swait.ge [sflag:s26], $0x2800  }
0x1e: {  	[sflag:s26] =	ssyncset.done $0x0  }
0x1f: {  	s22 =	simm.s32 $0x0;
	s23 =	simm.s32 $0x200;
	[sflag:s26] =	ssyncadd.s32 $0xFFFFD800  }
.LBB2_2:
0x20: {  	p0 =	sne.s32 s23, $0x7E00;
	[tilespmem:s22+$0x19070] =	vst v0  }
0x21: {  	[tilespmem:s22+$0x19000] =	vst v0  }
0x22: {  	[tilespmem:s22+$0x19010] =	vst v0  }
.Ltmp0:
0x23: {  	[tilespmem:s22+$0x19020] =	vst v0;
	(pc) =	sbr.rel @p0 .LBB2_2-.Ltmp0, $4  }
0x24: {  	[tilespmem:s22+$0x19030] =	vst v0  }
0x25: {  	[tilespmem:s22+$0x19040] =	vst v0  }
0x26: {  	[tilespmem:s22+$0x19050] =	vst v0  }
0x27: {  	[tilespmem:s22+$0x19060] =	vst v0;
	s22 =	sshra.s32 s23, $0x2;
	s23 =	sadd.s32 $0x200, s23  }
0x28: {  	[tilespmem:s22+$0x19070] =	vst v0  }
0x29: {  	[tilespmem:s22+$0x19000] =	vst v0  }
0x2a: {  	[tilespmem:s22+$0x19010] =	vst v0  }
0x2b: {  	[tilespmem:s22+$0x19020] =	vst v0  }
0x2c: {  	[tilespmem:s22+$0x19030] =	vst v0  }
0x2d: {  	[tilespmem:s22+$0x19040] =	vst v0  }
0x2e: {  	[tilespmem:s22+$0x19050] =	vst v0  }
0x2f: {  	[tilespmem:s22+$0x19060] =	vst v0  }
0x30: {  	[spmem:s10] =	stream.linear.scatter [tilespmem:s29], [sflag:$0x5], $0x2000, $0x38;
	[tilespmem:$0x1D000] =	vst v63  }
0x31: {  	_ =	swait.ge [sflag:s26], $0x2000  }
0x32: {  	[sflag:s26] =	ssyncset.done $0x0  }
0x33: {  	[sflag:s26] =	ssyncadd.s32 $0xFFFFE000  }
0x34: {  	[spmem:s11] =	stream.linear.scatter [tilespmem:s29], [sflag:$0x5], $0x2000, $0x38;
	[tilespmem:$0x1D000] =	vst v63  }
0x35: {  	_ =	swait.ge [sflag:s26], $0x2000  }
0x36: {  	[sflag:s26] =	ssyncset.done $0x0  }
0x37: {  	[sflag:s26] =	ssyncadd.s32 $0xFFFFE000  }
0x38: {  	[spmem:s12] =	stream.linear.scatter [tilespmem:s29], [sflag:$0x5], $0x2000, $0x38;
	[tilespmem:$0x1D000] =	vst v63  }
0x39: {  	_ =	swait.ge [sflag:s26], $0x2000  }
0x3a: {  	[sflag:s26] =	ssyncset.done $0x0  }
0x3b: {  	[sflag:s26] =	ssyncadd.s32 $0xFFFFE000  }
0x3c: {  	[spmem:s13] =	stream.linear.scatter [tilespmem:s29], [sflag:$0x5], $0x2000, $0x38;
	[tilespmem:$0x1D000] =	vst v63  }
0x3d: {  	_ =	swait.ge [sflag:s26], $0x2000  }
0x3e: {  	[sflag:s26] =	ssyncset.done $0x0  }
0x3f: {  	[sflag:s26] =	ssyncadd.s32 $0xFFFFE000  }
0x40: {  	[spmem:s14] =	stream.linear.scatter [tilespmem:s29], [sflag:$0x5], $0x2000, $0x38;
	[tilespmem:$0x1D000] =	vst v63  }
0x41: {  	_ =	swait.ge [sflag:s26], $0x2000  }
0x42: {  	[sflag:s26] =	ssyncset.done $0x0  }
0x43: {  	[sflag:s26] =	ssyncadd.s32 $0xFFFFE000  }
0x44: {  	[spmem:s15] =	stream.linear.scatter [tilespmem:s29], [sflag:$0x5], $0x2000, $0x38;
	[tilespmem:$0x1D000] =	vst v63  }
0x45: {  	_ =	swait.ge [sflag:s26], $0x2000  }
0x46: {  	[sflag:s26] =	ssyncset.done $0x0  }
0x47: {  	[sflag:s26] =	ssyncadd.s32 $0xFFFFE000  }
0x48: {  	[spmem:s16] =	stream.linear.scatter [tilespmem:s29], [sflag:$0x5], $0x2000, $0x38;
	[tilespmem:$0x1D000] =	vst v63  }
0x49: {  	_ =	swait.ge [sflag:s26], $0x2000  }
0x4a: {  	[sflag:s26] =	ssyncset.done $0x0  }
0x4b: {  	[sflag:s26] =	ssyncadd.s32 $0xFFFFE000  }
0x4c: {  	[spmem:s17] =	stream.linear.scatter [tilespmem:s29], [sflag:$0x5], $0x2000, $0x38;
	[tilespmem:$0x1D000] =	vst v63  }
0x4d: {  	_ =	swait.ge [sflag:s26], $0x2000  }
0x4e: {  	[sflag:s26] =	ssyncset.done $0x0  }
0x4f: {  	[sflag:s26] =	ssyncadd.s32 $0xFFFFE000  }
0x50: {  	[spmem:s18] =	stream.linear.scatter [tilespmem:s29], [sflag:$0x5], $0x2000, $0x38;
	[tilespmem:$0x1D000] =	vst v63  }
0x51: {  	_ =	swait.ge [sflag:s26], $0x2000  }
0x52: {  	[sflag:s26] =	ssyncset.done $0x0  }
0x53: {  	[sflag:s26] =	ssyncadd.s32 $0xFFFFE000  }
0x54: {  	[spmem:s19] =	stream.linear.scatter [tilespmem:s29], [sflag:$0x5], $0x2000, $0x38;
	[tilespmem:$0x1D000] =	vst v63  }
0x55: {  	_ =	swait.ge [sflag:s26], $0x2000  }
0x56: {  	[sflag:s26] =	ssyncset.done $0x0  }
0x57: {  	[sflag:s26] =	ssyncadd.s32 $0xFFFFE000  }
0x58: {  	[bflag:$0x0] =	sbarrier.arrive $0xFFFF  }
0x59: {  	[tilespmem:s29], [sflag:$0x1] =	stream.indirect.gather [hbm4b:s1+s30], $0x80, s25, s30, $0xb8;
	[tilespmem:$0x1D000] =	vst v63  }
0x5a: {  	_ =	swait.ge [sflag:s31], $0x2000  }
0x5b: {  	[sflag:s31] =	ssyncset.done $0x0  }
0x5c: {  	[sflag:s31] =	ssyncadd.s32 $0xFFFFE000  }
0x5d: {  	[spmem:s2] =	stream.indirect.scatter.add.f32 [tilespmem:s29], [sflag:$0x3], $0x80, s28, s30, $0xb8;
	[tilespmem:$0x1D000] =	vst v63  }
0x5e: {  	s0 =	simm.s32 $0x14080  }
0x5f: {  	[tilespmem:s4], [sflag:$0x2] =	stream.indirect.gather [hbm4b:s1+s30], $0x80, s0, s30, $0xb8;
	[tilespmem:$0x1D000] =	vst v63  }
0x60: {  	_ =	swait.ge [sflag:s3], $0x2000  }
0x61: {  	[sflag:s3] =	ssyncset.done $0x0  }
0x62: {  	s8 =	simm.s32 $0x16880;
	[sflag:s3] =	ssyncadd.s32 $0xFFFFE000  }
0x63: {  	[spmem:s2] =	stream.indirect.scatter.add.f32 [tilespmem:s4], [sflag:$0x4], $0x80, s8, s30, $0xb8;
	[tilespmem:$0x1D000] =	vst v63  }
0x64: {  	_ =	swait.ge [sflag:s9], $0x2000  }
0x65: {  	[sflag:s9] =	ssyncset.done $0x0  }
0x66: {  	s22 =	simm.s32 $0x14100;
	[sflag:s9] =	ssyncadd.s32 $0xFFFFE000  }
0x67: {  	[tilespmem:s29], [sflag:$0x1] =	stream.indirect.gather [hbm4b:s1+s30], $0x80, s22, s30, $0xb8;
	[tilespmem:$0x1D000] =	vst v63  }
0x68: {  	_ =	swait.ge [sflag:s31], $0x2000  }
0x69: {  	[sflag:s31] =	ssyncset.done $0x0  }
0x6a: {  	s23 =	simm.s32 $0x16900;
	[sflag:s31] =	ssyncadd.s32 $0xFFFFE000  }
0x6b: {  	[spmem:s2] =	stream.indirect.scatter.add.f32 [tilespmem:s29], [sflag:$0x3], $0x80, s23, s30, $0xb8;
	[tilespmem:$0x1D000] =	vst v63  }
0x6c: {  	_ =	swait.ge [sflag:s20], $0x2000  }
0x6d: {  	[sflag:s20] =	ssyncset.done $0x0  }
0x6e: {  	s24 =	simm.s32 $0x14180;
	[sflag:s20] =	ssyncadd.s32 $0xFFFFE000  }
0x6f: {  	[tilespmem:s4], [sflag:$0x2] =	stream.indirect.gather [hbm4b:s1+s30], $0x80, s24, s30, $0xb8;
	[tilespmem:$0x1D000] =	vst v63  }
0x70: {  	_ =	swait.ge [sflag:s3], $0x2000  }
0x71: {  	[sflag:s3] =	ssyncset.done $0x0  }
0x72: {  	s0 =	simm.s32 $0x16980;
	s22 =	simm.s32 $0xFFFF6800;
	[sflag:s3] =	ssyncadd.s32 $0xFFFFE000  }
.LBB2_4:
0x73: {  	[spmem:s2] =	stream.indirect.scatter.add.f32 [tilespmem:s4], [sflag:$0x4], $0x80, s0, s30, $0xb8;
	[tilespmem:$0x1D000] =	vst v63  }
0x74: {  	s0 =	smov.u32 s22  }
0x75: {  	p0 =	sne.s32 s22, $0xFFFFFC00;
	s22 =	sadd.s32 $0x400, s22;
	_ =	swait.ge [sflag:s9], $0x2000  }
0x76: {  	s0 =	sshra.s32 s0, $0x2;
	[sflag:s9] =	ssyncset.done $0x0  }
0x77: {  	s23 =	sadd.s32 $0x16800, s0;
	[sflag:s9] =	ssyncadd.s32 $0xFFFFE000  }
0x78: {  	[tilespmem:s29], [sflag:$0x1] =	stream.indirect.gather [hbm4b:s1+s30], $0x80, s23, s30, $0xb8;
	[tilespmem:$0x1D000] =	vst v63  }
0x79: {  	_ =	swait.ge [sflag:s31], $0x2000  }
0x7a: {  	[sflag:s31] =	ssyncset.done $0x0  }
0x7b: {  	s23 =	sadd.s32 $0x19000, s0;
	[sflag:s31] =	ssyncadd.s32 $0xFFFFE000  }
0x7c: {  	[spmem:s2] =	stream.indirect.scatter.add.f32 [tilespmem:s29], [sflag:$0x3], $0x80, s23, s30, $0xb8;
	[tilespmem:$0x1D000] =	vst v63  }
0x7d: {  	_ =	swait.ge [sflag:s20], $0x2000  }
0x7e: {  	[sflag:s20] =	ssyncset.done $0x0  }
.Ltmp1:
0x7f: {  	s23 =	sadd.s32 $0x16880, s0;
	[sflag:s20] =	ssyncadd.s32 $0xFFFFE000;
	(pc) =	sbr.rel @p0 .LBB2_4-.Ltmp1, $4  }
0x80: {  	[tilespmem:s4], [sflag:$0x2] =	stream.indirect.gather [hbm4b:s1+s30], $0x80, s23, s30, $0xb8;
	[tilespmem:$0x1D000] =	vst v63  }
0x81: {  	_ =	swait.ge [sflag:s3], $0x2000  }
0x82: {  	[sflag:s3] =	ssyncset.done $0x0  }
0x83: {  	s0 =	sadd.s32 $0x19080, s0;
	[sflag:s3] =	ssyncadd.s32 $0xFFFFE000  }
0x84: {  	[spmem:s2] =	stream.indirect.scatter.add.f32 [tilespmem:s4], [sflag:$0x4], $0x80, s0, s30, $0xb8;
	[tilespmem:$0x1D000] =	vst v63  }
0x85: {  	_ =	swait.ge [sflag:s9], $0x2000  }
0x86: {  	[sflag:s9] =	ssyncset.done $0x0  }
0x87: {  	[sflag:s9] =	ssyncadd.s32 $0xFFFFE000  }
0x88: {  	_ =	swait.ge [sflag:s20], $0x2000  }
0x89: {  	[sflag:s20] =	ssyncset.done $0x0  }
0x8a: {  	s23 =	stileid.u32;
	[sflag:s20] =	ssyncadd.s32 $0xFFFFE000  }
0x8b: {  	s0 =	sshll.u32 s23, $0x6;
	[bflag:$0x0] =	sbarrier.arrive $0xFFFF  }
0x8c: {  	s23 =	sshrl.u32 s10, $0x3;
	s22 =	sor.u32 $0x1C05, s0;
	s24 =	rddreg [dreg:$0x6]  }
0x8d: {  	[hbm:s24], [sflag:s22] =	dma.local [spmem:s23], $0x2800  }
0x8e: {  	_ =	swait.ge [sflag:s26], $0x2800  }
0x8f: {  	[sflag:s26] =	ssyncset.done $0x0  }
0x90: {  	[sflag:s26] =	ssyncadd.s32 $0xFFFFD800  }
0x91: {  	s0 =	simm.s32 $0x200;
	s24 =	simm.s32 $0x0;
	[bflag:$0x0] =	sbarrier.arrive $0xFFFF  }
.LBB2_6:
0x92: {  	p0 =	sne.s32 s0, $0x7E00;
	[tilespmem:s24+$0x19070] =	vst v0  }
0x93: {  	[tilespmem:s24+$0x19000] =	vst v0  }
0x94: {  	[tilespmem:s24+$0x19010] =	vst v0  }
.Ltmp2:
0x95: {  	[tilespmem:s24+$0x19020] =	vst v0;
	(pc) =	sbr.rel @p0 .LBB2_6-.Ltmp2, $4  }
0x96: {  	[tilespmem:s24+$0x19030] =	vst v0  }
0x97: {  	[tilespmem:s24+$0x19040] =	vst v0  }
0x98: {  	[tilespmem:s24+$0x19050] =	vst v0  }
0x99: {  	[tilespmem:s24+$0x19060] =	vst v0;
	s24 =	sshra.s32 s0, $0x2;
	s0 =	sadd.s32 $0x200, s0  }
0x9a: {  	[tilespmem:s24+$0x19070] =	vst v0  }
0x9b: {  	[tilespmem:s24+$0x19000] =	vst v0  }
0x9c: {  	[tilespmem:s24+$0x19010] =	vst v0  }
0x9d: {  	[tilespmem:s24+$0x19020] =	vst v0  }
0x9e: {  	[tilespmem:s24+$0x19030] =	vst v0  }
0x9f: {  	[tilespmem:s24+$0x19040] =	vst v0  }
0xa0: {  	[tilespmem:s24+$0x19050] =	vst v0  }
0xa1: {  	[tilespmem:s24+$0x19060] =	vst v0  }
0xa2: {  	[spmem:s10] =	stream.linear.scatter [tilespmem:s29], [sflag:$0x5], $0x2000, $0x38;
	[tilespmem:$0x1D000] =	vst v63  }
0xa3: {  	_ =	swait.ge [sflag:s26], $0x2000  }
0xa4: {  	[sflag:s26] =	ssyncset.done $0x0  }
0xa5: {  	[sflag:s26] =	ssyncadd.s32 $0xFFFFE000  }
0xa6: {  	[spmem:s11] =	stream.linear.scatter [tilespmem:s29], [sflag:$0x5], $0x2000, $0x38;
	[tilespmem:$0x1D000] =	vst v63  }
0xa7: {  	_ =	swait.ge [sflag:s26], $0x2000  }
0xa8: {  	[sflag:s26] =	ssyncset.done $0x0  }
0xa9: {  	[sflag:s26] =	ssyncadd.s32 $0xFFFFE000  }
0xaa: {  	[spmem:s12] =	stream.linear.scatter [tilespmem:s29], [sflag:$0x5], $0x2000, $0x38;
	[tilespmem:$0x1D000] =	vst v63  }
0xab: {  	_ =	swait.ge [sflag:s26], $0x2000  }
0xac: {  	[sflag:s26] =	ssyncset.done $0x0  }
0xad: {  	[sflag:s26] =	ssyncadd.s32 $0xFFFFE000  }
0xae: {  	[spmem:s13] =	stream.linear.scatter [tilespmem:s29], [sflag:$0x5], $0x2000, $0x38;
	[tilespmem:$0x1D000] =	vst v63  }
0xaf: {  	_ =	swait.ge [sflag:s26], $0x2000  }
0xb0: {  	[sflag:s26] =	ssyncset.done $0x0  }
0xb1: {  	[sflag:s26] =	ssyncadd.s32 $0xFFFFE000  }
0xb2: {  	[spmem:s14] =	stream.linear.scatter [tilespmem:s29], [sflag:$0x5], $0x2000, $0x38;
	[tilespmem:$0x1D000] =	vst v63  }
0xb3: {  	_ =	swait.ge [sflag:s26], $0x2000  }
0xb4: {  	[sflag:s26] =	ssyncset.done $0x0  }
0xb5: {  	[sflag:s26] =	ssyncadd.s32 $0xFFFFE000  }
0xb6: {  	[spmem:s15] =	stream.linear.scatter [tilespmem:s29], [sflag:$0x5], $0x2000, $0x38;
	[tilespmem:$0x1D000] =	vst v63  }
0xb7: {  	_ =	swait.ge [sflag:s26], $0x2000  }
0xb8: {  	[sflag:s26] =	ssyncset.done $0x0  }
0xb9: {  	[sflag:s26] =	ssyncadd.s32 $0xFFFFE000  }
0xba: {  	[spmem:s16] =	stream.linear.scatter [tilespmem:s29], [sflag:$0x5], $0x2000, $0x38;
	[tilespmem:$0x1D000] =	vst v63  }
0xbb: {  	_ =	swait.ge [sflag:s26], $0x2000  }
0xbc: {  	[sflag:s26] =	ssyncset.done $0x0  }
0xbd: {  	[sflag:s26] =	ssyncadd.s32 $0xFFFFE000  }
0xbe: {  	[spmem:s17] =	stream.linear.scatter [tilespmem:s29], [sflag:$0x5], $0x2000, $0x38;
	[tilespmem:$0x1D000] =	vst v63  }
0xbf: {  	_ =	swait.ge [sflag:s26], $0x2000  }
0xc0: {  	[sflag:s26] =	ssyncset.done $0x0  }
0xc1: {  	[sflag:s26] =	ssyncadd.s32 $0xFFFFE000  }
0xc2: {  	[spmem:s18] =	stream.linear.scatter [tilespmem:s29], [sflag:$0x5], $0x2000, $0x38;
	[tilespmem:$0x1D000] =	vst v63  }
0xc3: {  	_ =	swait.ge [sflag:s26], $0x2000  }
0xc4: {  	[sflag:s26] =	ssyncset.done $0x0  }
0xc5: {  	[sflag:s26] =	ssyncadd.s32 $0xFFFFE000  }
0xc6: {  	[spmem:s19] =	stream.linear.scatter [tilespmem:s29], [sflag:$0x5], $0x2000, $0x38;
	[tilespmem:$0x1D000] =	vst v63  }
0xc7: {  	_ =	swait.ge [sflag:s26], $0x2000  }
0xc8: {  	[sflag:s26] =	ssyncset.done $0x0  }
0xc9: {  	[sflag:s26] =	ssyncadd.s32 $0xFFFFE000  }
0xca: {  	[bflag:$0x0] =	sbarrier.arrive $0xFFFF  }
0xcb: {  	[tilespmem:s29], [sflag:$0x1] =	stream.indirect.gather [hbm4b:s5+s30], $0x80, s25, s30, $0xb8;
	[tilespmem:$0x1D000] =	vst v63  }
0xcc: {  	_ =	swait.ge [sflag:s31], $0x2000  }
0xcd: {  	[sflag:s31] =	ssyncset.done $0x0  }
0xce: {  	[sflag:s31] =	ssyncadd.s32 $0xFFFFE000  }
0xcf: {  	[spmem:s2] =	stream.indirect.scatter.add.f32 [tilespmem:s29], [sflag:$0x3], $0x80, s28, s30, $0xb8;
	[tilespmem:$0x1D000] =	vst v63  }
0xd0: {  	s0 =	simm.s32 $0x14080  }
0xd1: {  	[tilespmem:s4], [sflag:$0x2] =	stream.indirect.gather [hbm4b:s5+s30], $0x80, s0, s30, $0xb8;
	[tilespmem:$0x1D000] =	vst v63  }
0xd2: {  	_ =	swait.ge [sflag:s3], $0x2000  }
0xd3: {  	[sflag:s3] =	ssyncset.done $0x0  }
0xd4: {  	s8 =	simm.s32 $0x16880;
	[sflag:s3] =	ssyncadd.s32 $0xFFFFE000  }
0xd5: {  	[spmem:s2] =	stream.indirect.scatter.add.f32 [tilespmem:s4], [sflag:$0x4], $0x80, s8, s30, $0xb8;
	[tilespmem:$0x1D000] =	vst v63  }
0xd6: {  	_ =	swait.ge [sflag:s9], $0x2000  }
0xd7: {  	[sflag:s9] =	ssyncset.done $0x0  }
0xd8: {  	s24 =	simm.s32 $0x14100;
	[sflag:s9] =	ssyncadd.s32 $0xFFFFE000  }
0xd9: {  	[tilespmem:s29], [sflag:$0x1] =	stream.indirect.gather [hbm4b:s5+s30], $0x80, s24, s30, $0xb8;
	[tilespmem:$0x1D000] =	vst v63  }
0xda: {  	_ =	swait.ge [sflag:s31], $0x2000  }
0xdb: {  	[sflag:s31] =	ssyncset.done $0x0  }
0xdc: {  	s8 =	simm.s32 $0x16900;
	[sflag:s31] =	ssyncadd.s32 $0xFFFFE000  }
0xdd: {  	[spmem:s2] =	stream.indirect.scatter.add.f32 [tilespmem:s29], [sflag:$0x3], $0x80, s8, s30, $0xb8;
	[tilespmem:$0x1D000] =	vst v63  }
0xde: {  	_ =	swait.ge [sflag:s20], $0x2000  }
0xdf: {  	[sflag:s20] =	ssyncset.done $0x0  }
0xe0: {  	s24 =	simm.s32 $0x14180;
	[sflag:s20] =	ssyncadd.s32 $0xFFFFE000  }
0xe1: {  	[tilespmem:s4], [sflag:$0x2] =	stream.indirect.gather [hbm4b:s5+s30], $0x80, s24, s30, $0xb8;
	[tilespmem:$0x1D000] =	vst v63  }
0xe2: {  	_ =	swait.ge [sflag:s3], $0x2000  }
0xe3: {  	[sflag:s3] =	ssyncset.done $0x0  }
0xe4: {  	s0 =	simm.s32 $0x16980;
	s24 =	simm.s32 $0xFFFF6800;
	[sflag:s3] =	ssyncadd.s32 $0xFFFFE000  }
.LBB2_8:
0xe5: {  	[spmem:s2] =	stream.indirect.scatter.add.f32 [tilespmem:s4], [sflag:$0x4], $0x80, s0, s30, $0xb8;
	[tilespmem:$0x1D000] =	vst v63  }
0xe6: {  	s0 =	smov.u32 s24  }
0xe7: {  	p0 =	sne.s32 s24, $0xFFFFFC00;
	s24 =	sadd.s32 $0x400, s24;
	_ =	swait.ge [sflag:s9], $0x2000  }
0xe8: {  	s0 =	sshra.s32 s0, $0x2;
	[sflag:s9] =	ssyncset.done $0x0  }
0xe9: {  	s8 =	sadd.s32 $0x16800, s0;
	[sflag:s9] =	ssyncadd.s32 $0xFFFFE000  }
0xea: {  	[tilespmem:s29], [sflag:$0x1] =	stream.indirect.gather [hbm4b:s5+s30], $0x80, s8, s30, $0xb8;
	[tilespmem:$0x1D000] =	vst v63  }
0xeb: {  	_ =	swait.ge [sflag:s31], $0x2000  }
0xec: {  	[sflag:s31] =	ssyncset.done $0x0  }
0xed: {  	s8 =	sadd.s32 $0x19000, s0;
	[sflag:s31] =	ssyncadd.s32 $0xFFFFE000  }
0xee: {  	[spmem:s2] =	stream.indirect.scatter.add.f32 [tilespmem:s29], [sflag:$0x3], $0x80, s8, s30, $0xb8;
	[tilespmem:$0x1D000] =	vst v63  }
0xef: {  	_ =	swait.ge [sflag:s20], $0x2000  }
0xf0: {  	[sflag:s20] =	ssyncset.done $0x0  }
.Ltmp3:
0xf1: {  	s8 =	sadd.s32 $0x16880, s0;
	[sflag:s20] =	ssyncadd.s32 $0xFFFFE000;
	(pc) =	sbr.rel @p0 .LBB2_8-.Ltmp3, $4  }
0xf2: {  	[tilespmem:s4], [sflag:$0x2] =	stream.indirect.gather [hbm4b:s5+s30], $0x80, s8, s30, $0xb8;
	[tilespmem:$0x1D000] =	vst v63  }
0xf3: {  	_ =	swait.ge [sflag:s3], $0x2000  }
0xf4: {  	[sflag:s3] =	ssyncset.done $0x0  }
0xf5: {  	s0 =	sadd.s32 $0x19080, s0;
	[sflag:s3] =	ssyncadd.s32 $0xFFFFE000  }
0xf6: {  	[spmem:s2] =	stream.indirect.scatter.add.f32 [tilespmem:s4], [sflag:$0x4], $0x80, s0, s30, $0xb8;
	[tilespmem:$0x1D000] =	vst v63  }
0xf7: {  	_ =	swait.ge [sflag:s9], $0x2000  }
0xf8: {  	[sflag:s9] =	ssyncset.done $0x0  }
0xf9: {  	[sflag:s9] =	ssyncadd.s32 $0xFFFFE000  }
0xfa: {  	_ =	swait.ge [sflag:s20], $0x2000  }
0xfb: {  	[sflag:s20] =	ssyncset.done $0x0  }
0xfc: {  	[sflag:s20] =	ssyncadd.s32 $0xFFFFE000  }
0xfd: {  	[bflag:$0x0] =	sbarrier.arrive $0xFFFF  }
0xfe: {  	s24 =	rddreg [dreg:$0x7]  }
0xff: {  	[hbm:s24], [sflag:s22] =	dma.local [spmem:s23], $0x2800  }
0x100: {  	_ =	swait.ge [sflag:s26], $0x2800  }
0x101: {  	[sflag:s26] =	ssyncset.done $0x0  }
0x102: {  	[sflag:s26] =	ssyncadd.s32 $0xFFFFD800  }
0x103: {  	s0 =	simm.s32 $0x200;
	s24 =	simm.s32 $0x0;
	[bflag:$0x0] =	sbarrier.arrive $0xFFFF  }
.LBB2_10:
0x104: {  	p0 =	sne.s32 s0, $0x7E00;
	[tilespmem:s24+$0x19070] =	vst v0  }
0x105: {  	[tilespmem:s24+$0x19000] =	vst v0  }
0x106: {  	[tilespmem:s24+$0x19010] =	vst v0  }
.Ltmp4:
0x107: {  	[tilespmem:s24+$0x19020] =	vst v0;
	(pc) =	sbr.rel @p0 .LBB2_10-.Ltmp4, $4  }
0x108: {  	[tilespmem:s24+$0x19030] =	vst v0  }
0x109: {  	[tilespmem:s24+$0x19040] =	vst v0  }
0x10a: {  	[tilespmem:s24+$0x19050] =	vst v0  }
0x10b: {  	[tilespmem:s24+$0x19060] =	vst v0;
	s24 =	sshra.s32 s0, $0x2;
	s0 =	sadd.s32 $0x200, s0  }
0x10c: {  	[tilespmem:s24+$0x19070] =	vst v0  }
0x10d: {  	[tilespmem:s24+$0x19000] =	vst v0  }
0x10e: {  	[tilespmem:s24+$0x19010] =	vst v0  }
0x10f: {  	[tilespmem:s24+$0x19020] =	vst v0  }
0x110: {  	[tilespmem:s24+$0x19030] =	vst v0  }
0x111: {  	[tilespmem:s24+$0x19040] =	vst v0  }
0x112: {  	[tilespmem:s24+$0x19050] =	vst v0  }
0x113: {  	[tilespmem:s24+$0x19060] =	vst v0  }
0x114: {  	[spmem:s10] =	stream.linear.scatter [tilespmem:s29], [sflag:$0x5], $0x2000, $0x38;
	[tilespmem:$0x1D000] =	vst v63  }
0x115: {  	_ =	swait.ge [sflag:s26], $0x2000  }
0x116: {  	[sflag:s26] =	ssyncset.done $0x0  }
0x117: {  	[sflag:s26] =	ssyncadd.s32 $0xFFFFE000  }
0x118: {  	[spmem:s11] =	stream.linear.scatter [tilespmem:s29], [sflag:$0x5], $0x2000, $0x38;
	[tilespmem:$0x1D000] =	vst v63  }
0x119: {  	_ =	swait.ge [sflag:s26], $0x2000  }
0x11a: {  	[sflag:s26] =	ssyncset.done $0x0  }
0x11b: {  	[sflag:s26] =	ssyncadd.s32 $0xFFFFE000  }
0x11c: {  	[spmem:s12] =	stream.linear.scatter [tilespmem:s29], [sflag:$0x5], $0x2000, $0x38;
	[tilespmem:$0x1D000] =	vst v63  }
0x11d: {  	_ =	swait.ge [sflag:s26], $0x2000  }
0x11e: {  	[sflag:s26] =	ssyncset.done $0x0  }
0x11f: {  	[sflag:s26] =	ssyncadd.s32 $0xFFFFE000  }
0x120: {  	[spmem:s13] =	stream.linear.scatter [tilespmem:s29], [sflag:$0x5], $0x2000, $0x38;
	[tilespmem:$0x1D000] =	vst v63  }
0x121: {  	_ =	swait.ge [sflag:s26], $0x2000  }
0x122: {  	[sflag:s26] =	ssyncset.done $0x0  }
0x123: {  	[sflag:s26] =	ssyncadd.s32 $0xFFFFE000  }
0x124: {  	[spmem:s14] =	stream.linear.scatter [tilespmem:s29], [sflag:$0x5], $0x2000, $0x38;
	[tilespmem:$0x1D000] =	vst v63  }
0x125: {  	_ =	swait.ge [sflag:s26], $0x2000  }
0x126: {  	[sflag:s26] =	ssyncset.done $0x0  }
0x127: {  	[sflag:s26] =	ssyncadd.s32 $0xFFFFE000  }
0x128: {  	[spmem:s15] =	stream.linear.scatter [tilespmem:s29], [sflag:$0x5], $0x2000, $0x38;
	[tilespmem:$0x1D000] =	vst v63  }
0x129: {  	_ =	swait.ge [sflag:s26], $0x2000  }
0x12a: {  	[sflag:s26] =	ssyncset.done $0x0  }
0x12b: {  	[sflag:s26] =	ssyncadd.s32 $0xFFFFE000  }
0x12c: {  	[spmem:s16] =	stream.linear.scatter [tilespmem:s29], [sflag:$0x5], $0x2000, $0x38;
	[tilespmem:$0x1D000] =	vst v63  }
0x12d: {  	_ =	swait.ge [sflag:s26], $0x2000  }
0x12e: {  	[sflag:s26] =	ssyncset.done $0x0  }
0x12f: {  	[sflag:s26] =	ssyncadd.s32 $0xFFFFE000  }
0x130: {  	[spmem:s17] =	stream.linear.scatter [tilespmem:s29], [sflag:$0x5], $0x2000, $0x38;
	[tilespmem:$0x1D000] =	vst v63  }
0x131: {  	_ =	swait.ge [sflag:s26], $0x2000  }
0x132: {  	[sflag:s26] =	ssyncset.done $0x0  }
0x133: {  	[sflag:s26] =	ssyncadd.s32 $0xFFFFE000  }
0x134: {  	[spmem:s18] =	stream.linear.scatter [tilespmem:s29], [sflag:$0x5], $0x2000, $0x38;
	[tilespmem:$0x1D000] =	vst v63  }
0x135: {  	_ =	swait.ge [sflag:s26], $0x2000  }
0x136: {  	[sflag:s26] =	ssyncset.done $0x0  }
0x137: {  	[sflag:s26] =	ssyncadd.s32 $0xFFFFE000  }
0x138: {  	[spmem:s19] =	stream.linear.scatter [tilespmem:s29], [sflag:$0x5], $0x2000, $0x38;
	[tilespmem:$0x1D000] =	vst v63  }
0x139: {  	_ =	swait.ge [sflag:s26], $0x2000  }
0x13a: {  	[sflag:s26] =	ssyncset.done $0x0  }
0x13b: {  	[sflag:s26] =	ssyncadd.s32 $0xFFFFE000  }
0x13c: {  	[bflag:$0x0] =	sbarrier.arrive $0xFFFF  }
0x13d: {  	[tilespmem:s29], [sflag:$0x1] =	stream.indirect.gather [hbm4b:s6+s30], $0x80, s25, s30, $0xb8;
	[tilespmem:$0x1D000] =	vst v63  }
0x13e: {  	_ =	swait.ge [sflag:s31], $0x2000  }
0x13f: {  	[sflag:s31] =	ssyncset.done $0x0  }
0x140: {  	[sflag:s31] =	ssyncadd.s32 $0xFFFFE000  }
0x141: {  	[spmem:s2] =	stream.indirect.scatter.add.f32 [tilespmem:s29], [sflag:$0x3], $0x80, s28, s30, $0xb8;
	[tilespmem:$0x1D000] =	vst v63  }
0x142: {  	s0 =	simm.s32 $0x14080  }
0x143: {  	[tilespmem:s4], [sflag:$0x2] =	stream.indirect.gather [hbm4b:s6+s30], $0x80, s0, s30, $0xb8;
	[tilespmem:$0x1D000] =	vst v63  }
0x144: {  	_ =	swait.ge [sflag:s3], $0x2000  }
0x145: {  	[sflag:s3] =	ssyncset.done $0x0  }
0x146: {  	s8 =	simm.s32 $0x16880;
	[sflag:s3] =	ssyncadd.s32 $0xFFFFE000  }
0x147: {  	[spmem:s2] =	stream.indirect.scatter.add.f32 [tilespmem:s4], [sflag:$0x4], $0x80, s8, s30, $0xb8;
	[tilespmem:$0x1D000] =	vst v63  }
0x148: {  	_ =	swait.ge [sflag:s9], $0x2000  }
0x149: {  	[sflag:s9] =	ssyncset.done $0x0  }
0x14a: {  	s24 =	simm.s32 $0x14100;
	[sflag:s9] =	ssyncadd.s32 $0xFFFFE000  }
0x14b: {  	[tilespmem:s29], [sflag:$0x1] =	stream.indirect.gather [hbm4b:s6+s30], $0x80, s24, s30, $0xb8;
	[tilespmem:$0x1D000] =	vst v63  }
0x14c: {  	_ =	swait.ge [sflag:s31], $0x2000  }
0x14d: {  	[sflag:s31] =	ssyncset.done $0x0  }
0x14e: {  	s8 =	simm.s32 $0x16900;
	[sflag:s31] =	ssyncadd.s32 $0xFFFFE000  }
0x14f: {  	[spmem:s2] =	stream.indirect.scatter.add.f32 [tilespmem:s29], [sflag:$0x3], $0x80, s8, s30, $0xb8;
	[tilespmem:$0x1D000] =	vst v63  }
0x150: {  	_ =	swait.ge [sflag:s20], $0x2000  }
0x151: {  	[sflag:s20] =	ssyncset.done $0x0  }
0x152: {  	s24 =	simm.s32 $0x14180;
	[sflag:s20] =	ssyncadd.s32 $0xFFFFE000  }
0x153: {  	[tilespmem:s4], [sflag:$0x2] =	stream.indirect.gather [hbm4b:s6+s30], $0x80, s24, s30, $0xb8;
	[tilespmem:$0x1D000] =	vst v63  }
0x154: {  	_ =	swait.ge [sflag:s3], $0x2000  }
0x155: {  	[sflag:s3] =	ssyncset.done $0x0  }
0x156: {  	s0 =	simm.s32 $0x16980;
	s24 =	simm.s32 $0xFFFF6800;
	[sflag:s3] =	ssyncadd.s32 $0xFFFFE000  }
.LBB2_12:
0x157: {  	[spmem:s2] =	stream.indirect.scatter.add.f32 [tilespmem:s4], [sflag:$0x4], $0x80, s0, s30, $0xb8;
	[tilespmem:$0x1D000] =	vst v63  }
0x158: {  	s0 =	smov.u32 s24  }
0x159: {  	p0 =	sne.s32 s24, $0xFFFFFC00;
	s24 =	sadd.s32 $0x400, s24;
	_ =	swait.ge [sflag:s9], $0x2000  }
0x15a: {  	s0 =	sshra.s32 s0, $0x2;
	[sflag:s9] =	ssyncset.done $0x0  }
0x15b: {  	s8 =	sadd.s32 $0x16800, s0;
	[sflag:s9] =	ssyncadd.s32 $0xFFFFE000  }
0x15c: {  	[tilespmem:s29], [sflag:$0x1] =	stream.indirect.gather [hbm4b:s6+s30], $0x80, s8, s30, $0xb8;
	[tilespmem:$0x1D000] =	vst v63  }
0x15d: {  	_ =	swait.ge [sflag:s31], $0x2000  }
0x15e: {  	[sflag:s31] =	ssyncset.done $0x0  }
0x15f: {  	s8 =	sadd.s32 $0x19000, s0;
	[sflag:s31] =	ssyncadd.s32 $0xFFFFE000  }
0x160: {  	[spmem:s2] =	stream.indirect.scatter.add.f32 [tilespmem:s29], [sflag:$0x3], $0x80, s8, s30, $0xb8;
	[tilespmem:$0x1D000] =	vst v63  }
0x161: {  	_ =	swait.ge [sflag:s20], $0x2000  }
0x162: {  	[sflag:s20] =	ssyncset.done $0x0  }
.Ltmp5:
0x163: {  	s8 =	sadd.s32 $0x16880, s0;
	[sflag:s20] =	ssyncadd.s32 $0xFFFFE000;
	(pc) =	sbr.rel @p0 .LBB2_12-.Ltmp5, $4  }
0x164: {  	[tilespmem:s4], [sflag:$0x2] =	stream.indirect.gather [hbm4b:s6+s30], $0x80, s8, s30, $0xb8;
	[tilespmem:$0x1D000] =	vst v63  }
0x165: {  	_ =	swait.ge [sflag:s3], $0x2000  }
0x166: {  	[sflag:s3] =	ssyncset.done $0x0  }
0x167: {  	s0 =	sadd.s32 $0x19080, s0;
	[sflag:s3] =	ssyncadd.s32 $0xFFFFE000  }
0x168: {  	[spmem:s2] =	stream.indirect.scatter.add.f32 [tilespmem:s4], [sflag:$0x4], $0x80, s0, s30, $0xb8;
	[tilespmem:$0x1D000] =	vst v63  }
0x169: {  	_ =	swait.ge [sflag:s9], $0x2000  }
0x16a: {  	[sflag:s9] =	ssyncset.done $0x0  }
0x16b: {  	[sflag:s9] =	ssyncadd.s32 $0xFFFFE000  }
0x16c: {  	_ =	swait.ge [sflag:s20], $0x2000  }
0x16d: {  	[sflag:s20] =	ssyncset.done $0x0  }
0x16e: {  	[sflag:s20] =	ssyncadd.s32 $0xFFFFE000  }
0x16f: {  	[bflag:$0x0] =	sbarrier.arrive $0xFFFF  }
0x170: {  	s24 =	rddreg [dreg:$0x8]  }
0x171: {  	[hbm:s24], [sflag:s22] =	dma.local [spmem:s23], $0x2800  }
0x172: {  	_ =	swait.ge [sflag:s26], $0x2800  }
0x173: {  	[sflag:s26] =	ssyncset.done $0x0  }
0x174: {  	[sflag:s26] =	ssyncadd.s32 $0xFFFFD800  }
0x175: {  	s0 =	simm.s32 $0x200;
	s24 =	simm.s32 $0x0;
	[bflag:$0x0] =	sbarrier.arrive $0xFFFF  }
.LBB2_14:
0x176: {  	p0 =	sne.s32 s0, $0x7E00;
	[tilespmem:s24+$0x19070] =	vst v0  }
0x177: {  	[tilespmem:s24+$0x19000] =	vst v0  }
0x178: {  	[tilespmem:s24+$0x19010] =	vst v0  }
.Ltmp6:
0x179: {  	[tilespmem:s24+$0x19020] =	vst v0;
	(pc) =	sbr.rel @p0 .LBB2_14-.Ltmp6, $4  }
0x17a: {  	[tilespmem:s24+$0x19030] =	vst v0  }
0x17b: {  	[tilespmem:s24+$0x19040] =	vst v0  }
0x17c: {  	[tilespmem:s24+$0x19050] =	vst v0  }
0x17d: {  	[tilespmem:s24+$0x19060] =	vst v0;
	s24 =	sshra.s32 s0, $0x2;
	s0 =	sadd.s32 $0x200, s0  }
0x17e: {  	[tilespmem:s24+$0x19070] =	vst v0  }
0x17f: {  	[tilespmem:s24+$0x19000] =	vst v0  }
0x180: {  	[tilespmem:s24+$0x19010] =	vst v0  }
0x181: {  	[tilespmem:s24+$0x19020] =	vst v0  }
0x182: {  	[tilespmem:s24+$0x19030] =	vst v0  }
0x183: {  	[tilespmem:s24+$0x19040] =	vst v0  }
0x184: {  	[tilespmem:s24+$0x19050] =	vst v0  }
0x185: {  	[tilespmem:s24+$0x19060] =	vst v0  }
0x186: {  	[spmem:s10] =	stream.linear.scatter [tilespmem:s29], [sflag:$0x5], $0x2000, $0x38;
	[tilespmem:$0x1D000] =	vst v63  }
0x187: {  	_ =	swait.ge [sflag:s26], $0x2000  }
0x188: {  	[sflag:s26] =	ssyncset.done $0x0  }
0x189: {  	[sflag:s26] =	ssyncadd.s32 $0xFFFFE000  }
0x18a: {  	[spmem:s11] =	stream.linear.scatter [tilespmem:s29], [sflag:$0x5], $0x2000, $0x38;
	[tilespmem:$0x1D000] =	vst v63  }
0x18b: {  	_ =	swait.ge [sflag:s26], $0x2000  }
0x18c: {  	[sflag:s26] =	ssyncset.done $0x0  }
0x18d: {  	[sflag:s26] =	ssyncadd.s32 $0xFFFFE000  }
0x18e: {  	[spmem:s12] =	stream.linear.scatter [tilespmem:s29], [sflag:$0x5], $0x2000, $0x38;
	[tilespmem:$0x1D000] =	vst v63  }
0x18f: {  	_ =	swait.ge [sflag:s26], $0x2000  }
0x190: {  	[sflag:s26] =	ssyncset.done $0x0  }
0x191: {  	[sflag:s26] =	ssyncadd.s32 $0xFFFFE000  }
0x192: {  	[spmem:s13] =	stream.linear.scatter [tilespmem:s29], [sflag:$0x5], $0x2000, $0x38;
	[tilespmem:$0x1D000] =	vst v63  }
0x193: {  	_ =	swait.ge [sflag:s26], $0x2000  }
0x194: {  	[sflag:s26] =	ssyncset.done $0x0  }
0x195: {  	[sflag:s26] =	ssyncadd.s32 $0xFFFFE000  }
0x196: {  	[spmem:s14] =	stream.linear.scatter [tilespmem:s29], [sflag:$0x5], $0x2000, $0x38;
	[tilespmem:$0x1D000] =	vst v63  }
0x197: {  	_ =	swait.ge [sflag:s26], $0x2000  }
0x198: {  	[sflag:s26] =	ssyncset.done $0x0  }
0x199: {  	[sflag:s26] =	ssyncadd.s32 $0xFFFFE000  }
0x19a: {  	[spmem:s15] =	stream.linear.scatter [tilespmem:s29], [sflag:$0x5], $0x2000, $0x38;
	[tilespmem:$0x1D000] =	vst v63  }
0x19b: {  	_ =	swait.ge [sflag:s26], $0x2000  }
0x19c: {  	[sflag:s26] =	ssyncset.done $0x0  }
0x19d: {  	[sflag:s26] =	ssyncadd.s32 $0xFFFFE000  }
0x19e: {  	[spmem:s16] =	stream.linear.scatter [tilespmem:s29], [sflag:$0x5], $0x2000, $0x38;
	[tilespmem:$0x1D000] =	vst v63  }
0x19f: {  	_ =	swait.ge [sflag:s26], $0x2000  }
0x1a0: {  	[sflag:s26] =	ssyncset.done $0x0  }
0x1a1: {  	[sflag:s26] =	ssyncadd.s32 $0xFFFFE000  }
0x1a2: {  	[spmem:s17] =	stream.linear.scatter [tilespmem:s29], [sflag:$0x5], $0x2000, $0x38;
	[tilespmem:$0x1D000] =	vst v63  }
0x1a3: {  	_ =	swait.ge [sflag:s26], $0x2000  }
0x1a4: {  	[sflag:s26] =	ssyncset.done $0x0  }
0x1a5: {  	[sflag:s26] =	ssyncadd.s32 $0xFFFFE000  }
0x1a6: {  	[spmem:s18] =	stream.linear.scatter [tilespmem:s29], [sflag:$0x5], $0x2000, $0x38;
	[tilespmem:$0x1D000] =	vst v63  }
0x1a7: {  	_ =	swait.ge [sflag:s26], $0x2000  }
0x1a8: {  	[sflag:s26] =	ssyncset.done $0x0  }
0x1a9: {  	[sflag:s26] =	ssyncadd.s32 $0xFFFFE000  }
0x1aa: {  	[spmem:s19] =	stream.linear.scatter [tilespmem:s29], [sflag:$0x5], $0x2000, $0x38;
	[tilespmem:$0x1D000] =	vst v63  }
0x1ab: {  	_ =	swait.ge [sflag:s26], $0x2000  }
0x1ac: {  	[sflag:s26] =	ssyncset.done $0x0  }
0x1ad: {  	[sflag:s26] =	ssyncadd.s32 $0xFFFFE000  }
0x1ae: {  	[bflag:$0x0] =	sbarrier.arrive $0xFFFF  }
0x1af: {  	[tilespmem:s29], [sflag:$0x1] =	stream.indirect.gather [hbm4b:s7+s30], $0x80, s25, s30, $0xb8;
	[tilespmem:$0x1D000] =	vst v63  }
0x1b0: {  	_ =	swait.ge [sflag:s31], $0x2000  }
0x1b1: {  	[sflag:s31] =	ssyncset.done $0x0  }
0x1b2: {  	[sflag:s31] =	ssyncadd.s32 $0xFFFFE000  }
0x1b3: {  	[spmem:s2] =	stream.indirect.scatter.add.f32 [tilespmem:s29], [sflag:$0x3], $0x80, s28, s30, $0xb8;
	[tilespmem:$0x1D000] =	vst v63  }
0x1b4: {  	s0 =	simm.s32 $0x14080  }
0x1b5: {  	[tilespmem:s4], [sflag:$0x2] =	stream.indirect.gather [hbm4b:s7+s30], $0x80, s0, s30, $0xb8;
	[tilespmem:$0x1D000] =	vst v63  }
0x1b6: {  	_ =	swait.ge [sflag:s3], $0x2000  }
0x1b7: {  	[sflag:s3] =	ssyncset.done $0x0  }
0x1b8: {  	s8 =	simm.s32 $0x16880;
	[sflag:s3] =	ssyncadd.s32 $0xFFFFE000  }
0x1b9: {  	[spmem:s2] =	stream.indirect.scatter.add.f32 [tilespmem:s4], [sflag:$0x4], $0x80, s8, s30, $0xb8;
	[tilespmem:$0x1D000] =	vst v63  }
0x1ba: {  	_ =	swait.ge [sflag:s9], $0x2000  }
0x1bb: {  	[sflag:s9] =	ssyncset.done $0x0  }
0x1bc: {  	s24 =	simm.s32 $0x14100;
	[sflag:s9] =	ssyncadd.s32 $0xFFFFE000  }
0x1bd: {  	[tilespmem:s29], [sflag:$0x1] =	stream.indirect.gather [hbm4b:s7+s30], $0x80, s24, s30, $0xb8;
	[tilespmem:$0x1D000] =	vst v63  }
0x1be: {  	_ =	swait.ge [sflag:s31], $0x2000  }
0x1bf: {  	[sflag:s31] =	ssyncset.done $0x0  }
0x1c0: {  	s8 =	simm.s32 $0x16900;
	[sflag:s31] =	ssyncadd.s32 $0xFFFFE000  }
0x1c1: {  	[spmem:s2] =	stream.indirect.scatter.add.f32 [tilespmem:s29], [sflag:$0x3], $0x80, s8, s30, $0xb8;
	[tilespmem:$0x1D000] =	vst v63  }
0x1c2: {  	_ =	swait.ge [sflag:s20], $0x2000  }
0x1c3: {  	[sflag:s20] =	ssyncset.done $0x0  }
0x1c4: {  	s24 =	simm.s32 $0x14180;
	[sflag:s20] =	ssyncadd.s32 $0xFFFFE000  }
0x1c5: {  	[tilespmem:s4], [sflag:$0x2] =	stream.indirect.gather [hbm4b:s7+s30], $0x80, s24, s30, $0xb8;
	[tilespmem:$0x1D000] =	vst v63  }
0x1c6: {  	_ =	swait.ge [sflag:s3], $0x2000  }
0x1c7: {  	[sflag:s3] =	ssyncset.done $0x0  }
0x1c8: {  	s0 =	simm.s32 $0x16980;
	s24 =	simm.s32 $0xFFFF6800;
	[sflag:s3] =	ssyncadd.s32 $0xFFFFE000  }
.LBB2_16:
0x1c9: {  	[spmem:s2] =	stream.indirect.scatter.add.f32 [tilespmem:s4], [sflag:$0x4], $0x80, s0, s30, $0xb8;
	[tilespmem:$0x1D000] =	vst v63  }
0x1ca: {  	s0 =	smov.u32 s24  }
0x1cb: {  	p0 =	sne.s32 s24, $0xFFFFFC00;
	s24 =	sadd.s32 $0x400, s24;
	_ =	swait.ge [sflag:s9], $0x2000  }
0x1cc: {  	s0 =	sshra.s32 s0, $0x2;
	[sflag:s9] =	ssyncset.done $0x0  }
0x1cd: {  	s8 =	sadd.s32 $0x16800, s0;
	[sflag:s9] =	ssyncadd.s32 $0xFFFFE000  }
0x1ce: {  	[tilespmem:s29], [sflag:$0x1] =	stream.indirect.gather [hbm4b:s7+s30], $0x80, s8, s30, $0xb8;
	[tilespmem:$0x1D000] =	vst v63  }
0x1cf: {  	_ =	swait.ge [sflag:s31], $0x2000  }
0x1d0: {  	[sflag:s31] =	ssyncset.done $0x0  }
0x1d1: {  	s8 =	sadd.s32 $0x19000, s0;
	[sflag:s31] =	ssyncadd.s32 $0xFFFFE000  }
0x1d2: {  	[spmem:s2] =	stream.indirect.scatter.add.f32 [tilespmem:s29], [sflag:$0x3], $0x80, s8, s30, $0xb8;
	[tilespmem:$0x1D000] =	vst v63  }
0x1d3: {  	_ =	swait.ge [sflag:s20], $0x2000  }
0x1d4: {  	[sflag:s20] =	ssyncset.done $0x0  }
.Ltmp7:
0x1d5: {  	s8 =	sadd.s32 $0x16880, s0;
	[sflag:s20] =	ssyncadd.s32 $0xFFFFE000;
	(pc) =	sbr.rel @p0 .LBB2_16-.Ltmp7, $4  }
0x1d6: {  	[tilespmem:s4], [sflag:$0x2] =	stream.indirect.gather [hbm4b:s7+s30], $0x80, s8, s30, $0xb8;
	[tilespmem:$0x1D000] =	vst v63  }
0x1d7: {  	_ =	swait.ge [sflag:s3], $0x2000  }
0x1d8: {  	[sflag:s3] =	ssyncset.done $0x0  }
0x1d9: {  	s0 =	sadd.s32 $0x19080, s0;
	[sflag:s3] =	ssyncadd.s32 $0xFFFFE000  }
0x1da: {  	[spmem:s2] =	stream.indirect.scatter.add.f32 [tilespmem:s4], [sflag:$0x4], $0x80, s0, s30, $0xb8;
	[tilespmem:$0x1D000] =	vst v63  }
0x1db: {  	_ =	swait.ge [sflag:s9], $0x2000  }
0x1dc: {  	[sflag:s9] =	ssyncset.done $0x0  }
0x1dd: {  	[sflag:s9] =	ssyncadd.s32 $0xFFFFE000  }
0x1de: {  	_ =	swait.ge [sflag:s20], $0x2000  }
0x1df: {  	[sflag:s20] =	ssyncset.done $0x0  }
0x1e0: {  	[sflag:s20] =	ssyncadd.s32 $0xFFFFE000  }
0x1e1: {  	[bflag:$0x0] =	sbarrier.arrive $0xFFFF  }
0x1e2: {  	s8 =	rddreg [dreg:$0x9]  }
0x1e3: {  	[hbm:s8], [sflag:s22] =	dma.local [spmem:s23], $0x2800  }
0x1e4: {  	_ =	swait.ge [sflag:s26], $0x2800  }
0x1e5: {  	s21 =	sadd.s32 $0x1, s21;
	s24 =	rddreg [dreg:$0xa]  }
0x1e6: {  	p0 =	sne.s32 s21, s24  }
.Ltmp8:
0x1e7: {  	_ = 	snop;
	(pc) =	sbr.rel @p0 .LBB2_1-.Ltmp8, $3  }
0x1e8: {  	[sflag:s26] =	ssyncset.done $0x0  }
0x1e9: {  	[sflag:s26] =	ssyncadd.s32 $0xFFFFD800  }
0x1ea: {  	[bflag:$0x0] =	sbarrier.arrive $0xFFFF;
	_ =	sdelay $0x1  }
0x1eb: {  	_ =	sfence.sel $0x180000  }
0x1ec: {  	[bflag:$0x0] =	sbarrier.arrive $0xFFFF  }
0x1ed: {  	_ =	strace $0x9000004A  }
0x1ee: {  	s0 =	stileid.u32;
	[bflag:$0x2] =	sbarrier.arrive $0xFFFF  }
0x1ef: {  	p0 =	sne.s32 s0, $0x0;
	s0 =	rddreg [dreg:$0x3]  }
0x1f0: {  	s0 =	sadd.s32 @!p0 $0x100000, s0  }
0x1f1: {  	[sflag:s0] =	ssyncadd.tile.s32 @!p0 $0x1;
	_ =	shalt  }
.Lfunc_end2:
_tile_overlayer_lowered:
.L_overlay_start_2:
0x1f2: {  	(tag) =	ssettag $0x2  }
0x1f3: {  	s0 =	rddreg [dreg:$0x0];
	s2 =	stileid.u32  }
0x1f4: {  	s1 =	rddreg [dreg:$0x1];
	p0 =	sne.s32 s2, $0x0  }
0x1f5: {  	s3 =	rddreg [dreg:$0x2];
	[bflag:$0x3] =	sbarrier.arrive $0xFFFF;
	s2 =	simm.s32 @!p0 $0x1C05  }
0x1f6: {  	[timem:s3], [sflag:s2] =	dma.local @!p0 [hbm:s0], s1  }
0x1f7: {  	s0 =	simm.s32 @!p0 $0x5  }
0x1f8: {  	_ =	swait.ge @!p0 [sflag:s0], s1  }
0x1f9: {  	s1 =	ssub.s32 @!p0 $0x0, s1;
	[sflag:s0] =	ssyncset.done @!p0 $0x0  }
0x1fa: {  	[sflag:s0] =	ssyncadd.s32 @!p0 s1  }
0x1fb: {  	[bflag:$0x3] =	sbarrier.arrive $0xFFFF  }
0x1fc: {  	_ =	shalt  }

</sc_bundles>
